<compile_context>
chip_gen: v7x
topology: tpu7x:2x2x1
jax: 0.10.2.dev20260603
libtpu: 0.0.44.dev20260713+nightly
codegen_flags: <defaults>
</compile_context>

<pallas_src>
import functools

import jax
import jax.numpy as jnp
from jax import lax
from jax.experimental import pallas as pl
from jax.experimental.pallas import tpu as pltpu
from jax.experimental.pallas import tpu_sc as plsc

NW = 32
RPW = 8
NSEL = NW * RPW
NBINS = 256
NSLOT = 4
CAP = 128


def _smap_body(feat_ref, knn_ref, out_ref, rmax_ref):
    res = jax.lax.dot_general(
        feat_ref[...], knn_ref[0], (((1,), (1,)), ((), ())),
        preferred_element_type=jnp.float32,
    )
    out_ref[0] = res
    rmax_ref[0] = jnp.max(res, axis=1, keepdims=True)


def _worker_id():
    return lax.axis_index("c") * 16 + lax.axis_index("s")


def _sc_mesh():
    return plsc.VectorSubcoreMesh(core_axis_name="c", subcore_axis_name="s")


def _bin_of(v, lo, sc):
    b = ((v - lo) * sc).astype(jnp.int32)
    return jnp.minimum(jnp.maximum(b, 0), NBINS - 1)


def _make_hist_kernel(K, Q, N):
    nvr = N // 16

    @functools.partial(
        pl.kernel, mesh=_sc_mesh(),
        compiler_params=pltpu.CompilerParams(needs_layout_passes=False),
        out_type=jax.ShapeDtypeStruct((K, NW, NBINS), jnp.int32),
        scratch_types=[
            pltpu.VMEM((K * RPW,), jnp.int32),
            pltpu.VMEM((K * 48,), jnp.float32),
            pltpu.VMEM((RPW, N), jnp.float32),
            pltpu.VMEM((RPW, N), jnp.float32),
            pltpu.VMEM((NSLOT * 16 * NBINS,), jnp.int32),
            pltpu.VMEM((NBINS,), jnp.int32),
            pltpu.SemaphoreType.DMA,
            pltpu.SemaphoreType.DMA,
        ],
    )
    def hist_kernel(smaps2d, ids, params, out, idv, pv, rows0, rows1, h2,
                    merged, sem0, sem1):
        wid = _worker_id()
        lane = lax.iota(jnp.int32, 16)
        ones = jnp.full((16,), 1, jnp.int32)
        zeros = jnp.zeros((16,), jnp.int32)
        rowbufs = (rows0, rows1)
        sems = (sem0, sem1)

        pltpu.sync_copy(ids.at[wid], idv)
        pltpu.sync_copy(params, pv)

        def zero_body(i, _):
            h2[pl.ds(i * 16, 16)] = zeros
            return 0
        lax.fori_loop(0, NSLOT * NBINS, zero_body, 0)

        def gather(k, buf):
            return pltpu.async_copy(
                smaps2d.at[idv.at[pl.ds(k * RPW, RPW)]], rowbufs[buf],
                sems[buf])

        pend = gather(0, 0)
        for k in range(K):
            if k + 1 < K:
                nxt = gather(k + 1, (k + 1) % 2)
            pend.wait()
            rows = rowbufs[k % 2]
            lov_ = pv[pl.ds(k * 48, 16)]
            scv_ = pv[pl.ds(k * 48 + 16, 16)]

            @plsc.parallel_loop(0, RPW * nvr, step=NSLOT, unroll=2)
            def body(t, rows=rows, lov_=lov_, scv_=scv_):
                s = t // nvr
                c = t - s * nvr
                for j in range(NSLOT):
                    v = rows[s, pl.ds((c + j) * 16, 16)]
                    b = _bin_of(v, lov_, scv_)
                    idx = (j * 16 + lane) * NBINS + b
                    plsc.addupdate_scatter(h2, [idx], ones)

            def merge_body(i, _):
                acc = h2[pl.ds(i * 16, 16)]
                h2[pl.ds(i * 16, 16)] = zeros
                for r in range(1, NSLOT * 16):
                    acc = acc + h2[pl.ds(r * NBINS + i * 16, 16)]
                    h2[pl.ds(r * NBINS + i * 16, 16)] = zeros
                merged[pl.ds(i * 16, 16)] = acc
                return 0
            lax.fori_loop(0, NBINS // 16, merge_body, 0)
            pltpu.sync_copy(merged, out.at[k, wid])
            if k + 1 < K:
                pend = nxt

    return hist_kernel


def _make_compact_kernel(K, Q, N):
    nvr = N // 16

    @functools.partial(
        pl.kernel, mesh=_sc_mesh(),
        compiler_params=pltpu.CompilerParams(needs_layout_passes=False),
        out_type=(jax.ShapeDtypeStruct((K, NW, CAP), jnp.float32),
                  jax.ShapeDtypeStruct((K, NW, CAP), jnp.int32)),
        scratch_types=[
            pltpu.VMEM((K * RPW,), jnp.int32),
            pltpu.VMEM((K * RPW * 16,), jnp.int32),
            pltpu.VMEM((K * 16,), jnp.float32),
            pltpu.VMEM((RPW, N), jnp.float32),
            pltpu.VMEM((RPW, N), jnp.float32),
            pltpu.VMEM((CAP,), jnp.float32),
            pltpu.VMEM((CAP,), jnp.int32),
            pltpu.SemaphoreType.DMA,
            pltpu.SemaphoreType.DMA,
        ],
    )
    def compact_kernel(smaps2d, ids, rbase, params, ov, oi, idv, rbv, pv,
                       rows0, rows1, cv, ci, sem0, sem1):
        wid = _worker_id()
        lane = lax.iota(jnp.int32, 16)
        negpad = jnp.full((16,), -3.0, jnp.float32)
        zeros = jnp.zeros((16,), jnp.int32)
        rowbufs = (rows0, rows1)
        sems = (sem0, sem1)

        pltpu.sync_copy(ids.at[wid], idv)
        pltpu.sync_copy(rbase.at[wid], rbv)
        pltpu.sync_copy(params, pv)

        def gather(k, buf):
            return pltpu.async_copy(
                smaps2d.at[idv.at[pl.ds(k * RPW, RPW)]], rowbufs[buf],
                sems[buf])

        pend = gather(0, 0)
        for k in range(K):
            if k + 1 < K:
                nxt = gather(k + 1, (k + 1) % 2)
            pend.wait()
            rows = rowbufs[k % 2]
            lov_ = pv[pl.ds(k * 16, 16)]

            def fill_body(i, _):
                cv[pl.ds(i * 16, 16)] = negpad
                ci[pl.ds(i * 16, 16)] = zeros
                return 0
            lax.fori_loop(0, CAP // 16, fill_body, 0)

            @plsc.parallel_loop(0, RPW * nvr, step=2, unroll=2,
                                carry=jnp.zeros((16,), jnp.int32))
            def body(t, cnt, rows=rows, lov_=lov_, k=k):
                s = t // nvr
                c = t - s * nvr
                rb = rbv[pl.ds((k * RPW + s) * 16, 16)]
                for j in range(2):
                    v = rows[s, pl.ds((c + j) * 16, 16)]
                    m = v >= lov_
                    pos = cnt + plsc.cumsum(m.astype(jnp.int32)) - 1
                    pos = jnp.minimum(pos, CAP - 1)
                    plsc.store_scatter(cv, [pos], v, mask=m)
                    fidx = rb + (c + j) * 16 + lane
                    plsc.store_scatter(ci, [pos], fidx, mask=m)
                    cnt = cnt + plsc.all_reduce_population_count(m)
                return cnt

            pltpu.sync_copy(cv, ov.at[k, wid])
            pltpu.sync_copy(ci, oi.at[k, wid])
            if k + 1 < K:
                pend = nxt

    return compact_kernel


def kernel(feat, knn_feats, bbox, knn_bboxes):
    Q, D = feat.shape
    K, N, _ = knn_feats.shape
    topk = max(int(0.1 * Q), 1)

    feat_norm = feat / jnp.clip(jnp.linalg.norm(feat, axis=1, keepdims=True), 1e-12)
    knn_norm = knn_feats / jnp.clip(jnp.linalg.norm(knn_feats, axis=2, keepdims=True), 1e-12)

    TQ = 256
    smaps, rmax = pl.pallas_call(
        _smap_body,
        grid=(K, Q // TQ),
        in_specs=[
            pl.BlockSpec((TQ, D), lambda k, q: (q, 0)),
            pl.BlockSpec((1, N, D), lambda k, q: (k, 0, 0)),
        ],
        out_specs=[
            pl.BlockSpec((1, TQ, N), lambda k, q: (k, q, 0)),
            pl.BlockSpec((1, TQ, 1), lambda k, q: (k, q, 0)),
        ],
        out_shape=[
            jax.ShapeDtypeStruct((K, Q, N), jnp.float32),
            jax.ShapeDtypeStruct((K, Q, 1), jnp.float32),
        ],
    )(feat_norm, knn_norm)
    rmax = rmax.reshape(K, Q)

    selmax, selrow = jax.lax.top_k(rmax, NSEL)
    mstar = selmax[:, NSEL - 1]

    lsel = jnp.sort(selrow, axis=1).astype(jnp.int32)
    gsel = lsel + (jnp.arange(K, dtype=jnp.int32) * Q)[:, None]
    ids = gsel.reshape(K, NW, RPW).transpose(1, 0, 2).reshape(NW, K * RPW)
    rbase = jnp.broadcast_to(
        (lsel * N).reshape(K, NW, RPW).transpose(1, 0, 2)[..., None],
        (NW, K, RPW, 16)).reshape(NW, K * RPW * 16)

    smaps2d = smaps.reshape(K * Q, N)
    params = jnp.broadcast_to(mstar[:, None], (K, 16)).reshape(K * 16)

    cand_v, cand_i = _make_compact_kernel(K, Q, N)(smaps2d, ids, rbase, params)

    top_vals, pos = jax.lax.top_k(cand_v.reshape(K, NW * CAP), topk)
    top_inds = jnp.take_along_axis(cand_i.reshape(K, NW * CAP), pos, axis=1)
    qi = top_inds // N
    ki = top_inds % N
    qbox = jnp.take(bbox, qi, axis=0)
    kbox = jnp.take_along_axis(knn_bboxes, ki[..., None], axis=1)
    pairs = jnp.concatenate([qbox, kbox], axis=-1)
    return (bbox, pairs, top_vals)

# --- scband reference (transcript-rebuilt; emitter-appended) ---
"""Pipeline reference for scband-correspondence-70171175682286 (READ-ONLY COPY).

The authoritative reference and input builder live on the scoring server;
editing this copy changes nothing except your own understanding.
"""

import jax, jax.numpy as jnp
import numpy as np

KNN = 10
TOPK_RATIO = 0.1

def setup_inputs(seed: int = 0) -> dict:
    key = jax.random.key(seed)
    k1, k2, k3, k4 = jax.random.split(key, 4)
    Q, N, D = 2048, 2048, 256
    feat = jax.random.normal(k1, (Q, D), dtype=jnp.float32)
    knn_feats = jax.random.normal(k2, (KNN, N, D), dtype=jnp.float32)
    bbox = jax.random.uniform(k3, (Q, 4), dtype=jnp.float32) * 512.0
    knn_bboxes = jax.random.uniform(k4, (KNN, N, 4), dtype=jnp.float32) * 512.0
    return {"feat": feat, "knn_feats": knn_feats, "bbox": bbox, "knn_bboxes": knn_bboxes}

def reference(feat, knn_feats, bbox, knn_bboxes):
    # Faithful jax translation of Correspondence.forward_test core (post-backbone):
    # L2-normalize RoI features, compute per-KNN-image similarity maps,
    # flat top-k over each map, decompose flat index into (query, key) RoI indices,
    # gather and concatenate corresponding bbox pairs.
    Q = feat.shape[0]
    N = knn_feats.shape[1]
    feat_norm = feat / jnp.clip(jnp.linalg.norm(feat, axis=1, keepdims=True), 1e-12)
    knn_norm = knn_feats / jnp.clip(jnp.linalg.norm(knn_feats, axis=2, keepdims=True), 1e-12)
    # smaps: [KNN, Q, N] == torch.mm(feat_norm, knn_feat_norm.T) per knn image
    smaps = jnp.einsum('qd,knd->kqn', feat_norm, knn_norm)
    topk_num = max(int(TOPK_RATIO * Q), 1)
    flat = smaps.reshape(smaps.shape[0], -1)
    top_vals, top_inds = jax.lax.top_k(flat, topk_num)
    top_query_ind = top_inds // N
    top_key_ind = top_inds % N
    # bbox[qind]: gather query boxes -> [KNN, topk, 4]
    qbox = jnp.take(bbox, top_query_ind, axis=0)
    # per-knn-image gather of key boxes -> [KNN, topk, 4]
    kbox = jnp.take_along_axis(knn_bboxes, top_key_ind[..., None], axis=1)
    topk_box_pairs = jnp.concatenate([qbox, kbox], axis=-1)  # [KNN, topk, 8]
    # dict(intra_bbox=bbox, {k}nn_bbox=pairs) -> return as tuple
    return (bbox, topk_box_pairs, top_vals)

if __name__ == "__main__":
    import jax
    _d = setup_inputs()
    print(jax.jit(kernel)(*tuple(_d.values())))

</pallas_src>

<mosaic_0001>
#map = affine_map<(d0, d1) -> (0, 0)>
#map1 = affine_map<(d0, d1) -> (0)>
#map2 = affine_map<(d0, d1) -> (0, 0, 0)>
module attributes {stable_mosaic.version = 14 : i64} {
  func.func @compact_kernel(%arg0: i32, %arg1: i32, %arg2: memref<20480x2048xf32, #tpu.memory_space<hbm>>, %arg3: memref<32x80xi32, #tpu.memory_space<hbm>>, %arg4: memref<32x1280xi32, #tpu.memory_space<hbm>>, %arg5: memref<160xf32, #tpu.memory_space<hbm>>, %arg6: memref<10x32x128xf32, #tpu.memory_space<hbm>>, %arg7: memref<10x32x128xi32, #tpu.memory_space<hbm>>, %arg8: memref<80xi32, #tpu.memory_space<vmem>>, %arg9: memref<1280xi32, #tpu.memory_space<vmem>>, %arg10: memref<160xf32, #tpu.memory_space<vmem>>, %arg11: memref<8x2048xf32, #tpu.memory_space<vmem>>, %arg12: memref<8x2048xf32, #tpu.memory_space<vmem>>, %arg13: memref<128xf32, #tpu.memory_space<vmem>>, %arg14: memref<128xi32, #tpu.memory_space<vmem>>, %arg15: memref<!tpu.dma_semaphore, #tpu.memory_space<semaphore_mem>>, %arg16: memref<!tpu.dma_semaphore, #tpu.memory_space<semaphore_mem>>) attributes {dimension_semantics = [#tpu.dimension_semantics<core_parallel>, #tpu.dimension_semantics<subcore_parallel>], iteration_bounds = array<i64: 2, 16>, scalar_prefetch = 0 : i64, scratch_operands = 9 : i64, tpu.core_type = #tpu.core_type<sc_vector_subcore>, window_params = [{transform_indices = #map}, {transform_indices = #map}, {transform_indices = #map}, {transform_indices = #map1}, {transform_indices = #map2}, {transform_indices = #map2}]} {
    %mul3A = arith.constant 16 : i32
    %mul3A_0 = arith.muli %arg0, %mul3A : i32
    %add3A = arith.addi %mul3A_0, %arg1 : i32
    %iota3A = tpu.iota {dimensions = array<i32: 0>} : vector<16xi32>
    %broadcast_in_dim3A = arith.constant -3.000000e+00 : f32
    %broadcast_in_dim3A_1 = vector.broadcast %broadcast_in_dim3A : f32 to vector<16xf32>
    %broadcast_in_dim3A_2 = arith.constant 0 : i32
    %broadcast_in_dim3A_3 = vector.broadcast %broadcast_in_dim3A_2 : i32 to vector<16xi32>
    "tpu.region"() ({
      %run_scoped3A_268 = tpu.sem_alloc : memref<!tpu.dma_semaphore, #tpu.memory_space<semaphore_mem>>
      %dma_start3A_269 = arith.constant 0 : i32
      %dma_start3A_270 = tpu.memref_slice %arg3[%add3A, %dma_start3A_269] : memref<32x80xi32, #tpu.memory_space<hbm>> -> memref<1x80xi32, #tpu.memory_space<hbm>>
      %dma_start3A_271 = tpu.memref_squeeze %dma_start3A_270 : memref<1x80xi32, #tpu.memory_space<hbm>> -> memref<80xi32, #tpu.memory_space<hbm>>
      %dma_start3A_272 = arith.constant 0 : i32
      %dma_start3A_273 = tpu.memref_slice %arg3[%add3A, %dma_start3A_272] : memref<32x80xi32, #tpu.memory_space<hbm>> -> memref<1x80xi32, #tpu.memory_space<hbm>>
      %dma_start3A_274 = tpu.memref_squeeze %dma_start3A_273 : memref<1x80xi32, #tpu.memory_space<hbm>> -> memref<80xi32, #tpu.memory_space<hbm>>
      tpu.enqueue_dma source(%dma_start3A_274 : memref<80xi32, #tpu.memory_space<hbm>>) target(%arg8 : memref<80xi32, #tpu.memory_space<vmem>>) target_semaphore(%run_scoped3A_268 : memref<!tpu.dma_semaphore, #tpu.memory_space<semaphore_mem>>)
      %dma_wait3A_275 = arith.constant 0 : i32
      %dma_wait3A_276 = tpu.memref_slice %arg3[%add3A, %dma_wait3A_275] : memref<32x80xi32, #tpu.memory_space<hbm>> -> memref<1x80xi32, #tpu.memory_space<hbm>>
      %dma_wait3A_277 = tpu.memref_squeeze %dma_wait3A_276 : memref<1x80xi32, #tpu.memory_space<hbm>> -> memref<80xi32, #tpu.memory_space<hbm>>
      %dma_wait3A_278 = arith.constant 0 : i32
      %dma_wait3A_279 = tpu.memref_slice %arg3[%add3A, %dma_wait3A_278] : memref<32x80xi32, #tpu.memory_space<hbm>> -> memref<1x80xi32, #tpu.memory_space<hbm>>
      %dma_wait3A_280 = tpu.memref_squeeze %dma_wait3A_279 : memref<1x80xi32, #tpu.memory_space<hbm>> -> memref<80xi32, #tpu.memory_space<hbm>>
      tpu.wait_dma2 semaphore(%run_scoped3A_268 : memref<!tpu.dma_semaphore, #tpu.memory_space<semaphore_mem>>) src(%dma_wait3A_280 : memref<80xi32, #tpu.memory_space<hbm>>) dst(%arg8 : memref<80xi32, #tpu.memory_space<vmem>>)
      tpu.yield
    }) : () -> ()
    "tpu.region"() ({
      %run_scoped3A_268 = tpu.sem_alloc : memref<!tpu.dma_semaphore, #tpu.memory_space<semaphore_mem>>
      %dma_start3A_269 = arith.constant 0 : i32
      %dma_start3A_270 = tpu.memref_slice %arg4[%add3A, %dma_start3A_269] : memref<32x1280xi32, #tpu.memory_space<hbm>> -> memref<1x1280xi32, #tpu.memory_space<hbm>>
      %dma_start3A_271 = tpu.memref_squeeze %dma_start3A_270 : memref<1x1280xi32, #tpu.memory_space<hbm>> -> memref<1280xi32, #tpu.memory_space<hbm>>
      %dma_start3A_272 = arith.constant 0 : i32
      %dma_start3A_273 = tpu.memref_slice %arg4[%add3A, %dma_start3A_272] : memref<32x1280xi32, #tpu.memory_space<hbm>> -> memref<1x1280xi32, #tpu.memory_space<hbm>>
      %dma_start3A_274 = tpu.memref_squeeze %dma_start3A_273 : memref<1x1280xi32, #tpu.memory_space<hbm>> -> memref<1280xi32, #tpu.memory_space<hbm>>
      tpu.enqueue_dma source(%dma_start3A_274 : memref<1280xi32, #tpu.memory_space<hbm>>) target(%arg9 : memref<1280xi32, #tpu.memory_space<vmem>>) target_semaphore(%run_scoped3A_268 : memref<!tpu.dma_semaphore, #tpu.memory_space<semaphore_mem>>)
      %dma_wait3A_275 = arith.constant 0 : i32
      %dma_wait3A_276 = tpu.memref_slice %arg4[%add3A, %dma_wait3A_275] : memref<32x1280xi32, #tpu.memory_space<hbm>> -> memref<1x1280xi32, #tpu.memory_space<hbm>>
      %dma_wait3A_277 = tpu.memref_squeeze %dma_wait3A_276 : memref<1x1280xi32, #tpu.memory_space<hbm>> -> memref<1280xi32, #tpu.memory_space<hbm>>
      %dma_wait3A_278 = arith.constant 0 : i32
      %dma_wait3A_279 = tpu.memref_slice %arg4[%add3A, %dma_wait3A_278] : memref<32x1280xi32, #tpu.memory_space<hbm>> -> memref<1x1280xi32, #tpu.memory_space<hbm>>
      %dma_wait3A_280 = tpu.memref_squeeze %dma_wait3A_279 : memref<1x1280xi32, #tpu.memory_space<hbm>> -> memref<1280xi32, #tpu.memory_space<hbm>>
      tpu.wait_dma2 semaphore(%run_scoped3A_268 : memref<!tpu.dma_semaphore, #tpu.memory_space<semaphore_mem>>) src(%dma_wait3A_280 : memref<1280xi32, #tpu.memory_space<hbm>>) dst(%arg9 : memref<1280xi32, #tpu.memory_space<vmem>>)
      tpu.yield
    }) : () -> ()
    "tpu.region"() ({
      %run_scoped3A_268 = tpu.sem_alloc : memref<!tpu.dma_semaphore, #tpu.memory_space<semaphore_mem>>
      tpu.enqueue_dma source(%arg5 : memref<160xf32, #tpu.memory_space<hbm>>) target(%arg10 : memref<160xf32, #tpu.memory_space<vmem>>) target_semaphore(%run_scoped3A_268 : memref<!tpu.dma_semaphore, #tpu.memory_space<semaphore_mem>>)
      tpu.wait_dma2 semaphore(%run_scoped3A_268 : memref<!tpu.dma_semaphore, #tpu.memory_space<semaphore_mem>>) src(%arg5 : memref<160xf32, #tpu.memory_space<hbm>>) dst(%arg10 : memref<160xf32, #tpu.memory_space<vmem>>)
      tpu.yield
    }) : () -> ()
    %dma_start3A = arith.constant 0 : i32
    %dma_start3A_4 = tpu.memref_slice %arg8[%dma_start3A] : memref<80xi32, #tpu.memory_space<vmem>> -> memref<8xi32, #tpu.memory_space<vmem>>
    %dma_start3A_5 = arith.constant 0 : i32
    %dma_start3A_6 = arith.constant 0 : i32
    %dma_start3A_7 = tpu.memref_slice %arg2[%dma_start3A_5, %dma_start3A_6] : memref<20480x2048xf32, #tpu.memory_space<hbm>> -> memref<20480x2048xf32, #tpu.memory_space<hbm>>
    tpu.enqueue_indirect_dma source(%dma_start3A_7 : memref<20480x2048xf32, #tpu.memory_space<hbm>>) target(%arg11 : memref<8x2048xf32, #tpu.memory_space<vmem>>) offsets(%dma_start3A_4 : memref<8xi32, #tpu.memory_space<vmem>>) semaphore(%arg15 : memref<!tpu.dma_semaphore, #tpu.memory_space<semaphore_mem>>)
    %dma_start3A_8 = arith.constant 8 : i32
    %dma_start3A_9 = tpu.memref_slice %arg8[%dma_start3A_8] : memref<80xi32, #tpu.memory_space<vmem>> -> memref<8xi32, #tpu.memory_space<vmem>>
    %dma_start3A_10 = arith.constant 0 : i32
    %dma_start3A_11 = arith.constant 0 : i32
    %dma_start3A_12 = tpu.memref_slice %arg2[%dma_start3A_10, %dma_start3A_11] : memref<20480x2048xf32, #tpu.memory_space<hbm>> -> memref<20480x2048xf32, #tpu.memory_space<hbm>>
    tpu.enqueue_indirect_dma source(%dma_start3A_12 : memref<20480x2048xf32, #tpu.memory_space<hbm>>) target(%arg12 : memref<8x2048xf32, #tpu.memory_space<vmem>>) offsets(%dma_start3A_9 : memref<8xi32, #tpu.memory_space<vmem>>) semaphore(%arg16 : memref<!tpu.dma_semaphore, #tpu.memory_space<semaphore_mem>>)
    %dma_wait3A = arith.constant 0 : i32
    %dma_wait3A_13 = tpu.memref_slice %arg8[%dma_wait3A] : memref<80xi32, #tpu.memory_space<vmem>> -> memref<8xi32, #tpu.memory_space<vmem>>
    %dma_wait3A_14 = arith.constant 0 : i32
    %dma_wait3A_15 = arith.constant 0 : i32
    %dma_wait3A_16 = tpu.memref_slice %arg2[%dma_wait3A_14, %dma_wait3A_15] : memref<20480x2048xf32, #tpu.memory_space<hbm>> -> memref<20480x2048xf32, #tpu.memory_space<hbm>>
    tpu.wait_indirect_dma semaphore(%arg15 : memref<!tpu.dma_semaphore, #tpu.memory_space<semaphore_mem>>) src(%dma_wait3A_16 : memref<20480x2048xf32, #tpu.memory_space<hbm>>) dst(%arg11 : memref<8x2048xf32, #tpu.memory_space<vmem>>)
    %get3A = arith.constant 0 : index
    %get3A_17 = tpu.vector_load %arg10[%get3A] {strides = array<i32>} : memref<160xf32, #tpu.memory_space<vmem>>, vector<16xf32>,
    %scan3A = arith.constant 0 : i32
    %scan3A_18 = arith.constant 0 : i32
    %scan3A_19 = arith.constant 8 : i32
    %scan3A_20 = arith.addi %scan3A_18, %scan3A_19 : i32
    %scan3A_21 = arith.constant 1 : i32
    %scan3A_22 = scf.for %scan3A_268 = %scan3A_18 to %scan3A_20 step %scan3A_21 iter_args(%scan3A_269 = %scan3A) -> (i32)  : i32 {
      %mul3A_270 = arith.constant 16 : i32
      %mul3A_271 = arith.muli %scan3A_268, %mul3A_270 : i32
      %swap3A = arith.index_cast %mul3A_271 : i32 to index
      %swap3A_272 = tpu.vector_load %arg13[%swap3A] {strides = array<i32>} : memref<128xf32, #tpu.memory_space<vmem>>, vector<16xf32>,
      tpu.vector_store %arg13[%swap3A], %broadcast_in_dim3A_1 {strides = array<i32>} : memref<128xf32, #tpu.memory_space<vmem>>, vector<16xf32>,
      %mul3A_273 = arith.constant 16 : i32
      %mul3A_274 = arith.muli %scan3A_268, %mul3A_273 : i32
      %swap3A_275 = arith.index_cast %mul3A_274 : i32 to index
      %swap3A_276 = tpu.vector_load %arg14[%swap3A_275] {strides = array<i32>} : memref<128xi32, #tpu.memory_space<vmem>>, vector<16xi32>,
      tpu.vector_store %arg14[%swap3A_275], %broadcast_in_dim3A_3 {strides = array<i32>} : memref<128xi32, #tpu.memory_space<vmem>>, vector<16xi32>,
      %scan3A_277 = arith.constant 0 : i32
      scf.yield %scan3A_277 : i32
    }
    %scan3A_23 = arith.constant 8 : i32
    %broadcast_in_dim3A_24 = arith.constant 0 : i32
    %broadcast_in_dim3A_25 = vector.broadcast %broadcast_in_dim3A_24 : i32 to vector<16xi32>
    %parallel_loop3A = arith.constant 0 : i32
    %parallel_loop3A_26 = arith.constant 1024 : i32
    %parallel_loop3A_27 = arith.constant 2 : i32
    %parallel_loop3A_28 = scf.for %parallel_loop3A_268 = %parallel_loop3A to %parallel_loop3A_26 step %parallel_loop3A_27 iter_args(%parallel_loop3A_269 = %broadcast_in_dim3A_25) -> (vector<16xi32>)  : i32 {
      %parallel_loop3A_270 = arith.constant 128 : i32
      %parallel_loop3A_271 = arith.divsi %parallel_loop3A_268, %parallel_loop3A_270 : i32
      %parallel_loop3A_272 = arith.constant 0 : i32
      %parallel_loop3A_273 = arith.cmpi sgt, %parallel_loop3A_268, %parallel_loop3A_272 : i32
      %parallel_loop3A_274 = arith.extui %parallel_loop3A_273 : i1 to i32
      %parallel_loop3A_275 = arith.constant 0 : i32
      %parallel_loop3A_276 = arith.cmpi slt, %parallel_loop3A_268, %parallel_loop3A_275 : i32
      %parallel_loop3A_277 = arith.extui %parallel_loop3A_276 : i1 to i32
      %parallel_loop3A_278 = arith.subi %parallel_loop3A_274, %parallel_loop3A_277 : i32
      %parallel_loop3A_279 = arith.constant 0 : i32
      %parallel_loop3A_280 = arith.cmpi sgt, %parallel_loop3A_270, %parallel_loop3A_279 : i32
      %parallel_loop3A_281 = arith.extui %parallel_loop3A_280 : i1 to i32
      %parallel_loop3A_282 = arith.constant 0 : i32
      %parallel_loop3A_283 = arith.cmpi slt, %parallel_loop3A_270, %parallel_loop3A_282 : i32
      %parallel_loop3A_284 = arith.extui %parallel_loop3A_283 : i1 to i32
      %parallel_loop3A_285 = arith.subi %parallel_loop3A_281, %parallel_loop3A_284 : i32
      %parallel_loop3A_286 = arith.cmpi ne, %parallel_loop3A_278, %parallel_loop3A_285 : i32
      %parallel_loop3A_287 = arith.remsi %parallel_loop3A_268, %parallel_loop3A_270 : i32
      %parallel_loop3A_288 = arith.constant 0 : i32
      %parallel_loop3A_289 = arith.cmpi ne, %parallel_loop3A_287, %parallel_loop3A_288 : i32
      %parallel_loop3A_290 = arith.andi %parallel_loop3A_286, %parallel_loop3A_289 : i1
      %parallel_loop3A_291 = arith.constant 1 : i32
      %parallel_loop3A_292 = arith.subi %parallel_loop3A_271, %parallel_loop3A_291 : i32
      %parallel_loop3A_293 = arith.select %parallel_loop3A_290, %parallel_loop3A_292, %parallel_loop3A_271 : i32
      %parallel_loop3A_294 = arith.constant 128 : i32
      %parallel_loop3A_295 = arith.muli %parallel_loop3A_293, %parallel_loop3A_294 : i32
      %parallel_loop3A_296 = arith.subi %parallel_loop3A_268, %parallel_loop3A_295 : i32
      %parallel_loop3A_297 = arith.constant 0 : i32
      %parallel_loop3A_298 = arith.addi %parallel_loop3A_297, %parallel_loop3A_293 : i32
      %parallel_loop3A_299 = arith.constant 16 : i32
      %parallel_loop3A_300 = arith.muli %parallel_loop3A_298, %parallel_loop3A_299 : i32
      %parallel_loop3A_301 = arith.index_cast %parallel_loop3A_300 : i32 to index
      %parallel_loop3A_302 = tpu.vector_load %arg9[%parallel_loop3A_301] {strides = array<i32>} : memref<1280xi32, #tpu.memory_space<vmem>>, vector<16xi32>,
      %parallel_loop3A_303 = arith.constant 0 : i32
      %parallel_loop3A_304 = arith.addi %parallel_loop3A_296, %parallel_loop3A_303 : i32
      %parallel_loop3A_305 = arith.constant 16 : i32
      %parallel_loop3A_306 = arith.muli %parallel_loop3A_304, %parallel_loop3A_305 : i32
      %parallel_loop3A_307 = arith.index_cast %parallel_loop3A_293 : i32 to index
      %parallel_loop3A_308 = arith.index_cast %parallel_loop3A_306 : i32 to index
      %parallel_loop3A_309 = tpu.vector_load %arg11[%parallel_loop3A_307, %parallel_loop3A_308] {strides = array<i32>} : memref<8x2048xf32, #tpu.memory_space<vmem>>, vector<16xf32>,
      %parallel_loop3A_310 = arith.cmpf oge, %parallel_loop3A_309, %get3A_17 : vector<16xf32>
      %parallel_loop3A_311 = arith.extui %parallel_loop3A_310 : vector<16xi1> to vector<16xi32>
      %parallel_loop3A_312 = arith.constant true
      %parallel_loop3A_313 = vector.broadcast %parallel_loop3A_312 : i1 to vector<16xi1>
      %parallel_loop3A_314 = tpu.scan <sum>, %parallel_loop3A_311 masked %parallel_loop3A_313 : vector<16xi32>, vector<16xi1> -> vector<16xi32>
      %parallel_loop3A_315 = arith.addi %parallel_loop3A_269, %parallel_loop3A_314 : vector<16xi32>
      %parallel_loop3A_316 = arith.constant 1 : i32
      %parallel_loop3A_317 = vector.broadcast %parallel_loop3A_316 : i32 to vector<16xi32>
      %parallel_loop3A_318 = arith.subi %parallel_loop3A_315, %parallel_loop3A_317 : vector<16xi32>
      %parallel_loop3A_319 = arith.constant 127 : i32
      %parallel_loop3A_320 = vector.broadcast %parallel_loop3A_319 : i32 to vector<16xi32>
      %parallel_loop3A_321 = arith.minsi %parallel_loop3A_318, %parallel_loop3A_320 : vector<16xi32>
      tpu.vector_store_idx %arg13[%parallel_loop3A_321], %parallel_loop3A_309 masked %parallel_loop3A_310 : memref<128xf32, #tpu.memory_space<vmem>>[vector<16xi32>], vector<16xf32>, vector<16xi1>
      %parallel_loop3A_322 = arith.constant 0 : i32
      %parallel_loop3A_323 = arith.addi %parallel_loop3A_296, %parallel_loop3A_322 : i32
      %parallel_loop3A_324 = arith.constant 16 : i32
      %parallel_loop3A_325 = arith.muli %parallel_loop3A_323, %parallel_loop3A_324 : i32
      %parallel_loop3A_326 = vector.broadcast %parallel_loop3A_325 : i32 to vector<16xi32>
      %parallel_loop3A_327 = arith.addi %parallel_loop3A_302, %parallel_loop3A_326 : vector<16xi32>
      %parallel_loop3A_328 = arith.addi %parallel_loop3A_327, %iota3A : vector<16xi32>
      tpu.vector_store_idx %arg14[%parallel_loop3A_321], %parallel_loop3A_328 masked %parallel_loop3A_310 : memref<128xi32, #tpu.memory_space<vmem>>[vector<16xi32>], vector<16xi32>, vector<16xi1>
      %parallel_loop3A_329 = tpu.all_reduce %parallel_loop3A_310 {dim = 0 : i64, kind = #tpu.reduction_kind<sum>} : vector<16xi1> -> vector<16xi32>
      %parallel_loop3A_330 = arith.addi %parallel_loop3A_269, %parallel_loop3A_329 : vector<16xi32>
      %parallel_loop3A_331 = arith.constant 1 : i32
      %parallel_loop3A_332 = arith.addi %parallel_loop3A_296, %parallel_loop3A_331 : i32
      %parallel_loop3A_333 = arith.constant 16 : i32
      %parallel_loop3A_334 = arith.muli %parallel_loop3A_332, %parallel_loop3A_333 : i32
      %parallel_loop3A_335 = arith.index_cast %parallel_loop3A_293 : i32 to index
      %parallel_loop3A_336 = arith.index_cast %parallel_loop3A_334 : i32 to index
      %parallel_loop3A_337 = tpu.vector_load %arg11[%parallel_loop3A_335, %parallel_loop3A_336] {strides = array<i32>} : memref<8x2048xf32, #tpu.memory_space<vmem>>, vector<16xf32>,
      %parallel_loop3A_338 = arith.cmpf oge, %parallel_loop3A_337, %get3A_17 : vector<16xf32>
      %parallel_loop3A_339 = arith.extui %parallel_loop3A_338 : vector<16xi1> to vector<16xi32>
      %parallel_loop3A_340 = arith.constant true
      %parallel_loop3A_341 = vector.broadcast %parallel_loop3A_340 : i1 to vector<16xi1>
      %parallel_loop3A_342 = tpu.scan <sum>, %parallel_loop3A_339 masked %parallel_loop3A_341 : vector<16xi32>, vector<16xi1> -> vector<16xi32>
      %parallel_loop3A_343 = arith.addi %parallel_loop3A_330, %parallel_loop3A_342 : vector<16xi32>
      %parallel_loop3A_344 = arith.constant 1 : i32
      %parallel_loop3A_345 = vector.broadcast %parallel_loop3A_344 : i32 to vector<16xi32>
      %parallel_loop3A_346 = arith.subi %parallel_loop3A_343, %parallel_loop3A_345 : vector<16xi32>
      %parallel_loop3A_347 = arith.constant 127 : i32
      %parallel_loop3A_348 = vector.broadcast %parallel_loop3A_347 : i32 to vector<16xi32>
      %parallel_loop3A_349 = arith.minsi %parallel_loop3A_346, %parallel_loop3A_348 : vector<16xi32>
      tpu.vector_store_idx %arg13[%parallel_loop3A_349], %parallel_loop3A_337 masked %parallel_loop3A_338 : memref<128xf32, #tpu.memory_space<vmem>>[vector<16xi32>], vector<16xf32>, vector<16xi1>
      %parallel_loop3A_350 = arith.constant 1 : i32
      %parallel_loop3A_351 = arith.addi %parallel_loop3A_296, %parallel_loop3A_350 : i32
      %parallel_loop3A_352 = arith.constant 16 : i32
      %parallel_loop3A_353 = arith.muli %parallel_loop3A_351, %parallel_loop3A_352 : i32
      %parallel_loop3A_354 = vector.broadcast %parallel_loop3A_353 : i32 to vector<16xi32>
      %parallel_loop3A_355 = arith.addi %parallel_loop3A_302, %parallel_loop3A_354 : vector<16xi32>
      %parallel_loop3A_356 = arith.addi %parallel_loop3A_355, %iota3A : vector<16xi32>
      tpu.vector_store_idx %arg14[%parallel_loop3A_349], %parallel_loop3A_356 masked %parallel_loop3A_338 : memref<128xi32, #tpu.memory_space<vmem>>[vector<16xi32>], vector<16xi32>, vector<16xi1>
      %parallel_loop3A_357 = tpu.all_reduce %parallel_loop3A_338 {dim = 0 : i64, kind = #tpu.reduction_kind<sum>} : vector<16xi1> -> vector<16xi32>
      %parallel_loop3A_358 = arith.addi %parallel_loop3A_330, %parallel_loop3A_357 : vector<16xi32>
      scf.yield %parallel_loop3A_358 : vector<16xi32>
    } {sc.loop_unroll_factor = 2 : i64, sc.parallel_access}
    %run_scoped3A = arith.constant 0 : i32
    "tpu.region"() ({
      %run_scoped3A_268 = tpu.sem_alloc : memref<!tpu.dma_semaphore, #tpu.memory_space<semaphore_mem>>
      %dma_start3A_269 = arith.constant 0 : i32
      %dma_start3A_270 = tpu.memref_slice %arg6[%run_scoped3A, %add3A, %dma_start3A_269] : memref<10x32x128xf32, #tpu.memory_space<hbm>> -> memref<1x1x128xf32, #tpu.memory_space<hbm>>
      %dma_start3A_271 = tpu.memref_squeeze %dma_start3A_270 : memref<1x1x128xf32, #tpu.memory_space<hbm>> -> memref<128xf32, #tpu.memory_space<hbm>>
      %dma_start3A_272 = arith.constant 0 : i32
      %dma_start3A_273 = tpu.memref_slice %arg6[%run_scoped3A, %add3A, %dma_start3A_272] : memref<10x32x128xf32, #tpu.memory_space<hbm>> -> memref<1x1x128xf32, #tpu.memory_space<hbm>>
      %dma_start3A_274 = tpu.memref_squeeze %dma_start3A_273 : memref<1x1x128xf32, #tpu.memory_space<hbm>> -> memref<128xf32, #tpu.memory_space<hbm>>
      tpu.enqueue_dma source(%arg13 : memref<128xf32, #tpu.memory_space<vmem>>) target(%dma_start3A_274 : memref<128xf32, #tpu.memory_space<hbm>>) target_semaphore(%run_scoped3A_268 : memref<!tpu.dma_semaphore, #tpu.memory_space<semaphore_mem>>)
      %dma_wait3A_275 = arith.constant 0 : i32
      %dma_wait3A_276 = tpu.memref_slice %arg6[%run_scoped3A, %add3A, %dma_wait3A_275] : memref<10x32x128xf32, #tpu.memory_space<hbm>> -> memref<1x1x128xf32, #tpu.memory_space<hbm>>
      %dma_wait3A_277 = tpu.memref_squeeze %dma_wait3A_276 : memref<1x1x128xf32, #tpu.memory_space<hbm>> -> memref<128xf32, #tpu.memory_space<hbm>>
      %dma_wait3A_278 = arith.constant 0 : i32
      %dma_wait3A_279 = tpu.memref_slice %arg6[%run_scoped3A, %add3A, %dma_wait3A_278] : memref<10x32x128xf32, #tpu.memory_space<hbm>> -> memref<1x1x128xf32, #tpu.memory_space<hbm>>
      %dma_wait3A_280 = tpu.memref_squeeze %dma_wait3A_279 : memref<1x1x128xf32, #tpu.memory_space<hbm>> -> memref<128xf32, #tpu.memory_space<hbm>>
      tpu.wait_dma2 semaphore(%run_scoped3A_268 : memref<!tpu.dma_semaphore, #tpu.memory_space<semaphore_mem>>) src(%arg13 : memref<128xf32, #tpu.memory_space<vmem>>) dst(%dma_wait3A_280 : memref<128xf32, #tpu.memory_space<hbm>>)
      tpu.yield
    }) : () -> ()
    %run_scoped3A_29 = arith.constant 0 : i32
    "tpu.region"() ({
      %run_scoped3A_268 = tpu.sem_alloc : memref<!tpu.dma_semaphore, #tpu.memory_space<semaphore_mem>>
      %dma_start3A_269 = arith.constant 0 : i32
      %dma_start3A_270 = tpu.memref_slice %arg7[%run_scoped3A_29, %add3A, %dma_start3A_269] : memref<10x32x128xi32, #tpu.memory_space<hbm>> -> memref<1x1x128xi32, #tpu.memory_space<hbm>>
      %dma_start3A_271 = tpu.memref_squeeze %dma_start3A_270 : memref<1x1x128xi32, #tpu.memory_space<hbm>> -> memref<128xi32, #tpu.memory_space<hbm>>
      %dma_start3A_272 = arith.constant 0 : i32
      %dma_start3A_273 = tpu.memref_slice %arg7[%run_scoped3A_29, %add3A, %dma_start3A_272] : memref<10x32x128xi32, #tpu.memory_space<hbm>> -> memref<1x1x128xi32, #tpu.memory_space<hbm>>
      %dma_start3A_274 = tpu.memref_squeeze %dma_start3A_273 : memref<1x1x128xi32, #tpu.memory_space<hbm>> -> memref<128xi32, #tpu.memory_space<hbm>>
      tpu.enqueue_dma source(%arg14 : memref<128xi32, #tpu.memory_space<vmem>>) target(%dma_start3A_274 : memref<128xi32, #tpu.memory_space<hbm>>) target_semaphore(%run_scoped3A_268 : memref<!tpu.dma_semaphore, #tpu.memory_space<semaphore_mem>>)
      %dma_wait3A_275 = arith.constant 0 : i32
      %dma_wait3A_276 = tpu.memref_slice %arg7[%run_scoped3A_29, %add3A, %dma_wait3A_275] : memref<10x32x128xi32, #tpu.memory_space<hbm>> -> memref<1x1x128xi32, #tpu.memory_space<hbm>>
      %dma_wait3A_277 = tpu.memref_squeeze %dma_wait3A_276 : memref<1x1x128xi32, #tpu.memory_space<hbm>> -> memref<128xi32, #tpu.memory_space<hbm>>
      %dma_wait3A_278 = arith.constant 0 : i32
      %dma_wait3A_279 = tpu.memref_slice %arg7[%run_scoped3A_29, %add3A, %dma_wait3A_278] : memref<10x32x128xi32, #tpu.memory_space<hbm>> -> memref<1x1x128xi32, #tpu.memory_space<hbm>>
      %dma_wait3A_280 = tpu.memref_squeeze %dma_wait3A_279 : memref<1x1x128xi32, #tpu.memory_space<hbm>> -> memref<128xi32, #tpu.memory_space<hbm>>
      tpu.wait_dma2 semaphore(%run_scoped3A_268 : memref<!tpu.dma_semaphore, #tpu.memory_space<semaphore_mem>>) src(%arg14 : memref<128xi32, #tpu.memory_space<vmem>>) dst(%dma_wait3A_280 : memref<128xi32, #tpu.memory_space<hbm>>)
      tpu.yield
    }) : () -> ()
    %dma_start3A_30 = arith.constant 16 : i32
    %dma_start3A_31 = tpu.memref_slice %arg8[%dma_start3A_30] : memref<80xi32, #tpu.memory_space<vmem>> -> memref<8xi32, #tpu.memory_space<vmem>>
    %dma_start3A_32 = arith.constant 0 : i32
    %dma_start3A_33 = arith.constant 0 : i32
    %dma_start3A_34 = tpu.memref_slice %arg2[%dma_start3A_32, %dma_start3A_33] : memref<20480x2048xf32, #tpu.memory_space<hbm>> -> memref<20480x2048xf32, #tpu.memory_space<hbm>>
    tpu.enqueue_indirect_dma source(%dma_start3A_34 : memref<20480x2048xf32, #tpu.memory_space<hbm>>) target(%arg11 : memref<8x2048xf32, #tpu.memory_space<vmem>>) offsets(%dma_start3A_31 : memref<8xi32, #tpu.memory_space<vmem>>) semaphore(%arg15 : memref<!tpu.dma_semaphore, #tpu.memory_space<semaphore_mem>>)
    %dma_wait3A_35 = arith.constant 8 : i32
    %dma_wait3A_36 = tpu.memref_slice %arg8[%dma_wait3A_35] : memref<80xi32, #tpu.memory_space<vmem>> -> memref<8xi32, #tpu.memory_space<vmem>>
    %dma_wait3A_37 = arith.constant 0 : i32
    %dma_wait3A_38 = arith.constant 0 : i32
    %dma_wait3A_39 = tpu.memref_slice %arg2[%dma_wait3A_37, %dma_wait3A_38] : memref<20480x2048xf32, #tpu.memory_space<hbm>> -> memref<20480x2048xf32, #tpu.memory_space<hbm>>
    tpu.wait_indirect_dma semaphore(%arg16 : memref<!tpu.dma_semaphore, #tpu.memory_space<semaphore_mem>>) src(%dma_wait3A_39 : memref<20480x2048xf32, #tpu.memory_space<hbm>>) dst(%arg12 : memref<8x2048xf32, #tpu.memory_space<vmem>>)
    %get3A_40 = arith.constant 16 : index
    %get3A_41 = tpu.vector_load %arg10[%get3A_40] {strides = array<i32>} : memref<160xf32, #tpu.memory_space<vmem>>, vector<16xf32>,
    %scan3A_42 = arith.constant 0 : i32
    %scan3A_43 = arith.constant 0 : i32
    %scan3A_44 = arith.constant 8 : i32
    %scan3A_45 = arith.addi %scan3A_43, %scan3A_44 : i32
    %scan3A_46 = arith.constant 1 : i32
    %scan3A_47 = scf.for %scan3A_268 = %scan3A_43 to %scan3A_45 step %scan3A_46 iter_args(%scan3A_269 = %scan3A_42) -> (i32)  : i32 {
      %mul3A_270 = arith.constant 16 : i32
      %mul3A_271 = arith.muli %scan3A_268, %mul3A_270 : i32
      %swap3A = arith.index_cast %mul3A_271 : i32 to index
      %swap3A_272 = tpu.vector_load %arg13[%swap3A] {strides = array<i32>} : memref<128xf32, #tpu.memory_space<vmem>>, vector<16xf32>,
      tpu.vector_store %arg13[%swap3A], %broadcast_in_dim3A_1 {strides = array<i32>} : memref<128xf32, #tpu.memory_space<vmem>>, vector<16xf32>,
      %mul3A_273 = arith.constant 16 : i32
      %mul3A_274 = arith.muli %scan3A_268, %mul3A_273 : i32
      %swap3A_275 = arith.index_cast %mul3A_274 : i32 to index
      %swap3A_276 = tpu.vector_load %arg14[%swap3A_275] {strides = array<i32>} : memref<128xi32, #tpu.memory_space<vmem>>, vector<16xi32>,
      tpu.vector_store %arg14[%swap3A_275], %broadcast_in_dim3A_3 {strides = array<i32>} : memref<128xi32, #tpu.memory_space<vmem>>, vector<16xi32>,
      %scan3A_277 = arith.constant 0 : i32
      scf.yield %scan3A_277 : i32
    }
    %scan3A_48 = arith.constant 8 : i32
    %broadcast_in_dim3A_49 = arith.constant 0 : i32
    %broadcast_in_dim3A_50 = vector.broadcast %broadcast_in_dim3A_49 : i32 to vector<16xi32>
    %parallel_loop3A_51 = arith.constant 0 : i32
    %parallel_loop3A_52 = arith.constant 1024 : i32
    %parallel_loop3A_53 = arith.constant 2 : i32
    %parallel_loop3A_54 = scf.for %parallel_loop3A_268 = %parallel_loop3A_51 to %parallel_loop3A_52 step %parallel_loop3A_53 iter_args(%parallel_loop3A_269 = %broadcast_in_dim3A_50) -> (vector<16xi32>)  : i32 {
      %parallel_loop3A_270 = arith.constant 128 : i32
      %parallel_loop3A_271 = arith.divsi %parallel_loop3A_268, %parallel_loop3A_270 : i32
      %parallel_loop3A_272 = arith.constant 0 : i32
      %parallel_loop3A_273 = arith.cmpi sgt, %parallel_loop3A_268, %parallel_loop3A_272 : i32
      %parallel_loop3A_274 = arith.extui %parallel_loop3A_273 : i1 to i32
      %parallel_loop3A_275 = arith.constant 0 : i32
      %parallel_loop3A_276 = arith.cmpi slt, %parallel_loop3A_268, %parallel_loop3A_275 : i32
      %parallel_loop3A_277 = arith.extui %parallel_loop3A_276 : i1 to i32
      %parallel_loop3A_278 = arith.subi %parallel_loop3A_274, %parallel_loop3A_277 : i32
      %parallel_loop3A_279 = arith.constant 0 : i32
      %parallel_loop3A_280 = arith.cmpi sgt, %parallel_loop3A_270, %parallel_loop3A_279 : i32
      %parallel_loop3A_281 = arith.extui %parallel_loop3A_280 : i1 to i32
      %parallel_loop3A_282 = arith.constant 0 : i32
      %parallel_loop3A_283 = arith.cmpi slt, %parallel_loop3A_270, %parallel_loop3A_282 : i32
      %parallel_loop3A_284 = arith.extui %parallel_loop3A_283 : i1 to i32
      %parallel_loop3A_285 = arith.subi %parallel_loop3A_281, %parallel_loop3A_284 : i32
      %parallel_loop3A_286 = arith.cmpi ne, %parallel_loop3A_278, %parallel_loop3A_285 : i32
      %parallel_loop3A_287 = arith.remsi %parallel_loop3A_268, %parallel_loop3A_270 : i32
      %parallel_loop3A_288 = arith.constant 0 : i32
      %parallel_loop3A_289 = arith.cmpi ne, %parallel_loop3A_287, %parallel_loop3A_288 : i32
      %parallel_loop3A_290 = arith.andi %parallel_loop3A_286, %parallel_loop3A_289 : i1
      %parallel_loop3A_291 = arith.constant 1 : i32
      %parallel_loop3A_292 = arith.subi %parallel_loop3A_271, %parallel_loop3A_291 : i32
      %parallel_loop3A_293 = arith.select %parallel_loop3A_290, %parallel_loop3A_292, %parallel_loop3A_271 : i32
      %parallel_loop3A_294 = arith.constant 128 : i32
      %parallel_loop3A_295 = arith.muli %parallel_loop3A_293, %parallel_loop3A_294 : i32
      %parallel_loop3A_296 = arith.subi %parallel_loop3A_268, %parallel_loop3A_295 : i32
      %parallel_loop3A_297 = arith.constant 8 : i32
      %parallel_loop3A_298 = arith.addi %parallel_loop3A_297, %parallel_loop3A_293 : i32
      %parallel_loop3A_299 = arith.constant 16 : i32
      %parallel_loop3A_300 = arith.muli %parallel_loop3A_298, %parallel_loop3A_299 : i32
      %parallel_loop3A_301 = arith.index_cast %parallel_loop3A_300 : i32 to index
      %parallel_loop3A_302 = tpu.vector_load %arg9[%parallel_loop3A_301] {strides = array<i32>} : memref<1280xi32, #tpu.memory_space<vmem>>, vector<16xi32>,
      %parallel_loop3A_303 = arith.constant 0 : i32
      %parallel_loop3A_304 = arith.addi %parallel_loop3A_296, %parallel_loop3A_303 : i32
      %parallel_loop3A_305 = arith.constant 16 : i32
      %parallel_loop3A_306 = arith.muli %parallel_loop3A_304, %parallel_loop3A_305 : i32
      %parallel_loop3A_307 = arith.index_cast %parallel_loop3A_293 : i32 to index
      %parallel_loop3A_308 = arith.index_cast %parallel_loop3A_306 : i32 to index
      %parallel_loop3A_309 = tpu.vector_load %arg12[%parallel_loop3A_307, %parallel_loop3A_308] {strides = array<i32>} : memref<8x2048xf32, #tpu.memory_space<vmem>>, vector<16xf32>,
      %parallel_loop3A_310 = arith.cmpf oge, %parallel_loop3A_309, %get3A_41 : vector<16xf32>
      %parallel_loop3A_311 = arith.extui %parallel_loop3A_310 : vector<16xi1> to vector<16xi32>
      %parallel_loop3A_312 = arith.constant true
      %parallel_loop3A_313 = vector.broadcast %parallel_loop3A_312 : i1 to vector<16xi1>
      %parallel_loop3A_314 = tpu.scan <sum>, %parallel_loop3A_311 masked %parallel_loop3A_313 : vector<16xi32>, vector<16xi1> -> vector<16xi32>
      %parallel_loop3A_315 = arith.addi %parallel_loop3A_269, %parallel_loop3A_314 : vector<16xi32>
      %parallel_loop3A_316 = arith.constant 1 : i32
      %parallel_loop3A_317 = vector.broadcast %parallel_loop3A_316 : i32 to vector<16xi32>
      %parallel_loop3A_318 = arith.subi %parallel_loop3A_315, %parallel_loop3A_317 : vector<16xi32>
      %parallel_loop3A_319 = arith.constant 127 : i32
      %parallel_loop3A_320 = vector.broadcast %parallel_loop3A_319 : i32 to vector<16xi32>
      %parallel_loop3A_321 = arith.minsi %parallel_loop3A_318, %parallel_loop3A_320 : vector<16xi32>
      tpu.vector_store_idx %arg13[%parallel_loop3A_321], %parallel_loop3A_309 masked %parallel_loop3A_310 : memref<128xf32, #tpu.memory_space<vmem>>[vector<16xi32>], vector<16xf32>, vector<16xi1>
      %parallel_loop3A_322 = arith.constant 0 : i32
      %parallel_loop3A_323 = arith.addi %parallel_loop3A_296, %parallel_loop3A_322 : i32
      %parallel_loop3A_324 = arith.constant 16 : i32
      %parallel_loop3A_325 = arith.muli %parallel_loop3A_323, %parallel_loop3A_324 : i32
      %parallel_loop3A_326 = vector.broadcast %parallel_loop3A_325 : i32 to vector<16xi32>
      %parallel_loop3A_327 = arith.addi %parallel_loop3A_302, %parallel_loop3A_326 : vector<16xi32>
      %parallel_loop3A_328 = arith.addi %parallel_loop3A_327, %iota3A : vector<16xi32>
      tpu.vector_store_idx %arg14[%parallel_loop3A_321], %parallel_loop3A_328 masked %parallel_loop3A_310 : memref<128xi32, #tpu.memory_space<vmem>>[vector<16xi32>], vector<16xi32>, vector<16xi1>
      %parallel_loop3A_329 = tpu.all_reduce %parallel_loop3A_310 {dim = 0 : i64, kind = #tpu.reduction_kind<sum>} : vector<16xi1> -> vector<16xi32>
      %parallel_loop3A_330 = arith.addi %parallel_loop3A_269, %parallel_loop3A_329 : vector<16xi32>
      %parallel_loop3A_331 = arith.constant 1 : i32
      %parallel_loop3A_332 = arith.addi %parallel_loop3A_296, %parallel_loop3A_331 : i32
      %parallel_loop3A_333 = arith.constant 16 : i32
      %parallel_loop3A_334 = arith.muli %parallel_loop3A_332, %parallel_loop3A_333 : i32
      %parallel_loop3A_335 = arith.index_cast %parallel_loop3A_293 : i32 to index
      %parallel_loop3A_336 = arith.index_cast %parallel_loop3A_334 : i32 to index
      %parallel_loop3A_337 = tpu.vector_load %arg12[%parallel_loop3A_335, %parallel_loop3A_336] {strides = array<i32>} : memref<8x2048xf32, #tpu.memory_space<vmem>>, vector<16xf32>,
      %parallel_loop3A_338 = arith.cmpf oge, %parallel_loop3A_337, %get3A_41 : vector<16xf32>
      %parallel_loop3A_339 = arith.extui %parallel_loop3A_338 : vector<16xi1> to vector<16xi32>
      %parallel_loop3A_340 = arith.constant true
      %parallel_loop3A_341 = vector.broadcast %parallel_loop3A_340 : i1 to vector<16xi1>
      %parallel_loop3A_342 = tpu.scan <sum>, %parallel_loop3A_339 masked %parallel_loop3A_341 : vector<16xi32>, vector<16xi1> -> vector<16xi32>
      %parallel_loop3A_343 = arith.addi %parallel_loop3A_330, %parallel_loop3A_342 : vector<16xi32>
      %parallel_loop3A_344 = arith.constant 1 : i32
      %parallel_loop3A_345 = vector.broadcast %parallel_loop3A_344 : i32 to vector<16xi32>
      %parallel_loop3A_346 = arith.subi %parallel_loop3A_343, %parallel_loop3A_345 : vector<16xi32>
      %parallel_loop3A_347 = arith.constant 127 : i32
      %parallel_loop3A_348 = vector.broadcast %parallel_loop3A_347 : i32 to vector<16xi32>
      %parallel_loop3A_349 = arith.minsi %parallel_loop3A_346, %parallel_loop3A_348 : vector<16xi32>
      tpu.vector_store_idx %arg13[%parallel_loop3A_349], %parallel_loop3A_337 masked %parallel_loop3A_338 : memref<128xf32, #tpu.memory_space<vmem>>[vector<16xi32>], vector<16xf32>, vector<16xi1>
      %parallel_loop3A_350 = arith.constant 1 : i32
      %parallel_loop3A_351 = arith.addi %parallel_loop3A_296, %parallel_loop3A_350 : i32
      %parallel_loop3A_352 = arith.constant 16 : i32
      %parallel_loop3A_353 = arith.muli %parallel_loop3A_351, %parallel_loop3A_352 : i32
      %parallel_loop3A_354 = vector.broadcast %parallel_loop3A_353 : i32 to vector<16xi32>
      %parallel_loop3A_355 = arith.addi %parallel_loop3A_302, %parallel_loop3A_354 : vector<16xi32>
      %parallel_loop3A_356 = arith.addi %parallel_loop3A_355, %iota3A : vector<16xi32>
      tpu.vector_store_idx %arg14[%parallel_loop3A_349], %parallel_loop3A_356 masked %parallel_loop3A_338 : memref<128xi32, #tpu.memory_space<vmem>>[vector<16xi32>], vector<16xi32>, vector<16xi1>
      %parallel_loop3A_357 = tpu.all_reduce %parallel_loop3A_338 {dim = 0 : i64, kind = #tpu.reduction_kind<sum>} : vector<16xi1> -> vector<16xi32>
      %parallel_loop3A_358 = arith.addi %parallel_loop3A_330, %parallel_loop3A_357 : vector<16xi32>
      scf.yield %parallel_loop3A_358 : vector<16xi32>
    } {sc.loop_unroll_factor = 2 : i64, sc.parallel_access}
    %run_scoped3A_55 = arith.constant 1 : i32
    "tpu.region"() ({
      %run_scoped3A_268 = tpu.sem_alloc : memref<!tpu.dma_semaphore, #tpu.memory_space<semaphore_mem>>
      %dma_start3A_269 = arith.constant 0 : i32
      %dma_start3A_270 = tpu.memref_slice %arg6[%run_scoped3A_55, %add3A, %dma_start3A_269] : memref<10x32x128xf32, #tpu.memory_space<hbm>> -> memref<1x1x128xf32, #tpu.memory_space<hbm>>
      %dma_start3A_271 = tpu.memref_squeeze %dma_start3A_270 : memref<1x1x128xf32, #tpu.memory_space<hbm>> -> memref<128xf32, #tpu.memory_space<hbm>>
      %dma_start3A_272 = arith.constant 0 : i32
      %dma_start3A_273 = tpu.memref_slice %arg6[%run_scoped3A_55, %add3A, %dma_start3A_272] : memref<10x32x128xf32, #tpu.memory_space<hbm>> -> memref<1x1x128xf32, #tpu.memory_space<hbm>>
      %dma_start3A_274 = tpu.memref_squeeze %dma_start3A_273 : memref<1x1x128xf32, #tpu.memory_space<hbm>> -> memref<128xf32, #tpu.memory_space<hbm>>
      tpu.enqueue_dma source(%arg13 : memref<128xf32, #tpu.memory_space<vmem>>) target(%dma_start3A_274 : memref<128xf32, #tpu.memory_space<hbm>>) target_semaphore(%run_scoped3A_268 : memref<!tpu.dma_semaphore, #tpu.memory_space<semaphore_mem>>)
      %dma_wait3A_275 = arith.constant 0 : i32
      %dma_wait3A_276 = tpu.memref_slice %arg6[%run_scoped3A_55, %add3A, %dma_wait3A_275] : memref<10x32x128xf32, #tpu.memory_space<hbm>> -> memref<1x1x128xf32, #tpu.memory_space<hbm>>
      %dma_wait3A_277 = tpu.memref_squeeze %dma_wait3A_276 : memref<1x1x128xf32, #tpu.memory_space<hbm>> -> memref<128xf32, #tpu.memory_space<hbm>>
      %dma_wait3A_278 = arith.constant 0 : i32
      %dma_wait3A_279 = tpu.memref_slice %arg6[%run_scoped3A_55, %add3A, %dma_wait3A_278] : memref<10x32x128xf32, #tpu.memory_space<hbm>> -> memref<1x1x128xf32, #tpu.memory_space<hbm>>
      %dma_wait3A_280 = tpu.memref_squeeze %dma_wait3A_279 : memref<1x1x128xf32, #tpu.memory_space<hbm>> -> memref<128xf32, #tpu.memory_space<hbm>>
      tpu.wait_dma2 semaphore(%run_scoped3A_268 : memref<!tpu.dma_semaphore, #tpu.memory_space<semaphore_mem>>) src(%arg13 : memref<128xf32, #tpu.memory_space<vmem>>) dst(%dma_wait3A_280 : memref<128xf32, #tpu.memory_space<hbm>>)
      tpu.yield
    }) : () -> ()
    %run_scoped3A_56 = arith.constant 1 : i32
    "tpu.region"() ({
      %run_scoped3A_268 = tpu.sem_alloc : memref<!tpu.dma_semaphore, #tpu.memory_space<semaphore_mem>>
      %dma_start3A_269 = arith.constant 0 : i32
      %dma_start3A_270 = tpu.memref_slice %arg7[%run_scoped3A_56, %add3A, %dma_start3A_269] : memref<10x32x128xi32, #tpu.memory_space<hbm>> -> memref<1x1x128xi32, #tpu.memory_space<hbm>>
      %dma_start3A_271 = tpu.memref_squeeze %dma_start3A_270 : memref<1x1x128xi32, #tpu.memory_space<hbm>> -> memref<128xi32, #tpu.memory_space<hbm>>
      %dma_start3A_272 = arith.constant 0 : i32
      %dma_start3A_273 = tpu.memref_slice %arg7[%run_scoped3A_56, %add3A, %dma_start3A_272] : memref<10x32x128xi32, #tpu.memory_space<hbm>> -> memref<1x1x128xi32, #tpu.memory_space<hbm>>
      %dma_start3A_274 = tpu.memref_squeeze %dma_start3A_273 : memref<1x1x128xi32, #tpu.memory_space<hbm>> -> memref<128xi32, #tpu.memory_space<hbm>>
      tpu.enqueue_dma source(%arg14 : memref<128xi32, #tpu.memory_space<vmem>>) target(%dma_start3A_274 : memref<128xi32, #tpu.memory_space<hbm>>) target_semaphore(%run_scoped3A_268 : memref<!tpu.dma_semaphore, #tpu.memory_space<semaphore_mem>>)
      %dma_wait3A_275 = arith.constant 0 : i32
      %dma_wait3A_276 = tpu.memref_slice %arg7[%run_scoped3A_56, %add3A, %dma_wait3A_275] : memref<10x32x128xi32, #tpu.memory_space<hbm>> -> memref<1x1x128xi32, #tpu.memory_space<hbm>>
      %dma_wait3A_277 = tpu.memref_squeeze %dma_wait3A_276 : memref<1x1x128xi32, #tpu.memory_space<hbm>> -> memref<128xi32, #tpu.memory_space<hbm>>
      %dma_wait3A_278 = arith.constant 0 : i32
      %dma_wait3A_279 = tpu.memref_slice %arg7[%run_scoped3A_56, %add3A, %dma_wait3A_278] : memref<10x32x128xi32, #tpu.memory_space<hbm>> -> memref<1x1x128xi32, #tpu.memory_space<hbm>>
      %dma_wait3A_280 = tpu.memref_squeeze %dma_wait3A_279 : memref<1x1x128xi32, #tpu.memory_space<hbm>> -> memref<128xi32, #tpu.memory_space<hbm>>
      tpu.wait_dma2 semaphore(%run_scoped3A_268 : memref<!tpu.dma_semaphore, #tpu.memory_space<semaphore_mem>>) src(%arg14 : memref<128xi32, #tpu.memory_space<vmem>>) dst(%dma_wait3A_280 : memref<128xi32, #tpu.memory_space<hbm>>)
      tpu.yield
    }) : () -> ()
    %dma_start3A_57 = arith.constant 24 : i32
    %dma_start3A_58 = tpu.memref_slice %arg8[%dma_start3A_57] : memref<80xi32, #tpu.memory_space<vmem>> -> memref<8xi32, #tpu.memory_space<vmem>>
    %dma_start3A_59 = arith.constant 0 : i32
    %dma_start3A_60 = arith.constant 0 : i32
    %dma_start3A_61 = tpu.memref_slice %arg2[%dma_start3A_59, %dma_start3A_60] : memref<20480x2048xf32, #tpu.memory_space<hbm>> -> memref<20480x2048xf32, #tpu.memory_space<hbm>>
    tpu.enqueue_indirect_dma source(%dma_start3A_61 : memref<20480x2048xf32, #tpu.memory_space<hbm>>) target(%arg12 : memref<8x2048xf32, #tpu.memory_space<vmem>>) offsets(%dma_start3A_58 : memref<8xi32, #tpu.memory_space<vmem>>) semaphore(%arg16 : memref<!tpu.dma_semaphore, #tpu.memory_space<semaphore_mem>>)
    %dma_wait3A_62 = arith.constant 16 : i32
    %dma_wait3A_63 = tpu.memref_slice %arg8[%dma_wait3A_62] : memref<80xi32, #tpu.memory_space<vmem>> -> memref<8xi32, #tpu.memory_space<vmem>>
    %dma_wait3A_64 = arith.constant 0 : i32
    %dma_wait3A_65 = arith.constant 0 : i32
    %dma_wait3A_66 = tpu.memref_slice %arg2[%dma_wait3A_64, %dma_wait3A_65] : memref<20480x2048xf32, #tpu.memory_space<hbm>> -> memref<20480x2048xf32, #tpu.memory_space<hbm>>
    tpu.wait_indirect_dma semaphore(%arg15 : memref<!tpu.dma_semaphore, #tpu.memory_space<semaphore_mem>>) src(%dma_wait3A_66 : memref<20480x2048xf32, #tpu.memory_space<hbm>>) dst(%arg11 : memref<8x2048xf32, #tpu.memory_space<vmem>>)
    %get3A_67 = arith.constant 32 : index
    %get3A_68 = tpu.vector_load %arg10[%get3A_67] {strides = array<i32>} : memref<160xf32, #tpu.memory_space<vmem>>, vector<16xf32>,
    %scan3A_69 = arith.constant 0 : i32
    %scan3A_70 = arith.constant 0 : i32
    %scan3A_71 = arith.constant 8 : i32
    %scan3A_72 = arith.addi %scan3A_70, %scan3A_71 : i32
    %scan3A_73 = arith.constant 1 : i32
    %scan3A_74 = scf.for %scan3A_268 = %scan3A_70 to %scan3A_72 step %scan3A_73 iter_args(%scan3A_269 = %scan3A_69) -> (i32)  : i32 {
      %mul3A_270 = arith.constant 16 : i32
      %mul3A_271 = arith.muli %scan3A_268, %mul3A_270 : i32
      %swap3A = arith.index_cast %mul3A_271 : i32 to index
      %swap3A_272 = tpu.vector_load %arg13[%swap3A] {strides = array<i32>} : memref<128xf32, #tpu.memory_space<vmem>>, vector<16xf32>,
      tpu.vector_store %arg13[%swap3A], %broadcast_in_dim3A_1 {strides = array<i32>} : memref<128xf32, #tpu.memory_space<vmem>>, vector<16xf32>,
      %mul3A_273 = arith.constant 16 : i32
      %mul3A_274 = arith.muli %scan3A_268, %mul3A_273 : i32
      %swap3A_275 = arith.index_cast %mul3A_274 : i32 to index
      %swap3A_276 = tpu.vector_load %arg14[%swap3A_275] {strides = array<i32>} : memref<128xi32, #tpu.memory_space<vmem>>, vector<16xi32>,
      tpu.vector_store %arg14[%swap3A_275], %broadcast_in_dim3A_3 {strides = array<i32>} : memref<128xi32, #tpu.memory_space<vmem>>, vector<16xi32>,
      %scan3A_277 = arith.constant 0 : i32
      scf.yield %scan3A_277 : i32
    }
    %scan3A_75 = arith.constant 8 : i32
    %broadcast_in_dim3A_76 = arith.constant 0 : i32
    %broadcast_in_dim3A_77 = vector.broadcast %broadcast_in_dim3A_76 : i32 to vector<16xi32>
    %parallel_loop3A_78 = arith.constant 0 : i32
    %parallel_loop3A_79 = arith.constant 1024 : i32
    %parallel_loop3A_80 = arith.constant 2 : i32
    %parallel_loop3A_81 = scf.for %parallel_loop3A_268 = %parallel_loop3A_78 to %parallel_loop3A_79 step %parallel_loop3A_80 iter_args(%parallel_loop3A_269 = %broadcast_in_dim3A_77) -> (vector<16xi32>)  : i32 {
      %parallel_loop3A_270 = arith.constant 128 : i32
      %parallel_loop3A_271 = arith.divsi %parallel_loop3A_268, %parallel_loop3A_270 : i32
      %parallel_loop3A_272 = arith.constant 0 : i32
      %parallel_loop3A_273 = arith.cmpi sgt, %parallel_loop3A_268, %parallel_loop3A_272 : i32
      %parallel_loop3A_274 = arith.extui %parallel_loop3A_273 : i1 to i32
      %parallel_loop3A_275 = arith.constant 0 : i32
      %parallel_loop3A_276 = arith.cmpi slt, %parallel_loop3A_268, %parallel_loop3A_275 : i32
      %parallel_loop3A_277 = arith.extui %parallel_loop3A_276 : i1 to i32
      %parallel_loop3A_278 = arith.subi %parallel_loop3A_274, %parallel_loop3A_277 : i32
      %parallel_loop3A_279 = arith.constant 0 : i32
      %parallel_loop3A_280 = arith.cmpi sgt, %parallel_loop3A_270, %parallel_loop3A_279 : i32
      %parallel_loop3A_281 = arith.extui %parallel_loop3A_280 : i1 to i32
      %parallel_loop3A_282 = arith.constant 0 : i32
      %parallel_loop3A_283 = arith.cmpi slt, %parallel_loop3A_270, %parallel_loop3A_282 : i32
      %parallel_loop3A_284 = arith.extui %parallel_loop3A_283 : i1 to i32
      %parallel_loop3A_285 = arith.subi %parallel_loop3A_281, %parallel_loop3A_284 : i32
      %parallel_loop3A_286 = arith.cmpi ne, %parallel_loop3A_278, %parallel_loop3A_285 : i32
      %parallel_loop3A_287 = arith.remsi %parallel_loop3A_268, %parallel_loop3A_270 : i32
      %parallel_loop3A_288 = arith.constant 0 : i32
      %parallel_loop3A_289 = arith.cmpi ne, %parallel_loop3A_287, %parallel_loop3A_288 : i32
      %parallel_loop3A_290 = arith.andi %parallel_loop3A_286, %parallel_loop3A_289 : i1
      %parallel_loop3A_291 = arith.constant 1 : i32
      %parallel_loop3A_292 = arith.subi %parallel_loop3A_271, %parallel_loop3A_291 : i32
      %parallel_loop3A_293 = arith.select %parallel_loop3A_290, %parallel_loop3A_292, %parallel_loop3A_271 : i32
      %parallel_loop3A_294 = arith.constant 128 : i32
      %parallel_loop3A_295 = arith.muli %parallel_loop3A_293, %parallel_loop3A_294 : i32
      %parallel_loop3A_296 = arith.subi %parallel_loop3A_268, %parallel_loop3A_295 : i32
      %parallel_loop3A_297 = arith.constant 16 : i32
      %parallel_loop3A_298 = arith.addi %parallel_loop3A_297, %parallel_loop3A_293 : i32
      %parallel_loop3A_299 = arith.constant 16 : i32
      %parallel_loop3A_300 = arith.muli %parallel_loop3A_298, %parallel_loop3A_299 : i32
      %parallel_loop3A_301 = arith.index_cast %parallel_loop3A_300 : i32 to index
      %parallel_loop3A_302 = tpu.vector_load %arg9[%parallel_loop3A_301] {strides = array<i32>} : memref<1280xi32, #tpu.memory_space<vmem>>, vector<16xi32>,
      %parallel_loop3A_303 = arith.constant 0 : i32
      %parallel_loop3A_304 = arith.addi %parallel_loop3A_296, %parallel_loop3A_303 : i32
      %parallel_loop3A_305 = arith.constant 16 : i32
      %parallel_loop3A_306 = arith.muli %parallel_loop3A_304, %parallel_loop3A_305 : i32
      %parallel_loop3A_307 = arith.index_cast %parallel_loop3A_293 : i32 to index
      %parallel_loop3A_308 = arith.index_cast %parallel_loop3A_306 : i32 to index
      %parallel_loop3A_309 = tpu.vector_load %arg11[%parallel_loop3A_307, %parallel_loop3A_308] {strides = array<i32>} : memref<8x2048xf32, #tpu.memory_space<vmem>>, vector<16xf32>,
      %parallel_loop3A_310 = arith.cmpf oge, %parallel_loop3A_309, %get3A_68 : vector<16xf32>
      %parallel_loop3A_311 = arith.extui %parallel_loop3A_310 : vector<16xi1> to vector<16xi32>
      %parallel_loop3A_312 = arith.constant true
      %parallel_loop3A_313 = vector.broadcast %parallel_loop3A_312 : i1 to vector<16xi1>
      %parallel_loop3A_314 = tpu.scan <sum>, %parallel_loop3A_311 masked %parallel_loop3A_313 : vector<16xi32>, vector<16xi1> -> vector<16xi32>
      %parallel_loop3A_315 = arith.addi %parallel_loop3A_269, %parallel_loop3A_314 : vector<16xi32>
      %parallel_loop3A_316 = arith.constant 1 : i32
      %parallel_loop3A_317 = vector.broadcast %parallel_loop3A_316 : i32 to vector<16xi32>
      %parallel_loop3A_318 = arith.subi %parallel_loop3A_315, %parallel_loop3A_317 : vector<16xi32>
      %parallel_loop3A_319 = arith.constant 127 : i32
      %parallel_loop3A_320 = vector.broadcast %parallel_loop3A_319 : i32 to vector<16xi32>
      %parallel_loop3A_321 = arith.minsi %parallel_loop3A_318, %parallel_loop3A_320 : vector<16xi32>
      tpu.vector_store_idx %arg13[%parallel_loop3A_321], %parallel_loop3A_309 masked %parallel_loop3A_310 : memref<128xf32, #tpu.memory_space<vmem>>[vector<16xi32>], vector<16xf32>, vector<16xi1>
      %parallel_loop3A_322 = arith.constant 0 : i32
      %parallel_loop3A_323 = arith.addi %parallel_loop3A_296, %parallel_loop3A_322 : i32
      %parallel_loop3A_324 = arith.constant 16 : i32
      %parallel_loop3A_325 = arith.muli %parallel_loop3A_323, %parallel_loop3A_324 : i32
      %parallel_loop3A_326 = vector.broadcast %parallel_loop3A_325 : i32 to vector<16xi32>
      %parallel_loop3A_327 = arith.addi %parallel_loop3A_302, %parallel_loop3A_326 : vector<16xi32>
      %parallel_loop3A_328 = arith.addi %parallel_loop3A_327, %iota3A : vector<16xi32>
      tpu.vector_store_idx %arg14[%parallel_loop3A_321], %parallel_loop3A_328 masked %parallel_loop3A_310 : memref<128xi32, #tpu.memory_space<vmem>>[vector<16xi32>], vector<16xi32>, vector<16xi1>
      %parallel_loop3A_329 = tpu.all_reduce %parallel_loop3A_310 {dim = 0 : i64, kind = #tpu.reduction_kind<sum>} : vector<16xi1> -> vector<16xi32>
      %parallel_loop3A_330 = arith.addi %parallel_loop3A_269, %parallel_loop3A_329 : vector<16xi32>
      %parallel_loop3A_331 = arith.constant 1 : i32
      %parallel_loop3A_332 = arith.addi %parallel_loop3A_296, %parallel_loop3A_331 : i32
      %parallel_loop3A_333 = arith.constant 16 : i32
      %parallel_loop3A_334 = arith.muli %parallel_loop3A_332, %parallel_loop3A_333 : i32
      %parallel_loop3A_335 = arith.index_cast %parallel_loop3A_293 : i32 to index
      %parallel_loop3A_336 = arith.index_cast %parallel_loop3A_334 : i32 to index
      %parallel_loop3A_337 = tpu.vector_load %arg11[%parallel_loop3A_335, %parallel_loop3A_336] {strides = array<i32>} : memref<8x2048xf32, #tpu.memory_space<vmem>>, vector<16xf32>,
      %parallel_loop3A_338 = arith.cmpf oge, %parallel_loop3A_337, %get3A_68 : vector<16xf32>
      %parallel_loop3A_339 = arith.extui %parallel_loop3A_338 : vector<16xi1> to vector<16xi32>
      %parallel_loop3A_340 = arith.constant true
      %parallel_loop3A_341 = vector.broadcast %parallel_loop3A_340 : i1 to vector<16xi1>
      %parallel_loop3A_342 = tpu.scan <sum>, %parallel_loop3A_339 masked %parallel_loop3A_341 : vector<16xi32>, vector<16xi1> -> vector<16xi32>
      %parallel_loop3A_343 = arith.addi %parallel_loop3A_330, %parallel_loop3A_342 : vector<16xi32>
      %parallel_loop3A_344 = arith.constant 1 : i32
      %parallel_loop3A_345 = vector.broadcast %parallel_loop3A_344 : i32 to vector<16xi32>
      %parallel_loop3A_346 = arith.subi %parallel_loop3A_343, %parallel_loop3A_345 : vector<16xi32>
      %parallel_loop3A_347 = arith.constant 127 : i32
      %parallel_loop3A_348 = vector.broadcast %parallel_loop3A_347 : i32 to vector<16xi32>
      %parallel_loop3A_349 = arith.minsi %parallel_loop3A_346, %parallel_loop3A_348 : vector<16xi32>
      tpu.vector_store_idx %arg13[%parallel_loop3A_349], %parallel_loop3A_337 masked %parallel_loop3A_338 : memref<128xf32, #tpu.memory_space<vmem>>[vector<16xi32>], vector<16xf32>, vector<16xi1>
      %parallel_loop3A_350 = arith.constant 1 : i32
      %parallel_loop3A_351 = arith.addi %parallel_loop3A_296, %parallel_loop3A_350 : i32
      %parallel_loop3A_352 = arith.constant 16 : i32
      %parallel_loop3A_353 = arith.muli %parallel_loop3A_351, %parallel_loop3A_352 : i32
      %parallel_loop3A_354 = vector.broadcast %parallel_loop3A_353 : i32 to vector<16xi32>
      %parallel_loop3A_355 = arith.addi %parallel_loop3A_302, %parallel_loop3A_354 : vector<16xi32>
      %parallel_loop3A_356 = arith.addi %parallel_loop3A_355, %iota3A : vector<16xi32>
      tpu.vector_store_idx %arg14[%parallel_loop3A_349], %parallel_loop3A_356 masked %parallel_loop3A_338 : memref<128xi32, #tpu.memory_space<vmem>>[vector<16xi32>], vector<16xi32>, vector<16xi1>
      %parallel_loop3A_357 = tpu.all_reduce %parallel_loop3A_338 {dim = 0 : i64, kind = #tpu.reduction_kind<sum>} : vector<16xi1> -> vector<16xi32>
      %parallel_loop3A_358 = arith.addi %parallel_loop3A_330, %parallel_loop3A_357 : vector<16xi32>
      scf.yield %parallel_loop3A_358 : vector<16xi32>
    } {sc.loop_unroll_factor = 2 : i64, sc.parallel_access}
    %run_scoped3A_82 = arith.constant 2 : i32
    "tpu.region"() ({
      %run_scoped3A_268 = tpu.sem_alloc : memref<!tpu.dma_semaphore, #tpu.memory_space<semaphore_mem>>
      %dma_start3A_269 = arith.constant 0 : i32
      %dma_start3A_270 = tpu.memref_slice %arg6[%run_scoped3A_82, %add3A, %dma_start3A_269] : memref<10x32x128xf32, #tpu.memory_space<hbm>> -> memref<1x1x128xf32, #tpu.memory_space<hbm>>
      %dma_start3A_271 = tpu.memref_squeeze %dma_start3A_270 : memref<1x1x128xf32, #tpu.memory_space<hbm>> -> memref<128xf32, #tpu.memory_space<hbm>>
      %dma_start3A_272 = arith.constant 0 : i32
      %dma_start3A_273 = tpu.memref_slice %arg6[%run_scoped3A_82, %add3A, %dma_start3A_272] : memref<10x32x128xf32, #tpu.memory_space<hbm>> -> memref<1x1x128xf32, #tpu.memory_space<hbm>>
      %dma_start3A_274 = tpu.memref_squeeze %dma_start3A_273 : memref<1x1x128xf32, #tpu.memory_space<hbm>> -> memref<128xf32, #tpu.memory_space<hbm>>
      tpu.enqueue_dma source(%arg13 : memref<128xf32, #tpu.memory_space<vmem>>) target(%dma_start3A_274 : memref<128xf32, #tpu.memory_space<hbm>>) target_semaphore(%run_scoped3A_268 : memref<!tpu.dma_semaphore, #tpu.memory_space<semaphore_mem>>)
      %dma_wait3A_275 = arith.constant 0 : i32
      %dma_wait3A_276 = tpu.memref_slice %arg6[%run_scoped3A_82, %add3A, %dma_wait3A_275] : memref<10x32x128xf32, #tpu.memory_space<hbm>> -> memref<1x1x128xf32, #tpu.memory_space<hbm>>
      %dma_wait3A_277 = tpu.memref_squeeze %dma_wait3A_276 : memref<1x1x128xf32, #tpu.memory_space<hbm>> -> memref<128xf32, #tpu.memory_space<hbm>>
      %dma_wait3A_278 = arith.constant 0 : i32
      %dma_wait3A_279 = tpu.memref_slice %arg6[%run_scoped3A_82, %add3A, %dma_wait3A_278] : memref<10x32x128xf32, #tpu.memory_space<hbm>> -> memref<1x1x128xf32, #tpu.memory_space<hbm>>
      %dma_wait3A_280 = tpu.memref_squeeze %dma_wait3A_279 : memref<1x1x128xf32, #tpu.memory_space<hbm>> -> memref<128xf32, #tpu.memory_space<hbm>>
      tpu.wait_dma2 semaphore(%run_scoped3A_268 : memref<!tpu.dma_semaphore, #tpu.memory_space<semaphore_mem>>) src(%arg13 : memref<128xf32, #tpu.memory_space<vmem>>) dst(%dma_wait3A_280 : memref<128xf32, #tpu.memory_space<hbm>>)
      tpu.yield
    }) : () -> ()
    %run_scoped3A_83 = arith.constant 2 : i32
    "tpu.region"() ({
      %run_scoped3A_268 = tpu.sem_alloc : memref<!tpu.dma_semaphore, #tpu.memory_space<semaphore_mem>>
      %dma_start3A_269 = arith.constant 0 : i32
      %dma_start3A_270 = tpu.memref_slice %arg7[%run_scoped3A_83, %add3A, %dma_start3A_269] : memref<10x32x128xi32, #tpu.memory_space<hbm>> -> memref<1x1x128xi32, #tpu.memory_space<hbm>>
      %dma_start3A_271 = tpu.memref_squeeze %dma_start3A_270 : memref<1x1x128xi32, #tpu.memory_space<hbm>> -> memref<128xi32, #tpu.memory_space<hbm>>
      %dma_start3A_272 = arith.constant 0 : i32
      %dma_start3A_273 = tpu.memref_slice %arg7[%run_scoped3A_83, %add3A, %dma_start3A_272] : memref<10x32x128xi32, #tpu.memory_space<hbm>> -> memref<1x1x128xi32, #tpu.memory_space<hbm>>
      %dma_start3A_274 = tpu.memref_squeeze %dma_start3A_273 : memref<1x1x128xi32, #tpu.memory_space<hbm>> -> memref<128xi32, #tpu.memory_space<hbm>>
      tpu.enqueue_dma source(%arg14 : memref<128xi32, #tpu.memory_space<vmem>>) target(%dma_start3A_274 : memref<128xi32, #tpu.memory_space<hbm>>) target_semaphore(%run_scoped3A_268 : memref<!tpu.dma_semaphore, #tpu.memory_space<semaphore_mem>>)
      %dma_wait3A_275 = arith.constant 0 : i32
      %dma_wait3A_276 = tpu.memref_slice %arg7[%run_scoped3A_83, %add3A, %dma_wait3A_275] : memref<10x32x128xi32, #tpu.memory_space<hbm>> -> memref<1x1x128xi32, #tpu.memory_space<hbm>>
      %dma_wait3A_277 = tpu.memref_squeeze %dma_wait3A_276 : memref<1x1x128xi32, #tpu.memory_space<hbm>> -> memref<128xi32, #tpu.memory_space<hbm>>
      %dma_wait3A_278 = arith.constant 0 : i32
      %dma_wait3A_279 = tpu.memref_slice %arg7[%run_scoped3A_83, %add3A, %dma_wait3A_278] : memref<10x32x128xi32, #tpu.memory_space<hbm>> -> memref<1x1x128xi32, #tpu.memory_space<hbm>>
      %dma_wait3A_280 = tpu.memref_squeeze %dma_wait3A_279 : memref<1x1x128xi32, #tpu.memory_space<hbm>> -> memref<128xi32, #tpu.memory_space<hbm>>
      tpu.wait_dma2 semaphore(%run_scoped3A_268 : memref<!tpu.dma_semaphore, #tpu.memory_space<semaphore_mem>>) src(%arg14 : memref<128xi32, #tpu.memory_space<vmem>>) dst(%dma_wait3A_280 : memref<128xi32, #tpu.memory_space<hbm>>)
      tpu.yield
    }) : () -> ()
    %dma_start3A_84 = arith.constant 32 : i32
    %dma_start3A_85 = tpu.memref_slice %arg8[%dma_start3A_84] : memref<80xi32, #tpu.memory_space<vmem>> -> memref<8xi32, #tpu.memory_space<vmem>>
    %dma_start3A_86 = arith.constant 0 : i32
    %dma_start3A_87 = arith.constant 0 : i32
    %dma_start3A_88 = tpu.memref_slice %arg2[%dma_start3A_86, %dma_start3A_87] : memref<20480x2048xf32, #tpu.memory_space<hbm>> -> memref<20480x2048xf32, #tpu.memory_space<hbm>>
    tpu.enqueue_indirect_dma source(%dma_start3A_88 : memref<20480x2048xf32, #tpu.memory_space<hbm>>) target(%arg11 : memref<8x2048xf32, #tpu.memory_space<vmem>>) offsets(%dma_start3A_85 : memref<8xi32, #tpu.memory_space<vmem>>) semaphore(%arg15 : memref<!tpu.dma_semaphore, #tpu.memory_space<semaphore_mem>>)
    %dma_wait3A_89 = arith.constant 24 : i32
    %dma_wait3A_90 = tpu.memref_slice %arg8[%dma_wait3A_89] : memref<80xi32, #tpu.memory_space<vmem>> -> memref<8xi32, #tpu.memory_space<vmem>>
    %dma_wait3A_91 = arith.constant 0 : i32
    %dma_wait3A_92 = arith.constant 0 : i32
    %dma_wait3A_93 = tpu.memref_slice %arg2[%dma_wait3A_91, %dma_wait3A_92] : memref<20480x2048xf32, #tpu.memory_space<hbm>> -> memref<20480x2048xf32, #tpu.memory_space<hbm>>
    tpu.wait_indirect_dma semaphore(%arg16 : memref<!tpu.dma_semaphore, #tpu.memory_space<semaphore_mem>>) src(%dma_wait3A_93 : memref<20480x2048xf32, #tpu.memory_space<hbm>>) dst(%arg12 : memref<8x2048xf32, #tpu.memory_space<vmem>>)
    %get3A_94 = arith.constant 48 : index
    %get3A_95 = tpu.vector_load %arg10[%get3A_94] {strides = array<i32>} : memref<160xf32, #tpu.memory_space<vmem>>, vector<16xf32>,
    %scan3A_96 = arith.constant 0 : i32
    %scan3A_97 = arith.constant 0 : i32
    %scan3A_98 = arith.constant 8 : i32
    %scan3A_99 = arith.addi %scan3A_97, %scan3A_98 : i32
    %scan3A_100 = arith.constant 1 : i32
    %scan3A_101 = scf.for %scan3A_268 = %scan3A_97 to %scan3A_99 step %scan3A_100 iter_args(%scan3A_269 = %scan3A_96) -> (i32)  : i32 {
      %mul3A_270 = arith.constant 16 : i32
      %mul3A_271 = arith.muli %scan3A_268, %mul3A_270 : i32
      %swap3A = arith.index_cast %mul3A_271 : i32 to index
      %swap3A_272 = tpu.vector_load %arg13[%swap3A] {strides = array<i32>} : memref<128xf32, #tpu.memory_space<vmem>>, vector<16xf32>,
      tpu.vector_store %arg13[%swap3A], %broadcast_in_dim3A_1 {strides = array<i32>} : memref<128xf32, #tpu.memory_space<vmem>>, vector<16xf32>,
      %mul3A_273 = arith.constant 16 : i32
      %mul3A_274 = arith.muli %scan3A_268, %mul3A_273 : i32
      %swap3A_275 = arith.index_cast %mul3A_274 : i32 to index
      %swap3A_276 = tpu.vector_load %arg14[%swap3A_275] {strides = array<i32>} : memref<128xi32, #tpu.memory_space<vmem>>, vector<16xi32>,
      tpu.vector_store %arg14[%swap3A_275], %broadcast_in_dim3A_3 {strides = array<i32>} : memref<128xi32, #tpu.memory_space<vmem>>, vector<16xi32>,
      %scan3A_277 = arith.constant 0 : i32
      scf.yield %scan3A_277 : i32
    }
    %scan3A_102 = arith.constant 8 : i32
    %broadcast_in_dim3A_103 = arith.constant 0 : i32
    %broadcast_in_dim3A_104 = vector.broadcast %broadcast_in_dim3A_103 : i32 to vector<16xi32>
    %parallel_loop3A_105 = arith.constant 0 : i32
    %parallel_loop3A_106 = arith.constant 1024 : i32
    %parallel_loop3A_107 = arith.constant 2 : i32
    %parallel_loop3A_108 = scf.for %parallel_loop3A_268 = %parallel_loop3A_105 to %parallel_loop3A_106 step %parallel_loop3A_107 iter_args(%parallel_loop3A_269 = %broadcast_in_dim3A_104) -> (vector<16xi32>)  : i32 {
      %parallel_loop3A_270 = arith.constant 128 : i32
      %parallel_loop3A_271 = arith.divsi %parallel_loop3A_268, %parallel_loop3A_270 : i32
      %parallel_loop3A_272 = arith.constant 0 : i32
      %parallel_loop3A_273 = arith.cmpi sgt, %parallel_loop3A_268, %parallel_loop3A_272 : i32
      %parallel_loop3A_274 = arith.extui %parallel_loop3A_273 : i1 to i32
      %parallel_loop3A_275 = arith.constant 0 : i32
      %parallel_loop3A_276 = arith.cmpi slt, %parallel_loop3A_268, %parallel_loop3A_275 : i32
      %parallel_loop3A_277 = arith.extui %parallel_loop3A_276 : i1 to i32
      %parallel_loop3A_278 = arith.subi %parallel_loop3A_274, %parallel_loop3A_277 : i32
      %parallel_loop3A_279 = arith.constant 0 : i32
      %parallel_loop3A_280 = arith.cmpi sgt, %parallel_loop3A_270, %parallel_loop3A_279 : i32
      %parallel_loop3A_281 = arith.extui %parallel_loop3A_280 : i1 to i32
      %parallel_loop3A_282 = arith.constant 0 : i32
      %parallel_loop3A_283 = arith.cmpi slt, %parallel_loop3A_270, %parallel_loop3A_282 : i32
      %parallel_loop3A_284 = arith.extui %parallel_loop3A_283 : i1 to i32
      %parallel_loop3A_285 = arith.subi %parallel_loop3A_281, %parallel_loop3A_284 : i32
      %parallel_loop3A_286 = arith.cmpi ne, %parallel_loop3A_278, %parallel_loop3A_285 : i32
      %parallel_loop3A_287 = arith.remsi %parallel_loop3A_268, %parallel_loop3A_270 : i32
      %parallel_loop3A_288 = arith.constant 0 : i32
      %parallel_loop3A_289 = arith.cmpi ne, %parallel_loop3A_287, %parallel_loop3A_288 : i32
      %parallel_loop3A_290 = arith.andi %parallel_loop3A_286, %parallel_loop3A_289 : i1
      %parallel_loop3A_291 = arith.constant 1 : i32
      %parallel_loop3A_292 = arith.subi %parallel_loop3A_271, %parallel_loop3A_291 : i32
      %parallel_loop3A_293 = arith.select %parallel_loop3A_290, %parallel_loop3A_292, %parallel_loop3A_271 : i32
      %parallel_loop3A_294 = arith.constant 128 : i32
      %parallel_loop3A_295 = arith.muli %parallel_loop3A_293, %parallel_loop3A_294 : i32
      %parallel_loop3A_296 = arith.subi %parallel_loop3A_268, %parallel_loop3A_295 : i32
      %parallel_loop3A_297 = arith.constant 24 : i32
      %parallel_loop3A_298 = arith.addi %parallel_loop3A_297, %parallel_loop3A_293 : i32
      %parallel_loop3A_299 = arith.constant 16 : i32
      %parallel_loop3A_300 = arith.muli %parallel_loop3A_298, %parallel_loop3A_299 : i32
      %parallel_loop3A_301 = arith.index_cast %parallel_loop3A_300 : i32 to index
      %parallel_loop3A_302 = tpu.vector_load %arg9[%parallel_loop3A_301] {strides = array<i32>} : memref<1280xi32, #tpu.memory_space<vmem>>, vector<16xi32>,
      %parallel_loop3A_303 = arith.constant 0 : i32
      %parallel_loop3A_304 = arith.addi %parallel_loop3A_296, %parallel_loop3A_303 : i32
      %parallel_loop3A_305 = arith.constant 16 : i32
      %parallel_loop3A_306 = arith.muli %parallel_loop3A_304, %parallel_loop3A_305 : i32
      %parallel_loop3A_307 = arith.index_cast %parallel_loop3A_293 : i32 to index
      %parallel_loop3A_308 = arith.index_cast %parallel_loop3A_306 : i32 to index
      %parallel_loop3A_309 = tpu.vector_load %arg12[%parallel_loop3A_307, %parallel_loop3A_308] {strides = array<i32>} : memref<8x2048xf32, #tpu.memory_space<vmem>>, vector<16xf32>,
      %parallel_loop3A_310 = arith.cmpf oge, %parallel_loop3A_309, %get3A_95 : vector<16xf32>
      %parallel_loop3A_311 = arith.extui %parallel_loop3A_310 : vector<16xi1> to vector<16xi32>
      %parallel_loop3A_312 = arith.constant true
      %parallel_loop3A_313 = vector.broadcast %parallel_loop3A_312 : i1 to vector<16xi1>
      %parallel_loop3A_314 = tpu.scan <sum>, %parallel_loop3A_311 masked %parallel_loop3A_313 : vector<16xi32>, vector<16xi1> -> vector<16xi32>
      %parallel_loop3A_315 = arith.addi %parallel_loop3A_269, %parallel_loop3A_314 : vector<16xi32>
      %parallel_loop3A_316 = arith.constant 1 : i32
      %parallel_loop3A_317 = vector.broadcast %parallel_loop3A_316 : i32 to vector<16xi32>
      %parallel_loop3A_318 = arith.subi %parallel_loop3A_315, %parallel_loop3A_317 : vector<16xi32>
      %parallel_loop3A_319 = arith.constant 127 : i32
      %parallel_loop3A_320 = vector.broadcast %parallel_loop3A_319 : i32 to vector<16xi32>
      %parallel_loop3A_321 = arith.minsi %parallel_loop3A_318, %parallel_loop3A_320 : vector<16xi32>
      tpu.vector_store_idx %arg13[%parallel_loop3A_321], %parallel_loop3A_309 masked %parallel_loop3A_310 : memref<128xf32, #tpu.memory_space<vmem>>[vector<16xi32>], vector<16xf32>, vector<16xi1>
      %parallel_loop3A_322 = arith.constant 0 : i32
      %parallel_loop3A_323 = arith.addi %parallel_loop3A_296, %parallel_loop3A_322 : i32
      %parallel_loop3A_324 = arith.constant 16 : i32
      %parallel_loop3A_325 = arith.muli %parallel_loop3A_323, %parallel_loop3A_324 : i32
      %parallel_loop3A_326 = vector.broadcast %parallel_loop3A_325 : i32 to vector<16xi32>
      %parallel_loop3A_327 = arith.addi %parallel_loop3A_302, %parallel_loop3A_326 : vector<16xi32>
      %parallel_loop3A_328 = arith.addi %parallel_loop3A_327, %iota3A : vector<16xi32>
      tpu.vector_store_idx %arg14[%parallel_loop3A_321], %parallel_loop3A_328 masked %parallel_loop3A_310 : memref<128xi32, #tpu.memory_space<vmem>>[vector<16xi32>], vector<16xi32>, vector<16xi1>
      %parallel_loop3A_329 = tpu.all_reduce %parallel_loop3A_310 {dim = 0 : i64, kind = #tpu.reduction_kind<sum>} : vector<16xi1> -> vector<16xi32>
      %parallel_loop3A_330 = arith.addi %parallel_loop3A_269, %parallel_loop3A_329 : vector<16xi32>
      %parallel_loop3A_331 = arith.constant 1 : i32
      %parallel_loop3A_332 = arith.addi %parallel_loop3A_296, %parallel_loop3A_331 : i32
      %parallel_loop3A_333 = arith.constant 16 : i32
      %parallel_loop3A_334 = arith.muli %parallel_loop3A_332, %parallel_loop3A_333 : i32
      %parallel_loop3A_335 = arith.index_cast %parallel_loop3A_293 : i32 to index
      %parallel_loop3A_336 = arith.index_cast %parallel_loop3A_334 : i32 to index
      %parallel_loop3A_337 = tpu.vector_load %arg12[%parallel_loop3A_335, %parallel_loop3A_336] {strides = array<i32>} : memref<8x2048xf32, #tpu.memory_space<vmem>>, vector<16xf32>,
      %parallel_loop3A_338 = arith.cmpf oge, %parallel_loop3A_337, %get3A_95 : vector<16xf32>
      %parallel_loop3A_339 = arith.extui %parallel_loop3A_338 : vector<16xi1> to vector<16xi32>
      %parallel_loop3A_340 = arith.constant true
      %parallel_loop3A_341 = vector.broadcast %parallel_loop3A_340 : i1 to vector<16xi1>
      %parallel_loop3A_342 = tpu.scan <sum>, %parallel_loop3A_339 masked %parallel_loop3A_341 : vector<16xi32>, vector<16xi1> -> vector<16xi32>
      %parallel_loop3A_343 = arith.addi %parallel_loop3A_330, %parallel_loop3A_342 : vector<16xi32>
      %parallel_loop3A_344 = arith.constant 1 : i32
      %parallel_loop3A_345 = vector.broadcast %parallel_loop3A_344 : i32 to vector<16xi32>
      %parallel_loop3A_346 = arith.subi %parallel_loop3A_343, %parallel_loop3A_345 : vector<16xi32>
      %parallel_loop3A_347 = arith.constant 127 : i32
      %parallel_loop3A_348 = vector.broadcast %parallel_loop3A_347 : i32 to vector<16xi32>
      %parallel_loop3A_349 = arith.minsi %parallel_loop3A_346, %parallel_loop3A_348 : vector<16xi32>
      tpu.vector_store_idx %arg13[%parallel_loop3A_349], %parallel_loop3A_337 masked %parallel_loop3A_338 : memref<128xf32, #tpu.memory_space<vmem>>[vector<16xi32>], vector<16xf32>, vector<16xi1>
      %parallel_loop3A_350 = arith.constant 1 : i32
      %parallel_loop3A_351 = arith.addi %parallel_loop3A_296, %parallel_loop3A_350 : i32
      %parallel_loop3A_352 = arith.constant 16 : i32
      %parallel_loop3A_353 = arith.muli %parallel_loop3A_351, %parallel_loop3A_352 : i32
      %parallel_loop3A_354 = vector.broadcast %parallel_loop3A_353 : i32 to vector<16xi32>
      %parallel_loop3A_355 = arith.addi %parallel_loop3A_302, %parallel_loop3A_354 : vector<16xi32>
      %parallel_loop3A_356 = arith.addi %parallel_loop3A_355, %iota3A : vector<16xi32>
      tpu.vector_store_idx %arg14[%parallel_loop3A_349], %parallel_loop3A_356 masked %parallel_loop3A_338 : memref<128xi32, #tpu.memory_space<vmem>>[vector<16xi32>], vector<16xi32>, vector<16xi1>
      %parallel_loop3A_357 = tpu.all_reduce %parallel_loop3A_338 {dim = 0 : i64, kind = #tpu.reduction_kind<sum>} : vector<16xi1> -> vector<16xi32>
      %parallel_loop3A_358 = arith.addi %parallel_loop3A_330, %parallel_loop3A_357 : vector<16xi32>
      scf.yield %parallel_loop3A_358 : vector<16xi32>
    } {sc.loop_unroll_factor = 2 : i64, sc.parallel_access}
    %run_scoped3A_109 = arith.constant 3 : i32
    "tpu.region"() ({
      %run_scoped3A_268 = tpu.sem_alloc : memref<!tpu.dma_semaphore, #tpu.memory_space<semaphore_mem>>
      %dma_start3A_269 = arith.constant 0 : i32
      %dma_start3A_270 = tpu.memref_slice %arg6[%run_scoped3A_109, %add3A, %dma_start3A_269] : memref<10x32x128xf32, #tpu.memory_space<hbm>> -> memref<1x1x128xf32, #tpu.memory_space<hbm>>
      %dma_start3A_271 = tpu.memref_squeeze %dma_start3A_270 : memref<1x1x128xf32, #tpu.memory_space<hbm>> -> memref<128xf32, #tpu.memory_space<hbm>>
      %dma_start3A_272 = arith.constant 0 : i32
      %dma_start3A_273 = tpu.memref_slice %arg6[%run_scoped3A_109, %add3A, %dma_start3A_272] : memref<10x32x128xf32, #tpu.memory_space<hbm>> -> memref<1x1x128xf32, #tpu.memory_space<hbm>>
      %dma_start3A_274 = tpu.memref_squeeze %dma_start3A_273 : memref<1x1x128xf32, #tpu.memory_space<hbm>> -> memref<128xf32, #tpu.memory_space<hbm>>
      tpu.enqueue_dma source(%arg13 : memref<128xf32, #tpu.memory_space<vmem>>) target(%dma_start3A_274 : memref<128xf32, #tpu.memory_space<hbm>>) target_semaphore(%run_scoped3A_268 : memref<!tpu.dma_semaphore, #tpu.memory_space<semaphore_mem>>)
      %dma_wait3A_275 = arith.constant 0 : i32
      %dma_wait3A_276 = tpu.memref_slice %arg6[%run_scoped3A_109, %add3A, %dma_wait3A_275] : memref<10x32x128xf32, #tpu.memory_space<hbm>> -> memref<1x1x128xf32, #tpu.memory_space<hbm>>
      %dma_wait3A_277 = tpu.memref_squeeze %dma_wait3A_276 : memref<1x1x128xf32, #tpu.memory_space<hbm>> -> memref<128xf32, #tpu.memory_space<hbm>>
      %dma_wait3A_278 = arith.constant 0 : i32
      %dma_wait3A_279 = tpu.memref_slice %arg6[%run_scoped3A_109, %add3A, %dma_wait3A_278] : memref<10x32x128xf32, #tpu.memory_space<hbm>> -> memref<1x1x128xf32, #tpu.memory_space<hbm>>
      %dma_wait3A_280 = tpu.memref_squeeze %dma_wait3A_279 : memref<1x1x128xf32, #tpu.memory_space<hbm>> -> memref<128xf32, #tpu.memory_space<hbm>>
      tpu.wait_dma2 semaphore(%run_scoped3A_268 : memref<!tpu.dma_semaphore, #tpu.memory_space<semaphore_mem>>) src(%arg13 : memref<128xf32, #tpu.memory_space<vmem>>) dst(%dma_wait3A_280 : memref<128xf32, #tpu.memory_space<hbm>>)
      tpu.yield
    }) : () -> ()
    %run_scoped3A_110 = arith.constant 3 : i32
    "tpu.region"() ({
      %run_scoped3A_268 = tpu.sem_alloc : memref<!tpu.dma_semaphore, #tpu.memory_space<semaphore_mem>>
      %dma_start3A_269 = arith.constant 0 : i32
      %dma_start3A_270 = tpu.memref_slice %arg7[%run_scoped3A_110, %add3A, %dma_start3A_269] : memref<10x32x128xi32, #tpu.memory_space<hbm>> -> memref<1x1x128xi32, #tpu.memory_space<hbm>>
      %dma_start3A_271 = tpu.memref_squeeze %dma_start3A_270 : memref<1x1x128xi32, #tpu.memory_space<hbm>> -> memref<128xi32, #tpu.memory_space<hbm>>
      %dma_start3A_272 = arith.constant 0 : i32
      %dma_start3A_273 = tpu.memref_slice %arg7[%run_scoped3A_110, %add3A, %dma_start3A_272] : memref<10x32x128xi32, #tpu.memory_space<hbm>> -> memref<1x1x128xi32, #tpu.memory_space<hbm>>
      %dma_start3A_274 = tpu.memref_squeeze %dma_start3A_273 : memref<1x1x128xi32, #tpu.memory_space<hbm>> -> memref<128xi32, #tpu.memory_space<hbm>>
      tpu.enqueue_dma source(%arg14 : memref<128xi32, #tpu.memory_space<vmem>>) target(%dma_start3A_274 : memref<128xi32, #tpu.memory_space<hbm>>) target_semaphore(%run_scoped3A_268 : memref<!tpu.dma_semaphore, #tpu.memory_space<semaphore_mem>>)
      %dma_wait3A_275 = arith.constant 0 : i32
      %dma_wait3A_276 = tpu.memref_slice %arg7[%run_scoped3A_110, %add3A, %dma_wait3A_275] : memref<10x32x128xi32, #tpu.memory_space<hbm>> -> memref<1x1x128xi32, #tpu.memory_space<hbm>>
      %dma_wait3A_277 = tpu.memref_squeeze %dma_wait3A_276 : memref<1x1x128xi32, #tpu.memory_space<hbm>> -> memref<128xi32, #tpu.memory_space<hbm>>
      %dma_wait3A_278 = arith.constant 0 : i32
      %dma_wait3A_279 = tpu.memref_slice %arg7[%run_scoped3A_110, %add3A, %dma_wait3A_278] : memref<10x32x128xi32, #tpu.memory_space<hbm>> -> memref<1x1x128xi32, #tpu.memory_space<hbm>>
      %dma_wait3A_280 = tpu.memref_squeeze %dma_wait3A_279 : memref<1x1x128xi32, #tpu.memory_space<hbm>> -> memref<128xi32, #tpu.memory_space<hbm>>
      tpu.wait_dma2 semaphore(%run_scoped3A_268 : memref<!tpu.dma_semaphore, #tpu.memory_space<semaphore_mem>>) src(%arg14 : memref<128xi32, #tpu.memory_space<vmem>>) dst(%dma_wait3A_280 : memref<128xi32, #tpu.memory_space<hbm>>)
      tpu.yield
    }) : () -> ()
    %dma_start3A_111 = arith.constant 40 : i32
    %dma_start3A_112 = tpu.memref_slice %arg8[%dma_start3A_111] : memref<80xi32, #tpu.memory_space<vmem>> -> memref<8xi32, #tpu.memory_space<vmem>>
    %dma_start3A_113 = arith.constant 0 : i32
    %dma_start3A_114 = arith.constant 0 : i32
    %dma_start3A_115 = tpu.memref_slice %arg2[%dma_start3A_113, %dma_start3A_114] : memref<20480x2048xf32, #tpu.memory_space<hbm>> -> memref<20480x2048xf32, #tpu.memory_space<hbm>>
    tpu.enqueue_indirect_dma source(%dma_start3A_115 : memref<20480x2048xf32, #tpu.memory_space<hbm>>) target(%arg12 : memref<8x2048xf32, #tpu.memory_space<vmem>>) offsets(%dma_start3A_112 : memref<8xi32, #tpu.memory_space<vmem>>) semaphore(%arg16 : memref<!tpu.dma_semaphore, #tpu.memory_space<semaphore_mem>>)
    %dma_wait3A_116 = arith.constant 32 : i32
    %dma_wait3A_117 = tpu.memref_slice %arg8[%dma_wait3A_116] : memref<80xi32, #tpu.memory_space<vmem>> -> memref<8xi32, #tpu.memory_space<vmem>>
    %dma_wait3A_118 = arith.constant 0 : i32
    %dma_wait3A_119 = arith.constant 0 : i32
    %dma_wait3A_120 = tpu.memref_slice %arg2[%dma_wait3A_118, %dma_wait3A_119] : memref<20480x2048xf32, #tpu.memory_space<hbm>> -> memref<20480x2048xf32, #tpu.memory_space<hbm>>
    tpu.wait_indirect_dma semaphore(%arg15 : memref<!tpu.dma_semaphore, #tpu.memory_space<semaphore_mem>>) src(%dma_wait3A_120 : memref<20480x2048xf32, #tpu.memory_space<hbm>>) dst(%arg11 : memref<8x2048xf32, #tpu.memory_space<vmem>>)
    %get3A_121 = arith.constant 64 : index
    %get3A_122 = tpu.vector_load %arg10[%get3A_121] {strides = array<i32>} : memref<160xf32, #tpu.memory_space<vmem>>, vector<16xf32>,
    %scan3A_123 = arith.constant 0 : i32
    %scan3A_124 = arith.constant 0 : i32
    %scan3A_125 = arith.constant 8 : i32
    %scan3A_126 = arith.addi %scan3A_124, %scan3A_125 : i32
    %scan3A_127 = arith.constant 1 : i32
    %scan3A_128 = scf.for %scan3A_268 = %scan3A_124 to %scan3A_126 step %scan3A_127 iter_args(%scan3A_269 = %scan3A_123) -> (i32)  : i32 {
      %mul3A_270 = arith.constant 16 : i32
      %mul3A_271 = arith.muli %scan3A_268, %mul3A_270 : i32
      %swap3A = arith.index_cast %mul3A_271 : i32 to index
      %swap3A_272 = tpu.vector_load %arg13[%swap3A] {strides = array<i32>} : memref<128xf32, #tpu.memory_space<vmem>>, vector<16xf32>,
      tpu.vector_store %arg13[%swap3A], %broadcast_in_dim3A_1 {strides = array<i32>} : memref<128xf32, #tpu.memory_space<vmem>>, vector<16xf32>,
      %mul3A_273 = arith.constant 16 : i32
      %mul3A_274 = arith.muli %scan3A_268, %mul3A_273 : i32
      %swap3A_275 = arith.index_cast %mul3A_274 : i32 to index
      %swap3A_276 = tpu.vector_load %arg14[%swap3A_275] {strides = array<i32>} : memref<128xi32, #tpu.memory_space<vmem>>, vector<16xi32>,
      tpu.vector_store %arg14[%swap3A_275], %broadcast_in_dim3A_3 {strides = array<i32>} : memref<128xi32, #tpu.memory_space<vmem>>, vector<16xi32>,
      %scan3A_277 = arith.constant 0 : i32
      scf.yield %scan3A_277 : i32
    }
    %scan3A_129 = arith.constant 8 : i32
    %broadcast_in_dim3A_130 = arith.constant 0 : i32
    %broadcast_in_dim3A_131 = vector.broadcast %broadcast_in_dim3A_130 : i32 to vector<16xi32>
    %parallel_loop3A_132 = arith.constant 0 : i32
    %parallel_loop3A_133 = arith.constant 1024 : i32
    %parallel_loop3A_134 = arith.constant 2 : i32
    %parallel_loop3A_135 = scf.for %parallel_loop3A_268 = %parallel_loop3A_132 to %parallel_loop3A_133 step %parallel_loop3A_134 iter_args(%parallel_loop3A_269 = %broadcast_in_dim3A_131) -> (vector<16xi32>)  : i32 {
      %parallel_loop3A_270 = arith.constant 128 : i32
      %parallel_loop3A_271 = arith.divsi %parallel_loop3A_268, %parallel_loop3A_270 : i32
      %parallel_loop3A_272 = arith.constant 0 : i32
      %parallel_loop3A_273 = arith.cmpi sgt, %parallel_loop3A_268, %parallel_loop3A_272 : i32
      %parallel_loop3A_274 = arith.extui %parallel_loop3A_273 : i1 to i32
      %parallel_loop3A_275 = arith.constant 0 : i32
      %parallel_loop3A_276 = arith.cmpi slt, %parallel_loop3A_268, %parallel_loop3A_275 : i32
      %parallel_loop3A_277 = arith.extui %parallel_loop3A_276 : i1 to i32
      %parallel_loop3A_278 = arith.subi %parallel_loop3A_274, %parallel_loop3A_277 : i32
      %parallel_loop3A_279 = arith.constant 0 : i32
      %parallel_loop3A_280 = arith.cmpi sgt, %parallel_loop3A_270, %parallel_loop3A_279 : i32
      %parallel_loop3A_281 = arith.extui %parallel_loop3A_280 : i1 to i32
      %parallel_loop3A_282 = arith.constant 0 : i32
      %parallel_loop3A_283 = arith.cmpi slt, %parallel_loop3A_270, %parallel_loop3A_282 : i32
      %parallel_loop3A_284 = arith.extui %parallel_loop3A_283 : i1 to i32
      %parallel_loop3A_285 = arith.subi %parallel_loop3A_281, %parallel_loop3A_284 : i32
      %parallel_loop3A_286 = arith.cmpi ne, %parallel_loop3A_278, %parallel_loop3A_285 : i32
      %parallel_loop3A_287 = arith.remsi %parallel_loop3A_268, %parallel_loop3A_270 : i32
      %parallel_loop3A_288 = arith.constant 0 : i32
      %parallel_loop3A_289 = arith.cmpi ne, %parallel_loop3A_287, %parallel_loop3A_288 : i32
      %parallel_loop3A_290 = arith.andi %parallel_loop3A_286, %parallel_loop3A_289 : i1
      %parallel_loop3A_291 = arith.constant 1 : i32
      %parallel_loop3A_292 = arith.subi %parallel_loop3A_271, %parallel_loop3A_291 : i32
      %parallel_loop3A_293 = arith.select %parallel_loop3A_290, %parallel_loop3A_292, %parallel_loop3A_271 : i32
      %parallel_loop3A_294 = arith.constant 128 : i32
      %parallel_loop3A_295 = arith.muli %parallel_loop3A_293, %parallel_loop3A_294 : i32
      %parallel_loop3A_296 = arith.subi %parallel_loop3A_268, %parallel_loop3A_295 : i32
      %parallel_loop3A_297 = arith.constant 32 : i32
      %parallel_loop3A_298 = arith.addi %parallel_loop3A_297, %parallel_loop3A_293 : i32
      %parallel_loop3A_299 = arith.constant 16 : i32
      %parallel_loop3A_300 = arith.muli %parallel_loop3A_298, %parallel_loop3A_299 : i32
      %parallel_loop3A_301 = arith.index_cast %parallel_loop3A_300 : i32 to index
      %parallel_loop3A_302 = tpu.vector_load %arg9[%parallel_loop3A_301] {strides = array<i32>} : memref<1280xi32, #tpu.memory_space<vmem>>, vector<16xi32>,
      %parallel_loop3A_303 = arith.constant 0 : i32
      %parallel_loop3A_304 = arith.addi %parallel_loop3A_296, %parallel_loop3A_303 : i32
      %parallel_loop3A_305 = arith.constant 16 : i32
      %parallel_loop3A_306 = arith.muli %parallel_loop3A_304, %parallel_loop3A_305 : i32
      %parallel_loop3A_307 = arith.index_cast %parallel_loop3A_293 : i32 to index
      %parallel_loop3A_308 = arith.index_cast %parallel_loop3A_306 : i32 to index
      %parallel_loop3A_309 = tpu.vector_load %arg11[%parallel_loop3A_307, %parallel_loop3A_308] {strides = array<i32>} : memref<8x2048xf32, #tpu.memory_space<vmem>>, vector<16xf32>,
      %parallel_loop3A_310 = arith.cmpf oge, %parallel_loop3A_309, %get3A_122 : vector<16xf32>
      %parallel_loop3A_311 = arith.extui %parallel_loop3A_310 : vector<16xi1> to vector<16xi32>
      %parallel_loop3A_312 = arith.constant true
      %parallel_loop3A_313 = vector.broadcast %parallel_loop3A_312 : i1 to vector<16xi1>
      %parallel_loop3A_314 = tpu.scan <sum>, %parallel_loop3A_311 masked %parallel_loop3A_313 : vector<16xi32>, vector<16xi1> -> vector<16xi32>
      %parallel_loop3A_315 = arith.addi %parallel_loop3A_269, %parallel_loop3A_314 : vector<16xi32>
      %parallel_loop3A_316 = arith.constant 1 : i32
      %parallel_loop3A_317 = vector.broadcast %parallel_loop3A_316 : i32 to vector<16xi32>
      %parallel_loop3A_318 = arith.subi %parallel_loop3A_315, %parallel_loop3A_317 : vector<16xi32>
      %parallel_loop3A_319 = arith.constant 127 : i32
      %parallel_loop3A_320 = vector.broadcast %parallel_loop3A_319 : i32 to vector<16xi32>
      %parallel_loop3A_321 = arith.minsi %parallel_loop3A_318, %parallel_loop3A_320 : vector<16xi32>
      tpu.vector_store_idx %arg13[%parallel_loop3A_321], %parallel_loop3A_309 masked %parallel_loop3A_310 : memref<128xf32, #tpu.memory_space<vmem>>[vector<16xi32>], vector<16xf32>, vector<16xi1>
      %parallel_loop3A_322 = arith.constant 0 : i32
      %parallel_loop3A_323 = arith.addi %parallel_loop3A_296, %parallel_loop3A_322 : i32
      %parallel_loop3A_324 = arith.constant 16 : i32
      %parallel_loop3A_325 = arith.muli %parallel_loop3A_323, %parallel_loop3A_324 : i32
      %parallel_loop3A_326 = vector.broadcast %parallel_loop3A_325 : i32 to vector<16xi32>
      %parallel_loop3A_327 = arith.addi %parallel_loop3A_302, %parallel_loop3A_326 : vector<16xi32>
      %parallel_loop3A_328 = arith.addi %parallel_loop3A_327, %iota3A : vector<16xi32>
      tpu.vector_store_idx %arg14[%parallel_loop3A_321], %parallel_loop3A_328 masked %parallel_loop3A_310 : memref<128xi32, #tpu.memory_space<vmem>>[vector<16xi32>], vector<16xi32>, vector<16xi1>
      %parallel_loop3A_329 = tpu.all_reduce %parallel_loop3A_310 {dim = 0 : i64, kind = #tpu.reduction_kind<sum>} : vector<16xi1> -> vector<16xi32>
      %parallel_loop3A_330 = arith.addi %parallel_loop3A_269, %parallel_loop3A_329 : vector<16xi32>
      %parallel_loop3A_331 = arith.constant 1 : i32
      %parallel_loop3A_332 = arith.addi %parallel_loop3A_296, %parallel_loop3A_331 : i32
      %parallel_loop3A_333 = arith.constant 16 : i32
      %parallel_loop3A_334 = arith.muli %parallel_loop3A_332, %parallel_loop3A_333 : i32
      %parallel_loop3A_335 = arith.index_cast %parallel_loop3A_293 : i32 to index
      %parallel_loop3A_336 = arith.index_cast %parallel_loop3A_334 : i32 to index
      %parallel_loop3A_337 = tpu.vector_load %arg11[%parallel_loop3A_335, %parallel_loop3A_336] {strides = array<i32>} : memref<8x2048xf32, #tpu.memory_space<vmem>>, vector<16xf32>,
      %parallel_loop3A_338 = arith.cmpf oge, %parallel_loop3A_337, %get3A_122 : vector<16xf32>
      %parallel_loop3A_339 = arith.extui %parallel_loop3A_338 : vector<16xi1> to vector<16xi32>
      %parallel_loop3A_340 = arith.constant true
      %parallel_loop3A_341 = vector.broadcast %parallel_loop3A_340 : i1 to vector<16xi1>
      %parallel_loop3A_342 = tpu.scan <sum>, %parallel_loop3A_339 masked %parallel_loop3A_341 : vector<16xi32>, vector<16xi1> -> vector<16xi32>
      %parallel_loop3A_343 = arith.addi %parallel_loop3A_330, %parallel_loop3A_342 : vector<16xi32>
      %parallel_loop3A_344 = arith.constant 1 : i32
      %parallel_loop3A_345 = vector.broadcast %parallel_loop3A_344 : i32 to vector<16xi32>
      %parallel_loop3A_346 = arith.subi %parallel_loop3A_343, %parallel_loop3A_345 : vector<16xi32>
      %parallel_loop3A_347 = arith.constant 127 : i32
      %parallel_loop3A_348 = vector.broadcast %parallel_loop3A_347 : i32 to vector<16xi32>
      %parallel_loop3A_349 = arith.minsi %parallel_loop3A_346, %parallel_loop3A_348 : vector<16xi32>
      tpu.vector_store_idx %arg13[%parallel_loop3A_349], %parallel_loop3A_337 masked %parallel_loop3A_338 : memref<128xf32, #tpu.memory_space<vmem>>[vector<16xi32>], vector<16xf32>, vector<16xi1>
      %parallel_loop3A_350 = arith.constant 1 : i32
      %parallel_loop3A_351 = arith.addi %parallel_loop3A_296, %parallel_loop3A_350 : i32
      %parallel_loop3A_352 = arith.constant 16 : i32
      %parallel_loop3A_353 = arith.muli %parallel_loop3A_351, %parallel_loop3A_352 : i32
      %parallel_loop3A_354 = vector.broadcast %parallel_loop3A_353 : i32 to vector<16xi32>
      %parallel_loop3A_355 = arith.addi %parallel_loop3A_302, %parallel_loop3A_354 : vector<16xi32>
      %parallel_loop3A_356 = arith.addi %parallel_loop3A_355, %iota3A : vector<16xi32>
      tpu.vector_store_idx %arg14[%parallel_loop3A_349], %parallel_loop3A_356 masked %parallel_loop3A_338 : memref<128xi32, #tpu.memory_space<vmem>>[vector<16xi32>], vector<16xi32>, vector<16xi1>
      %parallel_loop3A_357 = tpu.all_reduce %parallel_loop3A_338 {dim = 0 : i64, kind = #tpu.reduction_kind<sum>} : vector<16xi1> -> vector<16xi32>
      %parallel_loop3A_358 = arith.addi %parallel_loop3A_330, %parallel_loop3A_357 : vector<16xi32>
      scf.yield %parallel_loop3A_358 : vector<16xi32>
    } {sc.loop_unroll_factor = 2 : i64, sc.parallel_access}
    %run_scoped3A_136 = arith.constant 4 : i32
    "tpu.region"() ({
      %run_scoped3A_268 = tpu.sem_alloc : memref<!tpu.dma_semaphore, #tpu.memory_space<semaphore_mem>>
      %dma_start3A_269 = arith.constant 0 : i32
      %dma_start3A_270 = tpu.memref_slice %arg6[%run_scoped3A_136, %add3A, %dma_start3A_269] : memref<10x32x128xf32, #tpu.memory_space<hbm>> -> memref<1x1x128xf32, #tpu.memory_space<hbm>>
      %dma_start3A_271 = tpu.memref_squeeze %dma_start3A_270 : memref<1x1x128xf32, #tpu.memory_space<hbm>> -> memref<128xf32, #tpu.memory_space<hbm>>
      %dma_start3A_272 = arith.constant 0 : i32
      %dma_start3A_273 = tpu.memref_slice %arg6[%run_scoped3A_136, %add3A, %dma_start3A_272] : memref<10x32x128xf32, #tpu.memory_space<hbm>> -> memref<1x1x128xf32, #tpu.memory_space<hbm>>
      %dma_start3A_274 = tpu.memref_squeeze %dma_start3A_273 : memref<1x1x128xf32, #tpu.memory_space<hbm>> -> memref<128xf32, #tpu.memory_space<hbm>>
      tpu.enqueue_dma source(%arg13 : memref<128xf32, #tpu.memory_space<vmem>>) target(%dma_start3A_274 : memref<128xf32, #tpu.memory_space<hbm>>) target_semaphore(%run_scoped3A_268 : memref<!tpu.dma_semaphore, #tpu.memory_space<semaphore_mem>>)
      %dma_wait3A_275 = arith.constant 0 : i32
      %dma_wait3A_276 = tpu.memref_slice %arg6[%run_scoped3A_136, %add3A, %dma_wait3A_275] : memref<10x32x128xf32, #tpu.memory_space<hbm>> -> memref<1x1x128xf32, #tpu.memory_space<hbm>>
      %dma_wait3A_277 = tpu.memref_squeeze %dma_wait3A_276 : memref<1x1x128xf32, #tpu.memory_space<hbm>> -> memref<128xf32, #tpu.memory_space<hbm>>
      %dma_wait3A_278 = arith.constant 0 : i32
      %dma_wait3A_279 = tpu.memref_slice %arg6[%run_scoped3A_136, %add3A, %dma_wait3A_278] : memref<10x32x128xf32, #tpu.memory_space<hbm>> -> memref<1x1x128xf32, #tpu.memory_space<hbm>>
      %dma_wait3A_280 = tpu.memref_squeeze %dma_wait3A_279 : memref<1x1x128xf32, #tpu.memory_space<hbm>> -> memref<128xf32, #tpu.memory_space<hbm>>
      tpu.wait_dma2 semaphore(%run_scoped3A_268 : memref<!tpu.dma_semaphore, #tpu.memory_space<semaphore_mem>>) src(%arg13 : memref<128xf32, #tpu.memory_space<vmem>>) dst(%dma_wait3A_280 : memref<128xf32, #tpu.memory_space<hbm>>)
      tpu.yield
    }) : () -> ()
    %run_scoped3A_137 = arith.constant 4 : i32
    "tpu.region"() ({
      %run_scoped3A_268 = tpu.sem_alloc : memref<!tpu.dma_semaphore, #tpu.memory_space<semaphore_mem>>
      %dma_start3A_269 = arith.constant 0 : i32
      %dma_start3A_270 = tpu.memref_slice %arg7[%run_scoped3A_137, %add3A, %dma_start3A_269] : memref<10x32x128xi32, #tpu.memory_space<hbm>> -> memref<1x1x128xi32, #tpu.memory_space<hbm>>
      %dma_start3A_271 = tpu.memref_squeeze %dma_start3A_270 : memref<1x1x128xi32, #tpu.memory_space<hbm>> -> memref<128xi32, #tpu.memory_space<hbm>>
      %dma_start3A_272 = arith.constant 0 : i32
      %dma_start3A_273 = tpu.memref_slice %arg7[%run_scoped3A_137, %add3A, %dma_start3A_272] : memref<10x32x128xi32, #tpu.memory_space<hbm>> -> memref<1x1x128xi32, #tpu.memory_space<hbm>>
      %dma_start3A_274 = tpu.memref_squeeze %dma_start3A_273 : memref<1x1x128xi32, #tpu.memory_space<hbm>> -> memref<128xi32, #tpu.memory_space<hbm>>
      tpu.enqueue_dma source(%arg14 : memref<128xi32, #tpu.memory_space<vmem>>) target(%dma_start3A_274 : memref<128xi32, #tpu.memory_space<hbm>>) target_semaphore(%run_scoped3A_268 : memref<!tpu.dma_semaphore, #tpu.memory_space<semaphore_mem>>)
      %dma_wait3A_275 = arith.constant 0 : i32
      %dma_wait3A_276 = tpu.memref_slice %arg7[%run_scoped3A_137, %add3A, %dma_wait3A_275] : memref<10x32x128xi32, #tpu.memory_space<hbm>> -> memref<1x1x128xi32, #tpu.memory_space<hbm>>
      %dma_wait3A_277 = tpu.memref_squeeze %dma_wait3A_276 : memref<1x1x128xi32, #tpu.memory_space<hbm>> -> memref<128xi32, #tpu.memory_space<hbm>>
      %dma_wait3A_278 = arith.constant 0 : i32
      %dma_wait3A_279 = tpu.memref_slice %arg7[%run_scoped3A_137, %add3A, %dma_wait3A_278] : memref<10x32x128xi32, #tpu.memory_space<hbm>> -> memref<1x1x128xi32, #tpu.memory_space<hbm>>
      %dma_wait3A_280 = tpu.memref_squeeze %dma_wait3A_279 : memref<1x1x128xi32, #tpu.memory_space<hbm>> -> memref<128xi32, #tpu.memory_space<hbm>>
      tpu.wait_dma2 semaphore(%run_scoped3A_268 : memref<!tpu.dma_semaphore, #tpu.memory_space<semaphore_mem>>) src(%arg14 : memref<128xi32, #tpu.memory_space<vmem>>) dst(%dma_wait3A_280 : memref<128xi32, #tpu.memory_space<hbm>>)
      tpu.yield
    }) : () -> ()
    %dma_start3A_138 = arith.constant 48 : i32
    %dma_start3A_139 = tpu.memref_slice %arg8[%dma_start3A_138] : memref<80xi32, #tpu.memory_space<vmem>> -> memref<8xi32, #tpu.memory_space<vmem>>
    %dma_start3A_140 = arith.constant 0 : i32
    %dma_start3A_141 = arith.constant 0 : i32
    %dma_start3A_142 = tpu.memref_slice %arg2[%dma_start3A_140, %dma_start3A_141] : memref<20480x2048xf32, #tpu.memory_space<hbm>> -> memref<20480x2048xf32, #tpu.memory_space<hbm>>
    tpu.enqueue_indirect_dma source(%dma_start3A_142 : memref<20480x2048xf32, #tpu.memory_space<hbm>>) target(%arg11 : memref<8x2048xf32, #tpu.memory_space<vmem>>) offsets(%dma_start3A_139 : memref<8xi32, #tpu.memory_space<vmem>>) semaphore(%arg15 : memref<!tpu.dma_semaphore, #tpu.memory_space<semaphore_mem>>)
    %dma_wait3A_143 = arith.constant 40 : i32
    %dma_wait3A_144 = tpu.memref_slice %arg8[%dma_wait3A_143] : memref<80xi32, #tpu.memory_space<vmem>> -> memref<8xi32, #tpu.memory_space<vmem>>
    %dma_wait3A_145 = arith.constant 0 : i32
    %dma_wait3A_146 = arith.constant 0 : i32
    %dma_wait3A_147 = tpu.memref_slice %arg2[%dma_wait3A_145, %dma_wait3A_146] : memref<20480x2048xf32, #tpu.memory_space<hbm>> -> memref<20480x2048xf32, #tpu.memory_space<hbm>>
    tpu.wait_indirect_dma semaphore(%arg16 : memref<!tpu.dma_semaphore, #tpu.memory_space<semaphore_mem>>) src(%dma_wait3A_147 : memref<20480x2048xf32, #tpu.memory_space<hbm>>) dst(%arg12 : memref<8x2048xf32, #tpu.memory_space<vmem>>)
    %get3A_148 = arith.constant 80 : index
    %get3A_149 = tpu.vector_load %arg10[%get3A_148] {strides = array<i32>} : memref<160xf32, #tpu.memory_space<vmem>>, vector<16xf32>,
    %scan3A_150 = arith.constant 0 : i32
    %scan3A_151 = arith.constant 0 : i32
    %scan3A_152 = arith.constant 8 : i32
    %scan3A_153 = arith.addi %scan3A_151, %scan3A_152 : i32
    %scan3A_154 = arith.constant 1 : i32
    %scan3A_155 = scf.for %scan3A_268 = %scan3A_151 to %scan3A_153 step %scan3A_154 iter_args(%scan3A_269 = %scan3A_150) -> (i32)  : i32 {
      %mul3A_270 = arith.constant 16 : i32
      %mul3A_271 = arith.muli %scan3A_268, %mul3A_270 : i32
      %swap3A = arith.index_cast %mul3A_271 : i32 to index
      %swap3A_272 = tpu.vector_load %arg13[%swap3A] {strides = array<i32>} : memref<128xf32, #tpu.memory_space<vmem>>, vector<16xf32>,
      tpu.vector_store %arg13[%swap3A], %broadcast_in_dim3A_1 {strides = array<i32>} : memref<128xf32, #tpu.memory_space<vmem>>, vector<16xf32>,
      %mul3A_273 = arith.constant 16 : i32
      %mul3A_274 = arith.muli %scan3A_268, %mul3A_273 : i32
      %swap3A_275 = arith.index_cast %mul3A_274 : i32 to index
      %swap3A_276 = tpu.vector_load %arg14[%swap3A_275] {strides = array<i32>} : memref<128xi32, #tpu.memory_space<vmem>>, vector<16xi32>,
      tpu.vector_store %arg14[%swap3A_275], %broadcast_in_dim3A_3 {strides = array<i32>} : memref<128xi32, #tpu.memory_space<vmem>>, vector<16xi32>,
      %scan3A_277 = arith.constant 0 : i32
      scf.yield %scan3A_277 : i32
    }
    %scan3A_156 = arith.constant 8 : i32
    %broadcast_in_dim3A_157 = arith.constant 0 : i32
    %broadcast_in_dim3A_158 = vector.broadcast %broadcast_in_dim3A_157 : i32 to vector<16xi32>
    %parallel_loop3A_159 = arith.constant 0 : i32
    %parallel_loop3A_160 = arith.constant 1024 : i32
    %parallel_loop3A_161 = arith.constant 2 : i32
    %parallel_loop3A_162 = scf.for %parallel_loop3A_268 = %parallel_loop3A_159 to %parallel_loop3A_160 step %parallel_loop3A_161 iter_args(%parallel_loop3A_269 = %broadcast_in_dim3A_158) -> (vector<16xi32>)  : i32 {
      %parallel_loop3A_270 = arith.constant 128 : i32
      %parallel_loop3A_271 = arith.divsi %parallel_loop3A_268, %parallel_loop3A_270 : i32
      %parallel_loop3A_272 = arith.constant 0 : i32
      %parallel_loop3A_273 = arith.cmpi sgt, %parallel_loop3A_268, %parallel_loop3A_272 : i32
      %parallel_loop3A_274 = arith.extui %parallel_loop3A_273 : i1 to i32
      %parallel_loop3A_275 = arith.constant 0 : i32
      %parallel_loop3A_276 = arith.cmpi slt, %parallel_loop3A_268, %parallel_loop3A_275 : i32
      %parallel_loop3A_277 = arith.extui %parallel_loop3A_276 : i1 to i32
      %parallel_loop3A_278 = arith.subi %parallel_loop3A_274, %parallel_loop3A_277 : i32
      %parallel_loop3A_279 = arith.constant 0 : i32
      %parallel_loop3A_280 = arith.cmpi sgt, %parallel_loop3A_270, %parallel_loop3A_279 : i32
      %parallel_loop3A_281 = arith.extui %parallel_loop3A_280 : i1 to i32
      %parallel_loop3A_282 = arith.constant 0 : i32
      %parallel_loop3A_283 = arith.cmpi slt, %parallel_loop3A_270, %parallel_loop3A_282 : i32
      %parallel_loop3A_284 = arith.extui %parallel_loop3A_283 : i1 to i32
      %parallel_loop3A_285 = arith.subi %parallel_loop3A_281, %parallel_loop3A_284 : i32
      %parallel_loop3A_286 = arith.cmpi ne, %parallel_loop3A_278, %parallel_loop3A_285 : i32
      %parallel_loop3A_287 = arith.remsi %parallel_loop3A_268, %parallel_loop3A_270 : i32
      %parallel_loop3A_288 = arith.constant 0 : i32
      %parallel_loop3A_289 = arith.cmpi ne, %parallel_loop3A_287, %parallel_loop3A_288 : i32
      %parallel_loop3A_290 = arith.andi %parallel_loop3A_286, %parallel_loop3A_289 : i1
      %parallel_loop3A_291 = arith.constant 1 : i32
      %parallel_loop3A_292 = arith.subi %parallel_loop3A_271, %parallel_loop3A_291 : i32
      %parallel_loop3A_293 = arith.select %parallel_loop3A_290, %parallel_loop3A_292, %parallel_loop3A_271 : i32
      %parallel_loop3A_294 = arith.constant 128 : i32
      %parallel_loop3A_295 = arith.muli %parallel_loop3A_293, %parallel_loop3A_294 : i32
      %parallel_loop3A_296 = arith.subi %parallel_loop3A_268, %parallel_loop3A_295 : i32
      %parallel_loop3A_297 = arith.constant 40 : i32
      %parallel_loop3A_298 = arith.addi %parallel_loop3A_297, %parallel_loop3A_293 : i32
      %parallel_loop3A_299 = arith.constant 16 : i32
      %parallel_loop3A_300 = arith.muli %parallel_loop3A_298, %parallel_loop3A_299 : i32
      %parallel_loop3A_301 = arith.index_cast %parallel_loop3A_300 : i32 to index
      %parallel_loop3A_302 = tpu.vector_load %arg9[%parallel_loop3A_301] {strides = array<i32>} : memref<1280xi32, #tpu.memory_space<vmem>>, vector<16xi32>,
      %parallel_loop3A_303 = arith.constant 0 : i32
      %parallel_loop3A_304 = arith.addi %parallel_loop3A_296, %parallel_loop3A_303 : i32
      %parallel_loop3A_305 = arith.constant 16 : i32
      %parallel_loop3A_306 = arith.muli %parallel_loop3A_304, %parallel_loop3A_305 : i32
      %parallel_loop3A_307 = arith.index_cast %parallel_loop3A_293 : i32 to index
      %parallel_loop3A_308 = arith.index_cast %parallel_loop3A_306 : i32 to index
      %parallel_loop3A_309 = tpu.vector_load %arg12[%parallel_loop3A_307, %parallel_loop3A_308] {strides = array<i32>} : memref<8x2048xf32, #tpu.memory_space<vmem>>, vector<16xf32>,
      %parallel_loop3A_310 = arith.cmpf oge, %parallel_loop3A_309, %get3A_149 : vector<16xf32>
      %parallel_loop3A_311 = arith.extui %parallel_loop3A_310 : vector<16xi1> to vector<16xi32>
      %parallel_loop3A_312 = arith.constant true
      %parallel_loop3A_313 = vector.broadcast %parallel_loop3A_312 : i1 to vector<16xi1>
      %parallel_loop3A_314 = tpu.scan <sum>, %parallel_loop3A_311 masked %parallel_loop3A_313 : vector<16xi32>, vector<16xi1> -> vector<16xi32>
      %parallel_loop3A_315 = arith.addi %parallel_loop3A_269, %parallel_loop3A_314 : vector<16xi32>
      %parallel_loop3A_316 = arith.constant 1 : i32
      %parallel_loop3A_317 = vector.broadcast %parallel_loop3A_316 : i32 to vector<16xi32>
      %parallel_loop3A_318 = arith.subi %parallel_loop3A_315, %parallel_loop3A_317 : vector<16xi32>
      %parallel_loop3A_319 = arith.constant 127 : i32
      %parallel_loop3A_320 = vector.broadcast %parallel_loop3A_319 : i32 to vector<16xi32>
      %parallel_loop3A_321 = arith.minsi %parallel_loop3A_318, %parallel_loop3A_320 : vector<16xi32>
      tpu.vector_store_idx %arg13[%parallel_loop3A_321], %parallel_loop3A_309 masked %parallel_loop3A_310 : memref<128xf32, #tpu.memory_space<vmem>>[vector<16xi32>], vector<16xf32>, vector<16xi1>
      %parallel_loop3A_322 = arith.constant 0 : i32
      %parallel_loop3A_323 = arith.addi %parallel_loop3A_296, %parallel_loop3A_322 : i32
      %parallel_loop3A_324 = arith.constant 16 : i32
      %parallel_loop3A_325 = arith.muli %parallel_loop3A_323, %parallel_loop3A_324 : i32
      %parallel_loop3A_326 = vector.broadcast %parallel_loop3A_325 : i32 to vector<16xi32>
      %parallel_loop3A_327 = arith.addi %parallel_loop3A_302, %parallel_loop3A_326 : vector<16xi32>
      %parallel_loop3A_328 = arith.addi %parallel_loop3A_327, %iota3A : vector<16xi32>
      tpu.vector_store_idx %arg14[%parallel_loop3A_321], %parallel_loop3A_328 masked %parallel_loop3A_310 : memref<128xi32, #tpu.memory_space<vmem>>[vector<16xi32>], vector<16xi32>, vector<16xi1>
      %parallel_loop3A_329 = tpu.all_reduce %parallel_loop3A_310 {dim = 0 : i64, kind = #tpu.reduction_kind<sum>} : vector<16xi1> -> vector<16xi32>
      %parallel_loop3A_330 = arith.addi %parallel_loop3A_269, %parallel_loop3A_329 : vector<16xi32>
      %parallel_loop3A_331 = arith.constant 1 : i32
      %parallel_loop3A_332 = arith.addi %parallel_loop3A_296, %parallel_loop3A_331 : i32
      %parallel_loop3A_333 = arith.constant 16 : i32
      %parallel_loop3A_334 = arith.muli %parallel_loop3A_332, %parallel_loop3A_333 : i32
      %parallel_loop3A_335 = arith.index_cast %parallel_loop3A_293 : i32 to index
      %parallel_loop3A_336 = arith.index_cast %parallel_loop3A_334 : i32 to index
      %parallel_loop3A_337 = tpu.vector_load %arg12[%parallel_loop3A_335, %parallel_loop3A_336] {strides = array<i32>} : memref<8x2048xf32, #tpu.memory_space<vmem>>, vector<16xf32>,
      %parallel_loop3A_338 = arith.cmpf oge, %parallel_loop3A_337, %get3A_149 : vector<16xf32>
      %parallel_loop3A_339 = arith.extui %parallel_loop3A_338 : vector<16xi1> to vector<16xi32>
      %parallel_loop3A_340 = arith.constant true
      %parallel_loop3A_341 = vector.broadcast %parallel_loop3A_340 : i1 to vector<16xi1>
      %parallel_loop3A_342 = tpu.scan <sum>, %parallel_loop3A_339 masked %parallel_loop3A_341 : vector<16xi32>, vector<16xi1> -> vector<16xi32>
      %parallel_loop3A_343 = arith.addi %parallel_loop3A_330, %parallel_loop3A_342 : vector<16xi32>
      %parallel_loop3A_344 = arith.constant 1 : i32
      %parallel_loop3A_345 = vector.broadcast %parallel_loop3A_344 : i32 to vector<16xi32>
      %parallel_loop3A_346 = arith.subi %parallel_loop3A_343, %parallel_loop3A_345 : vector<16xi32>
      %parallel_loop3A_347 = arith.constant 127 : i32
      %parallel_loop3A_348 = vector.broadcast %parallel_loop3A_347 : i32 to vector<16xi32>
      %parallel_loop3A_349 = arith.minsi %parallel_loop3A_346, %parallel_loop3A_348 : vector<16xi32>
      tpu.vector_store_idx %arg13[%parallel_loop3A_349], %parallel_loop3A_337 masked %parallel_loop3A_338 : memref<128xf32, #tpu.memory_space<vmem>>[vector<16xi32>], vector<16xf32>, vector<16xi1>
      %parallel_loop3A_350 = arith.constant 1 : i32
      %parallel_loop3A_351 = arith.addi %parallel_loop3A_296, %parallel_loop3A_350 : i32
      %parallel_loop3A_352 = arith.constant 16 : i32
      %parallel_loop3A_353 = arith.muli %parallel_loop3A_351, %parallel_loop3A_352 : i32
      %parallel_loop3A_354 = vector.broadcast %parallel_loop3A_353 : i32 to vector<16xi32>
      %parallel_loop3A_355 = arith.addi %parallel_loop3A_302, %parallel_loop3A_354 : vector<16xi32>
      %parallel_loop3A_356 = arith.addi %parallel_loop3A_355, %iota3A : vector<16xi32>
      tpu.vector_store_idx %arg14[%parallel_loop3A_349], %parallel_loop3A_356 masked %parallel_loop3A_338 : memref<128xi32, #tpu.memory_space<vmem>>[vector<16xi32>], vector<16xi32>, vector<16xi1>
      %parallel_loop3A_357 = tpu.all_reduce %parallel_loop3A_338 {dim = 0 : i64, kind = #tpu.reduction_kind<sum>} : vector<16xi1> -> vector<16xi32>
      %parallel_loop3A_358 = arith.addi %parallel_loop3A_330, %parallel_loop3A_357 : vector<16xi32>
      scf.yield %parallel_loop3A_358 : vector<16xi32>
    } {sc.loop_unroll_factor = 2 : i64, sc.parallel_access}
    %run_scoped3A_163 = arith.constant 5 : i32
    "tpu.region"() ({
      %run_scoped3A_268 = tpu.sem_alloc : memref<!tpu.dma_semaphore, #tpu.memory_space<semaphore_mem>>
      %dma_start3A_269 = arith.constant 0 : i32
      %dma_start3A_270 = tpu.memref_slice %arg6[%run_scoped3A_163, %add3A, %dma_start3A_269] : memref<10x32x128xf32, #tpu.memory_space<hbm>> -> memref<1x1x128xf32, #tpu.memory_space<hbm>>
      %dma_start3A_271 = tpu.memref_squeeze %dma_start3A_270 : memref<1x1x128xf32, #tpu.memory_space<hbm>> -> memref<128xf32, #tpu.memory_space<hbm>>
      %dma_start3A_272 = arith.constant 0 : i32
      %dma_start3A_273 = tpu.memref_slice %arg6[%run_scoped3A_163, %add3A, %dma_start3A_272] : memref<10x32x128xf32, #tpu.memory_space<hbm>> -> memref<1x1x128xf32, #tpu.memory_space<hbm>>
      %dma_start3A_274 = tpu.memref_squeeze %dma_start3A_273 : memref<1x1x128xf32, #tpu.memory_space<hbm>> -> memref<128xf32, #tpu.memory_space<hbm>>
      tpu.enqueue_dma source(%arg13 : memref<128xf32, #tpu.memory_space<vmem>>) target(%dma_start3A_274 : memref<128xf32, #tpu.memory_space<hbm>>) target_semaphore(%run_scoped3A_268 : memref<!tpu.dma_semaphore, #tpu.memory_space<semaphore_mem>>)
      %dma_wait3A_275 = arith.constant 0 : i32
      %dma_wait3A_276 = tpu.memref_slice %arg6[%run_scoped3A_163, %add3A, %dma_wait3A_275] : memref<10x32x128xf32, #tpu.memory_space<hbm>> -> memref<1x1x128xf32, #tpu.memory_space<hbm>>
      %dma_wait3A_277 = tpu.memref_squeeze %dma_wait3A_276 : memref<1x1x128xf32, #tpu.memory_space<hbm>> -> memref<128xf32, #tpu.memory_space<hbm>>
      %dma_wait3A_278 = arith.constant 0 : i32
      %dma_wait3A_279 = tpu.memref_slice %arg6[%run_scoped3A_163, %add3A, %dma_wait3A_278] : memref<10x32x128xf32, #tpu.memory_space<hbm>> -> memref<1x1x128xf32, #tpu.memory_space<hbm>>
      %dma_wait3A_280 = tpu.memref_squeeze %dma_wait3A_279 : memref<1x1x128xf32, #tpu.memory_space<hbm>> -> memref<128xf32, #tpu.memory_space<hbm>>
      tpu.wait_dma2 semaphore(%run_scoped3A_268 : memref<!tpu.dma_semaphore, #tpu.memory_space<semaphore_mem>>) src(%arg13 : memref<128xf32, #tpu.memory_space<vmem>>) dst(%dma_wait3A_280 : memref<128xf32, #tpu.memory_space<hbm>>)
      tpu.yield
    }) : () -> ()
    %run_scoped3A_164 = arith.constant 5 : i32
    "tpu.region"() ({
      %run_scoped3A_268 = tpu.sem_alloc : memref<!tpu.dma_semaphore, #tpu.memory_space<semaphore_mem>>
      %dma_start3A_269 = arith.constant 0 : i32
      %dma_start3A_270 = tpu.memref_slice %arg7[%run_scoped3A_164, %add3A, %dma_start3A_269] : memref<10x32x128xi32, #tpu.memory_space<hbm>> -> memref<1x1x128xi32, #tpu.memory_space<hbm>>
      %dma_start3A_271 = tpu.memref_squeeze %dma_start3A_270 : memref<1x1x128xi32, #tpu.memory_space<hbm>> -> memref<128xi32, #tpu.memory_space<hbm>>
      %dma_start3A_272 = arith.constant 0 : i32
      %dma_start3A_273 = tpu.memref_slice %arg7[%run_scoped3A_164, %add3A, %dma_start3A_272] : memref<10x32x128xi32, #tpu.memory_space<hbm>> -> memref<1x1x128xi32, #tpu.memory_space<hbm>>
      %dma_start3A_274 = tpu.memref_squeeze %dma_start3A_273 : memref<1x1x128xi32, #tpu.memory_space<hbm>> -> memref<128xi32, #tpu.memory_space<hbm>>
      tpu.enqueue_dma source(%arg14 : memref<128xi32, #tpu.memory_space<vmem>>) target(%dma_start3A_274 : memref<128xi32, #tpu.memory_space<hbm>>) target_semaphore(%run_scoped3A_268 : memref<!tpu.dma_semaphore, #tpu.memory_space<semaphore_mem>>)
      %dma_wait3A_275 = arith.constant 0 : i32
      %dma_wait3A_276 = tpu.memref_slice %arg7[%run_scoped3A_164, %add3A, %dma_wait3A_275] : memref<10x32x128xi32, #tpu.memory_space<hbm>> -> memref<1x1x128xi32, #tpu.memory_space<hbm>>
      %dma_wait3A_277 = tpu.memref_squeeze %dma_wait3A_276 : memref<1x1x128xi32, #tpu.memory_space<hbm>> -> memref<128xi32, #tpu.memory_space<hbm>>
      %dma_wait3A_278 = arith.constant 0 : i32
      %dma_wait3A_279 = tpu.memref_slice %arg7[%run_scoped3A_164, %add3A, %dma_wait3A_278] : memref<10x32x128xi32, #tpu.memory_space<hbm>> -> memref<1x1x128xi32, #tpu.memory_space<hbm>>
      %dma_wait3A_280 = tpu.memref_squeeze %dma_wait3A_279 : memref<1x1x128xi32, #tpu.memory_space<hbm>> -> memref<128xi32, #tpu.memory_space<hbm>>
      tpu.wait_dma2 semaphore(%run_scoped3A_268 : memref<!tpu.dma_semaphore, #tpu.memory_space<semaphore_mem>>) src(%arg14 : memref<128xi32, #tpu.memory_space<vmem>>) dst(%dma_wait3A_280 : memref<128xi32, #tpu.memory_space<hbm>>)
      tpu.yield
    }) : () -> ()
    %dma_start3A_165 = arith.constant 56 : i32
    %dma_start3A_166 = tpu.memref_slice %arg8[%dma_start3A_165] : memref<80xi32, #tpu.memory_space<vmem>> -> memref<8xi32, #tpu.memory_space<vmem>>
    %dma_start3A_167 = arith.constant 0 : i32
    %dma_start3A_168 = arith.constant 0 : i32
    %dma_start3A_169 = tpu.memref_slice %arg2[%dma_start3A_167, %dma_start3A_168] : memref<20480x2048xf32, #tpu.memory_space<hbm>> -> memref<20480x2048xf32, #tpu.memory_space<hbm>>
    tpu.enqueue_indirect_dma source(%dma_start3A_169 : memref<20480x2048xf32, #tpu.memory_space<hbm>>) target(%arg12 : memref<8x2048xf32, #tpu.memory_space<vmem>>) offsets(%dma_start3A_166 : memref<8xi32, #tpu.memory_space<vmem>>) semaphore(%arg16 : memref<!tpu.dma_semaphore, #tpu.memory_space<semaphore_mem>>)
    %dma_wait3A_170 = arith.constant 48 : i32
    %dma_wait3A_171 = tpu.memref_slice %arg8[%dma_wait3A_170] : memref<80xi32, #tpu.memory_space<vmem>> -> memref<8xi32, #tpu.memory_space<vmem>>
    %dma_wait3A_172 = arith.constant 0 : i32
    %dma_wait3A_173 = arith.constant 0 : i32
    %dma_wait3A_174 = tpu.memref_slice %arg2[%dma_wait3A_172, %dma_wait3A_173] : memref<20480x2048xf32, #tpu.memory_space<hbm>> -> memref<20480x2048xf32, #tpu.memory_space<hbm>>
    tpu.wait_indirect_dma semaphore(%arg15 : memref<!tpu.dma_semaphore, #tpu.memory_space<semaphore_mem>>) src(%dma_wait3A_174 : memref<20480x2048xf32, #tpu.memory_space<hbm>>) dst(%arg11 : memref<8x2048xf32, #tpu.memory_space<vmem>>)
    %get3A_175 = arith.constant 96 : index
    %get3A_176 = tpu.vector_load %arg10[%get3A_175] {strides = array<i32>} : memref<160xf32, #tpu.memory_space<vmem>>, vector<16xf32>,
    %scan3A_177 = arith.constant 0 : i32
    %scan3A_178 = arith.constant 0 : i32
    %scan3A_179 = arith.constant 8 : i32
    %scan3A_180 = arith.addi %scan3A_178, %scan3A_179 : i32
    %scan3A_181 = arith.constant 1 : i32
    %scan3A_182 = scf.for %scan3A_268 = %scan3A_178 to %scan3A_180 step %scan3A_181 iter_args(%scan3A_269 = %scan3A_177) -> (i32)  : i32 {
      %mul3A_270 = arith.constant 16 : i32
      %mul3A_271 = arith.muli %scan3A_268, %mul3A_270 : i32
      %swap3A = arith.index_cast %mul3A_271 : i32 to index
      %swap3A_272 = tpu.vector_load %arg13[%swap3A] {strides = array<i32>} : memref<128xf32, #tpu.memory_space<vmem>>, vector<16xf32>,
      tpu.vector_store %arg13[%swap3A], %broadcast_in_dim3A_1 {strides = array<i32>} : memref<128xf32, #tpu.memory_space<vmem>>, vector<16xf32>,
      %mul3A_273 = arith.constant 16 : i32
      %mul3A_274 = arith.muli %scan3A_268, %mul3A_273 : i32
      %swap3A_275 = arith.index_cast %mul3A_274 : i32 to index
      %swap3A_276 = tpu.vector_load %arg14[%swap3A_275] {strides = array<i32>} : memref<128xi32, #tpu.memory_space<vmem>>, vector<16xi32>,
      tpu.vector_store %arg14[%swap3A_275], %broadcast_in_dim3A_3 {strides = array<i32>} : memref<128xi32, #tpu.memory_space<vmem>>, vector<16xi32>,
      %scan3A_277 = arith.constant 0 : i32
      scf.yield %scan3A_277 : i32
    }
    %scan3A_183 = arith.constant 8 : i32
    %broadcast_in_dim3A_184 = arith.constant 0 : i32
    %broadcast_in_dim3A_185 = vector.broadcast %broadcast_in_dim3A_184 : i32 to vector<16xi32>
    %parallel_loop3A_186 = arith.constant 0 : i32
    %parallel_loop3A_187 = arith.constant 1024 : i32
    %parallel_loop3A_188 = arith.constant 2 : i32
    %parallel_loop3A_189 = scf.for %parallel_loop3A_268 = %parallel_loop3A_186 to %parallel_loop3A_187 step %parallel_loop3A_188 iter_args(%parallel_loop3A_269 = %broadcast_in_dim3A_185) -> (vector<16xi32>)  : i32 {
      %parallel_loop3A_270 = arith.constant 128 : i32
      %parallel_loop3A_271 = arith.divsi %parallel_loop3A_268, %parallel_loop3A_270 : i32
      %parallel_loop3A_272 = arith.constant 0 : i32
      %parallel_loop3A_273 = arith.cmpi sgt, %parallel_loop3A_268, %parallel_loop3A_272 : i32
      %parallel_loop3A_274 = arith.extui %parallel_loop3A_273 : i1 to i32
      %parallel_loop3A_275 = arith.constant 0 : i32
      %parallel_loop3A_276 = arith.cmpi slt, %parallel_loop3A_268, %parallel_loop3A_275 : i32
      %parallel_loop3A_277 = arith.extui %parallel_loop3A_276 : i1 to i32
      %parallel_loop3A_278 = arith.subi %parallel_loop3A_274, %parallel_loop3A_277 : i32
      %parallel_loop3A_279 = arith.constant 0 : i32
      %parallel_loop3A_280 = arith.cmpi sgt, %parallel_loop3A_270, %parallel_loop3A_279 : i32
      %parallel_loop3A_281 = arith.extui %parallel_loop3A_280 : i1 to i32
      %parallel_loop3A_282 = arith.constant 0 : i32
      %parallel_loop3A_283 = arith.cmpi slt, %parallel_loop3A_270, %parallel_loop3A_282 : i32
      %parallel_loop3A_284 = arith.extui %parallel_loop3A_283 : i1 to i32
      %parallel_loop3A_285 = arith.subi %parallel_loop3A_281, %parallel_loop3A_284 : i32
      %parallel_loop3A_286 = arith.cmpi ne, %parallel_loop3A_278, %parallel_loop3A_285 : i32
      %parallel_loop3A_287 = arith.remsi %parallel_loop3A_268, %parallel_loop3A_270 : i32
      %parallel_loop3A_288 = arith.constant 0 : i32
      %parallel_loop3A_289 = arith.cmpi ne, %parallel_loop3A_287, %parallel_loop3A_288 : i32
      %parallel_loop3A_290 = arith.andi %parallel_loop3A_286, %parallel_loop3A_289 : i1
      %parallel_loop3A_291 = arith.constant 1 : i32
      %parallel_loop3A_292 = arith.subi %parallel_loop3A_271, %parallel_loop3A_291 : i32
      %parallel_loop3A_293 = arith.select %parallel_loop3A_290, %parallel_loop3A_292, %parallel_loop3A_271 : i32
      %parallel_loop3A_294 = arith.constant 128 : i32
      %parallel_loop3A_295 = arith.muli %parallel_loop3A_293, %parallel_loop3A_294 : i32
      %parallel_loop3A_296 = arith.subi %parallel_loop3A_268, %parallel_loop3A_295 : i32
      %parallel_loop3A_297 = arith.constant 48 : i32
      %parallel_loop3A_298 = arith.addi %parallel_loop3A_297, %parallel_loop3A_293 : i32
      %parallel_loop3A_299 = arith.constant 16 : i32
      %parallel_loop3A_300 = arith.muli %parallel_loop3A_298, %parallel_loop3A_299 : i32
      %parallel_loop3A_301 = arith.index_cast %parallel_loop3A_300 : i32 to index
      %parallel_loop3A_302 = tpu.vector_load %arg9[%parallel_loop3A_301] {strides = array<i32>} : memref<1280xi32, #tpu.memory_space<vmem>>, vector<16xi32>,
      %parallel_loop3A_303 = arith.constant 0 : i32
      %parallel_loop3A_304 = arith.addi %parallel_loop3A_296, %parallel_loop3A_303 : i32
      %parallel_loop3A_305 = arith.constant 16 : i32
      %parallel_loop3A_306 = arith.muli %parallel_loop3A_304, %parallel_loop3A_305 : i32
      %parallel_loop3A_307 = arith.index_cast %parallel_loop3A_293 : i32 to index
      %parallel_loop3A_308 = arith.index_cast %parallel_loop3A_306 : i32 to index
      %parallel_loop3A_309 = tpu.vector_load %arg11[%parallel_loop3A_307, %parallel_loop3A_308] {strides = array<i32>} : memref<8x2048xf32, #tpu.memory_space<vmem>>, vector<16xf32>,
      %parallel_loop3A_310 = arith.cmpf oge, %parallel_loop3A_309, %get3A_176 : vector<16xf32>
      %parallel_loop3A_311 = arith.extui %parallel_loop3A_310 : vector<16xi1> to vector<16xi32>
      %parallel_loop3A_312 = arith.constant true
      %parallel_loop3A_313 = vector.broadcast %parallel_loop3A_312 : i1 to vector<16xi1>
      %parallel_loop3A_314 = tpu.scan <sum>, %parallel_loop3A_311 masked %parallel_loop3A_313 : vector<16xi32>, vector<16xi1> -> vector<16xi32>
      %parallel_loop3A_315 = arith.addi %parallel_loop3A_269, %parallel_loop3A_314 : vector<16xi32>
      %parallel_loop3A_316 = arith.constant 1 : i32
      %parallel_loop3A_317 = vector.broadcast %parallel_loop3A_316 : i32 to vector<16xi32>
      %parallel_loop3A_318 = arith.subi %parallel_loop3A_315, %parallel_loop3A_317 : vector<16xi32>
      %parallel_loop3A_319 = arith.constant 127 : i32
      %parallel_loop3A_320 = vector.broadcast %parallel_loop3A_319 : i32 to vector<16xi32>
      %parallel_loop3A_321 = arith.minsi %parallel_loop3A_318, %parallel_loop3A_320 : vector<16xi32>
      tpu.vector_store_idx %arg13[%parallel_loop3A_321], %parallel_loop3A_309 masked %parallel_loop3A_310 : memref<128xf32, #tpu.memory_space<vmem>>[vector<16xi32>], vector<16xf32>, vector<16xi1>
      %parallel_loop3A_322 = arith.constant 0 : i32
      %parallel_loop3A_323 = arith.addi %parallel_loop3A_296, %parallel_loop3A_322 : i32
      %parallel_loop3A_324 = arith.constant 16 : i32
      %parallel_loop3A_325 = arith.muli %parallel_loop3A_323, %parallel_loop3A_324 : i32
      %parallel_loop3A_326 = vector.broadcast %parallel_loop3A_325 : i32 to vector<16xi32>
      %parallel_loop3A_327 = arith.addi %parallel_loop3A_302, %parallel_loop3A_326 : vector<16xi32>
      %parallel_loop3A_328 = arith.addi %parallel_loop3A_327, %iota3A : vector<16xi32>
      tpu.vector_store_idx %arg14[%parallel_loop3A_321], %parallel_loop3A_328 masked %parallel_loop3A_310 : memref<128xi32, #tpu.memory_space<vmem>>[vector<16xi32>], vector<16xi32>, vector<16xi1>
      %parallel_loop3A_329 = tpu.all_reduce %parallel_loop3A_310 {dim = 0 : i64, kind = #tpu.reduction_kind<sum>} : vector<16xi1> -> vector<16xi32>
      %parallel_loop3A_330 = arith.addi %parallel_loop3A_269, %parallel_loop3A_329 : vector<16xi32>
      %parallel_loop3A_331 = arith.constant 1 : i32
      %parallel_loop3A_332 = arith.addi %parallel_loop3A_296, %parallel_loop3A_331 : i32
      %parallel_loop3A_333 = arith.constant 16 : i32
      %parallel_loop3A_334 = arith.muli %parallel_loop3A_332, %parallel_loop3A_333 : i32
      %parallel_loop3A_335 = arith.index_cast %parallel_loop3A_293 : i32 to index
      %parallel_loop3A_336 = arith.index_cast %parallel_loop3A_334 : i32 to index
      %parallel_loop3A_337 = tpu.vector_load %arg11[%parallel_loop3A_335, %parallel_loop3A_336] {strides = array<i32>} : memref<8x2048xf32, #tpu.memory_space<vmem>>, vector<16xf32>,
      %parallel_loop3A_338 = arith.cmpf oge, %parallel_loop3A_337, %get3A_176 : vector<16xf32>
      %parallel_loop3A_339 = arith.extui %parallel_loop3A_338 : vector<16xi1> to vector<16xi32>
      %parallel_loop3A_340 = arith.constant true
      %parallel_loop3A_341 = vector.broadcast %parallel_loop3A_340 : i1 to vector<16xi1>
      %parallel_loop3A_342 = tpu.scan <sum>, %parallel_loop3A_339 masked %parallel_loop3A_341 : vector<16xi32>, vector<16xi1> -> vector<16xi32>
      %parallel_loop3A_343 = arith.addi %parallel_loop3A_330, %parallel_loop3A_342 : vector<16xi32>
      %parallel_loop3A_344 = arith.constant 1 : i32
      %parallel_loop3A_345 = vector.broadcast %parallel_loop3A_344 : i32 to vector<16xi32>
      %parallel_loop3A_346 = arith.subi %parallel_loop3A_343, %parallel_loop3A_345 : vector<16xi32>
      %parallel_loop3A_347 = arith.constant 127 : i32
      %parallel_loop3A_348 = vector.broadcast %parallel_loop3A_347 : i32 to vector<16xi32>
      %parallel_loop3A_349 = arith.minsi %parallel_loop3A_346, %parallel_loop3A_348 : vector<16xi32>
      tpu.vector_store_idx %arg13[%parallel_loop3A_349], %parallel_loop3A_337 masked %parallel_loop3A_338 : memref<128xf32, #tpu.memory_space<vmem>>[vector<16xi32>], vector<16xf32>, vector<16xi1>
      %parallel_loop3A_350 = arith.constant 1 : i32
      %parallel_loop3A_351 = arith.addi %parallel_loop3A_296, %parallel_loop3A_350 : i32
      %parallel_loop3A_352 = arith.constant 16 : i32
      %parallel_loop3A_353 = arith.muli %parallel_loop3A_351, %parallel_loop3A_352 : i32
      %parallel_loop3A_354 = vector.broadcast %parallel_loop3A_353 : i32 to vector<16xi32>
      %parallel_loop3A_355 = arith.addi %parallel_loop3A_302, %parallel_loop3A_354 : vector<16xi32>
      %parallel_loop3A_356 = arith.addi %parallel_loop3A_355, %iota3A : vector<16xi32>
      tpu.vector_store_idx %arg14[%parallel_loop3A_349], %parallel_loop3A_356 masked %parallel_loop3A_338 : memref<128xi32, #tpu.memory_space<vmem>>[vector<16xi32>], vector<16xi32>, vector<16xi1>
      %parallel_loop3A_357 = tpu.all_reduce %parallel_loop3A_338 {dim = 0 : i64, kind = #tpu.reduction_kind<sum>} : vector<16xi1> -> vector<16xi32>
      %parallel_loop3A_358 = arith.addi %parallel_loop3A_330, %parallel_loop3A_357 : vector<16xi32>
      scf.yield %parallel_loop3A_358 : vector<16xi32>
    } {sc.loop_unroll_factor = 2 : i64, sc.parallel_access}
    %run_scoped3A_190 = arith.constant 6 : i32
    "tpu.region"() ({
      %run_scoped3A_268 = tpu.sem_alloc : memref<!tpu.dma_semaphore, #tpu.memory_space<semaphore_mem>>
      %dma_start3A_269 = arith.constant 0 : i32
      %dma_start3A_270 = tpu.memref_slice %arg6[%run_scoped3A_190, %add3A, %dma_start3A_269] : memref<10x32x128xf32, #tpu.memory_space<hbm>> -> memref<1x1x128xf32, #tpu.memory_space<hbm>>
      %dma_start3A_271 = tpu.memref_squeeze %dma_start3A_270 : memref<1x1x128xf32, #tpu.memory_space<hbm>> -> memref<128xf32, #tpu.memory_space<hbm>>
      %dma_start3A_272 = arith.constant 0 : i32
      %dma_start3A_273 = tpu.memref_slice %arg6[%run_scoped3A_190, %add3A, %dma_start3A_272] : memref<10x32x128xf32, #tpu.memory_space<hbm>> -> memref<1x1x128xf32, #tpu.memory_space<hbm>>
      %dma_start3A_274 = tpu.memref_squeeze %dma_start3A_273 : memref<1x1x128xf32, #tpu.memory_space<hbm>> -> memref<128xf32, #tpu.memory_space<hbm>>
      tpu.enqueue_dma source(%arg13 : memref<128xf32, #tpu.memory_space<vmem>>) target(%dma_start3A_274 : memref<128xf32, #tpu.memory_space<hbm>>) target_semaphore(%run_scoped3A_268 : memref<!tpu.dma_semaphore, #tpu.memory_space<semaphore_mem>>)
      %dma_wait3A_275 = arith.constant 0 : i32
      %dma_wait3A_276 = tpu.memref_slice %arg6[%run_scoped3A_190, %add3A, %dma_wait3A_275] : memref<10x32x128xf32, #tpu.memory_space<hbm>> -> memref<1x1x128xf32, #tpu.memory_space<hbm>>
      %dma_wait3A_277 = tpu.memref_squeeze %dma_wait3A_276 : memref<1x1x128xf32, #tpu.memory_space<hbm>> -> memref<128xf32, #tpu.memory_space<hbm>>
      %dma_wait3A_278 = arith.constant 0 : i32
      %dma_wait3A_279 = tpu.memref_slice %arg6[%run_scoped3A_190, %add3A, %dma_wait3A_278] : memref<10x32x128xf32, #tpu.memory_space<hbm>> -> memref<1x1x128xf32, #tpu.memory_space<hbm>>
      %dma_wait3A_280 = tpu.memref_squeeze %dma_wait3A_279 : memref<1x1x128xf32, #tpu.memory_space<hbm>> -> memref<128xf32, #tpu.memory_space<hbm>>
      tpu.wait_dma2 semaphore(%run_scoped3A_268 : memref<!tpu.dma_semaphore, #tpu.memory_space<semaphore_mem>>) src(%arg13 : memref<128xf32, #tpu.memory_space<vmem>>) dst(%dma_wait3A_280 : memref<128xf32, #tpu.memory_space<hbm>>)
      tpu.yield
    }) : () -> ()
    %run_scoped3A_191 = arith.constant 6 : i32
    "tpu.region"() ({
      %run_scoped3A_268 = tpu.sem_alloc : memref<!tpu.dma_semaphore, #tpu.memory_space<semaphore_mem>>
      %dma_start3A_269 = arith.constant 0 : i32
      %dma_start3A_270 = tpu.memref_slice %arg7[%run_scoped3A_191, %add3A, %dma_start3A_269] : memref<10x32x128xi32, #tpu.memory_space<hbm>> -> memref<1x1x128xi32, #tpu.memory_space<hbm>>
      %dma_start3A_271 = tpu.memref_squeeze %dma_start3A_270 : memref<1x1x128xi32, #tpu.memory_space<hbm>> -> memref<128xi32, #tpu.memory_space<hbm>>
      %dma_start3A_272 = arith.constant 0 : i32
      %dma_start3A_273 = tpu.memref_slice %arg7[%run_scoped3A_191, %add3A, %dma_start3A_272] : memref<10x32x128xi32, #tpu.memory_space<hbm>> -> memref<1x1x128xi32, #tpu.memory_space<hbm>>
      %dma_start3A_274 = tpu.memref_squeeze %dma_start3A_273 : memref<1x1x128xi32, #tpu.memory_space<hbm>> -> memref<128xi32, #tpu.memory_space<hbm>>
      tpu.enqueue_dma source(%arg14 : memref<128xi32, #tpu.memory_space<vmem>>) target(%dma_start3A_274 : memref<128xi32, #tpu.memory_space<hbm>>) target_semaphore(%run_scoped3A_268 : memref<!tpu.dma_semaphore, #tpu.memory_space<semaphore_mem>>)
      %dma_wait3A_275 = arith.constant 0 : i32
      %dma_wait3A_276 = tpu.memref_slice %arg7[%run_scoped3A_191, %add3A, %dma_wait3A_275] : memref<10x32x128xi32, #tpu.memory_space<hbm>> -> memref<1x1x128xi32, #tpu.memory_space<hbm>>
      %dma_wait3A_277 = tpu.memref_squeeze %dma_wait3A_276 : memref<1x1x128xi32, #tpu.memory_space<hbm>> -> memref<128xi32, #tpu.memory_space<hbm>>
      %dma_wait3A_278 = arith.constant 0 : i32
      %dma_wait3A_279 = tpu.memref_slice %arg7[%run_scoped3A_191, %add3A, %dma_wait3A_278] : memref<10x32x128xi32, #tpu.memory_space<hbm>> -> memref<1x1x128xi32, #tpu.memory_space<hbm>>
      %dma_wait3A_280 = tpu.memref_squeeze %dma_wait3A_279 : memref<1x1x128xi32, #tpu.memory_space<hbm>> -> memref<128xi32, #tpu.memory_space<hbm>>
      tpu.wait_dma2 semaphore(%run_scoped3A_268 : memref<!tpu.dma_semaphore, #tpu.memory_space<semaphore_mem>>) src(%arg14 : memref<128xi32, #tpu.memory_space<vmem>>) dst(%dma_wait3A_280 : memref<128xi32, #tpu.memory_space<hbm>>)
      tpu.yield
    }) : () -> ()
    %dma_start3A_192 = arith.constant 64 : i32
    %dma_start3A_193 = tpu.memref_slice %arg8[%dma_start3A_192] : memref<80xi32, #tpu.memory_space<vmem>> -> memref<8xi32, #tpu.memory_space<vmem>>
    %dma_start3A_194 = arith.constant 0 : i32
    %dma_start3A_195 = arith.constant 0 : i32
    %dma_start3A_196 = tpu.memref_slice %arg2[%dma_start3A_194, %dma_start3A_195] : memref<20480x2048xf32, #tpu.memory_space<hbm>> -> memref<20480x2048xf32, #tpu.memory_space<hbm>>
    tpu.enqueue_indirect_dma source(%dma_start3A_196 : memref<20480x2048xf32, #tpu.memory_space<hbm>>) target(%arg11 : memref<8x2048xf32, #tpu.memory_space<vmem>>) offsets(%dma_start3A_193 : memref<8xi32, #tpu.memory_space<vmem>>) semaphore(%arg15 : memref<!tpu.dma_semaphore, #tpu.memory_space<semaphore_mem>>)
    %dma_wait3A_197 = arith.constant 56 : i32
    %dma_wait3A_198 = tpu.memref_slice %arg8[%dma_wait3A_197] : memref<80xi32, #tpu.memory_space<vmem>> -> memref<8xi32, #tpu.memory_space<vmem>>
    %dma_wait3A_199 = arith.constant 0 : i32
    %dma_wait3A_200 = arith.constant 0 : i32
    %dma_wait3A_201 = tpu.memref_slice %arg2[%dma_wait3A_199, %dma_wait3A_200] : memref<20480x2048xf32, #tpu.memory_space<hbm>> -> memref<20480x2048xf32, #tpu.memory_space<hbm>>
    tpu.wait_indirect_dma semaphore(%arg16 : memref<!tpu.dma_semaphore, #tpu.memory_space<semaphore_mem>>) src(%dma_wait3A_201 : memref<20480x2048xf32, #tpu.memory_space<hbm>>) dst(%arg12 : memref<8x2048xf32, #tpu.memory_space<vmem>>)
    %get3A_202 = arith.constant 112 : index
    %get3A_203 = tpu.vector_load %arg10[%get3A_202] {strides = array<i32>} : memref<160xf32, #tpu.memory_space<vmem>>, vector<16xf32>,
    %scan3A_204 = arith.constant 0 : i32
    %scan3A_205 = arith.constant 0 : i32
    %scan3A_206 = arith.constant 8 : i32
    %scan3A_207 = arith.addi %scan3A_205, %scan3A_206 : i32
    %scan3A_208 = arith.constant 1 : i32
    %scan3A_209 = scf.for %scan3A_268 = %scan3A_205 to %scan3A_207 step %scan3A_208 iter_args(%scan3A_269 = %scan3A_204) -> (i32)  : i32 {
      %mul3A_270 = arith.constant 16 : i32
      %mul3A_271 = arith.muli %scan3A_268, %mul3A_270 : i32
      %swap3A = arith.index_cast %mul3A_271 : i32 to index
      %swap3A_272 = tpu.vector_load %arg13[%swap3A] {strides = array<i32>} : memref<128xf32, #tpu.memory_space<vmem>>, vector<16xf32>,
      tpu.vector_store %arg13[%swap3A], %broadcast_in_dim3A_1 {strides = array<i32>} : memref<128xf32, #tpu.memory_space<vmem>>, vector<16xf32>,
      %mul3A_273 = arith.constant 16 : i32
      %mul3A_274 = arith.muli %scan3A_268, %mul3A_273 : i32
      %swap3A_275 = arith.index_cast %mul3A_274 : i32 to index
      %swap3A_276 = tpu.vector_load %arg14[%swap3A_275] {strides = array<i32>} : memref<128xi32, #tpu.memory_space<vmem>>, vector<16xi32>,
      tpu.vector_store %arg14[%swap3A_275], %broadcast_in_dim3A_3 {strides = array<i32>} : memref<128xi32, #tpu.memory_space<vmem>>, vector<16xi32>,
      %scan3A_277 = arith.constant 0 : i32
      scf.yield %scan3A_277 : i32
    }
    %scan3A_210 = arith.constant 8 : i32
    %broadcast_in_dim3A_211 = arith.constant 0 : i32
    %broadcast_in_dim3A_212 = vector.broadcast %broadcast_in_dim3A_211 : i32 to vector<16xi32>
    %parallel_loop3A_213 = arith.constant 0 : i32
    %parallel_loop3A_214 = arith.constant 1024 : i32
    %parallel_loop3A_215 = arith.constant 2 : i32
    %parallel_loop3A_216 = scf.for %parallel_loop3A_268 = %parallel_loop3A_213 to %parallel_loop3A_214 step %parallel_loop3A_215 iter_args(%parallel_loop3A_269 = %broadcast_in_dim3A_212) -> (vector<16xi32>)  : i32 {
      %parallel_loop3A_270 = arith.constant 128 : i32
      %parallel_loop3A_271 = arith.divsi %parallel_loop3A_268, %parallel_loop3A_270 : i32
      %parallel_loop3A_272 = arith.constant 0 : i32
      %parallel_loop3A_273 = arith.cmpi sgt, %parallel_loop3A_268, %parallel_loop3A_272 : i32
      %parallel_loop3A_274 = arith.extui %parallel_loop3A_273 : i1 to i32
      %parallel_loop3A_275 = arith.constant 0 : i32
      %parallel_loop3A_276 = arith.cmpi slt, %parallel_loop3A_268, %parallel_loop3A_275 : i32
      %parallel_loop3A_277 = arith.extui %parallel_loop3A_276 : i1 to i32
      %parallel_loop3A_278 = arith.subi %parallel_loop3A_274, %parallel_loop3A_277 : i32
      %parallel_loop3A_279 = arith.constant 0 : i32
      %parallel_loop3A_280 = arith.cmpi sgt, %parallel_loop3A_270, %parallel_loop3A_279 : i32
      %parallel_loop3A_281 = arith.extui %parallel_loop3A_280 : i1 to i32
      %parallel_loop3A_282 = arith.constant 0 : i32
      %parallel_loop3A_283 = arith.cmpi slt, %parallel_loop3A_270, %parallel_loop3A_282 : i32
      %parallel_loop3A_284 = arith.extui %parallel_loop3A_283 : i1 to i32
      %parallel_loop3A_285 = arith.subi %parallel_loop3A_281, %parallel_loop3A_284 : i32
      %parallel_loop3A_286 = arith.cmpi ne, %parallel_loop3A_278, %parallel_loop3A_285 : i32
      %parallel_loop3A_287 = arith.remsi %parallel_loop3A_268, %parallel_loop3A_270 : i32
      %parallel_loop3A_288 = arith.constant 0 : i32
      %parallel_loop3A_289 = arith.cmpi ne, %parallel_loop3A_287, %parallel_loop3A_288 : i32
      %parallel_loop3A_290 = arith.andi %parallel_loop3A_286, %parallel_loop3A_289 : i1
      %parallel_loop3A_291 = arith.constant 1 : i32
      %parallel_loop3A_292 = arith.subi %parallel_loop3A_271, %parallel_loop3A_291 : i32
      %parallel_loop3A_293 = arith.select %parallel_loop3A_290, %parallel_loop3A_292, %parallel_loop3A_271 : i32
      %parallel_loop3A_294 = arith.constant 128 : i32
      %parallel_loop3A_295 = arith.muli %parallel_loop3A_293, %parallel_loop3A_294 : i32
      %parallel_loop3A_296 = arith.subi %parallel_loop3A_268, %parallel_loop3A_295 : i32
      %parallel_loop3A_297 = arith.constant 56 : i32
      %parallel_loop3A_298 = arith.addi %parallel_loop3A_297, %parallel_loop3A_293 : i32
      %parallel_loop3A_299 = arith.constant 16 : i32
      %parallel_loop3A_300 = arith.muli %parallel_loop3A_298, %parallel_loop3A_299 : i32
      %parallel_loop3A_301 = arith.index_cast %parallel_loop3A_300 : i32 to index
      %parallel_loop3A_302 = tpu.vector_load %arg9[%parallel_loop3A_301] {strides = array<i32>} : memref<1280xi32, #tpu.memory_space<vmem>>, vector<16xi32>,
      %parallel_loop3A_303 = arith.constant 0 : i32
      %parallel_loop3A_304 = arith.addi %parallel_loop3A_296, %parallel_loop3A_303 : i32
      %parallel_loop3A_305 = arith.constant 16 : i32
      %parallel_loop3A_306 = arith.muli %parallel_loop3A_304, %parallel_loop3A_305 : i32
      %parallel_loop3A_307 = arith.index_cast %parallel_loop3A_293 : i32 to index
      %parallel_loop3A_308 = arith.index_cast %parallel_loop3A_306 : i32 to index
      %parallel_loop3A_309 = tpu.vector_load %arg12[%parallel_loop3A_307, %parallel_loop3A_308] {strides = array<i32>} : memref<8x2048xf32, #tpu.memory_space<vmem>>, vector<16xf32>,
      %parallel_loop3A_310 = arith.cmpf oge, %parallel_loop3A_309, %get3A_203 : vector<16xf32>
      %parallel_loop3A_311 = arith.extui %parallel_loop3A_310 : vector<16xi1> to vector<16xi32>
      %parallel_loop3A_312 = arith.constant true
      %parallel_loop3A_313 = vector.broadcast %parallel_loop3A_312 : i1 to vector<16xi1>
      %parallel_loop3A_314 = tpu.scan <sum>, %parallel_loop3A_311 masked %parallel_loop3A_313 : vector<16xi32>, vector<16xi1> -> vector<16xi32>
      %parallel_loop3A_315 = arith.addi %parallel_loop3A_269, %parallel_loop3A_314 : vector<16xi32>
      %parallel_loop3A_316 = arith.constant 1 : i32
      %parallel_loop3A_317 = vector.broadcast %parallel_loop3A_316 : i32 to vector<16xi32>
      %parallel_loop3A_318 = arith.subi %parallel_loop3A_315, %parallel_loop3A_317 : vector<16xi32>
      %parallel_loop3A_319 = arith.constant 127 : i32
      %parallel_loop3A_320 = vector.broadcast %parallel_loop3A_319 : i32 to vector<16xi32>
      %parallel_loop3A_321 = arith.minsi %parallel_loop3A_318, %parallel_loop3A_320 : vector<16xi32>
      tpu.vector_store_idx %arg13[%parallel_loop3A_321], %parallel_loop3A_309 masked %parallel_loop3A_310 : memref<128xf32, #tpu.memory_space<vmem>>[vector<16xi32>], vector<16xf32>, vector<16xi1>
      %parallel_loop3A_322 = arith.constant 0 : i32
      %parallel_loop3A_323 = arith.addi %parallel_loop3A_296, %parallel_loop3A_322 : i32
      %parallel_loop3A_324 = arith.constant 16 : i32
      %parallel_loop3A_325 = arith.muli %parallel_loop3A_323, %parallel_loop3A_324 : i32
      %parallel_loop3A_326 = vector.broadcast %parallel_loop3A_325 : i32 to vector<16xi32>
      %parallel_loop3A_327 = arith.addi %parallel_loop3A_302, %parallel_loop3A_326 : vector<16xi32>
      %parallel_loop3A_328 = arith.addi %parallel_loop3A_327, %iota3A : vector<16xi32>
      tpu.vector_store_idx %arg14[%parallel_loop3A_321], %parallel_loop3A_328 masked %parallel_loop3A_310 : memref<128xi32, #tpu.memory_space<vmem>>[vector<16xi32>], vector<16xi32>, vector<16xi1>
      %parallel_loop3A_329 = tpu.all_reduce %parallel_loop3A_310 {dim = 0 : i64, kind = #tpu.reduction_kind<sum>} : vector<16xi1> -> vector<16xi32>
      %parallel_loop3A_330 = arith.addi %parallel_loop3A_269, %parallel_loop3A_329 : vector<16xi32>
      %parallel_loop3A_331 = arith.constant 1 : i32
      %parallel_loop3A_332 = arith.addi %parallel_loop3A_296, %parallel_loop3A_331 : i32
      %parallel_loop3A_333 = arith.constant 16 : i32
      %parallel_loop3A_334 = arith.muli %parallel_loop3A_332, %parallel_loop3A_333 : i32
      %parallel_loop3A_335 = arith.index_cast %parallel_loop3A_293 : i32 to index
      %parallel_loop3A_336 = arith.index_cast %parallel_loop3A_334 : i32 to index
      %parallel_loop3A_337 = tpu.vector_load %arg12[%parallel_loop3A_335, %parallel_loop3A_336] {strides = array<i32>} : memref<8x2048xf32, #tpu.memory_space<vmem>>, vector<16xf32>,
      %parallel_loop3A_338 = arith.cmpf oge, %parallel_loop3A_337, %get3A_203 : vector<16xf32>
      %parallel_loop3A_339 = arith.extui %parallel_loop3A_338 : vector<16xi1> to vector<16xi32>
      %parallel_loop3A_340 = arith.constant true
      %parallel_loop3A_341 = vector.broadcast %parallel_loop3A_340 : i1 to vector<16xi1>
      %parallel_loop3A_342 = tpu.scan <sum>, %parallel_loop3A_339 masked %parallel_loop3A_341 : vector<16xi32>, vector<16xi1> -> vector<16xi32>
      %parallel_loop3A_343 = arith.addi %parallel_loop3A_330, %parallel_loop3A_342 : vector<16xi32>
      %parallel_loop3A_344 = arith.constant 1 : i32
      %parallel_loop3A_345 = vector.broadcast %parallel_loop3A_344 : i32 to vector<16xi32>
      %parallel_loop3A_346 = arith.subi %parallel_loop3A_343, %parallel_loop3A_345 : vector<16xi32>
      %parallel_loop3A_347 = arith.constant 127 : i32
      %parallel_loop3A_348 = vector.broadcast %parallel_loop3A_347 : i32 to vector<16xi32>
      %parallel_loop3A_349 = arith.minsi %parallel_loop3A_346, %parallel_loop3A_348 : vector<16xi32>
      tpu.vector_store_idx %arg13[%parallel_loop3A_349], %parallel_loop3A_337 masked %parallel_loop3A_338 : memref<128xf32, #tpu.memory_space<vmem>>[vector<16xi32>], vector<16xf32>, vector<16xi1>
      %parallel_loop3A_350 = arith.constant 1 : i32
      %parallel_loop3A_351 = arith.addi %parallel_loop3A_296, %parallel_loop3A_350 : i32
      %parallel_loop3A_352 = arith.constant 16 : i32
      %parallel_loop3A_353 = arith.muli %parallel_loop3A_351, %parallel_loop3A_352 : i32
      %parallel_loop3A_354 = vector.broadcast %parallel_loop3A_353 : i32 to vector<16xi32>
      %parallel_loop3A_355 = arith.addi %parallel_loop3A_302, %parallel_loop3A_354 : vector<16xi32>
      %parallel_loop3A_356 = arith.addi %parallel_loop3A_355, %iota3A : vector<16xi32>
      tpu.vector_store_idx %arg14[%parallel_loop3A_349], %parallel_loop3A_356 masked %parallel_loop3A_338 : memref<128xi32, #tpu.memory_space<vmem>>[vector<16xi32>], vector<16xi32>, vector<16xi1>
      %parallel_loop3A_357 = tpu.all_reduce %parallel_loop3A_338 {dim = 0 : i64, kind = #tpu.reduction_kind<sum>} : vector<16xi1> -> vector<16xi32>
      %parallel_loop3A_358 = arith.addi %parallel_loop3A_330, %parallel_loop3A_357 : vector<16xi32>
      scf.yield %parallel_loop3A_358 : vector<16xi32>
    } {sc.loop_unroll_factor = 2 : i64, sc.parallel_access}
    %run_scoped3A_217 = arith.constant 7 : i32
    "tpu.region"() ({
      %run_scoped3A_268 = tpu.sem_alloc : memref<!tpu.dma_semaphore, #tpu.memory_space<semaphore_mem>>
      %dma_start3A_269 = arith.constant 0 : i32
      %dma_start3A_270 = tpu.memref_slice %arg6[%run_scoped3A_217, %add3A, %dma_start3A_269] : memref<10x32x128xf32, #tpu.memory_space<hbm>> -> memref<1x1x128xf32, #tpu.memory_space<hbm>>
      %dma_start3A_271 = tpu.memref_squeeze %dma_start3A_270 : memref<1x1x128xf32, #tpu.memory_space<hbm>> -> memref<128xf32, #tpu.memory_space<hbm>>
      %dma_start3A_272 = arith.constant 0 : i32
      %dma_start3A_273 = tpu.memref_slice %arg6[%run_scoped3A_217, %add3A, %dma_start3A_272] : memref<10x32x128xf32, #tpu.memory_space<hbm>> -> memref<1x1x128xf32, #tpu.memory_space<hbm>>
      %dma_start3A_274 = tpu.memref_squeeze %dma_start3A_273 : memref<1x1x128xf32, #tpu.memory_space<hbm>> -> memref<128xf32, #tpu.memory_space<hbm>>
      tpu.enqueue_dma source(%arg13 : memref<128xf32, #tpu.memory_space<vmem>>) target(%dma_start3A_274 : memref<128xf32, #tpu.memory_space<hbm>>) target_semaphore(%run_scoped3A_268 : memref<!tpu.dma_semaphore, #tpu.memory_space<semaphore_mem>>)
      %dma_wait3A_275 = arith.constant 0 : i32
      %dma_wait3A_276 = tpu.memref_slice %arg6[%run_scoped3A_217, %add3A, %dma_wait3A_275] : memref<10x32x128xf32, #tpu.memory_space<hbm>> -> memref<1x1x128xf32, #tpu.memory_space<hbm>>
      %dma_wait3A_277 = tpu.memref_squeeze %dma_wait3A_276 : memref<1x1x128xf32, #tpu.memory_space<hbm>> -> memref<128xf32, #tpu.memory_space<hbm>>
      %dma_wait3A_278 = arith.constant 0 : i32
      %dma_wait3A_279 = tpu.memref_slice %arg6[%run_scoped3A_217, %add3A, %dma_wait3A_278] : memref<10x32x128xf32, #tpu.memory_space<hbm>> -> memref<1x1x128xf32, #tpu.memory_space<hbm>>
      %dma_wait3A_280 = tpu.memref_squeeze %dma_wait3A_279 : memref<1x1x128xf32, #tpu.memory_space<hbm>> -> memref<128xf32, #tpu.memory_space<hbm>>
      tpu.wait_dma2 semaphore(%run_scoped3A_268 : memref<!tpu.dma_semaphore, #tpu.memory_space<semaphore_mem>>) src(%arg13 : memref<128xf32, #tpu.memory_space<vmem>>) dst(%dma_wait3A_280 : memref<128xf32, #tpu.memory_space<hbm>>)
      tpu.yield
    }) : () -> ()
    %run_scoped3A_218 = arith.constant 7 : i32
    "tpu.region"() ({
      %run_scoped3A_268 = tpu.sem_alloc : memref<!tpu.dma_semaphore, #tpu.memory_space<semaphore_mem>>
      %dma_start3A_269 = arith.constant 0 : i32
      %dma_start3A_270 = tpu.memref_slice %arg7[%run_scoped3A_218, %add3A, %dma_start3A_269] : memref<10x32x128xi32, #tpu.memory_space<hbm>> -> memref<1x1x128xi32, #tpu.memory_space<hbm>>
      %dma_start3A_271 = tpu.memref_squeeze %dma_start3A_270 : memref<1x1x128xi32, #tpu.memory_space<hbm>> -> memref<128xi32, #tpu.memory_space<hbm>>
      %dma_start3A_272 = arith.constant 0 : i32
      %dma_start3A_273 = tpu.memref_slice %arg7[%run_scoped3A_218, %add3A, %dma_start3A_272] : memref<10x32x128xi32, #tpu.memory_space<hbm>> -> memref<1x1x128xi32, #tpu.memory_space<hbm>>
      %dma_start3A_274 = tpu.memref_squeeze %dma_start3A_273 : memref<1x1x128xi32, #tpu.memory_space<hbm>> -> memref<128xi32, #tpu.memory_space<hbm>>
      tpu.enqueue_dma source(%arg14 : memref<128xi32, #tpu.memory_space<vmem>>) target(%dma_start3A_274 : memref<128xi32, #tpu.memory_space<hbm>>) target_semaphore(%run_scoped3A_268 : memref<!tpu.dma_semaphore, #tpu.memory_space<semaphore_mem>>)
      %dma_wait3A_275 = arith.constant 0 : i32
      %dma_wait3A_276 = tpu.memref_slice %arg7[%run_scoped3A_218, %add3A, %dma_wait3A_275] : memref<10x32x128xi32, #tpu.memory_space<hbm>> -> memref<1x1x128xi32, #tpu.memory_space<hbm>>
      %dma_wait3A_277 = tpu.memref_squeeze %dma_wait3A_276 : memref<1x1x128xi32, #tpu.memory_space<hbm>> -> memref<128xi32, #tpu.memory_space<hbm>>
      %dma_wait3A_278 = arith.constant 0 : i32
      %dma_wait3A_279 = tpu.memref_slice %arg7[%run_scoped3A_218, %add3A, %dma_wait3A_278] : memref<10x32x128xi32, #tpu.memory_space<hbm>> -> memref<1x1x128xi32, #tpu.memory_space<hbm>>
      %dma_wait3A_280 = tpu.memref_squeeze %dma_wait3A_279 : memref<1x1x128xi32, #tpu.memory_space<hbm>> -> memref<128xi32, #tpu.memory_space<hbm>>
      tpu.wait_dma2 semaphore(%run_scoped3A_268 : memref<!tpu.dma_semaphore, #tpu.memory_space<semaphore_mem>>) src(%arg14 : memref<128xi32, #tpu.memory_space<vmem>>) dst(%dma_wait3A_280 : memref<128xi32, #tpu.memory_space<hbm>>)
      tpu.yield
    }) : () -> ()
    %dma_start3A_219 = arith.constant 72 : i32
    %dma_start3A_220 = tpu.memref_slice %arg8[%dma_start3A_219] : memref<80xi32, #tpu.memory_space<vmem>> -> memref<8xi32, #tpu.memory_space<vmem>>
    %dma_start3A_221 = arith.constant 0 : i32
    %dma_start3A_222 = arith.constant 0 : i32
    %dma_start3A_223 = tpu.memref_slice %arg2[%dma_start3A_221, %dma_start3A_222] : memref<20480x2048xf32, #tpu.memory_space<hbm>> -> memref<20480x2048xf32, #tpu.memory_space<hbm>>
    tpu.enqueue_indirect_dma source(%dma_start3A_223 : memref<20480x2048xf32, #tpu.memory_space<hbm>>) target(%arg12 : memref<8x2048xf32, #tpu.memory_space<vmem>>) offsets(%dma_start3A_220 : memref<8xi32, #tpu.memory_space<vmem>>) semaphore(%arg16 : memref<!tpu.dma_semaphore, #tpu.memory_space<semaphore_mem>>)
    %dma_wait3A_224 = arith.constant 64 : i32
    %dma_wait3A_225 = tpu.memref_slice %arg8[%dma_wait3A_224] : memref<80xi32, #tpu.memory_space<vmem>> -> memref<8xi32, #tpu.memory_space<vmem>>
    %dma_wait3A_226 = arith.constant 0 : i32
    %dma_wait3A_227 = arith.constant 0 : i32
    %dma_wait3A_228 = tpu.memref_slice %arg2[%dma_wait3A_226, %dma_wait3A_227] : memref<20480x2048xf32, #tpu.memory_space<hbm>> -> memref<20480x2048xf32, #tpu.memory_space<hbm>>
    tpu.wait_indirect_dma semaphore(%arg15 : memref<!tpu.dma_semaphore, #tpu.memory_space<semaphore_mem>>) src(%dma_wait3A_228 : memref<20480x2048xf32, #tpu.memory_space<hbm>>) dst(%arg11 : memref<8x2048xf32, #tpu.memory_space<vmem>>)
    %get3A_229 = arith.constant 128 : index
    %get3A_230 = tpu.vector_load %arg10[%get3A_229] {strides = array<i32>} : memref<160xf32, #tpu.memory_space<vmem>>, vector<16xf32>,
    %scan3A_231 = arith.constant 0 : i32
    %scan3A_232 = arith.constant 0 : i32
    %scan3A_233 = arith.constant 8 : i32
    %scan3A_234 = arith.addi %scan3A_232, %scan3A_233 : i32
    %scan3A_235 = arith.constant 1 : i32
    %scan3A_236 = scf.for %scan3A_268 = %scan3A_232 to %scan3A_234 step %scan3A_235 iter_args(%scan3A_269 = %scan3A_231) -> (i32)  : i32 {
      %mul3A_270 = arith.constant 16 : i32
      %mul3A_271 = arith.muli %scan3A_268, %mul3A_270 : i32
      %swap3A = arith.index_cast %mul3A_271 : i32 to index
      %swap3A_272 = tpu.vector_load %arg13[%swap3A] {strides = array<i32>} : memref<128xf32, #tpu.memory_space<vmem>>, vector<16xf32>,
      tpu.vector_store %arg13[%swap3A], %broadcast_in_dim3A_1 {strides = array<i32>} : memref<128xf32, #tpu.memory_space<vmem>>, vector<16xf32>,
      %mul3A_273 = arith.constant 16 : i32
      %mul3A_274 = arith.muli %scan3A_268, %mul3A_273 : i32
      %swap3A_275 = arith.index_cast %mul3A_274 : i32 to index
      %swap3A_276 = tpu.vector_load %arg14[%swap3A_275] {strides = array<i32>} : memref<128xi32, #tpu.memory_space<vmem>>, vector<16xi32>,
      tpu.vector_store %arg14[%swap3A_275], %broadcast_in_dim3A_3 {strides = array<i32>} : memref<128xi32, #tpu.memory_space<vmem>>, vector<16xi32>,
      %scan3A_277 = arith.constant 0 : i32
      scf.yield %scan3A_277 : i32
    }
    %scan3A_237 = arith.constant 8 : i32
    %broadcast_in_dim3A_238 = arith.constant 0 : i32
    %broadcast_in_dim3A_239 = vector.broadcast %broadcast_in_dim3A_238 : i32 to vector<16xi32>
    %parallel_loop3A_240 = arith.constant 0 : i32
    %parallel_loop3A_241 = arith.constant 1024 : i32
    %parallel_loop3A_242 = arith.constant 2 : i32
    %parallel_loop3A_243 = scf.for %parallel_loop3A_268 = %parallel_loop3A_240 to %parallel_loop3A_241 step %parallel_loop3A_242 iter_args(%parallel_loop3A_269 = %broadcast_in_dim3A_239) -> (vector<16xi32>)  : i32 {
      %parallel_loop3A_270 = arith.constant 128 : i32
      %parallel_loop3A_271 = arith.divsi %parallel_loop3A_268, %parallel_loop3A_270 : i32
      %parallel_loop3A_272 = arith.constant 0 : i32
      %parallel_loop3A_273 = arith.cmpi sgt, %parallel_loop3A_268, %parallel_loop3A_272 : i32
      %parallel_loop3A_274 = arith.extui %parallel_loop3A_273 : i1 to i32
      %parallel_loop3A_275 = arith.constant 0 : i32
      %parallel_loop3A_276 = arith.cmpi slt, %parallel_loop3A_268, %parallel_loop3A_275 : i32
      %parallel_loop3A_277 = arith.extui %parallel_loop3A_276 : i1 to i32
      %parallel_loop3A_278 = arith.subi %parallel_loop3A_274, %parallel_loop3A_277 : i32
      %parallel_loop3A_279 = arith.constant 0 : i32
      %parallel_loop3A_280 = arith.cmpi sgt, %parallel_loop3A_270, %parallel_loop3A_279 : i32
      %parallel_loop3A_281 = arith.extui %parallel_loop3A_280 : i1 to i32
      %parallel_loop3A_282 = arith.constant 0 : i32
      %parallel_loop3A_283 = arith.cmpi slt, %parallel_loop3A_270, %parallel_loop3A_282 : i32
      %parallel_loop3A_284 = arith.extui %parallel_loop3A_283 : i1 to i32
      %parallel_loop3A_285 = arith.subi %parallel_loop3A_281, %parallel_loop3A_284 : i32
      %parallel_loop3A_286 = arith.cmpi ne, %parallel_loop3A_278, %parallel_loop3A_285 : i32
      %parallel_loop3A_287 = arith.remsi %parallel_loop3A_268, %parallel_loop3A_270 : i32
      %parallel_loop3A_288 = arith.constant 0 : i32
      %parallel_loop3A_289 = arith.cmpi ne, %parallel_loop3A_287, %parallel_loop3A_288 : i32
      %parallel_loop3A_290 = arith.andi %parallel_loop3A_286, %parallel_loop3A_289 : i1
      %parallel_loop3A_291 = arith.constant 1 : i32
      %parallel_loop3A_292 = arith.subi %parallel_loop3A_271, %parallel_loop3A_291 : i32
      %parallel_loop3A_293 = arith.select %parallel_loop3A_290, %parallel_loop3A_292, %parallel_loop3A_271 : i32
      %parallel_loop3A_294 = arith.constant 128 : i32
      %parallel_loop3A_295 = arith.muli %parallel_loop3A_293, %parallel_loop3A_294 : i32
      %parallel_loop3A_296 = arith.subi %parallel_loop3A_268, %parallel_loop3A_295 : i32
      %parallel_loop3A_297 = arith.constant 64 : i32
      %parallel_loop3A_298 = arith.addi %parallel_loop3A_297, %parallel_loop3A_293 : i32
      %parallel_loop3A_299 = arith.constant 16 : i32
      %parallel_loop3A_300 = arith.muli %parallel_loop3A_298, %parallel_loop3A_299 : i32
      %parallel_loop3A_301 = arith.index_cast %parallel_loop3A_300 : i32 to index
      %parallel_loop3A_302 = tpu.vector_load %arg9[%parallel_loop3A_301] {strides = array<i32>} : memref<1280xi32, #tpu.memory_space<vmem>>, vector<16xi32>,
      %parallel_loop3A_303 = arith.constant 0 : i32
      %parallel_loop3A_304 = arith.addi %parallel_loop3A_296, %parallel_loop3A_303 : i32
      %parallel_loop3A_305 = arith.constant 16 : i32
      %parallel_loop3A_306 = arith.muli %parallel_loop3A_304, %parallel_loop3A_305 : i32
      %parallel_loop3A_307 = arith.index_cast %parallel_loop3A_293 : i32 to index
      %parallel_loop3A_308 = arith.index_cast %parallel_loop3A_306 : i32 to index
      %parallel_loop3A_309 = tpu.vector_load %arg11[%parallel_loop3A_307, %parallel_loop3A_308] {strides = array<i32>} : memref<8x2048xf32, #tpu.memory_space<vmem>>, vector<16xf32>,
      %parallel_loop3A_310 = arith.cmpf oge, %parallel_loop3A_309, %get3A_230 : vector<16xf32>
      %parallel_loop3A_311 = arith.extui %parallel_loop3A_310 : vector<16xi1> to vector<16xi32>
      %parallel_loop3A_312 = arith.constant true
      %parallel_loop3A_313 = vector.broadcast %parallel_loop3A_312 : i1 to vector<16xi1>
      %parallel_loop3A_314 = tpu.scan <sum>, %parallel_loop3A_311 masked %parallel_loop3A_313 : vector<16xi32>, vector<16xi1> -> vector<16xi32>
      %parallel_loop3A_315 = arith.addi %parallel_loop3A_269, %parallel_loop3A_314 : vector<16xi32>
      %parallel_loop3A_316 = arith.constant 1 : i32
      %parallel_loop3A_317 = vector.broadcast %parallel_loop3A_316 : i32 to vector<16xi32>
      %parallel_loop3A_318 = arith.subi %parallel_loop3A_315, %parallel_loop3A_317 : vector<16xi32>
      %parallel_loop3A_319 = arith.constant 127 : i32
      %parallel_loop3A_320 = vector.broadcast %parallel_loop3A_319 : i32 to vector<16xi32>
      %parallel_loop3A_321 = arith.minsi %parallel_loop3A_318, %parallel_loop3A_320 : vector<16xi32>
      tpu.vector_store_idx %arg13[%parallel_loop3A_321], %parallel_loop3A_309 masked %parallel_loop3A_310 : memref<128xf32, #tpu.memory_space<vmem>>[vector<16xi32>], vector<16xf32>, vector<16xi1>
      %parallel_loop3A_322 = arith.constant 0 : i32
      %parallel_loop3A_323 = arith.addi %parallel_loop3A_296, %parallel_loop3A_322 : i32
      %parallel_loop3A_324 = arith.constant 16 : i32
      %parallel_loop3A_325 = arith.muli %parallel_loop3A_323, %parallel_loop3A_324 : i32
      %parallel_loop3A_326 = vector.broadcast %parallel_loop3A_325 : i32 to vector<16xi32>
      %parallel_loop3A_327 = arith.addi %parallel_loop3A_302, %parallel_loop3A_326 : vector<16xi32>
      %parallel_loop3A_328 = arith.addi %parallel_loop3A_327, %iota3A : vector<16xi32>
      tpu.vector_store_idx %arg14[%parallel_loop3A_321], %parallel_loop3A_328 masked %parallel_loop3A_310 : memref<128xi32, #tpu.memory_space<vmem>>[vector<16xi32>], vector<16xi32>, vector<16xi1>
      %parallel_loop3A_329 = tpu.all_reduce %parallel_loop3A_310 {dim = 0 : i64, kind = #tpu.reduction_kind<sum>} : vector<16xi1> -> vector<16xi32>
      %parallel_loop3A_330 = arith.addi %parallel_loop3A_269, %parallel_loop3A_329 : vector<16xi32>
      %parallel_loop3A_331 = arith.constant 1 : i32
      %parallel_loop3A_332 = arith.addi %parallel_loop3A_296, %parallel_loop3A_331 : i32
      %parallel_loop3A_333 = arith.constant 16 : i32
      %parallel_loop3A_334 = arith.muli %parallel_loop3A_332, %parallel_loop3A_333 : i32
      %parallel_loop3A_335 = arith.index_cast %parallel_loop3A_293 : i32 to index
      %parallel_loop3A_336 = arith.index_cast %parallel_loop3A_334 : i32 to index
      %parallel_loop3A_337 = tpu.vector_load %arg11[%parallel_loop3A_335, %parallel_loop3A_336] {strides = array<i32>} : memref<8x2048xf32, #tpu.memory_space<vmem>>, vector<16xf32>,
      %parallel_loop3A_338 = arith.cmpf oge, %parallel_loop3A_337, %get3A_230 : vector<16xf32>
      %parallel_loop3A_339 = arith.extui %parallel_loop3A_338 : vector<16xi1> to vector<16xi32>
      %parallel_loop3A_340 = arith.constant true
      %parallel_loop3A_341 = vector.broadcast %parallel_loop3A_340 : i1 to vector<16xi1>
      %parallel_loop3A_342 = tpu.scan <sum>, %parallel_loop3A_339 masked %parallel_loop3A_341 : vector<16xi32>, vector<16xi1> -> vector<16xi32>
      %parallel_loop3A_343 = arith.addi %parallel_loop3A_330, %parallel_loop3A_342 : vector<16xi32>
      %parallel_loop3A_344 = arith.constant 1 : i32
      %parallel_loop3A_345 = vector.broadcast %parallel_loop3A_344 : i32 to vector<16xi32>
      %parallel_loop3A_346 = arith.subi %parallel_loop3A_343, %parallel_loop3A_345 : vector<16xi32>
      %parallel_loop3A_347 = arith.constant 127 : i32
      %parallel_loop3A_348 = vector.broadcast %parallel_loop3A_347 : i32 to vector<16xi32>
      %parallel_loop3A_349 = arith.minsi %parallel_loop3A_346, %parallel_loop3A_348 : vector<16xi32>
      tpu.vector_store_idx %arg13[%parallel_loop3A_349], %parallel_loop3A_337 masked %parallel_loop3A_338 : memref<128xf32, #tpu.memory_space<vmem>>[vector<16xi32>], vector<16xf32>, vector<16xi1>
      %parallel_loop3A_350 = arith.constant 1 : i32
      %parallel_loop3A_351 = arith.addi %parallel_loop3A_296, %parallel_loop3A_350 : i32
      %parallel_loop3A_352 = arith.constant 16 : i32
      %parallel_loop3A_353 = arith.muli %parallel_loop3A_351, %parallel_loop3A_352 : i32
      %parallel_loop3A_354 = vector.broadcast %parallel_loop3A_353 : i32 to vector<16xi32>
      %parallel_loop3A_355 = arith.addi %parallel_loop3A_302, %parallel_loop3A_354 : vector<16xi32>
      %parallel_loop3A_356 = arith.addi %parallel_loop3A_355, %iota3A : vector<16xi32>
      tpu.vector_store_idx %arg14[%parallel_loop3A_349], %parallel_loop3A_356 masked %parallel_loop3A_338 : memref<128xi32, #tpu.memory_space<vmem>>[vector<16xi32>], vector<16xi32>, vector<16xi1>
      %parallel_loop3A_357 = tpu.all_reduce %parallel_loop3A_338 {dim = 0 : i64, kind = #tpu.reduction_kind<sum>} : vector<16xi1> -> vector<16xi32>
      %parallel_loop3A_358 = arith.addi %parallel_loop3A_330, %parallel_loop3A_357 : vector<16xi32>
      scf.yield %parallel_loop3A_358 : vector<16xi32>
    } {sc.loop_unroll_factor = 2 : i64, sc.parallel_access}
    %run_scoped3A_244 = arith.constant 8 : i32
    "tpu.region"() ({
      %run_scoped3A_268 = tpu.sem_alloc : memref<!tpu.dma_semaphore, #tpu.memory_space<semaphore_mem>>
      %dma_start3A_269 = arith.constant 0 : i32
      %dma_start3A_270 = tpu.memref_slice %arg6[%run_scoped3A_244, %add3A, %dma_start3A_269] : memref<10x32x128xf32, #tpu.memory_space<hbm>> -> memref<1x1x128xf32, #tpu.memory_space<hbm>>
      %dma_start3A_271 = tpu.memref_squeeze %dma_start3A_270 : memref<1x1x128xf32, #tpu.memory_space<hbm>> -> memref<128xf32, #tpu.memory_space<hbm>>
      %dma_start3A_272 = arith.constant 0 : i32
      %dma_start3A_273 = tpu.memref_slice %arg6[%run_scoped3A_244, %add3A, %dma_start3A_272] : memref<10x32x128xf32, #tpu.memory_space<hbm>> -> memref<1x1x128xf32, #tpu.memory_space<hbm>>
      %dma_start3A_274 = tpu.memref_squeeze %dma_start3A_273 : memref<1x1x128xf32, #tpu.memory_space<hbm>> -> memref<128xf32, #tpu.memory_space<hbm>>
      tpu.enqueue_dma source(%arg13 : memref<128xf32, #tpu.memory_space<vmem>>) target(%dma_start3A_274 : memref<128xf32, #tpu.memory_space<hbm>>) target_semaphore(%run_scoped3A_268 : memref<!tpu.dma_semaphore, #tpu.memory_space<semaphore_mem>>)
      %dma_wait3A_275 = arith.constant 0 : i32
      %dma_wait3A_276 = tpu.memref_slice %arg6[%run_scoped3A_244, %add3A, %dma_wait3A_275] : memref<10x32x128xf32, #tpu.memory_space<hbm>> -> memref<1x1x128xf32, #tpu.memory_space<hbm>>
      %dma_wait3A_277 = tpu.memref_squeeze %dma_wait3A_276 : memref<1x1x128xf32, #tpu.memory_space<hbm>> -> memref<128xf32, #tpu.memory_space<hbm>>
      %dma_wait3A_278 = arith.constant 0 : i32
      %dma_wait3A_279 = tpu.memref_slice %arg6[%run_scoped3A_244, %add3A, %dma_wait3A_278] : memref<10x32x128xf32, #tpu.memory_space<hbm>> -> memref<1x1x128xf32, #tpu.memory_space<hbm>>
      %dma_wait3A_280 = tpu.memref_squeeze %dma_wait3A_279 : memref<1x1x128xf32, #tpu.memory_space<hbm>> -> memref<128xf32, #tpu.memory_space<hbm>>
      tpu.wait_dma2 semaphore(%run_scoped3A_268 : memref<!tpu.dma_semaphore, #tpu.memory_space<semaphore_mem>>) src(%arg13 : memref<128xf32, #tpu.memory_space<vmem>>) dst(%dma_wait3A_280 : memref<128xf32, #tpu.memory_space<hbm>>)
      tpu.yield
    }) : () -> ()
    %run_scoped3A_245 = arith.constant 8 : i32
    "tpu.region"() ({
      %run_scoped3A_268 = tpu.sem_alloc : memref<!tpu.dma_semaphore, #tpu.memory_space<semaphore_mem>>
      %dma_start3A_269 = arith.constant 0 : i32
      %dma_start3A_270 = tpu.memref_slice %arg7[%run_scoped3A_245, %add3A, %dma_start3A_269] : memref<10x32x128xi32, #tpu.memory_space<hbm>> -> memref<1x1x128xi32, #tpu.memory_space<hbm>>
      %dma_start3A_271 = tpu.memref_squeeze %dma_start3A_270 : memref<1x1x128xi32, #tpu.memory_space<hbm>> -> memref<128xi32, #tpu.memory_space<hbm>>
      %dma_start3A_272 = arith.constant 0 : i32
      %dma_start3A_273 = tpu.memref_slice %arg7[%run_scoped3A_245, %add3A, %dma_start3A_272] : memref<10x32x128xi32, #tpu.memory_space<hbm>> -> memref<1x1x128xi32, #tpu.memory_space<hbm>>
      %dma_start3A_274 = tpu.memref_squeeze %dma_start3A_273 : memref<1x1x128xi32, #tpu.memory_space<hbm>> -> memref<128xi32, #tpu.memory_space<hbm>>
      tpu.enqueue_dma source(%arg14 : memref<128xi32, #tpu.memory_space<vmem>>) target(%dma_start3A_274 : memref<128xi32, #tpu.memory_space<hbm>>) target_semaphore(%run_scoped3A_268 : memref<!tpu.dma_semaphore, #tpu.memory_space<semaphore_mem>>)
      %dma_wait3A_275 = arith.constant 0 : i32
      %dma_wait3A_276 = tpu.memref_slice %arg7[%run_scoped3A_245, %add3A, %dma_wait3A_275] : memref<10x32x128xi32, #tpu.memory_space<hbm>> -> memref<1x1x128xi32, #tpu.memory_space<hbm>>
      %dma_wait3A_277 = tpu.memref_squeeze %dma_wait3A_276 : memref<1x1x128xi32, #tpu.memory_space<hbm>> -> memref<128xi32, #tpu.memory_space<hbm>>
      %dma_wait3A_278 = arith.constant 0 : i32
      %dma_wait3A_279 = tpu.memref_slice %arg7[%run_scoped3A_245, %add3A, %dma_wait3A_278] : memref<10x32x128xi32, #tpu.memory_space<hbm>> -> memref<1x1x128xi32, #tpu.memory_space<hbm>>
      %dma_wait3A_280 = tpu.memref_squeeze %dma_wait3A_279 : memref<1x1x128xi32, #tpu.memory_space<hbm>> -> memref<128xi32, #tpu.memory_space<hbm>>
      tpu.wait_dma2 semaphore(%run_scoped3A_268 : memref<!tpu.dma_semaphore, #tpu.memory_space<semaphore_mem>>) src(%arg14 : memref<128xi32, #tpu.memory_space<vmem>>) dst(%dma_wait3A_280 : memref<128xi32, #tpu.memory_space<hbm>>)
      tpu.yield
    }) : () -> ()
    %dma_wait3A_246 = arith.constant 72 : i32
    %dma_wait3A_247 = tpu.memref_slice %arg8[%dma_wait3A_246] : memref<80xi32, #tpu.memory_space<vmem>> -> memref<8xi32, #tpu.memory_space<vmem>>
    %dma_wait3A_248 = arith.constant 0 : i32
    %dma_wait3A_249 = arith.constant 0 : i32
    %dma_wait3A_250 = tpu.memref_slice %arg2[%dma_wait3A_248, %dma_wait3A_249] : memref<20480x2048xf32, #tpu.memory_space<hbm>> -> memref<20480x2048xf32, #tpu.memory_space<hbm>>
    tpu.wait_indirect_dma semaphore(%arg16 : memref<!tpu.dma_semaphore, #tpu.memory_space<semaphore_mem>>) src(%dma_wait3A_250 : memref<20480x2048xf32, #tpu.memory_space<hbm>>) dst(%arg12 : memref<8x2048xf32, #tpu.memory_space<vmem>>)
    %get3A_251 = arith.constant 144 : index
    %get3A_252 = tpu.vector_load %arg10[%get3A_251] {strides = array<i32>} : memref<160xf32, #tpu.memory_space<vmem>>, vector<16xf32>,
    %scan3A_253 = arith.constant 0 : i32
    %scan3A_254 = arith.constant 0 : i32
    %scan3A_255 = arith.constant 8 : i32
    %scan3A_256 = arith.addi %scan3A_254, %scan3A_255 : i32
    %scan3A_257 = arith.constant 1 : i32
    %scan3A_258 = scf.for %scan3A_268 = %scan3A_254 to %scan3A_256 step %scan3A_257 iter_args(%scan3A_269 = %scan3A_253) -> (i32)  : i32 {
      %mul3A_270 = arith.constant 16 : i32
      %mul3A_271 = arith.muli %scan3A_268, %mul3A_270 : i32
      %swap3A = arith.index_cast %mul3A_271 : i32 to index
      %swap3A_272 = tpu.vector_load %arg13[%swap3A] {strides = array<i32>} : memref<128xf32, #tpu.memory_space<vmem>>, vector<16xf32>,
      tpu.vector_store %arg13[%swap3A], %broadcast_in_dim3A_1 {strides = array<i32>} : memref<128xf32, #tpu.memory_space<vmem>>, vector<16xf32>,
      %mul3A_273 = arith.constant 16 : i32
      %mul3A_274 = arith.muli %scan3A_268, %mul3A_273 : i32
      %swap3A_275 = arith.index_cast %mul3A_274 : i32 to index
      %swap3A_276 = tpu.vector_load %arg14[%swap3A_275] {strides = array<i32>} : memref<128xi32, #tpu.memory_space<vmem>>, vector<16xi32>,
      tpu.vector_store %arg14[%swap3A_275], %broadcast_in_dim3A_3 {strides = array<i32>} : memref<128xi32, #tpu.memory_space<vmem>>, vector<16xi32>,
      %scan3A_277 = arith.constant 0 : i32
      scf.yield %scan3A_277 : i32
    }
    %scan3A_259 = arith.constant 8 : i32
    %broadcast_in_dim3A_260 = arith.constant 0 : i32
    %broadcast_in_dim3A_261 = vector.broadcast %broadcast_in_dim3A_260 : i32 to vector<16xi32>
    %parallel_loop3A_262 = arith.constant 0 : i32
    %parallel_loop3A_263 = arith.constant 1024 : i32
    %parallel_loop3A_264 = arith.constant 2 : i32
    %parallel_loop3A_265 = scf.for %parallel_loop3A_268 = %parallel_loop3A_262 to %parallel_loop3A_263 step %parallel_loop3A_264 iter_args(%parallel_loop3A_269 = %broadcast_in_dim3A_261) -> (vector<16xi32>)  : i32 {
      %parallel_loop3A_270 = arith.constant 128 : i32
      %parallel_loop3A_271 = arith.divsi %parallel_loop3A_268, %parallel_loop3A_270 : i32
      %parallel_loop3A_272 = arith.constant 0 : i32
      %parallel_loop3A_273 = arith.cmpi sgt, %parallel_loop3A_268, %parallel_loop3A_272 : i32
      %parallel_loop3A_274 = arith.extui %parallel_loop3A_273 : i1 to i32
      %parallel_loop3A_275 = arith.constant 0 : i32
      %parallel_loop3A_276 = arith.cmpi slt, %parallel_loop3A_268, %parallel_loop3A_275 : i32
      %parallel_loop3A_277 = arith.extui %parallel_loop3A_276 : i1 to i32
      %parallel_loop3A_278 = arith.subi %parallel_loop3A_274, %parallel_loop3A_277 : i32
      %parallel_loop3A_279 = arith.constant 0 : i32
      %parallel_loop3A_280 = arith.cmpi sgt, %parallel_loop3A_270, %parallel_loop3A_279 : i32
      %parallel_loop3A_281 = arith.extui %parallel_loop3A_280 : i1 to i32
      %parallel_loop3A_282 = arith.constant 0 : i32
      %parallel_loop3A_283 = arith.cmpi slt, %parallel_loop3A_270, %parallel_loop3A_282 : i32
      %parallel_loop3A_284 = arith.extui %parallel_loop3A_283 : i1 to i32
      %parallel_loop3A_285 = arith.subi %parallel_loop3A_281, %parallel_loop3A_284 : i32
      %parallel_loop3A_286 = arith.cmpi ne, %parallel_loop3A_278, %parallel_loop3A_285 : i32
      %parallel_loop3A_287 = arith.remsi %parallel_loop3A_268, %parallel_loop3A_270 : i32
      %parallel_loop3A_288 = arith.constant 0 : i32
      %parallel_loop3A_289 = arith.cmpi ne, %parallel_loop3A_287, %parallel_loop3A_288 : i32
      %parallel_loop3A_290 = arith.andi %parallel_loop3A_286, %parallel_loop3A_289 : i1
      %parallel_loop3A_291 = arith.constant 1 : i32
      %parallel_loop3A_292 = arith.subi %parallel_loop3A_271, %parallel_loop3A_291 : i32
      %parallel_loop3A_293 = arith.select %parallel_loop3A_290, %parallel_loop3A_292, %parallel_loop3A_271 : i32
      %parallel_loop3A_294 = arith.constant 128 : i32
      %parallel_loop3A_295 = arith.muli %parallel_loop3A_293, %parallel_loop3A_294 : i32
      %parallel_loop3A_296 = arith.subi %parallel_loop3A_268, %parallel_loop3A_295 : i32
      %parallel_loop3A_297 = arith.constant 72 : i32
      %parallel_loop3A_298 = arith.addi %parallel_loop3A_297, %parallel_loop3A_293 : i32
      %parallel_loop3A_299 = arith.constant 16 : i32
      %parallel_loop3A_300 = arith.muli %parallel_loop3A_298, %parallel_loop3A_299 : i32
      %parallel_loop3A_301 = arith.index_cast %parallel_loop3A_300 : i32 to index
      %parallel_loop3A_302 = tpu.vector_load %arg9[%parallel_loop3A_301] {strides = array<i32>} : memref<1280xi32, #tpu.memory_space<vmem>>, vector<16xi32>,
      %parallel_loop3A_303 = arith.constant 0 : i32
      %parallel_loop3A_304 = arith.addi %parallel_loop3A_296, %parallel_loop3A_303 : i32
      %parallel_loop3A_305 = arith.constant 16 : i32
      %parallel_loop3A_306 = arith.muli %parallel_loop3A_304, %parallel_loop3A_305 : i32
      %parallel_loop3A_307 = arith.index_cast %parallel_loop3A_293 : i32 to index
      %parallel_loop3A_308 = arith.index_cast %parallel_loop3A_306 : i32 to index
      %parallel_loop3A_309 = tpu.vector_load %arg12[%parallel_loop3A_307, %parallel_loop3A_308] {strides = array<i32>} : memref<8x2048xf32, #tpu.memory_space<vmem>>, vector<16xf32>,
      %parallel_loop3A_310 = arith.cmpf oge, %parallel_loop3A_309, %get3A_252 : vector<16xf32>
      %parallel_loop3A_311 = arith.extui %parallel_loop3A_310 : vector<16xi1> to vector<16xi32>
      %parallel_loop3A_312 = arith.constant true
      %parallel_loop3A_313 = vector.broadcast %parallel_loop3A_312 : i1 to vector<16xi1>
      %parallel_loop3A_314 = tpu.scan <sum>, %parallel_loop3A_311 masked %parallel_loop3A_313 : vector<16xi32>, vector<16xi1> -> vector<16xi32>
      %parallel_loop3A_315 = arith.addi %parallel_loop3A_269, %parallel_loop3A_314 : vector<16xi32>
      %parallel_loop3A_316 = arith.constant 1 : i32
      %parallel_loop3A_317 = vector.broadcast %parallel_loop3A_316 : i32 to vector<16xi32>
      %parallel_loop3A_318 = arith.subi %parallel_loop3A_315, %parallel_loop3A_317 : vector<16xi32>
      %parallel_loop3A_319 = arith.constant 127 : i32
      %parallel_loop3A_320 = vector.broadcast %parallel_loop3A_319 : i32 to vector<16xi32>
      %parallel_loop3A_321 = arith.minsi %parallel_loop3A_318, %parallel_loop3A_320 : vector<16xi32>
      tpu.vector_store_idx %arg13[%parallel_loop3A_321], %parallel_loop3A_309 masked %parallel_loop3A_310 : memref<128xf32, #tpu.memory_space<vmem>>[vector<16xi32>], vector<16xf32>, vector<16xi1>
      %parallel_loop3A_322 = arith.constant 0 : i32
      %parallel_loop3A_323 = arith.addi %parallel_loop3A_296, %parallel_loop3A_322 : i32
      %parallel_loop3A_324 = arith.constant 16 : i32
      %parallel_loop3A_325 = arith.muli %parallel_loop3A_323, %parallel_loop3A_324 : i32
      %parallel_loop3A_326 = vector.broadcast %parallel_loop3A_325 : i32 to vector<16xi32>
      %parallel_loop3A_327 = arith.addi %parallel_loop3A_302, %parallel_loop3A_326 : vector<16xi32>
      %parallel_loop3A_328 = arith.addi %parallel_loop3A_327, %iota3A : vector<16xi32>
      tpu.vector_store_idx %arg14[%parallel_loop3A_321], %parallel_loop3A_328 masked %parallel_loop3A_310 : memref<128xi32, #tpu.memory_space<vmem>>[vector<16xi32>], vector<16xi32>, vector<16xi1>
      %parallel_loop3A_329 = tpu.all_reduce %parallel_loop3A_310 {dim = 0 : i64, kind = #tpu.reduction_kind<sum>} : vector<16xi1> -> vector<16xi32>
      %parallel_loop3A_330 = arith.addi %parallel_loop3A_269, %parallel_loop3A_329 : vector<16xi32>
      %parallel_loop3A_331 = arith.constant 1 : i32
      %parallel_loop3A_332 = arith.addi %parallel_loop3A_296, %parallel_loop3A_331 : i32
      %parallel_loop3A_333 = arith.constant 16 : i32
      %parallel_loop3A_334 = arith.muli %parallel_loop3A_332, %parallel_loop3A_333 : i32
      %parallel_loop3A_335 = arith.index_cast %parallel_loop3A_293 : i32 to index
      %parallel_loop3A_336 = arith.index_cast %parallel_loop3A_334 : i32 to index
      %parallel_loop3A_337 = tpu.vector_load %arg12[%parallel_loop3A_335, %parallel_loop3A_336] {strides = array<i32>} : memref<8x2048xf32, #tpu.memory_space<vmem>>, vector<16xf32>,
      %parallel_loop3A_338 = arith.cmpf oge, %parallel_loop3A_337, %get3A_252 : vector<16xf32>
      %parallel_loop3A_339 = arith.extui %parallel_loop3A_338 : vector<16xi1> to vector<16xi32>
      %parallel_loop3A_340 = arith.constant true
      %parallel_loop3A_341 = vector.broadcast %parallel_loop3A_340 : i1 to vector<16xi1>
      %parallel_loop3A_342 = tpu.scan <sum>, %parallel_loop3A_339 masked %parallel_loop3A_341 : vector<16xi32>, vector<16xi1> -> vector<16xi32>
      %parallel_loop3A_343 = arith.addi %parallel_loop3A_330, %parallel_loop3A_342 : vector<16xi32>
      %parallel_loop3A_344 = arith.constant 1 : i32
      %parallel_loop3A_345 = vector.broadcast %parallel_loop3A_344 : i32 to vector<16xi32>
      %parallel_loop3A_346 = arith.subi %parallel_loop3A_343, %parallel_loop3A_345 : vector<16xi32>
      %parallel_loop3A_347 = arith.constant 127 : i32
      %parallel_loop3A_348 = vector.broadcast %parallel_loop3A_347 : i32 to vector<16xi32>
      %parallel_loop3A_349 = arith.minsi %parallel_loop3A_346, %parallel_loop3A_348 : vector<16xi32>
      tpu.vector_store_idx %arg13[%parallel_loop3A_349], %parallel_loop3A_337 masked %parallel_loop3A_338 : memref<128xf32, #tpu.memory_space<vmem>>[vector<16xi32>], vector<16xf32>, vector<16xi1>
      %parallel_loop3A_350 = arith.constant 1 : i32
      %parallel_loop3A_351 = arith.addi %parallel_loop3A_296, %parallel_loop3A_350 : i32
      %parallel_loop3A_352 = arith.constant 16 : i32
      %parallel_loop3A_353 = arith.muli %parallel_loop3A_351, %parallel_loop3A_352 : i32
      %parallel_loop3A_354 = vector.broadcast %parallel_loop3A_353 : i32 to vector<16xi32>
      %parallel_loop3A_355 = arith.addi %parallel_loop3A_302, %parallel_loop3A_354 : vector<16xi32>
      %parallel_loop3A_356 = arith.addi %parallel_loop3A_355, %iota3A : vector<16xi32>
      tpu.vector_store_idx %arg14[%parallel_loop3A_349], %parallel_loop3A_356 masked %parallel_loop3A_338 : memref<128xi32, #tpu.memory_space<vmem>>[vector<16xi32>], vector<16xi32>, vector<16xi1>
      %parallel_loop3A_357 = tpu.all_reduce %parallel_loop3A_338 {dim = 0 : i64, kind = #tpu.reduction_kind<sum>} : vector<16xi1> -> vector<16xi32>
      %parallel_loop3A_358 = arith.addi %parallel_loop3A_330, %parallel_loop3A_357 : vector<16xi32>
      scf.yield %parallel_loop3A_358 : vector<16xi32>
    } {sc.loop_unroll_factor = 2 : i64, sc.parallel_access}
    %run_scoped3A_266 = arith.constant 9 : i32
    "tpu.region"() ({
      %run_scoped3A_268 = tpu.sem_alloc : memref<!tpu.dma_semaphore, #tpu.memory_space<semaphore_mem>>
      %dma_start3A_269 = arith.constant 0 : i32
      %dma_start3A_270 = tpu.memref_slice %arg6[%run_scoped3A_266, %add3A, %dma_start3A_269] : memref<10x32x128xf32, #tpu.memory_space<hbm>> -> memref<1x1x128xf32, #tpu.memory_space<hbm>>
      %dma_start3A_271 = tpu.memref_squeeze %dma_start3A_270 : memref<1x1x128xf32, #tpu.memory_space<hbm>> -> memref<128xf32, #tpu.memory_space<hbm>>
      %dma_start3A_272 = arith.constant 0 : i32
      %dma_start3A_273 = tpu.memref_slice %arg6[%run_scoped3A_266, %add3A, %dma_start3A_272] : memref<10x32x128xf32, #tpu.memory_space<hbm>> -> memref<1x1x128xf32, #tpu.memory_space<hbm>>
      %dma_start3A_274 = tpu.memref_squeeze %dma_start3A_273 : memref<1x1x128xf32, #tpu.memory_space<hbm>> -> memref<128xf32, #tpu.memory_space<hbm>>
      tpu.enqueue_dma source(%arg13 : memref<128xf32, #tpu.memory_space<vmem>>) target(%dma_start3A_274 : memref<128xf32, #tpu.memory_space<hbm>>) target_semaphore(%run_scoped3A_268 : memref<!tpu.dma_semaphore, #tpu.memory_space<semaphore_mem>>)
      %dma_wait3A_275 = arith.constant 0 : i32
      %dma_wait3A_276 = tpu.memref_slice %arg6[%run_scoped3A_266, %add3A, %dma_wait3A_275] : memref<10x32x128xf32, #tpu.memory_space<hbm>> -> memref<1x1x128xf32, #tpu.memory_space<hbm>>
      %dma_wait3A_277 = tpu.memref_squeeze %dma_wait3A_276 : memref<1x1x128xf32, #tpu.memory_space<hbm>> -> memref<128xf32, #tpu.memory_space<hbm>>
      %dma_wait3A_278 = arith.constant 0 : i32
      %dma_wait3A_279 = tpu.memref_slice %arg6[%run_scoped3A_266, %add3A, %dma_wait3A_278] : memref<10x32x128xf32, #tpu.memory_space<hbm>> -> memref<1x1x128xf32, #tpu.memory_space<hbm>>
      %dma_wait3A_280 = tpu.memref_squeeze %dma_wait3A_279 : memref<1x1x128xf32, #tpu.memory_space<hbm>> -> memref<128xf32, #tpu.memory_space<hbm>>
      tpu.wait_dma2 semaphore(%run_scoped3A_268 : memref<!tpu.dma_semaphore, #tpu.memory_space<semaphore_mem>>) src(%arg13 : memref<128xf32, #tpu.memory_space<vmem>>) dst(%dma_wait3A_280 : memref<128xf32, #tpu.memory_space<hbm>>)
      tpu.yield
    }) : () -> ()
    %run_scoped3A_267 = arith.constant 9 : i32
    "tpu.region"() ({
      %run_scoped3A_268 = tpu.sem_alloc : memref<!tpu.dma_semaphore, #tpu.memory_space<semaphore_mem>>
      %dma_start3A_269 = arith.constant 0 : i32
      %dma_start3A_270 = tpu.memref_slice %arg7[%run_scoped3A_267, %add3A, %dma_start3A_269] : memref<10x32x128xi32, #tpu.memory_space<hbm>> -> memref<1x1x128xi32, #tpu.memory_space<hbm>>
      %dma_start3A_271 = tpu.memref_squeeze %dma_start3A_270 : memref<1x1x128xi32, #tpu.memory_space<hbm>> -> memref<128xi32, #tpu.memory_space<hbm>>
      %dma_start3A_272 = arith.constant 0 : i32
      %dma_start3A_273 = tpu.memref_slice %arg7[%run_scoped3A_267, %add3A, %dma_start3A_272] : memref<10x32x128xi32, #tpu.memory_space<hbm>> -> memref<1x1x128xi32, #tpu.memory_space<hbm>>
      %dma_start3A_274 = tpu.memref_squeeze %dma_start3A_273 : memref<1x1x128xi32, #tpu.memory_space<hbm>> -> memref<128xi32, #tpu.memory_space<hbm>>
      tpu.enqueue_dma source(%arg14 : memref<128xi32, #tpu.memory_space<vmem>>) target(%dma_start3A_274 : memref<128xi32, #tpu.memory_space<hbm>>) target_semaphore(%run_scoped3A_268 : memref<!tpu.dma_semaphore, #tpu.memory_space<semaphore_mem>>)
      %dma_wait3A_275 = arith.constant 0 : i32
      %dma_wait3A_276 = tpu.memref_slice %arg7[%run_scoped3A_267, %add3A, %dma_wait3A_275] : memref<10x32x128xi32, #tpu.memory_space<hbm>> -> memref<1x1x128xi32, #tpu.memory_space<hbm>>
      %dma_wait3A_277 = tpu.memref_squeeze %dma_wait3A_276 : memref<1x1x128xi32, #tpu.memory_space<hbm>> -> memref<128xi32, #tpu.memory_space<hbm>>
      %dma_wait3A_278 = arith.constant 0 : i32
      %dma_wait3A_279 = tpu.memref_slice %arg7[%run_scoped3A_267, %add3A, %dma_wait3A_278] : memref<10x32x128xi32, #tpu.memory_space<hbm>> -> memref<1x1x128xi32, #tpu.memory_space<hbm>>
      %dma_wait3A_280 = tpu.memref_squeeze %dma_wait3A_279 : memref<1x1x128xi32, #tpu.memory_space<hbm>> -> memref<128xi32, #tpu.memory_space<hbm>>
      tpu.wait_dma2 semaphore(%run_scoped3A_268 : memref<!tpu.dma_semaphore, #tpu.memory_space<semaphore_mem>>) src(%arg14 : memref<128xi32, #tpu.memory_space<vmem>>) dst(%dma_wait3A_280 : memref<128xi32, #tpu.memory_space<hbm>>)
      tpu.yield
    }) : () -> ()
    return
  }
}

module attributes {stable_mosaic.version = 14 : i64} {
  func.func @_smap_body(%arg0: i32, %arg1: i32, %arg2: memref<256x256xf32, #tpu.memory_space<vmem>>, %arg3: memref<1x2048x256xf32, #tpu.memory_space<vmem>>, %arg4: memref<1x256x2048xf32, #tpu.memory_space<vmem>>, %arg5: memref<1x256x1xf32, #tpu.memory_space<vmem>>) attributes {dimension_semantics = [#tpu.dimension_semantics<arbitrary>, #tpu.dimension_semantics<arbitrary>], iteration_bounds = array<i64: 10, 8>, scalar_prefetch = 0 : i64, scratch_operands = 0 : i64, tpu.core_type = #tpu.core_type<tc>, window_params = [{transform_indices = @transform_0, window_bounds = array<i64: 256, 256>}, {transform_indices = @transform_1, window_bounds = array<i64: 1, 2048, 256>}, {transform_indices = @transform_2, window_bounds = array<i64: 1, 256, 2048>}, {transform_indices = @transform_3, window_bounds = array<i64: 1, 256, 1>}]} {
    %get3A = arith.constant 0 : index
    %get3A_0 = arith.constant 0 : index
    %get3A_1 = vector.load %arg2[%get3A, %get3A_0] : memref<256x256xf32, #tpu.memory_space<vmem>>, vector<256x256xf32>
    %get3A_2 = arith.constant 0 : index
    %get3A_3 = arith.constant 0 : index
    %get3A_4 = arith.constant 0 : index
    %get3A_5 = vector.load %arg3[%get3A_2, %get3A_3, %get3A_4] : memref<1x2048x256xf32, #tpu.memory_space<vmem>>, vector<1x2048x256xf32>
    %get3A_6 = vector.shape_cast %get3A_5 : vector<1x2048x256xf32> to vector<2048x256xf32>
    %dot_general3A = arith.constant dense<0.000000e+00> : vector<256x2048xf32>
    %dot_general3A_7 = tpu.matmul %get3A_1, %get3A_6, %dot_general3A {dimension_numbers = #tpu.dot_dimension_numbers<[1], [1], [0], [0], [0, 0, 1, 0], [], []>, transpose_lhs_hint = false} : vector<256x256xf32>, vector<2048x256xf32>, vector<256x2048xf32> -> vector<256x2048xf32>
    %swap3A = arith.constant 0 : index
    %swap3A_8 = arith.constant 0 : index
    %swap3A_9 = arith.constant 0 : index
    %swap3A_10 = vector.load %arg4[%swap3A, %swap3A_8, %swap3A_9] : memref<1x256x2048xf32, #tpu.memory_space<vmem>>, vector<1x256x2048xf32>
    %swap3A_11 = vector.shape_cast %swap3A_10 : vector<1x256x2048xf32> to vector<256x2048xf32>
    %swap3A_12 = vector.shape_cast %dot_general3A_7 : vector<256x2048xf32> to vector<1x256x2048xf32>
    tpu.vector_store %arg4[%swap3A, %swap3A_8, %swap3A_9], %swap3A_12 {strides = array<i32>} : memref<1x256x2048xf32, #tpu.memory_space<vmem>>, vector<1x256x2048xf32>,
    %reduce_max3A = arith.constant dense<0xFF800000> : vector<256xf32>
    %reduce_max3A_13 = vector.multi_reduction <maximumf>, %dot_general3A_7, %reduce_max3A [1] : vector<256x2048xf32> to vector<256xf32>
    %broadcast_in_dim3A = vector.shape_cast %reduce_max3A_13 : vector<256xf32> to vector<256x1xf32>
    %swap3A_14 = arith.constant 0 : index
    %swap3A_15 = arith.constant 0 : index
    %swap3A_16 = arith.constant 0 : index
    %swap3A_17 = vector.load %arg5[%swap3A_14, %swap3A_15, %swap3A_16] : memref<1x256x1xf32, #tpu.memory_space<vmem>>, vector<1x256x1xf32>
    %swap3A_18 = vector.shape_cast %swap3A_17 : vector<1x256x1xf32> to vector<256x1xf32>
    %swap3A_19 = vector.shape_cast %broadcast_in_dim3A : vector<256x1xf32> to vector<1x256x1xf32>
    tpu.vector_store %arg5[%swap3A_14, %swap3A_15, %swap3A_16], %swap3A_19 {strides = array<i32>} : memref<1x256x1xf32, #tpu.memory_space<vmem>>, vector<1x256x1xf32>,
    return
  }
  func.func @transform_0(%arg0: i32, %arg1: i32) -> (i32, i32) {
    %c0_i32 = arith.constant 0 : i32
    %c0_i32_0 = arith.constant 0 : i32
    return %arg1, %c0_i32 : i32, i32
  }
  func.func @transform_1(%arg0: i32, %arg1: i32) -> (i32, i32, i32) {
    %c0_i32 = arith.constant 0 : i32
    %c0_i32_0 = arith.constant 0 : i32
    %c0_i32_1 = arith.constant 0 : i32
    return %arg0, %c0_i32, %c0_i32_0 : i32, i32, i32
  }
  func.func @transform_2(%arg0: i32, %arg1: i32) -> (i32, i32, i32) {
    %c0_i32 = arith.constant 0 : i32
    %c0_i32_0 = arith.constant 0 : i32
    return %arg0, %arg1, %c0_i32 : i32, i32, i32
  }
  func.func @transform_3(%arg0: i32, %arg1: i32) -> (i32, i32, i32) {
    %c0_i32 = arith.constant 0 : i32
    %c0_i32_0 = arith.constant 0 : i32
    return %arg0, %arg1, %c0_i32 : i32, i32, i32
  }
}

</mosaic_0001>

<sc_bundles>
// kernel: gather_offload_async_start.1
scs
__scs_entry_jumppad:
0x0: {  	(pc) =	sbr.rel $0x88, $3  }
0x1: {  	(tag) =	ssettag $0x0;
	lr =	simm.s32 $0x1  }
0x2: {  	[smem:$0x3F9D] =	sst lr;
	_ =	strace $0xD0000000  }
0x3: {  	_ = 	snop  }
0x4: {  	_ = 	snop  }
0x5: {  	_ = 	snop  }
0x6: {  	_ = 	snop  }
0x7: {  	_ = 	snop  }
__scs_overlays_trampoline_lowered:
0x8: {  	[smem:$0x3FAC] =	sst s0  }
0x9: {  	[smem:$0x3FAD] =	sst s1  }
0xa: {  	[smem:$0x3FAE] =	sst s2  }
0xb: {  	[smem:$0x3FAF] =	sst s3  }
0xc: {  	[smem:$0x3FB0] =	sst s4  }
0xd: {  	[smem:$0x3FB1] =	sst s5  }
0xe: {  	[smem:$0x3FB2] =	sst s6  }
0xf: {  	[smem:$0x3FB3] =	sst s7  }
0x10: {  	[smem:$0x3FB4] =	sst s8  }
0x11: {  	[smem:$0x3FB5] =	sst s9;
	s0 =	simm.s32 @!p0 $0x0  }
0x12: {  	s1 =	sld [smem:$0x3F9B];
	s0 =	simm.s32 @p0 $0x1  }
0x13: {  	[smem:$0x3FB6] =	sst s0;
	s0 =	simm.s32 @!p1 $0x0  }
0x14: {  	s2 =	sld [smem:$0x3F9A];
	s0 =	simm.s32 @p1 $0x1  }
0x15: {  	[smem:$0x3FB7] =	sst s0;
	s0 =	simm.s32 @!p2 $0x0  }
0x16: {  	s3 =	sld [smem:$0x3FDB];
	s0 =	simm.s32 @p2 $0x1  }
0x17: {  	s4 =	simm.s32 $0x1BF5;
	[smem:$0x3FB9] =	sst s0  }
0x18: {  	s0 =	sld [smem:$0x3F9C];
	_ =	swait.ge [sflag:s4], $0x0  }
0x19: {  	s7 =	sld [smem:$0x3F9D]  }
0x1a: {  	s8 =	sadd.s32 $0xFFFFE003, lr  }
0x1b: {  	s9 =	sadd.s32 $0xFFFFFEF7, lr;
	s5 =	simm.s32 $0xFFFFFFFF;
	p2 =	slt.u32 s8, $0xFFFFF086  }
0x1c: {  	p1 =	slt.u32 s9, $0xF7A;
	s5 =	simm.s32 @!p2 $0x0  }
0x1d: {  	s5 =	simm.s32 @p1 $0x1;
	p0 =	seq.s32 s7, s2  }
0x1e: {  	s7 =	smul.u32 @!p0 $0xF7A, s2;
	p2 =	seq.s32 @!p0 s5, $0x0  }
0x1f: {  	s9 =	smul.u32 $0xF7A, s1;
	s8 =	simm.s32 @!p0 $0x1BF5;
	p2 =	por !p2, p0  }
0x20: {  	[sflag:s8] =	ssyncset.s32 @!p0 $0xFFFFF086;
	s6 =	sadd.s32 @!p0 s3, s7;
	s7 =	simm.s32 @!p0 $0x108  }
0x21: {  	s3 =	sadd.s32 s3, s9;
	s6 =	sadd.s32 @!p0 $0x88, s6;
	s7 =	simm.s32 @p2 $0x1082  }
0x22: {  	[simem:s7], [sflag:s8] =	dma.local @!p0 [hbm:s6], $0xF7A  }
0x23: {  	s9 =	sor.u32 $0xD0000000, s2;
	s6 =	simm.s32 $0x108;
	_ =	swait.ge @!p0 [sflag:s8], $0x0  }
0x24: {  	s3 =	sadd.s32 $0x88, s3;
	s6 =	simm.s32 @!p1 $0x1082;
	[sflag:s4] =	ssyncset.s32 $0xFFFFF086  }
0x25: {  	[simem:s6], [sflag:s4] =	dma.local [hbm:s3], $0xF7A  }
0x26: {  	[smem:$0x3F9D] =	sst s1;
	(tag) =	ssettag s2;
	_ =	strace s9  }
0x27: {  	s1 =	sld [smem:$0x3FAD]  }
0x28: {  	s2 =	sld [smem:$0x3FAE]  }
0x29: {  	s4 =	sld [smem:$0x3FB0]  }
0x2a: {  	p0 =	seq.s32 s5, $0x0;
	s5 =	sld [smem:$0x3FB1]  }
0x2b: {  	s6 =	sld [smem:$0x3FB2]  }
0x2c: {  	s7 =	sld [smem:$0x3FB3]  }
0x2d: {  	s3 =	simm.s32 $0x108;
	s8 =	sld [smem:$0x3FB4]  }
0x2e: {  	s3 =	simm.s32 @!p0 $0x1082;
	s9 =	sld [smem:$0x3FB5]  }
0x2f: {  	lr =	sadd.s32 s0, s3;
	s0 =	sld [smem:$0x3FAC]  }
0x30: {  	s3 =	sld [smem:$0x3FAF]  }
0x31: {  	[smem:$0x3FB8] =	sst s10  }
0x32: {  	s10 =	sld [smem:$0x3FB6];
	_ =	sdelay $0x3  }
0x33: {  	p0 =	seq.s32 s10, $0x1;
	s10 =	sld [smem:$0x3FB8];
	_ =	sdelay $0x3  }
0x34: {  	[smem:$0x3FB8] =	sst s10  }
0x35: {  	s10 =	sld [smem:$0x3FB7];
	_ =	sdelay $0x3  }
0x36: {  	p1 =	seq.s32 s10, $0x1;
	s10 =	sld [smem:$0x3FB8];
	_ =	sdelay $0x3  }
0x37: {  	[smem:$0x3FB8] =	sst s10  }
0x38: {  	s10 =	sld [smem:$0x3FB9]  }
0x39: {  	_ = 	snop;
	(pc) =	sbr.ind lr, $3  }
0x3a: {  	_ = 	snop  }
0x3b: {  	_ = 	snop  }
0x3c: {  	p2 =	seq.s32 s10, $0x1;
	s10 =	sld [smem:$0x3FB8]  }
0x3d: {  	_ =	shalt  }
0x3e: {  	_ =	shalt  }
0x3f: {  	_ =	shalt  }
0x40: {  	_ =	shalt  }
0x41: {  	_ =	shalt  }
0x42: {  	_ =	shalt  }
0x43: {  	_ =	shalt  }
0x44: {  	_ =	shalt  }
0x45: {  	_ =	shalt  }
0x46: {  	_ =	shalt  }
0x47: {  	_ =	shalt  }
0x48: {  	_ =	shalt  }
0x49: {  	_ =	shalt  }
0x4a: {  	_ =	shalt  }
0x4b: {  	_ =	shalt  }
0x4c: {  	_ =	shalt  }
0x4d: {  	_ =	shalt  }
0x4e: {  	_ =	shalt  }
0x4f: {  	_ =	shalt  }
0x50: {  	_ =	shalt  }
0x51: {  	_ =	shalt  }
0x52: {  	_ =	shalt  }
0x53: {  	_ =	shalt  }
0x54: {  	_ =	shalt  }
0x55: {  	_ =	shalt  }
0x56: {  	_ =	shalt  }
0x57: {  	_ =	shalt  }
0x58: {  	_ =	shalt  }
0x59: {  	_ =	shalt  }
0x5a: {  	_ =	shalt  }
0x5b: {  	_ =	shalt  }
0x5c: {  	_ =	shalt  }
0x5d: {  	_ =	shalt  }
0x5e: {  	_ =	shalt  }
0x5f: {  	_ =	shalt  }
0x60: {  	_ =	shalt  }
0x61: {  	_ =	shalt  }
0x62: {  	_ =	shalt  }
0x63: {  	_ =	shalt  }
0x64: {  	_ =	shalt  }
0x65: {  	_ =	shalt  }
0x66: {  	_ =	shalt  }
0x67: {  	_ =	shalt  }
0x68: {  	_ =	shalt  }
0x69: {  	_ =	shalt  }
0x6a: {  	_ =	shalt  }
0x6b: {  	_ =	shalt  }
0x6c: {  	_ =	shalt  }
0x6d: {  	_ =	shalt  }
0x6e: {  	_ =	shalt  }
0x6f: {  	_ =	shalt  }
0x70: {  	_ =	shalt  }
0x71: {  	_ =	shalt  }
0x72: {  	_ =	shalt  }
0x73: {  	_ =	shalt  }
0x74: {  	_ =	shalt  }
0x75: {  	_ =	shalt  }
0x76: {  	_ =	shalt  }
0x77: {  	_ =	shalt  }
0x78: {  	_ =	shalt  }
0x79: {  	_ =	shalt  }
0x7a: {  	_ =	shalt  }
0x7b: {  	_ =	shalt  }
0x7c: {  	_ =	shalt  }
0x7d: {  	_ =	shalt  }
0x7e: {  	_ =	shalt  }
0x7f: {  	_ =	shalt  }
0x80: {  	_ =	shalt  }
0x81: {  	_ =	shalt  }
0x82: {  	_ =	shalt  }
0x83: {  	_ =	shalt  }
0x84: {  	_ =	shalt  }
0x85: {  	_ =	shalt  }
0x86: {  	_ =	shalt  }
0x87: {  	_ =	shalt  }
.Lfunc_end0:
.L_simem_size_0:
called_computation.1_lowered:
.L_overlay_start_0:
0x88: {  	s0 =	sld [smem:$0x3FD9]  }
0x89: {  	s1 =	sld [smem:$0x3FFE];
	_ =	sdelay $0x3  }
0x8a: {  	s0 =	sadd.s32 s1, s0  }
0x8b: {  	[smem:$0x3FC4] =	sst s0  }
0x8c: {  	_ = 	snop  }
0x8d: {  	s0 =	sld [smem:$0x3FD0];
	_ =	sdelay $0x2  }
0x8e: {  	s13 =	simm.s32 $0xB;
	s2 =	simm.s32 $0x10  }
0x8f: {  	[smem:s2], [sflag:s13] =	dma.local [hbm:s0], $0x1  }
0x90: {  	_ =	swait.eq [sflag:s13], $0x1  }
0x91: {  	[sflag:s13] =	ssyncset.done $0x0  }
0x92: {  	s14 =	sld [smem:$0x10];
	[sflag:s13] =	ssyncadd.s32 $0xFFFFFFFF  }
0x93: {  	s15 =	sld [smem:$0x12];
	(tm) =	ssettm $0x1  }
0x94: {  	s16 =	sld [smem:$0x3FFB];
	_ =	sdelay $0x3  }
0x95: {  	_ =	strace s16  }
0x96: {  	s2 =	sld [smem:$0x3FFC];
	_ =	sdelay $0x3  }
0x97: {  	_ =	strace s2  }
0x98: {  	s2 =	sld [smem:$0x3FFD];
	_ =	sdelay $0x3  }
0x99: {  	_ =	strace s2  }
0x9a: {  	_ =	strace $0x8FFFFFFF  }
0x9b: {  	s17 =	sld [smem:$0x3FDB];
	_ =	sdelay $0x1  }
0x9c: {  	s3 =	simm.s32 $_scs_section_size  }
0x9d: {  	s4 =	simm.s32 $_size__tile_overlayer_lowered;
	s5 =	simm.s32 $_tile_overlayer_lowered  }
0x9e: {  	s20 =	simm.s32 $0x1BFF;
	s19 =	sshll.u32 s5, $0x1;
	s2 =	sadd.s32 s3, s17  }
0x9f: {  	s6 =	simm.s32 $0x0;
	s18 =	sshll.u32 s4, $0x1;
	s4 =	sadd.s32 s19, s2  }
0xa0: {  	[timem:s6], [sflag:s20] =	dma.local [hbm:s4], s18  }
0xa1: {  	_ =	swait.ge [sflag:s20], s18  }
0xa2: {  	s3 =	ssub.s32 $0x0, s18;
	[sflag:s20] =	ssyncset.done $0x0  }
0xa3: {  	[sflag:s20] =	ssyncadd.s32 s3;
	_ =	sdelay $0x1  }
0xa4: {  	s21 =	simm.s32 $0x1B8B  }
0xa5: {  	_ =	swait.ge [sflag:s21], $0x1  }
0xa6: {  	[sflag:s21] =	ssyncset.done $0x0  }
0xa7: {  	s23 =	simm.s32 $0x1B8E;
	s22 =	sld [smem:$0x3FFE];
	[sflag:s21] =	ssyncadd.s32 $0xFFFFFFFF  }
0xa8: {  	s24 =	simm.s32 $execute0_lowered;
	[smem:$0x3FD2] =	sst s23  }
0xa9: {  	s4 =	sshll.u32 s24, $0x1;
	_ =	strace $0x80000049;
	[dreg:$0x1] =	wrdreg $0xFFFFFFFF  }
0xaa: {  	s25 =	simm.s32 $_size_execute0_lowered;
	s2 =	sadd.s32 s2, s4;
	[dreg:$0x0] =	wrdreg $0x0  }
0xab: {  	s4 =	sshll.u32 s25, $0x1;
	[dreg:$0x2] =	wrdreg s2  }
0xac: {  	[dreg:$0x3] =	wrdreg s4  }
0xad: {  	[dreg:$0x4] =	wrdreg $0xC0  }
0xae: {  	_ =	task [dreg:s6], $0x5FFFF  }
0xaf: {  	[dreg:$0x1] =	wrdreg $0xFFFFFFFF  }
0xb0: {  	[dreg:$0x0] =	wrdreg $0x60  }
0xb1: {  	[dreg:$0x2] =	wrdreg s22  }
0xb2: {  	[dreg:$0x3] =	wrdreg s15  }
0xb3: {  	[dreg:$0x4] =	wrdreg s14  }
0xb4: {  	[dreg:$0x5] =	wrdreg $0x9  }
0xb5: {  	_ =	task.clear_ibuf [dreg:s6], $0x6FFFF;
	_ =	strace $0x90000049  }
0xb6: {  	s26 =	simm.s32 $0x9;
	_ =	strace $0x8000004B  }
0xb7: {  	_ =	swait.ge [sflag:s26], $0x1  }
0xb8: {  	[sflag:s26] =	ssyncadd.s32 $0xFFFFFFFF  }
0xb9: {  	_ =	strace $0x9000004B  }
0xba: {  	_ =	sfence  }
0xbb: {  	s28 =	sld [smem:$0x0];
	_ =	sdelay $0x1  }
0xbc: {  	s29 =	srdreg.scid  }
0xbd: {  	s30 =	sshll.u32 s29, $0xD;
	s31 =	sshrl.u32 s29, $0x2  }
0xbe: {  	s1 =	sand.u32 $0x1, s29;
	s2 =	sand.u32 $0x4000, s30;
	s0 =	sadd.s32 s31, s28  }
0xbf: {  	s1 =	sor.u32 s2, s1;
	s0 =	sshll.u32 s0, $0x11  }
0xc0: {  	s0 =	sor.u32 s0, s1  }
0xc1: {  	s0 =	sadd.s32 $0x8F2B, s0  }
0xc2: {  	[sflag:s0] =	ssyncadd.remote.s32 $0x1  }
0xc3: {  	_ =	sfence.sel $0xFFFF  }
0xc4: {  	[dreg:$0x0] =	wrdreg $0xFFFFFFFF;
	(pc) =	sbr.abs _section_cstart, $3  }
0xc5: {  	[dreg:$0x1] =	wrdreg $0xFFFFFFFF  }
0xc6: {  	_ =	task.clear_ibuf [dreg:s6], $0x2FFFF;
	_ =	strace $0x9FFFFFFF  }
0xc7: {  	(tm) =	ssettm $0x7FFFFFFF  }
tec
execute0_lowered:
.L_overlay_start_1:
0x0: {  	(tag) =	ssettag $0x1  }
0x1: {  	s2 =	rddreg [dreg:$0x0]  }
0x2: {  	s3 =	rddreg [dreg:$0x1]  }
0x3: {  	s4 =	rddreg [dreg:$0x2]  }
0x4: {  	s0 =	rddreg [dreg:$0x3];
	_ =	strace $0x8000004A  }
0x5: {  	s1 =	simm.s32 $0x1;
	s5 =	simm.s32 $0x2;
	s6 =	simm.s32 $0x3  }
0x6: {  	s9 =	simm.s32 $0x0;
	[sflag:s1] =	ssyncpa.u1 $0x0;
	s1 =	stileid.u32  }
0x7: {  	s7 =	simm.s32 $0x0;
	[sflag:s5] =	ssyncpa.u1 $0x0;
	s5 =	sshll.u32 s1, $0x4  }
0x8: {  	[sflag:s6] =	ssyncpa.u1 $0x0;
	s6 =	simm.s32 $0x0;
	s8 =	smov.u32 s5  }
.LBB2_1:
0x9: {  	p0 =	sgt.u32 s7, $0x7  }
0xa: {  	s10 =	sxor.u32 @!p0 $0xFFFFFFFF, s6;
	s11 =	sshrl.u32 @!p0 s8, $0x3  }
0xb: {  	s12 =	sand.u32 @!p0 $0x7, s8;
	s10 =	sand.u32 @!p0 $0x10, s10;
	s11 =	sadd.s32 @!p0 s3, s11  }
0xc: {  	[tilespmem:s10], [sflag:$0x2] =	stream.linear.gather @!p0 [hbm4b:s11+s12], $0x10, $0x38;
	[tilespmem:$0x40] =	vst v63  }
0xd: {  	p0 =	seq.s32 s7, $0x0  }
0xe: {  	p1 =	seq.s32 @!p0 s7, $0x9  }
0xf: {  	p0 =	por p1, p0  }
0x10: {  	s10 =	simm.s32 @!p0 $0x2  }
0x11: {  	_ =	swait.ge @!p0 [sflag:s10], $0x10  }
0x12: {  	[sflag:s10] =	ssyncset.done @!p0 $0x0  }
0x13: {  	[sflag:s10] =	ssyncadd.s32 @!p0 $0xFFFFFFF0;
	s10 =	sand.u32 @!p0 $0x10, s6  }
0x14: {  	(ifvalue) =	ssetifvalue @!p0 $0x7FFFFFFF;
	v0 =	vld.msk @!p0 [tilespmem:s10+$0x0 ss:$0x1], $0xffff;
	_ =	sdelay $0x4  }
0x15: {  	v1 =	vshrl.u32 @!p0 v0, $0x4  }
0x16: {  	vm0 =	veq.s32 @!p0 v0, $0x80000000;
	v0 =	vand.u32 @!p0 $0xF, v0;
	v1 =	vand.u32 @!p0 $0xFFF, v1  }
0x17: {  	v0 =	vsel @!p0 vm0, $0xFFFFFFFF, v0;
	v1 =	vsel @!p0 vm0, $0xFFFFFFFF, v1  }
0x18: {  	v2 =	vshll.u32 @!p0 v0, $0xC;
	v3 =	vshll.u32 @!p0 v1, $0x3  }
0x19: {  	v0 =	vshll.u32 @!p0 v0, $0x7;
	v2 =	vand.u32 @!p0 $0xFFFF8000, v2;
	v3 =	vand.u32 @!p0 $0xFFFFFC00, v3  }
0x1a: {  	v0 =	vand.u32 @!p0 $0x380, v0;
	v2 =	vadd.s32 @!p0 v2, v3  }
0x1b: {  	v1 =	vand.u32 @!p0 $0x7F, v1;
	v0 =	vor.u32 @!p0 v0, v2  }
0x1c: {  	v0 =	vor.u32 @!p0 v1, v0;
	_ =	sdelay $0x3  }
0x1d: {  	s11 =	simm.s32 @!p0 $0x0;
	s10 =	sor.u32 @!p0 $0x20, s10;
	(ifvalue) =	ssetifvalue @!p0 $0x7FFFFFFF;
	vm0 =	vmmov @!p0 $0xffff  }
0x1e: {  	[tilespmem:s10], [sflag:$0x1] =	stream.indirect_vreg.gather @!p0 [hbm4b:s2+s11], $0x1, v0, vm0, $0x4038;
	[tilespmem:$0x40] =	vst v63  }
0x1f: {  	s11 =	simm.s32 @!p0 $0x1  }
0x20: {  	_ =	swait.ge @!p0 [sflag:s11], $0x10  }
0x21: {  	s12 =	sshrl.u32 @!p0 s9, $0x3;
	[sflag:s11] =	ssyncset.done @!p0 $0x0  }
0x22: {  	s9 =	sand.u32 @!p0 $0x7, s9;
	[sflag:s11] =	ssyncadd.s32 @!p0 $0xFFFFFFF0;
	s11 =	sadd.s32 @!p0 s4, s12  }
0x23: {  	[hbm4b:s11+s9] =	stream.linear.scatter @!p0 [tilespmem:s10], [sflag:$0x3], $0x10, $0x38;
	[tilespmem:$0x40] =	vst v63  }
0x24: {  	s11 =	sadd.s32 $0x100, s8  }
0x25: {  	s6 =	sadd.s32 $0x10, s6;
	p1 =	sgt.s32 s11, $0x7F7  }
0x26: {  	s11 =	smov.u32 @p1 s5;
	p1 =	sne.s32 s6, $0xA0  }
.Ltmp0:
0x27: {  	p0 =	slt.u32 s7, $0x2;
	(pc) =	sbr.rel @p1 .LBB2_1-.Ltmp0, $4  }
0x28: {  	s10 =	simm.s32 @!p0 $0x3  }
0x29: {  	_ =	swait.ge @!p0 [sflag:s10], $0x10  }
0x2a: {  	s9 =	smov.u32 s8;
	[sflag:s10] =	ssyncset.done @!p0 $0x0  }
0x2b: {  	s7 =	sadd.s32 $0x1, s7;
	s8 =	smov.u32 s11;
	[sflag:s10] =	ssyncadd.s32 @!p0 $0xFFFFFFF0  }
0x2c: {  	_ =	sfence.sel $0x180000  }
0x2d: {  	s2 =	simm.s32 $0x2;
	[bflag:$0x0] =	sbarrier.arrive $0xFFFF  }
0x2e: {  	s30 =	simm.s32 $0x3;
	[sflag:s2] =	ssyncpa.u1 $0x1  }
0x2f: {  	s31 =	simm.s32 $0x1;
	[sflag:s30] =	ssyncpa.u1 $0x1  }
0x30: {  	[sflag:s31] =	ssyncpa.u1 $0x1  }
0x31: {  	p0 =	sne.s32 s1, $0x0;
	_ =	strace $0x9000004A  }
0x32: {  	s0 =	sadd.s32 @!p0 $0x100000, s0;
	[bflag:$0x2] =	sbarrier.arrive $0xFFFF  }
0x33: {  	[sflag:s0] =	ssyncadd.tile.s32 @!p0 $0x1;
	_ =	shalt  }
.Lfunc_end2:
_tile_overlayer_lowered:
.L_overlay_start_2:
0x34: {  	(tag) =	ssettag $0x2  }
0x35: {  	s0 =	rddreg [dreg:$0x0];
	s2 =	stileid.u32  }
0x36: {  	s1 =	rddreg [dreg:$0x1];
	p0 =	sne.s32 s2, $0x0  }
0x37: {  	s3 =	rddreg [dreg:$0x2];
	[bflag:$0x3] =	sbarrier.arrive $0xFFFF;
	s2 =	simm.s32 @!p0 $0x1C01  }
0x38: {  	[timem:s3], [sflag:s2] =	dma.local @!p0 [hbm:s0], s1  }
0x39: {  	s0 =	simm.s32 @!p0 $0x1  }
0x3a: {  	_ =	swait.ge @!p0 [sflag:s0], s1  }
0x3b: {  	s1 =	ssub.s32 @!p0 $0x0, s1;
	[sflag:s0] =	ssyncset.done @!p0 $0x0  }
0x3c: {  	[sflag:s0] =	ssyncadd.s32 @!p0 s1  }
0x3d: {  	[bflag:$0x3] =	sbarrier.arrive $0xFFFF  }
0x3e: {  	_ =	shalt  }

// kernel: gather_offload_async_start.2
scs
__scs_entry_jumppad:
0x0: {  	(pc) =	sbr.rel $0x88, $3  }
0x1: {  	(tag) =	ssettag $0x0;
	lr =	simm.s32 $0x1  }
0x2: {  	[smem:$0x3F9D] =	sst lr;
	_ =	strace $0xD0000000  }
0x3: {  	_ = 	snop  }
0x4: {  	_ = 	snop  }
0x5: {  	_ = 	snop  }
0x6: {  	_ = 	snop  }
0x7: {  	_ = 	snop  }
__scs_overlays_trampoline_lowered:
0x8: {  	[smem:$0x3FAC] =	sst s0  }
0x9: {  	[smem:$0x3FAD] =	sst s1  }
0xa: {  	[smem:$0x3FAE] =	sst s2  }
0xb: {  	[smem:$0x3FAF] =	sst s3  }
0xc: {  	[smem:$0x3FB0] =	sst s4  }
0xd: {  	[smem:$0x3FB1] =	sst s5  }
0xe: {  	[smem:$0x3FB2] =	sst s6  }
0xf: {  	[smem:$0x3FB3] =	sst s7  }
0x10: {  	[smem:$0x3FB4] =	sst s8  }
0x11: {  	[smem:$0x3FB5] =	sst s9;
	s0 =	simm.s32 @!p0 $0x0  }
0x12: {  	s1 =	sld [smem:$0x3F9B];
	s0 =	simm.s32 @p0 $0x1  }
0x13: {  	[smem:$0x3FB6] =	sst s0;
	s0 =	simm.s32 @!p1 $0x0  }
0x14: {  	s2 =	sld [smem:$0x3F9A];
	s0 =	simm.s32 @p1 $0x1  }
0x15: {  	[smem:$0x3FB7] =	sst s0;
	s0 =	simm.s32 @!p2 $0x0  }
0x16: {  	s3 =	sld [smem:$0x3FDB];
	s0 =	simm.s32 @p2 $0x1  }
0x17: {  	s4 =	simm.s32 $0x1BF5;
	[smem:$0x3FB9] =	sst s0  }
0x18: {  	s0 =	sld [smem:$0x3F9C];
	_ =	swait.ge [sflag:s4], $0x0  }
0x19: {  	s7 =	sld [smem:$0x3F9D]  }
0x1a: {  	s8 =	sadd.s32 $0xFFFFE003, lr  }
0x1b: {  	s9 =	sadd.s32 $0xFFFFFEF7, lr;
	s5 =	simm.s32 $0xFFFFFFFF;
	p2 =	slt.u32 s8, $0xFFFFF086  }
0x1c: {  	p1 =	slt.u32 s9, $0xF7A;
	s5 =	simm.s32 @!p2 $0x0  }
0x1d: {  	s5 =	simm.s32 @p1 $0x1;
	p0 =	seq.s32 s7, s2  }
0x1e: {  	s7 =	smul.u32 @!p0 $0xF7A, s2;
	p2 =	seq.s32 @!p0 s5, $0x0  }
0x1f: {  	s9 =	smul.u32 $0xF7A, s1;
	s8 =	simm.s32 @!p0 $0x1BF5;
	p2 =	por !p2, p0  }
0x20: {  	[sflag:s8] =	ssyncset.s32 @!p0 $0xFFFFF086;
	s6 =	sadd.s32 @!p0 s3, s7;
	s7 =	simm.s32 @!p0 $0x108  }
0x21: {  	s3 =	sadd.s32 s3, s9;
	s6 =	sadd.s32 @!p0 $0x88, s6;
	s7 =	simm.s32 @p2 $0x1082  }
0x22: {  	[simem:s7], [sflag:s8] =	dma.local @!p0 [hbm:s6], $0xF7A  }
0x23: {  	s9 =	sor.u32 $0xD0000000, s2;
	s6 =	simm.s32 $0x108;
	_ =	swait.ge @!p0 [sflag:s8], $0x0  }
0x24: {  	s3 =	sadd.s32 $0x88, s3;
	s6 =	simm.s32 @!p1 $0x1082;
	[sflag:s4] =	ssyncset.s32 $0xFFFFF086  }
0x25: {  	[simem:s6], [sflag:s4] =	dma.local [hbm:s3], $0xF7A  }
0x26: {  	[smem:$0x3F9D] =	sst s1;
	(tag) =	ssettag s2;
	_ =	strace s9  }
0x27: {  	s1 =	sld [smem:$0x3FAD]  }
0x28: {  	s2 =	sld [smem:$0x3FAE]  }
0x29: {  	s4 =	sld [smem:$0x3FB0]  }
0x2a: {  	p0 =	seq.s32 s5, $0x0;
	s5 =	sld [smem:$0x3FB1]  }
0x2b: {  	s6 =	sld [smem:$0x3FB2]  }
0x2c: {  	s7 =	sld [smem:$0x3FB3]  }
0x2d: {  	s3 =	simm.s32 $0x108;
	s8 =	sld [smem:$0x3FB4]  }
0x2e: {  	s3 =	simm.s32 @!p0 $0x1082;
	s9 =	sld [smem:$0x3FB5]  }
0x2f: {  	lr =	sadd.s32 s0, s3;
	s0 =	sld [smem:$0x3FAC]  }
0x30: {  	s3 =	sld [smem:$0x3FAF]  }
0x31: {  	[smem:$0x3FB8] =	sst s10  }
0x32: {  	s10 =	sld [smem:$0x3FB6];
	_ =	sdelay $0x3  }
0x33: {  	p0 =	seq.s32 s10, $0x1;
	s10 =	sld [smem:$0x3FB8];
	_ =	sdelay $0x3  }
0x34: {  	[smem:$0x3FB8] =	sst s10  }
0x35: {  	s10 =	sld [smem:$0x3FB7];
	_ =	sdelay $0x3  }
0x36: {  	p1 =	seq.s32 s10, $0x1;
	s10 =	sld [smem:$0x3FB8];
	_ =	sdelay $0x3  }
0x37: {  	[smem:$0x3FB8] =	sst s10  }
0x38: {  	s10 =	sld [smem:$0x3FB9]  }
0x39: {  	_ = 	snop;
	(pc) =	sbr.ind lr, $3  }
0x3a: {  	_ = 	snop  }
0x3b: {  	_ = 	snop  }
0x3c: {  	p2 =	seq.s32 s10, $0x1;
	s10 =	sld [smem:$0x3FB8]  }
0x3d: {  	_ =	shalt  }
0x3e: {  	_ =	shalt  }
0x3f: {  	_ =	shalt  }
0x40: {  	_ =	shalt  }
0x41: {  	_ =	shalt  }
0x42: {  	_ =	shalt  }
0x43: {  	_ =	shalt  }
0x44: {  	_ =	shalt  }
0x45: {  	_ =	shalt  }
0x46: {  	_ =	shalt  }
0x47: {  	_ =	shalt  }
0x48: {  	_ =	shalt  }
0x49: {  	_ =	shalt  }
0x4a: {  	_ =	shalt  }
0x4b: {  	_ =	shalt  }
0x4c: {  	_ =	shalt  }
0x4d: {  	_ =	shalt  }
0x4e: {  	_ =	shalt  }
0x4f: {  	_ =	shalt  }
0x50: {  	_ =	shalt  }
0x51: {  	_ =	shalt  }
0x52: {  	_ =	shalt  }
0x53: {  	_ =	shalt  }
0x54: {  	_ =	shalt  }
0x55: {  	_ =	shalt  }
0x56: {  	_ =	shalt  }
0x57: {  	_ =	shalt  }
0x58: {  	_ =	shalt  }
0x59: {  	_ =	shalt  }
0x5a: {  	_ =	shalt  }
0x5b: {  	_ =	shalt  }
0x5c: {  	_ =	shalt  }
0x5d: {  	_ =	shalt  }
0x5e: {  	_ =	shalt  }
0x5f: {  	_ =	shalt  }
0x60: {  	_ =	shalt  }
0x61: {  	_ =	shalt  }
0x62: {  	_ =	shalt  }
0x63: {  	_ =	shalt  }
0x64: {  	_ =	shalt  }
0x65: {  	_ =	shalt  }
0x66: {  	_ =	shalt  }
0x67: {  	_ =	shalt  }
0x68: {  	_ =	shalt  }
0x69: {  	_ =	shalt  }
0x6a: {  	_ =	shalt  }
0x6b: {  	_ =	shalt  }
0x6c: {  	_ =	shalt  }
0x6d: {  	_ =	shalt  }
0x6e: {  	_ =	shalt  }
0x6f: {  	_ =	shalt  }
0x70: {  	_ =	shalt  }
0x71: {  	_ =	shalt  }
0x72: {  	_ =	shalt  }
0x73: {  	_ =	shalt  }
0x74: {  	_ =	shalt  }
0x75: {  	_ =	shalt  }
0x76: {  	_ =	shalt  }
0x77: {  	_ =	shalt  }
0x78: {  	_ =	shalt  }
0x79: {  	_ =	shalt  }
0x7a: {  	_ =	shalt  }
0x7b: {  	_ =	shalt  }
0x7c: {  	_ =	shalt  }
0x7d: {  	_ =	shalt  }
0x7e: {  	_ =	shalt  }
0x7f: {  	_ =	shalt  }
0x80: {  	_ =	shalt  }
0x81: {  	_ =	shalt  }
0x82: {  	_ =	shalt  }
0x83: {  	_ =	shalt  }
0x84: {  	_ =	shalt  }
0x85: {  	_ =	shalt  }
0x86: {  	_ =	shalt  }
0x87: {  	_ =	shalt  }
.Lfunc_end0:
.L_simem_size_0:
called_computation.2_lowered:
.L_overlay_start_0:
0x88: {  	s0 =	sld [smem:$0x3FD9]  }
0x89: {  	s1 =	sld [smem:$0x3FFE];
	_ =	sdelay $0x3  }
0x8a: {  	s0 =	sadd.s32 s1, s0  }
0x8b: {  	[smem:$0x3FC4] =	sst s0  }
0x8c: {  	_ = 	snop  }
0x8d: {  	s0 =	sld [smem:$0x3FD0];
	_ =	sdelay $0x2  }
0x8e: {  	s13 =	simm.s32 $0xB;
	s2 =	simm.s32 $0x10  }
0x8f: {  	[smem:s2], [sflag:s13] =	dma.local [hbm:s0], $0x1  }
0x90: {  	_ =	swait.eq [sflag:s13], $0x1  }
0x91: {  	[sflag:s13] =	ssyncset.done $0x0  }
0x92: {  	[sflag:s13] =	ssyncadd.s32 $0xFFFFFFFF  }
0x93: {  	s14 =	sld [smem:$0x10];
	(tm) =	ssettm $0x1  }
0x94: {  	s15 =	sld [smem:$0x3FFB];
	_ =	sdelay $0x3  }
0x95: {  	_ =	strace s15  }
0x96: {  	s1 =	sld [smem:$0x3FFC];
	_ =	sdelay $0x3  }
0x97: {  	_ =	strace s1  }
0x98: {  	s1 =	sld [smem:$0x3FFD];
	_ =	sdelay $0x3  }
0x99: {  	_ =	strace s1  }
0x9a: {  	_ =	strace $0x8FFFFFFF  }
0x9b: {  	s16 =	sld [smem:$0x3FDB];
	_ =	sdelay $0x1  }
0x9c: {  	s17 =	simm.s32 $_scs_section_size  }
0x9d: {  	s3 =	simm.s32 $_size__tile_overlayer_lowered;
	s4 =	simm.s32 $_tile_overlayer_lowered  }
0x9e: {  	s20 =	simm.s32 $0x1BFF;
	s19 =	sshll.u32 s4, $0x1;
	s1 =	sadd.s32 s17, s16  }
0x9f: {  	s5 =	simm.s32 $0x0;
	s18 =	sshll.u32 s3, $0x1;
	s3 =	sadd.s32 s19, s1  }
0xa0: {  	[timem:s5], [sflag:s20] =	dma.local [hbm:s3], s18  }
0xa1: {  	_ =	swait.ge [sflag:s20], s18  }
0xa2: {  	s2 =	ssub.s32 $0x0, s18;
	[sflag:s20] =	ssyncset.done $0x0  }
0xa3: {  	[sflag:s20] =	ssyncadd.s32 s2;
	_ =	sdelay $0x1  }
0xa4: {  	s21 =	simm.s32 $0x1B8B  }
0xa5: {  	_ =	swait.ge [sflag:s21], $0x1  }
0xa6: {  	[sflag:s21] =	ssyncset.done $0x0  }
0xa7: {  	s23 =	simm.s32 $0x1B8E;
	s22 =	sld [smem:$0x3FFE];
	[sflag:s21] =	ssyncadd.s32 $0xFFFFFFFF  }
0xa8: {  	s24 =	simm.s32 $execute0_lowered;
	[smem:$0x3FD2] =	sst s23  }
0xa9: {  	s3 =	sshll.u32 s24, $0x1;
	_ =	strace $0x8000004F;
	[dreg:$0x1] =	wrdreg $0xFFFFFFFF  }
0xaa: {  	s25 =	simm.s32 $_size_execute0_lowered;
	s1 =	sadd.s32 s1, s3;
	[dreg:$0x0] =	wrdreg $0x0  }
0xab: {  	s3 =	sshll.u32 s25, $0x1;
	[dreg:$0x2] =	wrdreg s1  }
0xac: {  	[dreg:$0x3] =	wrdreg s3  }
0xad: {  	[dreg:$0x4] =	wrdreg $0xC0  }
0xae: {  	_ =	task [dreg:s5], $0x5FFFF  }
0xaf: {  	[dreg:$0x1] =	wrdreg $0xFFFFFFFF  }
0xb0: {  	[dreg:$0x0] =	wrdreg $0x60  }
0xb1: {  	[dreg:$0x2] =	wrdreg s22  }
0xb2: {  	[dreg:$0x3] =	wrdreg s14  }
0xb3: {  	[dreg:$0x4] =	wrdreg $0xA  }
0xb4: {  	_ =	task.clear_ibuf [dreg:s5], $0x5FFFF;
	_ =	strace $0x9000004F  }
0xb5: {  	s26 =	simm.s32 $0xA;
	_ =	strace $0x80000051  }
0xb6: {  	_ =	swait.ge [sflag:s26], $0x1  }
0xb7: {  	[sflag:s26] =	ssyncadd.s32 $0xFFFFFFFF  }
0xb8: {  	_ =	strace $0x90000051  }
0xb9: {  	_ =	sfence  }
0xba: {  	s28 =	sld [smem:$0x0];
	_ =	sdelay $0x1  }
0xbb: {  	s29 =	srdreg.scid  }
0xbc: {  	s30 =	sshll.u32 s29, $0xD;
	s31 =	sshrl.u32 s29, $0x2  }
0xbd: {  	s2 =	sand.u32 $0x4000, s30;
	s1 =	sand.u32 $0x1, s29;
	s0 =	sadd.s32 s31, s28  }
0xbe: {  	s1 =	sor.u32 s2, s1;
	s0 =	sshll.u32 s0, $0x11  }
0xbf: {  	s0 =	sor.u32 s0, s1  }
0xc0: {  	s0 =	sadd.s32 $0x8F2B, s0  }
0xc1: {  	[sflag:s0] =	ssyncadd.remote.s32 $0x1  }
0xc2: {  	_ =	sfence.sel $0xFFFF  }
0xc3: {  	[dreg:$0x0] =	wrdreg $0xFFFFFFFF;
	(pc) =	sbr.abs _section_cstart, $3  }
0xc4: {  	[dreg:$0x1] =	wrdreg $0xFFFFFFFF  }
0xc5: {  	_ =	task.clear_ibuf [dreg:s5], $0x2FFFF;
	_ =	strace $0x9FFFFFFF  }
0xc6: {  	(tm) =	ssettm $0x7FFFFFFF  }
0xc7: {  	_ =	shalt  }
tec
execute0_lowered:
.L_overlay_start_1:
0x0: {  	(tag) =	ssettag $0x1  }
0x1: {  	s1 =	stileid.u32  }
0x2: {  	s0 =	simm.s32 $0x1;
	p0 =	sne.s32 s1, $0x0  }
0x3: {  	s0 =	simm.s32 @!p0 $0x0  }
0x4: {  	s0 =	sadd.s32 s0, s1  }
0x5: {  	p1 =	seq.s32 s1, $0x0;
	s1 =	simm.s32 $0xF0;
	s0 =	smul.u32 $0x78, s0  }
0x6: {  	s1 =	simm.s32 @!p1 $0x78  }
0x7: {  	s1 =	sadd.s32 s1, s0  }
0x8: {  	s2 =	smin.u32 s1, $0x7F8  }
0x9: {  	s6 =	ssub.s32 s2, s0  }
0xa: {  	p1 =	sgt.s32 s6, $0x0  }
0xb: {  	s6 =	simm.s32 @!p1 $0x0  }
0xc: {  	s8 =	rddreg [dreg:$0x0];
	s31 =	smul.u32 $0x8889, s6  }
0xd: {  	s3 =	rddreg [dreg:$0x1];
	s5 =	simm.s32 $0x1  }
0xe: {  	s10 =	simm.s32 $0x3;
	s12 =	simm.s32 $0x0;
	s7 =	sshrl.u32 s31, $0x16  }
0xf: {  	s11 =	simm.s32 $0x0;
	s4 =	sadd.s32 $0xBC00, s8;
	s9 =	smul.u32 $0x78, s7  }
.Ltmp0:
0x10: {  	s8 =	sadd.s32 $0x63C00, s8;
	s1 =	rddreg [dreg:$0x2];
	(pc) =	sbr.rel .LBB2_1-.Ltmp0, $4  }
0x11: {  	_ =	strace $0x80000050;
	p1 =	sne.s32 s6, s9;
	s9 =	simm.s32 $0x1  }
0x12: {  	[sflag:s5] =	ssyncpa.u1 $0x0;
	s6 =	simm.s32 $0x2;
	s9 =	simm.s32 @!p1 $0x0  }
0x13: {  	[sflag:s6] =	ssyncpa.u1 $0x0;
	p1 =	por $0x0, $0x0;
	s7 =	sadd.s32 s7, s9  }
0x14: {  	vm0 =	vmmov $0xff;
	vm1 =	vcmask $0x3F20;
	[sflag:s10] =	ssyncpa.u1 $0x0;
	s10 =	smov.u32 s0;
	s9 =	sadd.s32 $0x1, s7  }
.LBB2_6:
0x15: {  	[hbm:s16] =	stream.linear.scatter [tilespmem:s13], [sflag:$0x3], $0x400, $0x38;
	[tilespmem:$0x78F0] =	vst v63  }
.LBB2_7:
0x16: {  	s12 =	sadd.s32 $0x78, s10  }
0x17: {  	s14 =	smov.u32 s0;
	p3 =	slt.s32 s12, s2  }
0x18: {  	s14 =	smov.u32 @p3 s12;
	p3 =	sne.s32 s11, s9  }
.Ltmp1:
0x19: {  	p2 =	slt.u32 s11, $0x2;
	(pc) =	sbr.rel @!p3 .LBB2_8-.Ltmp1, $4  }
0x1a: {  	s13 =	simm.s32 @!p2 $0x3  }
0x1b: {  	s15 =	sadd.s32 $0x1, s11;
	_ =	swait.ge @!p2 [sflag:s13], $0x3C00  }
0x1c: {  	p1 =	por !p1, !p1;
	s12 =	smov.u32 s10;
	[sflag:s13] =	ssyncset.done @!p2 $0x0  }
0x1d: {  	s11 =	smov.u32 s15;
	s10 =	smov.u32 s14;
	[sflag:s13] =	ssyncadd.s32 @!p2 $0xFFFFC400  }
.LBB2_1:
0x1e: {  	p2 =	sge.u32 s11, s7  }
0x1f: {  	s13 =	sxor.u32 @!p2 $0xFFFFFFFF, s11  }
0x20: {  	s13 =	sand.u32 @!p2 $0x1, s13  }
0x21: {  	s13 =	smul.u32 @!p2 $0x1E0, s13  }
0x22: {  	s31 =	sadd.s32 $0xFFFFFFFF, s11;
	s14 =	sshrl.u32 @!p2 s10, $0x3  }
0x23: {  	s15 =	sand.u32 @!p2 $0x7, s10;
	s14 =	sadd.s32 @!p2 s3, s14;
	s13 =	sshrl.u32 @!p2 s13, $0x2  }
0x24: {  	[tilespmem:s13], [sflag:$0x2] =	stream.linear.gather @!p2 [hbm4b:s14+s15], $0x78, $0x38;
	[tilespmem:$0x78F0] =	vst v63  }
0x25: {  	p2 =	sge.u32 s31, s7  }
.Ltmp2:
0x26: {  	_ = 	snop;
	(pc) =	sbr.rel @p2 .LBB2_7-.Ltmp2, $1  }
0x27: {  	_ =	sdelay $0x3  }
0x28: {  	s13 =	simm.s32 $0x1  }
0x29: {  	s13 =	simm.s32 @!p1 $0x0  }
0x2a: {  	s14 =	smul.u32 $0x1E0, s13  }
0x2b: {  	_ =	swait.ge [sflag:s6], $0x78  }
0x2c: {  	[sflag:s6] =	ssyncset.done $0x0;
	s16 =	sshrl.u32 s14, $0x2  }
0x2d: {  	[sflag:s6] =	ssyncadd.s32 $0xFFFFFF88;
	s14 =	sadd.s32 $0x0, s16  }
0x2e: {  	v0 =	vld.msk [tilespmem:s14+$0x0 ss:$0x1], $0xffff;
	_ =	sdelay $0x4  }
0x2f: {  	v1 =	vshll.u32 v0, $0x3  }
0x30: {  	vm2 =	veq.s32 v0, $0x80000000;
	v0 =	vshll.u32 v0, $0x12;
	v1 =	vand.u32 $0x3FF80, v1  }
0x31: {  	v0 =	vand.u32 $0x3C0000, v0;
	v1 =	vsel vm2, $0xFFFFFF80, v1  }
0x32: {  	v0 =	vsel vm2, $0xFFFC0000, v0;
	v2 =	vand.u32 $0xFFFFFC00, v1  }
0x33: {  	v1 =	vand.u32 $0x380, v1;
	v0 =	vadd.s32 v0, v2  }
0x34: {  	v0 =	vor.u32 v1, v0  }
0x35: {  	v0 =	vshrl.u32 v0, $0x3  }
0x36: {  	s13 =	smul.u32 $0xF000, s13  }
0x37: {  	s31 =	sand.u32 $0x1, s11  }
0x38: {  	s15 =	smul.u32 $0x1E0, s31;
	s13 =	sshrl.u32 s13, $0x2  }
0x39: {  	s18 =	smul.u32 $0xF000, s31;
	s13 =	sor.u32 $0xF0, s13  }
0x3a: {  	[tilespmem:s13], [sflag:$0x1] =	stream.indirect_vreg.gather [hbm:s4], $0x80, v0, vm0, $0x38;
	[tilespmem:$0x78F0] =	vst v63  }
0x3b: {  	s17 =	sshrl.u32 s15, $0x2;
	s19 =	sadd.s32 $0x10, s16;
	s14 =	sadd.s32 $0x400, s13  }
0x3c: {  	[tilespmem:s14], [sflag:$0x1] =	stream.indirect_vreg.gather [hbm:s4], $0x80, v0, vm1, $0x38;
	[tilespmem:$0x78F0] =	vst v63  }
0x3d: {  	s15 =	sshrl.u32 s18, $0x2;
	s18 =	smov.u32 s13;
	v0 =	vld.msk [tilespmem:s19+$0x0 ss:$0x1], $0xffff;
	s19 =	simm.s32 $0x80  }
.LBB2_3:
0x3e: {  	p2 =	sne.s32 s19, $0x180;
	_ =	sdelay $0x4  }
0x3f: {  	v1 =	vshll.u32 v0, $0x3  }
0x40: {  	vm2 =	veq.s32 v0, $0x80000000;
	v0 =	vshll.u32 v0, $0x12;
	v1 =	vand.u32 $0x3FF80, v1  }
0x41: {  	v0 =	vand.u32 $0x3C0000, v0;
	v1 =	vsel vm2, $0xFFFFFF80, v1  }
0x42: {  	v0 =	vsel vm2, $0xFFFC0000, v0;
	v2 =	vand.u32 $0xFFFFFC00, v1  }
0x43: {  	v1 =	vand.u32 $0x380, v1;
	v0 =	vadd.s32 v0, v2  }
0x44: {  	v0 =	vor.u32 v1, v0  }
0x45: {  	v0 =	vshrl.u32 v0, $0x3;
	_ =	sdelay $0x3  }
.Ltmp3:
0x46: {  	s20 =	sshra.s32 s19, $0x2;
	s18 =	sadd.s32 $0x800, s18;
	(pc) =	sbr.rel @p2 .LBB2_3-.Ltmp3, $4  }
0x47: {  	[tilespmem:s18], [sflag:$0x1] =	stream.indirect_vreg.gather [hbm:s4], $0x80, v0, vm0, $0x38;
	[tilespmem:$0x78F0] =	vst v63  }
0x48: {  	s20 =	sadd.s32 s20, s16;
	s21 =	sadd.s32 $0x400, s18  }
0x49: {  	[tilespmem:s21], [sflag:$0x1] =	stream.indirect_vreg.gather [hbm:s4], $0x80, v0, vm1, $0x38;
	[tilespmem:$0x78F0] =	vst v63  }
0x4a: {  	s19 =	sadd.s32 $0x40, s19;
	v0 =	vld.msk [tilespmem:s20+$0x0 ss:$0x1], $0xffff  }
0x4b: {  	_ =	sdelay $0x3  }
0x4c: {  	v1 =	vshll.u32 v0, $0x3  }
0x4d: {  	vm2 =	veq.s32 v0, $0x80000000;
	v61 =	vshll.u32 v0, $0x12;
	v1 =	vand.u32 $0x3FF80, v1  }
0x4e: {  	v0 =	vand.u32 $0x3C0000, v61;
	v1 =	vsel vm2, $0xFFFFFF80, v1  }
0x4f: {  	v0 =	vsel vm2, $0xFFFC0000, v0;
	v2 =	vand.u32 $0xFFFFFC00, v1  }
0x50: {  	v1 =	vand.u32 $0x380, v1;
	v0 =	vadd.s32 v0, v2  }
0x51: {  	v0 =	vor.u32 v1, v0  }
0x52: {  	v0 =	vshrl.u32 v0, $0x3;
	_ =	sdelay $0x3  }
0x53: {  	s16 =	sadd.s32 $0x800, s18  }
0x54: {  	[tilespmem:s16], [sflag:$0x1] =	stream.indirect_vreg.gather [hbm:s4], $0x80, v0, vm0, $0x38;
	[tilespmem:$0x78F0] =	vst v63  }
0x55: {  	s16 =	sadd.s32 $0x400, s16  }
0x56: {  	[tilespmem:s16], [sflag:$0x1] =	stream.indirect_vreg.gather [hbm:s4], $0x80, v0, vm1, $0x38;
	[tilespmem:$0x78F0] =	vst v63  }
0x57: {  	v0 =	vld.msk [tilespmem:s17+$0x70 ss:$0x1], $0xff;
	_ =	sdelay $0x4  }
0x58: {  	v62 =	vshll.u32 v0, $0x3  }
0x59: {  	vm2 =	veq.s32 v0, $0x80000000;
	v0 =	vshll.u32 v0, $0x12;
	v1 =	vand.u32 $0x3FF80, v62  }
0x5a: {  	v0 =	vand.u32 $0x3C0000, v0;
	v1 =	vsel vm2, $0xFFFFFF80, v1  }
0x5b: {  	v0 =	vsel vm2, $0xFFFC0000, v0;
	v63 =	vand.u32 $0xFFFFFC00, v1  }
0x5c: {  	v1 =	vand.u32 $0x380, v1;
	v0 =	vadd.s32 v0, v63  }
0x5d: {  	v0 =	vor.u32 v1, v0  }
0x5e: {  	v0 =	vshrl.u32 v0, $0x3;
	_ =	sdelay $0x3  }
0x5f: {  	s15 =	sadd.s32 $0x38F0, s15  }
0x60: {  	[tilespmem:s15], [sflag:$0x1] =	stream.indirect_vreg.gather [hbm:s4], $0x80, v0, vm0, $0x38;
	[tilespmem:$0x78F0] =	vst v63  }
0x61: {  	s12 =	sshll.u32 s12, $0x4;
	_ =	swait.ge [sflag:s5], $0x3C00  }
0x62: {  	s12 =	sadd.s32 s12, s8;
	[sflag:s5] =	ssyncset.done $0x0  }
0x63: {  	s16 =	sadd.s32 $0x0, s12;
	s15 =	simm.s32 $0x80;
	[sflag:s5] =	ssyncadd.s32 $0xFFFFC400  }
.LBB2_5:
0x64: {  	[hbm:s16] =	stream.linear.scatter [tilespmem:s13], [sflag:$0x3], $0x400, $0x38;
	[tilespmem:$0x78F0] =	vst v63  }
0x65: {  	s16 =	smov.u32 s15;
	s13 =	smov.u32 s14;
	p2 =	sne.s32 s15, $0x700  }
.Ltmp4:
0x66: {  	s15 =	sadd.s32 $0x80, s15;
	(pc) =	sbr.rel @p2 .LBB2_5-.Ltmp4, $2  }
0x67: {  	_ =	sdelay $0x2  }
0x68: {  	s14 =	sadd.s32 $0x400, s14;
	s16 =	sadd.s32 s16, s12  }
.Ltmp5:
0x69: {  	_ = 	snop;
	(pc) =	sbr.rel .LBB2_6-.Ltmp5, $1  }
0x6a: {  	_ =	sdelay $0x3  }
.LBB2_8:
0x6b: {  	_ =	sfence.sel $0x180000  }
0x6c: {  	s0 =	simm.s32 $0x2;
	[bflag:$0x0] =	sbarrier.arrive $0xFFFF  }
0x6d: {  	s30 =	simm.s32 $0x3;
	[sflag:s0] =	ssyncpa.u1 $0x1  }
0x6e: {  	s31 =	simm.s32 $0x1;
	[sflag:s30] =	ssyncpa.u1 $0x1  }
0x6f: {  	[sflag:s31] =	ssyncpa.u1 $0x1  }
0x70: {  	_ =	strace $0x90000050  }
0x71: {  	s0 =	sadd.s32 @!p0 $0x100000, s1;
	[bflag:$0x2] =	sbarrier.arrive $0xFFFF  }
0x72: {  	[sflag:s0] =	ssyncadd.tile.s32 @!p0 $0x1;
	_ =	shalt  }
.Lfunc_end2:
_tile_overlayer_lowered:
.L_overlay_start_2:
0x73: {  	(tag) =	ssettag $0x2  }
0x74: {  	s0 =	rddreg [dreg:$0x0];
	s2 =	stileid.u32  }
0x75: {  	s1 =	rddreg [dreg:$0x1];
	p0 =	sne.s32 s2, $0x0  }
0x76: {  	s3 =	rddreg [dreg:$0x2];
	[bflag:$0x3] =	sbarrier.arrive $0xFFFF;
	s2 =	simm.s32 @!p0 $0x1C01  }
0x77: {  	[timem:s3], [sflag:s2] =	dma.local @!p0 [hbm:s0], s1  }
0x78: {  	s0 =	simm.s32 @!p0 $0x1  }
0x79: {  	_ =	swait.ge @!p0 [sflag:s0], s1  }
0x7a: {  	s1 =	ssub.s32 @!p0 $0x0, s1;
	[sflag:s0] =	ssyncset.done @!p0 $0x0  }
0x7b: {  	[sflag:s0] =	ssyncadd.s32 @!p0 s1  }
0x7c: {  	[bflag:$0x3] =	sbarrier.arrive $0xFFFF  }
0x7d: {  	_ =	shalt  }

// kernel: gather_offload_async_start
scs
__scs_entry_jumppad:
0x0: {  	(pc) =	sbr.rel $0x88, $3  }
0x1: {  	(tag) =	ssettag $0x0;
	lr =	simm.s32 $0x1  }
0x2: {  	[smem:$0x3F9D] =	sst lr;
	_ =	strace $0xD0000000  }
0x3: {  	_ = 	snop  }
0x4: {  	_ = 	snop  }
0x5: {  	_ = 	snop  }
0x6: {  	_ = 	snop  }
0x7: {  	_ = 	snop  }
__scs_overlays_trampoline_lowered:
0x8: {  	[smem:$0x3FAC] =	sst s0  }
0x9: {  	[smem:$0x3FAD] =	sst s1  }
0xa: {  	[smem:$0x3FAE] =	sst s2  }
0xb: {  	[smem:$0x3FAF] =	sst s3  }
0xc: {  	[smem:$0x3FB0] =	sst s4  }
0xd: {  	[smem:$0x3FB1] =	sst s5  }
0xe: {  	[smem:$0x3FB2] =	sst s6  }
0xf: {  	[smem:$0x3FB3] =	sst s7  }
0x10: {  	[smem:$0x3FB4] =	sst s8  }
0x11: {  	[smem:$0x3FB5] =	sst s9;
	s0 =	simm.s32 @!p0 $0x0  }
0x12: {  	s1 =	sld [smem:$0x3F9B];
	s0 =	simm.s32 @p0 $0x1  }
0x13: {  	[smem:$0x3FB6] =	sst s0;
	s0 =	simm.s32 @!p1 $0x0  }
0x14: {  	s2 =	sld [smem:$0x3F9A];
	s0 =	simm.s32 @p1 $0x1  }
0x15: {  	[smem:$0x3FB7] =	sst s0;
	s0 =	simm.s32 @!p2 $0x0  }
0x16: {  	s3 =	sld [smem:$0x3FDB];
	s0 =	simm.s32 @p2 $0x1  }
0x17: {  	s4 =	simm.s32 $0x1BF5;
	[smem:$0x3FB9] =	sst s0  }
0x18: {  	s0 =	sld [smem:$0x3F9C];
	_ =	swait.ge [sflag:s4], $0x0  }
0x19: {  	s7 =	sld [smem:$0x3F9D]  }
0x1a: {  	s8 =	sadd.s32 $0xFFFFE003, lr  }
0x1b: {  	s9 =	sadd.s32 $0xFFFFFEF7, lr;
	s5 =	simm.s32 $0xFFFFFFFF;
	p2 =	slt.u32 s8, $0xFFFFF086  }
0x1c: {  	p1 =	slt.u32 s9, $0xF7A;
	s5 =	simm.s32 @!p2 $0x0  }
0x1d: {  	s5 =	simm.s32 @p1 $0x1;
	p0 =	seq.s32 s7, s2  }
0x1e: {  	s7 =	smul.u32 @!p0 $0xF7A, s2;
	p2 =	seq.s32 @!p0 s5, $0x0  }
0x1f: {  	s9 =	smul.u32 $0xF7A, s1;
	s8 =	simm.s32 @!p0 $0x1BF5;
	p2 =	por !p2, p0  }
0x20: {  	[sflag:s8] =	ssyncset.s32 @!p0 $0xFFFFF086;
	s6 =	sadd.s32 @!p0 s3, s7;
	s7 =	simm.s32 @!p0 $0x108  }
0x21: {  	s3 =	sadd.s32 s3, s9;
	s6 =	sadd.s32 @!p0 $0x88, s6;
	s7 =	simm.s32 @p2 $0x1082  }
0x22: {  	[simem:s7], [sflag:s8] =	dma.local @!p0 [hbm:s6], $0xF7A  }
0x23: {  	s9 =	sor.u32 $0xD0000000, s2;
	s6 =	simm.s32 $0x108;
	_ =	swait.ge @!p0 [sflag:s8], $0x0  }
0x24: {  	s3 =	sadd.s32 $0x88, s3;
	s6 =	simm.s32 @!p1 $0x1082;
	[sflag:s4] =	ssyncset.s32 $0xFFFFF086  }
0x25: {  	[simem:s6], [sflag:s4] =	dma.local [hbm:s3], $0xF7A  }
0x26: {  	[smem:$0x3F9D] =	sst s1;
	(tag) =	ssettag s2;
	_ =	strace s9  }
0x27: {  	s1 =	sld [smem:$0x3FAD]  }
0x28: {  	s2 =	sld [smem:$0x3FAE]  }
0x29: {  	s4 =	sld [smem:$0x3FB0]  }
0x2a: {  	p0 =	seq.s32 s5, $0x0;
	s5 =	sld [smem:$0x3FB1]  }
0x2b: {  	s6 =	sld [smem:$0x3FB2]  }
0x2c: {  	s7 =	sld [smem:$0x3FB3]  }
0x2d: {  	s3 =	simm.s32 $0x108;
	s8 =	sld [smem:$0x3FB4]  }
0x2e: {  	s3 =	simm.s32 @!p0 $0x1082;
	s9 =	sld [smem:$0x3FB5]  }
0x2f: {  	lr =	sadd.s32 s0, s3;
	s0 =	sld [smem:$0x3FAC]  }
0x30: {  	s3 =	sld [smem:$0x3FAF]  }
0x31: {  	[smem:$0x3FB8] =	sst s10  }
0x32: {  	s10 =	sld [smem:$0x3FB6];
	_ =	sdelay $0x3  }
0x33: {  	p0 =	seq.s32 s10, $0x1;
	s10 =	sld [smem:$0x3FB8];
	_ =	sdelay $0x3  }
0x34: {  	[smem:$0x3FB8] =	sst s10  }
0x35: {  	s10 =	sld [smem:$0x3FB7];
	_ =	sdelay $0x3  }
0x36: {  	p1 =	seq.s32 s10, $0x1;
	s10 =	sld [smem:$0x3FB8];
	_ =	sdelay $0x3  }
0x37: {  	[smem:$0x3FB8] =	sst s10  }
0x38: {  	s10 =	sld [smem:$0x3FB9]  }
0x39: {  	_ = 	snop;
	(pc) =	sbr.ind lr, $3  }
0x3a: {  	_ = 	snop  }
0x3b: {  	_ = 	snop  }
0x3c: {  	p2 =	seq.s32 s10, $0x1;
	s10 =	sld [smem:$0x3FB8]  }
0x3d: {  	_ =	shalt  }
0x3e: {  	_ =	shalt  }
0x3f: {  	_ =	shalt  }
0x40: {  	_ =	shalt  }
0x41: {  	_ =	shalt  }
0x42: {  	_ =	shalt  }
0x43: {  	_ =	shalt  }
0x44: {  	_ =	shalt  }
0x45: {  	_ =	shalt  }
0x46: {  	_ =	shalt  }
0x47: {  	_ =	shalt  }
0x48: {  	_ =	shalt  }
0x49: {  	_ =	shalt  }
0x4a: {  	_ =	shalt  }
0x4b: {  	_ =	shalt  }
0x4c: {  	_ =	shalt  }
0x4d: {  	_ =	shalt  }
0x4e: {  	_ =	shalt  }
0x4f: {  	_ =	shalt  }
0x50: {  	_ =	shalt  }
0x51: {  	_ =	shalt  }
0x52: {  	_ =	shalt  }
0x53: {  	_ =	shalt  }
0x54: {  	_ =	shalt  }
0x55: {  	_ =	shalt  }
0x56: {  	_ =	shalt  }
0x57: {  	_ =	shalt  }
0x58: {  	_ =	shalt  }
0x59: {  	_ =	shalt  }
0x5a: {  	_ =	shalt  }
0x5b: {  	_ =	shalt  }
0x5c: {  	_ =	shalt  }
0x5d: {  	_ =	shalt  }
0x5e: {  	_ =	shalt  }
0x5f: {  	_ =	shalt  }
0x60: {  	_ =	shalt  }
0x61: {  	_ =	shalt  }
0x62: {  	_ =	shalt  }
0x63: {  	_ =	shalt  }
0x64: {  	_ =	shalt  }
0x65: {  	_ =	shalt  }
0x66: {  	_ =	shalt  }
0x67: {  	_ =	shalt  }
0x68: {  	_ =	shalt  }
0x69: {  	_ =	shalt  }
0x6a: {  	_ =	shalt  }
0x6b: {  	_ =	shalt  }
0x6c: {  	_ =	shalt  }
0x6d: {  	_ =	shalt  }
0x6e: {  	_ =	shalt  }
0x6f: {  	_ =	shalt  }
0x70: {  	_ =	shalt  }
0x71: {  	_ =	shalt  }
0x72: {  	_ =	shalt  }
0x73: {  	_ =	shalt  }
0x74: {  	_ =	shalt  }
0x75: {  	_ =	shalt  }
0x76: {  	_ =	shalt  }
0x77: {  	_ =	shalt  }
0x78: {  	_ =	shalt  }
0x79: {  	_ =	shalt  }
0x7a: {  	_ =	shalt  }
0x7b: {  	_ =	shalt  }
0x7c: {  	_ =	shalt  }
0x7d: {  	_ =	shalt  }
0x7e: {  	_ =	shalt  }
0x7f: {  	_ =	shalt  }
0x80: {  	_ =	shalt  }
0x81: {  	_ =	shalt  }
0x82: {  	_ =	shalt  }
0x83: {  	_ =	shalt  }
0x84: {  	_ =	shalt  }
0x85: {  	_ =	shalt  }
0x86: {  	_ =	shalt  }
0x87: {  	_ =	shalt  }
.Lfunc_end0:
.L_simem_size_0:
called_computation_lowered:
.L_overlay_start_0:
0x88: {  	s0 =	sld [smem:$0x3FD9]  }
0x89: {  	s1 =	sld [smem:$0x3FFE];
	_ =	sdelay $0x3  }
0x8a: {  	s0 =	sadd.s32 s1, s0  }
0x8b: {  	[smem:$0x3FC4] =	sst s0  }
0x8c: {  	_ = 	snop  }
0x8d: {  	s0 =	sld [smem:$0x3FD0];
	_ =	sdelay $0x2  }
0x8e: {  	s13 =	simm.s32 $0xB;
	s2 =	simm.s32 $0x10  }
0x8f: {  	[smem:s2], [sflag:s13] =	dma.local [hbm:s0], $0x1  }
0x90: {  	_ =	swait.eq [sflag:s13], $0x1  }
0x91: {  	[sflag:s13] =	ssyncset.done $0x0  }
0x92: {  	[sflag:s13] =	ssyncadd.s32 $0xFFFFFFFF  }
0x93: {  	s14 =	sld [smem:$0x11];
	(tm) =	ssettm $0x1  }
0x94: {  	s15 =	sld [smem:$0x3FFB];
	_ =	sdelay $0x3  }
0x95: {  	_ =	strace s15  }
0x96: {  	s1 =	sld [smem:$0x3FFC];
	_ =	sdelay $0x3  }
0x97: {  	_ =	strace s1  }
0x98: {  	s1 =	sld [smem:$0x3FFD];
	_ =	sdelay $0x3  }
0x99: {  	_ =	strace s1  }
0x9a: {  	_ =	strace $0x8FFFFFFF  }
0x9b: {  	s16 =	sld [smem:$0x3FDB];
	_ =	sdelay $0x1  }
0x9c: {  	s17 =	simm.s32 $_scs_section_size  }
0x9d: {  	s3 =	simm.s32 $_size__tile_overlayer_lowered;
	s4 =	simm.s32 $_tile_overlayer_lowered  }
0x9e: {  	s20 =	simm.s32 $0x1BFF;
	s19 =	sshll.u32 s4, $0x1;
	s1 =	sadd.s32 s17, s16  }
0x9f: {  	s5 =	simm.s32 $0x0;
	s18 =	sshll.u32 s3, $0x1;
	s3 =	sadd.s32 s19, s1  }
0xa0: {  	[timem:s5], [sflag:s20] =	dma.local [hbm:s3], s18  }
0xa1: {  	_ =	swait.ge [sflag:s20], s18  }
0xa2: {  	s2 =	ssub.s32 $0x0, s18;
	[sflag:s20] =	ssyncset.done $0x0  }
0xa3: {  	[sflag:s20] =	ssyncadd.s32 s2;
	_ =	sdelay $0x1  }
0xa4: {  	s21 =	simm.s32 $0x1B8B  }
0xa5: {  	_ =	swait.ge [sflag:s21], $0x1  }
0xa6: {  	[sflag:s21] =	ssyncset.done $0x0  }
0xa7: {  	s23 =	simm.s32 $0x1B8E;
	s22 =	sld [smem:$0x3FFE];
	[sflag:s21] =	ssyncadd.s32 $0xFFFFFFFF  }
0xa8: {  	s24 =	simm.s32 $execute0_lowered;
	[smem:$0x3FD2] =	sst s23  }
0xa9: {  	s3 =	sshll.u32 s24, $0x1;
	_ =	strace $0x8000004C;
	[dreg:$0x1] =	wrdreg $0xFFFFFFFF  }
0xaa: {  	s25 =	simm.s32 $_size_execute0_lowered;
	s1 =	sadd.s32 s1, s3;
	[dreg:$0x0] =	wrdreg $0x0  }
0xab: {  	s3 =	sshll.u32 s25, $0x1;
	[dreg:$0x2] =	wrdreg s1  }
0xac: {  	[dreg:$0x3] =	wrdreg s3  }
0xad: {  	[dreg:$0x4] =	wrdreg $0xC0  }
0xae: {  	_ =	task [dreg:s5], $0x5FFFF  }
0xaf: {  	[dreg:$0x1] =	wrdreg $0xFFFFFFFF  }
0xb0: {  	[dreg:$0x0] =	wrdreg $0x60  }
0xb1: {  	[dreg:$0x2] =	wrdreg s22  }
0xb2: {  	[dreg:$0x3] =	wrdreg s14  }
0xb3: {  	[dreg:$0x4] =	wrdreg $0x9  }
0xb4: {  	_ =	task.clear_ibuf [dreg:s5], $0x5FFFF;
	_ =	strace $0x9000004C  }
0xb5: {  	s26 =	simm.s32 $0x9;
	_ =	strace $0x8000004E  }
0xb6: {  	_ =	swait.ge [sflag:s26], $0x1  }
0xb7: {  	[sflag:s26] =	ssyncadd.s32 $0xFFFFFFFF  }
0xb8: {  	_ =	strace $0x9000004E  }
0xb9: {  	_ =	sfence  }
0xba: {  	s28 =	sld [smem:$0x0];
	_ =	sdelay $0x1  }
0xbb: {  	s29 =	srdreg.scid  }
0xbc: {  	s30 =	sshll.u32 s29, $0xD;
	s31 =	sshrl.u32 s29, $0x2  }
0xbd: {  	s2 =	sand.u32 $0x4000, s30;
	s1 =	sand.u32 $0x1, s29;
	s0 =	sadd.s32 s31, s28  }
0xbe: {  	s1 =	sor.u32 s2, s1;
	s0 =	sshll.u32 s0, $0x11  }
0xbf: {  	s0 =	sor.u32 s0, s1  }
0xc0: {  	s0 =	sadd.s32 $0x8F2B, s0  }
0xc1: {  	[sflag:s0] =	ssyncadd.remote.s32 $0x1  }
0xc2: {  	_ =	sfence.sel $0xFFFF  }
0xc3: {  	[dreg:$0x0] =	wrdreg $0xFFFFFFFF;
	(pc) =	sbr.abs _section_cstart, $3  }
0xc4: {  	[dreg:$0x1] =	wrdreg $0xFFFFFFFF  }
0xc5: {  	_ =	task.clear_ibuf [dreg:s5], $0x2FFFF;
	_ =	strace $0x9FFFFFFF  }
0xc6: {  	(tm) =	ssettm $0x7FFFFFFF  }
0xc7: {  	_ =	shalt  }
tec
execute0_lowered:
.L_overlay_start_1:
0x0: {  	(tag) =	ssettag $0x1  }
0x1: {  	s1 =	stileid.u32  }
0x2: {  	s0 =	simm.s32 $0x1;
	p0 =	sne.s32 s1, $0x0  }
0x3: {  	s0 =	simm.s32 @!p0 $0x0  }
0x4: {  	s0 =	sadd.s32 s0, s1  }
0x5: {  	p1 =	seq.s32 s1, $0x0;
	s1 =	simm.s32 $0xF0;
	s0 =	smul.u32 $0x78, s0  }
0x6: {  	s1 =	simm.s32 @!p1 $0x78  }
0x7: {  	s1 =	sadd.s32 s1, s0  }
0x8: {  	s2 =	smin.u32 s1, $0x7F8  }
0x9: {  	s6 =	ssub.s32 s2, s0  }
0xa: {  	p1 =	sgt.s32 s6, $0x0  }
0xb: {  	s6 =	simm.s32 @!p1 $0x0  }
0xc: {  	s8 =	rddreg [dreg:$0x0];
	s31 =	smul.u32 $0x8889, s6  }
0xd: {  	s3 =	rddreg [dreg:$0x1];
	s5 =	simm.s32 $0x1  }
0xe: {  	s10 =	simm.s32 $0x3;
	s12 =	simm.s32 $0x0;
	s7 =	sshrl.u32 s31, $0x16  }
0xf: {  	s11 =	simm.s32 $0x0;
	s4 =	sadd.s32 $0x3C00, s8;
	s9 =	smul.u32 $0x78, s7  }
.Ltmp0:
0x10: {  	s8 =	sadd.s32 $0x5BC00, s8;
	s1 =	rddreg [dreg:$0x2];
	(pc) =	sbr.rel .LBB2_1-.Ltmp0, $4  }
0x11: {  	_ =	strace $0x8000004D;
	p1 =	sne.s32 s6, s9;
	s9 =	simm.s32 $0x1  }
0x12: {  	[sflag:s5] =	ssyncpa.u1 $0x0;
	s6 =	simm.s32 $0x2;
	s9 =	simm.s32 @!p1 $0x0  }
0x13: {  	[sflag:s6] =	ssyncpa.u1 $0x0;
	p1 =	por $0x0, $0x0;
	s7 =	sadd.s32 s7, s9  }
0x14: {  	vm0 =	vmmov $0xff;
	vm1 =	vcmask $0x3F20;
	[sflag:s10] =	ssyncpa.u1 $0x0;
	s10 =	smov.u32 s0;
	s9 =	sadd.s32 $0x1, s7  }
.LBB2_6:
0x15: {  	[hbm:s16] =	stream.linear.scatter [tilespmem:s13], [sflag:$0x3], $0x400, $0x38;
	[tilespmem:$0x78F0] =	vst v63  }
.LBB2_7:
0x16: {  	s12 =	sadd.s32 $0x78, s10  }
0x17: {  	s14 =	smov.u32 s0;
	p3 =	slt.s32 s12, s2  }
0x18: {  	s14 =	smov.u32 @p3 s12;
	p3 =	sne.s32 s11, s9  }
.Ltmp1:
0x19: {  	p2 =	slt.u32 s11, $0x2;
	(pc) =	sbr.rel @!p3 .LBB2_8-.Ltmp1, $4  }
0x1a: {  	s13 =	simm.s32 @!p2 $0x3  }
0x1b: {  	s15 =	sadd.s32 $0x1, s11;
	_ =	swait.ge @!p2 [sflag:s13], $0x3C00  }
0x1c: {  	p1 =	por !p1, !p1;
	s12 =	smov.u32 s10;
	[sflag:s13] =	ssyncset.done @!p2 $0x0  }
0x1d: {  	s11 =	smov.u32 s15;
	s10 =	smov.u32 s14;
	[sflag:s13] =	ssyncadd.s32 @!p2 $0xFFFFC400  }
.LBB2_1:
0x1e: {  	p2 =	sge.u32 s11, s7  }
0x1f: {  	s13 =	sxor.u32 @!p2 $0xFFFFFFFF, s11  }
0x20: {  	s13 =	sand.u32 @!p2 $0x1, s13  }
0x21: {  	s13 =	smul.u32 @!p2 $0x1E0, s13  }
0x22: {  	s31 =	sadd.s32 $0xFFFFFFFF, s11;
	s14 =	sshrl.u32 @!p2 s10, $0x3  }
0x23: {  	s15 =	sand.u32 @!p2 $0x7, s10;
	s14 =	sadd.s32 @!p2 s3, s14;
	s13 =	sshrl.u32 @!p2 s13, $0x2  }
0x24: {  	[tilespmem:s13], [sflag:$0x2] =	stream.linear.gather @!p2 [hbm4b:s14+s15], $0x78, $0x38;
	[tilespmem:$0x78F0] =	vst v63  }
0x25: {  	p2 =	sge.u32 s31, s7  }
.Ltmp2:
0x26: {  	_ = 	snop;
	(pc) =	sbr.rel @p2 .LBB2_7-.Ltmp2, $1  }
0x27: {  	_ =	sdelay $0x3  }
0x28: {  	s13 =	simm.s32 $0x1  }
0x29: {  	s13 =	simm.s32 @!p1 $0x0  }
0x2a: {  	s14 =	smul.u32 $0x1E0, s13  }
0x2b: {  	_ =	swait.ge [sflag:s6], $0x78  }
0x2c: {  	[sflag:s6] =	ssyncset.done $0x0;
	s15 =	sshrl.u32 s14, $0x2  }
0x2d: {  	[sflag:s6] =	ssyncadd.s32 $0xFFFFFF88;
	s14 =	sadd.s32 $0x0, s15  }
0x2e: {  	v0 =	vld.msk [tilespmem:s14+$0x0 ss:$0x1], $0xffff;
	_ =	sdelay $0x4  }
0x2f: {  	vm2 =	vgt.s32 v0, $0x0  }
0x30: {  	v0 =	vnsel vm2, $0x0, v0  }
0x31: {  	v0 =	vmin.u32 v0, $0x7FF  }
0x32: {  	v0 =	vshll.u32 v0, $0x4  }
0x33: {  	s13 =	smul.u32 $0xF000, s13  }
0x34: {  	s31 =	sand.u32 $0x1, s11  }
0x35: {  	s16 =	smul.u32 $0x1E0, s31;
	s13 =	sshrl.u32 s13, $0x2  }
0x36: {  	s18 =	smul.u32 $0xF000, s31;
	s13 =	sor.u32 $0xF0, s13  }
0x37: {  	[tilespmem:s13], [sflag:$0x1] =	stream.indirect_vreg.gather [hbm:s4], $0x80, v0, vm0, $0x38;
	[tilespmem:$0x78F0] =	vst v63  }
0x38: {  	s17 =	sshrl.u32 s16, $0x2;
	s19 =	sadd.s32 $0x10, s15;
	s14 =	sadd.s32 $0x400, s13  }
0x39: {  	[tilespmem:s14], [sflag:$0x1] =	stream.indirect_vreg.gather [hbm:s4], $0x80, v0, vm1, $0x38;
	[tilespmem:$0x78F0] =	vst v63  }
0x3a: {  	s16 =	sshrl.u32 s18, $0x2;
	s18 =	smov.u32 s13;
	v0 =	vld.msk [tilespmem:s19+$0x0 ss:$0x1], $0xffff;
	s19 =	simm.s32 $0x80  }
.LBB2_3:
0x3b: {  	p2 =	sne.s32 s19, $0x180;
	_ =	sdelay $0x4  }
0x3c: {  	vm2 =	vgt.s32 v0, $0x0  }
0x3d: {  	v0 =	vnsel vm2, $0x0, v0  }
0x3e: {  	v0 =	vmin.u32 v0, $0x7FF  }
0x3f: {  	v0 =	vshll.u32 v0, $0x4;
	_ =	sdelay $0x3  }
.Ltmp3:
0x40: {  	s20 =	sshra.s32 s19, $0x2;
	s18 =	sadd.s32 $0x800, s18;
	(pc) =	sbr.rel @p2 .LBB2_3-.Ltmp3, $4  }
0x41: {  	[tilespmem:s18], [sflag:$0x1] =	stream.indirect_vreg.gather [hbm:s4], $0x80, v0, vm0, $0x38;
	[tilespmem:$0x78F0] =	vst v63  }
0x42: {  	s20 =	sadd.s32 s20, s15;
	s21 =	sadd.s32 $0x400, s18  }
0x43: {  	[tilespmem:s21], [sflag:$0x1] =	stream.indirect_vreg.gather [hbm:s4], $0x80, v0, vm1, $0x38;
	[tilespmem:$0x78F0] =	vst v63  }
0x44: {  	s19 =	sadd.s32 $0x40, s19;
	v0 =	vld.msk [tilespmem:s20+$0x0 ss:$0x1], $0xffff  }
0x45: {  	_ =	sdelay $0x3  }
0x46: {  	vm2 =	vgt.s32 v0, $0x0  }
0x47: {  	v0 =	vnsel vm2, $0x0, v0  }
0x48: {  	v0 =	vmin.u32 v0, $0x7FF  }
0x49: {  	v0 =	vshll.u32 v0, $0x4;
	_ =	sdelay $0x3  }
0x4a: {  	s15 =	sadd.s32 $0x800, s18  }
0x4b: {  	[tilespmem:s15], [sflag:$0x1] =	stream.indirect_vreg.gather [hbm:s4], $0x80, v0, vm0, $0x38;
	[tilespmem:$0x78F0] =	vst v63  }
0x4c: {  	s15 =	sadd.s32 $0x400, s15  }
0x4d: {  	[tilespmem:s15], [sflag:$0x1] =	stream.indirect_vreg.gather [hbm:s4], $0x80, v0, vm1, $0x38;
	[tilespmem:$0x78F0] =	vst v63  }
0x4e: {  	v0 =	vld.msk [tilespmem:s17+$0x70 ss:$0x1], $0xff;
	_ =	sdelay $0x4  }
0x4f: {  	vm2 =	vgt.s32 v0, $0x0  }
0x50: {  	v0 =	vnsel vm2, $0x0, v0  }
0x51: {  	v0 =	vmin.u32 v0, $0x7FF  }
0x52: {  	v0 =	vshll.u32 v0, $0x4;
	_ =	sdelay $0x3  }
0x53: {  	s31 =	sadd.s32 $0x38F0, s16  }
0x54: {  	[tilespmem:s31], [sflag:$0x1] =	stream.indirect_vreg.gather [hbm:s4], $0x80, v0, vm0, $0x38;
	[tilespmem:$0x78F0] =	vst v63  }
0x55: {  	s12 =	sshll.u32 s12, $0x4;
	_ =	swait.ge [sflag:s5], $0x3C00  }
0x56: {  	s12 =	sadd.s32 s12, s8;
	[sflag:s5] =	ssyncset.done $0x0  }
0x57: {  	s16 =	sadd.s32 $0x0, s12;
	s15 =	simm.s32 $0x80;
	[sflag:s5] =	ssyncadd.s32 $0xFFFFC400  }
.LBB2_5:
0x58: {  	[hbm:s16] =	stream.linear.scatter [tilespmem:s13], [sflag:$0x3], $0x400, $0x38;
	[tilespmem:$0x78F0] =	vst v63  }
0x59: {  	s16 =	smov.u32 s15;
	s13 =	smov.u32 s14;
	p2 =	sne.s32 s15, $0x700  }
.Ltmp4:
0x5a: {  	s15 =	sadd.s32 $0x80, s15;
	(pc) =	sbr.rel @p2 .LBB2_5-.Ltmp4, $2  }
0x5b: {  	_ =	sdelay $0x2  }
0x5c: {  	s14 =	sadd.s32 $0x400, s14;
	s16 =	sadd.s32 s16, s12  }
.Ltmp5:
0x5d: {  	_ = 	snop;
	(pc) =	sbr.rel .LBB2_6-.Ltmp5, $1  }
0x5e: {  	_ =	sdelay $0x3  }
.LBB2_8:
0x5f: {  	_ =	sfence.sel $0x180000  }
0x60: {  	s0 =	simm.s32 $0x2;
	[bflag:$0x0] =	sbarrier.arrive $0xFFFF  }
0x61: {  	s30 =	simm.s32 $0x3;
	[sflag:s0] =	ssyncpa.u1 $0x1  }
0x62: {  	s31 =	simm.s32 $0x1;
	[sflag:s30] =	ssyncpa.u1 $0x1  }
0x63: {  	[sflag:s31] =	ssyncpa.u1 $0x1  }
0x64: {  	_ =	strace $0x9000004D  }
0x65: {  	s0 =	sadd.s32 @!p0 $0x100000, s1;
	[bflag:$0x2] =	sbarrier.arrive $0xFFFF  }
0x66: {  	[sflag:s0] =	ssyncadd.tile.s32 @!p0 $0x1;
	_ =	shalt  }
.Lfunc_end2:
_tile_overlayer_lowered:
.L_overlay_start_2:
0x67: {  	(tag) =	ssettag $0x2  }
0x68: {  	s0 =	rddreg [dreg:$0x0];
	s2 =	stileid.u32  }
0x69: {  	s1 =	rddreg [dreg:$0x1];
	p0 =	sne.s32 s2, $0x0  }
0x6a: {  	s3 =	rddreg [dreg:$0x2];
	[bflag:$0x3] =	sbarrier.arrive $0xFFFF;
	s2 =	simm.s32 @!p0 $0x1C01  }
0x6b: {  	[timem:s3], [sflag:s2] =	dma.local @!p0 [hbm:s0], s1  }
0x6c: {  	s0 =	simm.s32 @!p0 $0x1  }
0x6d: {  	_ =	swait.ge @!p0 [sflag:s0], s1  }
0x6e: {  	s1 =	ssub.s32 @!p0 $0x0, s1;
	[sflag:s0] =	ssyncset.done @!p0 $0x0  }
0x6f: {  	[sflag:s0] =	ssyncadd.s32 @!p0 s1  }
0x70: {  	[bflag:$0x3] =	sbarrier.arrive $0xFFFF  }
0x71: {  	_ =	shalt  }

// kernel: kernel.4.cloned.1.call-start
scs
__scs_entry_jumppad:
0x0: {  	(pc) =	sbr.rel $0x88, $3  }
0x1: {  	(tag) =	ssettag $0x0;
	lr =	simm.s32 $0x1  }
0x2: {  	[smem:$0x3F9D] =	sst lr;
	_ =	strace $0xD0000000  }
0x3: {  	_ = 	snop  }
0x4: {  	_ = 	snop  }
0x5: {  	_ = 	snop  }
0x6: {  	_ = 	snop  }
0x7: {  	_ = 	snop  }
__scs_overlays_trampoline_lowered:
0x8: {  	[smem:$0x3FAC] =	sst s0  }
0x9: {  	[smem:$0x3FAD] =	sst s1  }
0xa: {  	[smem:$0x3FAE] =	sst s2  }
0xb: {  	[smem:$0x3FAF] =	sst s3  }
0xc: {  	[smem:$0x3FB0] =	sst s4  }
0xd: {  	[smem:$0x3FB1] =	sst s5  }
0xe: {  	[smem:$0x3FB2] =	sst s6  }
0xf: {  	[smem:$0x3FB3] =	sst s7  }
0x10: {  	[smem:$0x3FB4] =	sst s8  }
0x11: {  	[smem:$0x3FB5] =	sst s9;
	s0 =	simm.s32 @!p0 $0x0  }
0x12: {  	s1 =	sld [smem:$0x3F9B];
	s0 =	simm.s32 @p0 $0x1  }
0x13: {  	[smem:$0x3FB6] =	sst s0;
	s0 =	simm.s32 @!p1 $0x0  }
0x14: {  	s2 =	sld [smem:$0x3F9A];
	s0 =	simm.s32 @p1 $0x1  }
0x15: {  	[smem:$0x3FB7] =	sst s0;
	s0 =	simm.s32 @!p2 $0x0  }
0x16: {  	s3 =	sld [smem:$0x3FDB];
	s0 =	simm.s32 @p2 $0x1  }
0x17: {  	s4 =	simm.s32 $0x1BF5;
	[smem:$0x3FB9] =	sst s0  }
0x18: {  	s0 =	sld [smem:$0x3F9C];
	_ =	swait.ge [sflag:s4], $0x0  }
0x19: {  	s7 =	sld [smem:$0x3F9D]  }
0x1a: {  	s8 =	sadd.s32 $0xFFFFE003, lr  }
0x1b: {  	s9 =	sadd.s32 $0xFFFFFEF7, lr;
	s5 =	simm.s32 $0xFFFFFFFF;
	p2 =	slt.u32 s8, $0xFFFFF086  }
0x1c: {  	p1 =	slt.u32 s9, $0xF7A;
	s5 =	simm.s32 @!p2 $0x0  }
0x1d: {  	s5 =	simm.s32 @p1 $0x1;
	p0 =	seq.s32 s7, s2  }
0x1e: {  	s7 =	smul.u32 @!p0 $0xF7A, s2;
	p2 =	seq.s32 @!p0 s5, $0x0  }
0x1f: {  	s9 =	smul.u32 $0xF7A, s1;
	s8 =	simm.s32 @!p0 $0x1BF5;
	p2 =	por !p2, p0  }
0x20: {  	[sflag:s8] =	ssyncset.s32 @!p0 $0xFFFFF086;
	s6 =	sadd.s32 @!p0 s3, s7;
	s7 =	simm.s32 @!p0 $0x108  }
0x21: {  	s3 =	sadd.s32 s3, s9;
	s6 =	sadd.s32 @!p0 $0x88, s6;
	s7 =	simm.s32 @p2 $0x1082  }
0x22: {  	[simem:s7], [sflag:s8] =	dma.local @!p0 [hbm:s6], $0xF7A  }
0x23: {  	s9 =	sor.u32 $0xD0000000, s2;
	s6 =	simm.s32 $0x108;
	_ =	swait.ge @!p0 [sflag:s8], $0x0  }
0x24: {  	s3 =	sadd.s32 $0x88, s3;
	s6 =	simm.s32 @!p1 $0x1082;
	[sflag:s4] =	ssyncset.s32 $0xFFFFF086  }
0x25: {  	[simem:s6], [sflag:s4] =	dma.local [hbm:s3], $0xF7A  }
0x26: {  	[smem:$0x3F9D] =	sst s1;
	(tag) =	ssettag s2;
	_ =	strace s9  }
0x27: {  	s1 =	sld [smem:$0x3FAD]  }
0x28: {  	s2 =	sld [smem:$0x3FAE]  }
0x29: {  	s4 =	sld [smem:$0x3FB0]  }
0x2a: {  	p0 =	seq.s32 s5, $0x0;
	s5 =	sld [smem:$0x3FB1]  }
0x2b: {  	s6 =	sld [smem:$0x3FB2]  }
0x2c: {  	s7 =	sld [smem:$0x3FB3]  }
0x2d: {  	s3 =	simm.s32 $0x108;
	s8 =	sld [smem:$0x3FB4]  }
0x2e: {  	s3 =	simm.s32 @!p0 $0x1082;
	s9 =	sld [smem:$0x3FB5]  }
0x2f: {  	lr =	sadd.s32 s0, s3;
	s0 =	sld [smem:$0x3FAC]  }
0x30: {  	s3 =	sld [smem:$0x3FAF]  }
0x31: {  	[smem:$0x3FB8] =	sst s10  }
0x32: {  	s10 =	sld [smem:$0x3FB6];
	_ =	sdelay $0x3  }
0x33: {  	p0 =	seq.s32 s10, $0x1;
	s10 =	sld [smem:$0x3FB8];
	_ =	sdelay $0x3  }
0x34: {  	[smem:$0x3FB8] =	sst s10  }
0x35: {  	s10 =	sld [smem:$0x3FB7];
	_ =	sdelay $0x3  }
0x36: {  	p1 =	seq.s32 s10, $0x1;
	s10 =	sld [smem:$0x3FB8];
	_ =	sdelay $0x3  }
0x37: {  	[smem:$0x3FB8] =	sst s10  }
0x38: {  	s10 =	sld [smem:$0x3FB9]  }
0x39: {  	_ = 	snop;
	(pc) =	sbr.ind lr, $3  }
0x3a: {  	_ = 	snop  }
0x3b: {  	_ = 	snop  }
0x3c: {  	p2 =	seq.s32 s10, $0x1;
	s10 =	sld [smem:$0x3FB8]  }
0x3d: {  	_ =	shalt  }
0x3e: {  	_ =	shalt  }
0x3f: {  	_ =	shalt  }
0x40: {  	_ =	shalt  }
0x41: {  	_ =	shalt  }
0x42: {  	_ =	shalt  }
0x43: {  	_ =	shalt  }
0x44: {  	_ =	shalt  }
0x45: {  	_ =	shalt  }
0x46: {  	_ =	shalt  }
0x47: {  	_ =	shalt  }
0x48: {  	_ =	shalt  }
0x49: {  	_ =	shalt  }
0x4a: {  	_ =	shalt  }
0x4b: {  	_ =	shalt  }
0x4c: {  	_ =	shalt  }
0x4d: {  	_ =	shalt  }
0x4e: {  	_ =	shalt  }
0x4f: {  	_ =	shalt  }
0x50: {  	_ =	shalt  }
0x51: {  	_ =	shalt  }
0x52: {  	_ =	shalt  }
0x53: {  	_ =	shalt  }
0x54: {  	_ =	shalt  }
0x55: {  	_ =	shalt  }
0x56: {  	_ =	shalt  }
0x57: {  	_ =	shalt  }
0x58: {  	_ =	shalt  }
0x59: {  	_ =	shalt  }
0x5a: {  	_ =	shalt  }
0x5b: {  	_ =	shalt  }
0x5c: {  	_ =	shalt  }
0x5d: {  	_ =	shalt  }
0x5e: {  	_ =	shalt  }
0x5f: {  	_ =	shalt  }
0x60: {  	_ =	shalt  }
0x61: {  	_ =	shalt  }
0x62: {  	_ =	shalt  }
0x63: {  	_ =	shalt  }
0x64: {  	_ =	shalt  }
0x65: {  	_ =	shalt  }
0x66: {  	_ =	shalt  }
0x67: {  	_ =	shalt  }
0x68: {  	_ =	shalt  }
0x69: {  	_ =	shalt  }
0x6a: {  	_ =	shalt  }
0x6b: {  	_ =	shalt  }
0x6c: {  	_ =	shalt  }
0x6d: {  	_ =	shalt  }
0x6e: {  	_ =	shalt  }
0x6f: {  	_ =	shalt  }
0x70: {  	_ =	shalt  }
0x71: {  	_ =	shalt  }
0x72: {  	_ =	shalt  }
0x73: {  	_ =	shalt  }
0x74: {  	_ =	shalt  }
0x75: {  	_ =	shalt  }
0x76: {  	_ =	shalt  }
0x77: {  	_ =	shalt  }
0x78: {  	_ =	shalt  }
0x79: {  	_ =	shalt  }
0x7a: {  	_ =	shalt  }
0x7b: {  	_ =	shalt  }
0x7c: {  	_ =	shalt  }
0x7d: {  	_ =	shalt  }
0x7e: {  	_ =	shalt  }
0x7f: {  	_ =	shalt  }
0x80: {  	_ =	shalt  }
0x81: {  	_ =	shalt  }
0x82: {  	_ =	shalt  }
0x83: {  	_ =	shalt  }
0x84: {  	_ =	shalt  }
0x85: {  	_ =	shalt  }
0x86: {  	_ =	shalt  }
0x87: {  	_ =	shalt  }
.Lfunc_end0:
.L_simem_size_0:
called_computation.3_lowered:
.L_overlay_start_0:
0x88: {  	s2 =	sld [smem:$0x3FD9]  }
0x89: {  	s3 =	sld [smem:$0x3FFE];
	_ =	sdelay $0x1  }
0x8a: {  	s1 =	srdreg.scid  }
0x8b: {  	s0 =	sand.u32 $0x1, s1  }
0x8c: {  	s14 =	sshll.u32 s0, $0xA;
	s2 =	sadd.s32 s3, s2  }
0x8d: {  	s2 =	sadd.s32 s2, s14  }
0x8e: {  	[smem:$0x3FC4] =	sst s2  }
0x8f: {  	_ = 	snop  }
0x90: {  	s2 =	sld [smem:$0x3FD0];
	_ =	sdelay $0x2  }
0x91: {  	s15 =	simm.s32 $0xB;
	s4 =	simm.s32 $0x10  }
0x92: {  	[smem:s4], [sflag:s15] =	dma.local [hbm:s2], $0x1  }
0x93: {  	_ =	swait.eq [sflag:s15], $0x1  }
0x94: {  	[sflag:s15] =	ssyncset.done $0x0  }
0x95: {  	s16 =	sld [smem:$0x10];
	[sflag:s15] =	ssyncadd.s32 $0xFFFFFFFF  }
0x96: {  	s17 =	sld [smem:$0x12];
	(tm) =	ssettm $0x1  }
0x97: {  	s18 =	sld [smem:$0x3FFB];
	_ =	sdelay $0x3  }
0x98: {  	_ =	strace s18  }
0x99: {  	s4 =	sld [smem:$0x3FFC];
	_ =	sdelay $0x3  }
0x9a: {  	_ =	strace s4  }
0x9b: {  	s4 =	sld [smem:$0x3FFD];
	_ =	sdelay $0x3  }
0x9c: {  	_ =	strace s4  }
0x9d: {  	_ =	strace $0x8FFFFFFF  }
0x9e: {  	s19 =	sld [smem:$0x3FDB];
	_ =	sdelay $0x1  }
0x9f: {  	s5 =	simm.s32 $_scs_section_size  }
0xa0: {  	s6 =	simm.s32 $_size__tile_overlayer_lowered;
	s7 =	simm.s32 $_tile_overlayer_lowered  }
0xa1: {  	s22 =	simm.s32 $0x1BFF;
	s21 =	sshll.u32 s7, $0x1;
	s4 =	sadd.s32 s5, s19  }
0xa2: {  	s8 =	simm.s32 $0x0;
	s20 =	sshll.u32 s6, $0x1;
	s6 =	sadd.s32 s21, s4  }
0xa3: {  	[timem:s8], [sflag:s22] =	dma.local [hbm:s6], s20  }
0xa4: {  	_ =	swait.ge [sflag:s22], s20  }
0xa5: {  	s5 =	ssub.s32 $0x0, s20;
	[sflag:s22] =	ssyncset.done $0x0  }
0xa6: {  	[sflag:s22] =	ssyncadd.s32 s5;
	_ =	sdelay $0x1  }
0xa7: {  	s23 =	simm.s32 $0x1B8B  }
0xa8: {  	_ =	swait.ge [sflag:s23], $0x1  }
0xa9: {  	[sflag:s23] =	ssyncset.done $0x0  }
0xaa: {  	s25 =	simm.s32 $0x1B8E;
	s24 =	sld [smem:$0x3FFE];
	[sflag:s23] =	ssyncadd.s32 $0xFFFFFFFF  }
0xab: {  	s26 =	simm.s32 $execute0_lowered;
	[smem:$0x3FD2] =	sst s25  }
0xac: {  	s6 =	sshll.u32 s26, $0x1;
	_ =	strace $0x80000046;
	[dreg:$0x1] =	wrdreg $0xFFFFFFFF  }
0xad: {  	s28 =	simm.s32 $_size_execute0_lowered;
	s4 =	sadd.s32 s4, s6;
	[dreg:$0x0] =	wrdreg $0x0  }
0xae: {  	s6 =	sshll.u32 s28, $0x1;
	[dreg:$0x2] =	wrdreg s4  }
0xaf: {  	[dreg:$0x3] =	wrdreg s6  }
0xb0: {  	[dreg:$0x4] =	wrdreg $0xC0  }
0xb1: {  	_ =	task [dreg:s8], $0x5FFFF  }
0xb2: {  	[dreg:$0x1] =	wrdreg $0xFFFFFFFF  }
0xb3: {  	[dreg:$0x0] =	wrdreg $0x60  }
0xb4: {  	[dreg:$0x2] =	wrdreg s24  }
0xb5: {  	[dreg:$0x3] =	wrdreg s17  }
0xb6: {  	[dreg:$0x4] =	wrdreg s16  }
0xb7: {  	[dreg:$0x5] =	wrdreg $0x9  }
0xb8: {  	_ =	task.clear_ibuf [dreg:s8], $0x6FFFF;
	_ =	strace $0x90000046  }
0xb9: {  	s29 =	simm.s32 $0x9;
	_ =	strace $0x80000048  }
0xba: {  	_ =	swait.ge [sflag:s29], $0x1  }
0xbb: {  	[sflag:s29] =	ssyncadd.s32 $0xFFFFFFFF  }
0xbc: {  	_ =	strace $0x90000048  }
0xbd: {  	_ =	sfence  }
0xbe: {  	s30 =	sld [smem:$0x0];
	_ =	sdelay $0x2  }
0xbf: {  	s31 =	sshll.u32 s1, $0xD;
	s1 =	sshrl.u32 s1, $0x2  }
0xc0: {  	s3 =	sand.u32 $0x4000, s31;
	s1 =	sadd.s32 s1, s30  }
0xc1: {  	s0 =	sor.u32 s3, s0;
	s1 =	sshll.u32 s1, $0x11  }
0xc2: {  	s0 =	sor.u32 s1, s0  }
0xc3: {  	s0 =	sadd.s32 $0x8F2B, s0  }
0xc4: {  	[sflag:s0] =	ssyncadd.remote.s32 $0x1  }
0xc5: {  	_ =	sfence.sel $0xFFFF  }
0xc6: {  	[dreg:$0x0] =	wrdreg $0xFFFFFFFF;
	(pc) =	sbr.abs _section_cstart, $3  }
0xc7: {  	[dreg:$0x1] =	wrdreg $0xFFFFFFFF  }
0xc8: {  	_ =	task.clear_ibuf [dreg:s8], $0x2FFFF;
	_ =	strace $0x9FFFFFFF  }
0xc9: {  	(tm) =	ssettm $0x7FFFFFFF  }
tec
execute0_lowered:
.L_overlay_start_1:
0x0: {  	(tag) =	ssettag $0x1  }
0x1: {  	s0 =	srdreg.scid;
	s2 =	rddreg [dreg:$0x0]  }
0x2: {  	s5 =	stileid.u32;
	s3 =	rddreg [dreg:$0x1];
	s0 =	sand.u32 $0x1, s0  }
0x3: {  	s7 =	sadd.s32 $0x1400, s2;
	s9 =	sadd.s32 $0x2800, s2;
	s1 =	sshll.u32 s0, $0x4  }
0x4: {  	s28 =	sadd.s32 $0xA0100, s2;
	s29 =	sadd.s32 $0xA0200, s2;
	s4 =	sor.u32 s5, s1  }
0x5: {  	s30 =	sadd.s32 $0xA0300, s2;
	s5 =	sshll.u32 s5, $0x7;
	s4 =	sshrl.u32 s4, $0x3  }
0x6: {  	s31 =	sadd.s32 $0xA0400, s2;
	s5 =	sand.u32 $0x380, s5;
	s6 =	sshll.u32 s4, $0xA  }
0x7: {  	s0 =	ssub.s32 $0x2, s0;
	s1 =	simm.s32 $0x0;
	s6 =	sor.u32 s5, s6  }
0x8: {  	s8 =	sshrl.u32 s0, $0x1;
	s4 =	smul.u32 $0x2800, s4;
	s6 =	sshrl.u32 s6, $0x3  }
0x9: {  	[smem:$0x7FF] =	sst s1;
	s8 =	ssub.s32 s0, s8;
	s22 =	sadd.s32 s3, s6  }
0xa: {  	s0 =	sor.u32 s5, s4;
	s23 =	sadd.s32 s7, s6;
	[dreg:$0x4] =	wrdreg s22  }
0xb: {  	s24 =	sor.u32 $0x200, s6;
	s25 =	sadd.s32 s9, s6;
	[dreg:$0x5] =	wrdreg s23  }
0xc: {  	s5 =	sor.u32 $0x400, s6;
	[dreg:$0x6] =	wrdreg s25;
	s26 =	sadd.s32 s7, s24  }
0xd: {  	s11 =	sor.u32 $0x600, s6;
	s3 =	sadd.s32 s9, s24;
	[dreg:$0x7] =	wrdreg s26  }
0xe: {  	s13 =	sor.u32 $0x800, s6;
	s10 =	sadd.s32 s7, s5;
	[dreg:$0x8] =	wrdreg s3  }
0xf: {  	s15 =	sor.u32 $0xA00, s6;
	s4 =	sadd.s32 s9, s5;
	[dreg:$0x9] =	wrdreg s10  }
0x10: {  	s17 =	sor.u32 $0xC00, s6;
	s12 =	sadd.s32 s7, s11;
	[dreg:$0xa] =	wrdreg s4  }
0x11: {  	s19 =	sor.u32 $0xE00, s6;
	s14 =	sadd.s32 s7, s13;
	[dreg:$0xb] =	wrdreg s12  }
0x12: {  	s21 =	sor.u32 $0x1000, s6;
	s16 =	sadd.s32 s7, s15;
	[dreg:$0xd] =	wrdreg s14  }
0x13: {  	s0 =	sshrl.u32 s0, $0x3;
	s18 =	sadd.s32 s7, s17;
	[dreg:$0xf] =	wrdreg s16  }
0x14: {  	s20 =	sadd.s32 s7, s19;
	s22 =	sor.u32 $0x1200, s6;
	[dreg:$0x11] =	wrdreg s18  }
0x15: {  	s23 =	sadd.s32 s7, s21;
	s0 =	sadd.s32 s2, s0;
	[dreg:$0x13] =	wrdreg s20  }
0x16: {  	s25 =	smax.u32 s8, $0x1;
	s3 =	sadd.s32 s9, s11;
	[dreg:$0x15] =	wrdreg s23  }
0x17: {  	s4 =	sadd.s32 s9, s13;
	s24 =	sadd.s32 s7, s22;
	[dreg:$0xc] =	wrdreg s3  }
0x18: {  	s26 =	sadd.s32 $0xA0000, s2;
	s23 =	sadd.s32 $0xA0700, s2;
	[dreg:$0xe] =	wrdreg s4  }
0x19: {  	s18 =	simm.s32 $0x7680;
	s3 =	sadd.s32 s9, s15;
	[dreg:$0x17] =	wrdreg s24  }
0x1a: {  	s20 =	simm.s32 $0x7E80;
	s4 =	sadd.s32 s9, s17;
	[dreg:$0x10] =	wrdreg s3  }
0x1b: {  	s24 =	simm.s32 $0x8700;
	[dreg:$0x12] =	wrdreg s4;
	s3 =	sadd.s32 s9, s19  }
0x1c: {  	s4 =	sadd.s32 s9, s21;
	s19 =	sadd.s32 $0xA0500, s2;
	[dreg:$0x14] =	wrdreg s3  }
0x1d: {  	s21 =	simm.s32 $0x1;
	[dreg:$0x16] =	wrdreg s4;
	s3 =	sadd.s32 s9, s22  }
0x1e: {  	v0 =	vlaneseq.u32;
	s22 =	simm.s32 $0x8680;
	[dreg:$0x18] =	wrdreg s3;
	s3 =	simm.s32 $0x3  }
0x1f: {  	vm0 =	vmmov $0xffff;
	v3 =	vimm.f32 $-3.000000000e+00;
	v2 =	vshrl.u32 v0, $0x3;
	_ =	strace $0x80000047;
	[dreg:$0x19] =	wrdreg s0;
	s0 =	sadd.s32 $0xA0600, s2  }
0x20: {  	v4 =	vimm.s32 $0x0;
	v1 =	vand.u32 $0x7, v0;
	v2 =	vmul.u32 $0x8, v2;
	[dreg:$0x1a] =	wrdreg s25;
	s25 =	simm.s32 $0x2;
	s2 =	simm.s32 $0x0  }
.LBB2_1:
0x21: {  	s4 =	rddreg [dreg:$0x4]  }
0x22: {  	[tilespmem:s1], [sflag:$0x3] =	stream.linear.gather [hbm4b:s4+s1], $0x80, $0x38;
	[tilespmem:$0x8780] =	vst v63  }
0x23: {  	_ =	swait.ge [sflag:s3], $0x80  }
0x24: {  	s5 =	simm.s32 $0x400;
	[sflag:s3] =	ssyncset.done $0x0  }
0x25: {  	s6 =	simm.s32 $0x80;
	s17 =	rddreg [dreg:$0x19];
	[sflag:s3] =	ssyncadd.s32 $0xFFFFFF80  }
0x26: {  	[tilespmem:s6], [sflag:$0x3] =	stream.strided.gather [hbm4b:s17+s6], $0x500, s5, s6, $0x38;
	[tilespmem:$0x8780] =	vst v63  }
0x27: {  	_ =	swait.ge [sflag:s3], $0x500  }
0x28: {  	[sflag:s3] =	ssyncset.done $0x0  }
0x29: {  	[sflag:s3] =	ssyncadd.s32 $0xFFFFFB00  }
0x2a: {  	s8 =	simm.s32 $0x580;
	s7 =	rddreg [dreg:$0x2]  }
0x2b: {  	[tilespmem:s8], [sflag:$0x3] =	stream.linear.gather [hbm4b:s7+s1], $0x100, $0x38;
	[tilespmem:$0x8780] =	vst v63  }
0x2c: {  	_ =	swait.ge [sflag:s3], $0x100  }
0x2d: {  	[sflag:s3] =	ssyncset.done $0x0  }
0x2e: {  	[sflag:s3] =	ssyncadd.s32 $0xFFFFFF00  }
0x2f: {  	v5 =	vld.msk [tilespmem:$0x0], $0xff;
	_ =	sdelay $0x4  }
0x30: {  	v6 =	vshll.u32 v5, $0x4  }
0x31: {  	v5 =	vand.u32 $0x7, v5;
	v6 =	vand.u32 $0xFFFFFF80, v6  }
0x32: {  	v5 =	vor.u32 v5, v6  }
0x33: {  	v5 =	vperm.xlane v5, v1;
	_ =	sdelay $0x1  }
0x34: {  	v5 =	vadd.s32 v2, v5;
	_ =	sdelay $0x3  }
0x35: {  	s9 =	simm.s32 $0x680  }
0x36: {  	[tilespmem:s9], [sflag:$0x1] =	stream.indirect_vreg.gather [hbm4b:s26+s1], $0x80, v5, vm0, $0xb8;
	[tilespmem:$0x8780] =	vst v63  }
0x37: {  	s10 =	simm.s32 $0xE80  }
0x38: {  	[tilespmem:s10], [sflag:$0x1] =	stream.indirect_vreg.gather [hbm4b:s28+s1], $0x80, v5, vm0, $0xb8;
	[tilespmem:$0x8780] =	vst v63  }
0x39: {  	s11 =	simm.s32 $0x1680  }
0x3a: {  	[tilespmem:s11], [sflag:$0x1] =	stream.indirect_vreg.gather [hbm4b:s29+s1], $0x80, v5, vm0, $0xb8;
	[tilespmem:$0x8780] =	vst v63  }
0x3b: {  	s12 =	simm.s32 $0x1E80  }
0x3c: {  	[tilespmem:s12], [sflag:$0x1] =	stream.indirect_vreg.gather [hbm4b:s30+s1], $0x80, v5, vm0, $0xb8;
	[tilespmem:$0x8780] =	vst v63  }
0x3d: {  	s13 =	simm.s32 $0x2680  }
0x3e: {  	[tilespmem:s13], [sflag:$0x1] =	stream.indirect_vreg.gather [hbm4b:s31+s1], $0x80, v5, vm0, $0xb8;
	[tilespmem:$0x8780] =	vst v63  }
0x3f: {  	s14 =	simm.s32 $0x2E80  }
0x40: {  	[tilespmem:s14], [sflag:$0x1] =	stream.indirect_vreg.gather [hbm4b:s19+s1], $0x80, v5, vm0, $0xb8;
	[tilespmem:$0x8780] =	vst v63  }
0x41: {  	s15 =	simm.s32 $0x3680  }
0x42: {  	[tilespmem:s15], [sflag:$0x1] =	stream.indirect_vreg.gather [hbm4b:s0+s1], $0x80, v5, vm0, $0xb8;
	[tilespmem:$0x8780] =	vst v63  }
0x43: {  	s16 =	simm.s32 $0x3E80  }
0x44: {  	[tilespmem:s16], [sflag:$0x1] =	stream.indirect_vreg.gather [hbm4b:s23+s1], $0x80, v5, vm0, $0xb8;
	[tilespmem:$0x8780] =	vst v63  }
0x45: {  	v5 =	vld.msk [tilespmem:$0x8], $0xff;
	_ =	sdelay $0x4  }
0x46: {  	v6 =	vshll.u32 v5, $0x4  }
0x47: {  	v5 =	vand.u32 $0x7, v5;
	v6 =	vand.u32 $0xFFFFFF80, v6  }
0x48: {  	v5 =	vor.u32 v5, v6  }
0x49: {  	v5 =	vperm.xlane v5, v1;
	_ =	sdelay $0x1  }
0x4a: {  	v5 =	vadd.s32 v2, v5;
	_ =	sdelay $0x3  }
0x4b: {  	s17 =	simm.s32 $0x4680  }
0x4c: {  	[tilespmem:s17], [sflag:$0x2] =	stream.indirect_vreg.gather [hbm4b:s26+s1], $0x80, v5, vm0, $0xb8;
	[tilespmem:$0x8780] =	vst v63  }
0x4d: {  	s5 =	simm.s32 $0x4E80  }
0x4e: {  	[tilespmem:s5], [sflag:$0x2] =	stream.indirect_vreg.gather [hbm4b:s28+s1], $0x80, v5, vm0, $0xb8;
	[tilespmem:$0x8780] =	vst v63  }
0x4f: {  	s6 =	simm.s32 $0x5680  }
0x50: {  	[tilespmem:s6], [sflag:$0x2] =	stream.indirect_vreg.gather [hbm4b:s29+s1], $0x80, v5, vm0, $0xb8;
	[tilespmem:$0x8780] =	vst v63  }
0x51: {  	s7 =	simm.s32 $0x5E80  }
0x52: {  	[tilespmem:s7], [sflag:$0x2] =	stream.indirect_vreg.gather [hbm4b:s30+s1], $0x80, v5, vm0, $0xb8;
	[tilespmem:$0x8780] =	vst v63  }
0x53: {  	s8 =	simm.s32 $0x6680  }
0x54: {  	[tilespmem:s8], [sflag:$0x2] =	stream.indirect_vreg.gather [hbm4b:s31+s1], $0x80, v5, vm0, $0xb8;
	[tilespmem:$0x8780] =	vst v63  }
0x55: {  	s9 =	simm.s32 $0x6E80  }
0x56: {  	[tilespmem:s9], [sflag:$0x2] =	stream.indirect_vreg.gather [hbm4b:s19+s1], $0x80, v5, vm0, $0xb8;
	[tilespmem:$0x8780] =	vst v63  }
0x57: {  	_ = 	snop  }
0x58: {  	[tilespmem:s18], [sflag:$0x2] =	stream.indirect_vreg.gather [hbm4b:s0+s1], $0x80, v5, vm0, $0xb8;
	[tilespmem:$0x8780] =	vst v63  }
0x59: {  	_ = 	snop  }
0x5a: {  	[tilespmem:s20], [sflag:$0x2] =	stream.indirect_vreg.gather [hbm4b:s23+s1], $0x80, v5, vm0, $0xb8;
	[tilespmem:$0x8780] =	vst v63  }
0x5b: {  	_ =	swait.ge [sflag:s21], $0x4000  }
0x5c: {  	[sflag:s21] =	ssyncset.done $0x0  }
0x5d: {  	[sflag:s21] =	ssyncadd.s32 $0xFFFFC000  }
0x5e: {  	[tilespmem:$0x8680] =	vst v3  }
0x5f: {  	[tilespmem:$0x8700] =	vst v4  }
0x60: {  	[tilespmem:$0x8690] =	vst v3  }
0x61: {  	[tilespmem:$0x8710] =	vst v4  }
0x62: {  	[tilespmem:$0x86A0] =	vst v3  }
0x63: {  	[tilespmem:$0x8720] =	vst v4  }
0x64: {  	[tilespmem:$0x86B0] =	vst v3  }
0x65: {  	[tilespmem:$0x8730] =	vst v4  }
0x66: {  	[tilespmem:$0x86C0] =	vst v3  }
0x67: {  	[tilespmem:$0x8740] =	vst v4  }
0x68: {  	[tilespmem:$0x86D0] =	vst v3  }
0x69: {  	[tilespmem:$0x8750] =	vst v4  }
0x6a: {  	s10 =	sand.u32 $0x3C00, s1;
	[tilespmem:$0x86E0] =	vst v3  }
0x6b: {  	s4 =	sadd.s32 $0x680, s10;
	s11 =	simm.s32 $0x0;
	s12 =	sand.u32 $0x40, s1;
	[tilespmem:$0x8760] =	vst v4  }
0x6c: {  	s13 =	sor.u32 s12, s4;
	s8 =	sand.u32 $0x380, s11;
	[tilespmem:$0x86F0] =	vst v3  }
0x6d: {  	s5 =	sadd.s32 s8, s13;
	v5 =	vld [tilespmem:$0x580];
	[tilespmem:$0x8770] =	vst v4  }
0x6e: {  	v6 =	vld [tilespmem:s5+$0x0];
	_ =	sdelay $0x4  }
0x6f: {  	vm1 =	vge.f32 v6, v5  }
0x70: {  	v7 =	vsel vm1, $0x1, v4  }
0x71: {  	(xrf0) =	vadd.scan.msk.s32 $0xffff, v7;
	_ =	sdelay $0x5  }
0x72: {  	v7, _, _ =	vpop (xrf0)  }
0x73: {  	s14 =	simm.s32 $0x100;
	s15 =	sand.u32 $0x1C0, s1;
	v7 =	vadd.s32 v7, v4  }
0x74: {  	s6 =	sshrl.u32 s15, $0x2;
	s11 =	simm.s32 $0x20;
	s5 =	sand.u32 $0xFFFFFC00, s14;
	v7 =	vadd.s32 $0xFFFFFFFF, v7  }
0x75: {  	s16 =	sand.u32 $0x60, s11;
	v8 =	vld [tilespmem:s6+$0x80];
	s12 =	sadd.s32 $0x680, s5;
	vm2 =	vlt.s32 v7, $0x7F  }
0x76: {  	s5 =	sor.u32 s16, s12;
	v7 =	vnsel vm2, $0x7F, v7  }
0x77: {  	s5 =	sadd.s32 s8, s5  }
0x78: {  	s17 =	sand.u32 $0x7C0, s1;
	v9 =	vld [tilespmem:s5+$0x0]  }
0x79: {  	s10 =	sor.u32 $0x10, s17  }
0x7a: {  	s7 =	sand.u32 $0x50, s10;
	v11 =	vadd.s32 v0, v8  }
0x7b: {  	s4 =	sor.u32 s7, s4;
	[tilespmem:v7+s22+$0x0] =	vst.idx.msk vm1, v6;
	v6 =	vadd.s32 s17, v11  }
0x7c: {  	s4 =	sadd.s32 s8, s4;
	[tilespmem:v7+s24+$0x0] =	vst.idx.msk vm1, v6  }
0x7d: {  	vm4 =	vge.f32 v9, v5;
	v7 =	vld [tilespmem:s4+$0x0]  }
0x7e: {  	v6 =	vsel vm4, $0x1, v4  }
0x7f: {  	(xrf0) =	vadd.scan.msk.s32 $0xffff, v6;
	_ =	sdelay $0x1  }
0x80: {  	v6 =	vmpcnt.ones.xlane vm1  }
0x81: {  	vm3 =	vge.f32 v7, v5  }
0x82: {  	v8 =	vmpcnt.ones.xlane vm3  }
0x83: {  	v10 =	vadd.s32 v4, v6  }
0x84: {  	v6, _, _ =	vpop (xrf0);
	v12 =	vadd.s32 v10, v8  }
0x85: {  	v6 =	vadd.s32 v6, v12  }
0x86: {  	v6 =	vadd.s32 $0xFFFFFFFF, v6  }
0x87: {  	s5 =	simm.s32 $0x200;
	vm1 =	vlt.s32 v6, $0x7F  }
0x88: {  	s6 =	simm.s32 $0x40;
	s9 =	sand.u32 $0x3C00, s5;
	v6 =	vnsel vm1, $0x7F, v6  }
0x89: {  	s7 =	simm.s32 $0x4;
	s13 =	sand.u32 $0x40, s6;
	s9 =	sadd.s32 $0x680, s9  }
0x8a: {  	s13 =	sor.u32 s13, s9;
	s4 =	sand.u32 $0x380, s7  }
0x8b: {  	s14 =	simm.s32 $0x30;
	s13 =	sadd.s32 s4, s13  }
0x8c: {  	s15 =	sand.u32 $0x70, s14;
	v8 =	vld [tilespmem:s13+$0x0]  }
0x8d: {  	s12 =	sor.u32 s15, s12;
	v13 =	vsel vm3, $0x1, v4;
	[tilespmem:v6+s22+$0x0] =	vst.idx.msk vm4, v9;
	v9 =	vadd.s32 s11, v11  }
0x8e: {  	s8 =	sadd.s32 s8, s12;
	(xrf0) =	vadd.scan.msk.s32 $0xffff, v13;
	[tilespmem:v6+s24+$0x0] =	vst.idx.msk vm4, v9  }
0x8f: {  	v6 =	vld [tilespmem:s8+$0x0];
	_ =	sdelay $0x1  }
0x90: {  	vm2 =	vge.f32 v8, v5  }
0x91: {  	v9 =	vsel vm2, $0x1, v4  }
0x92: {  	(xrf0) =	vadd.scan.msk.s32 $0xffff, v9  }
0x93: {  	v13, _, _ =	vpop (xrf0);
	vm1 =	vge.f32 v6, v5  }
0x94: {  	v10 =	vadd.s32 v13, v10;
	v9 =	vsel vm1, $0x1, v4  }
0x95: {  	(xrf0) =	vadd.scan.msk.s32 $0xffff, v9;
	v9 =	vadd.s32 $0xFFFFFFFF, v10;
	v10 =	vmpcnt.ones.xlane vm4  }
0x96: {  	v13 =	vmpcnt.ones.xlane vm1  }
0x97: {  	v12 =	vadd.s32 v12, v10  }
0x98: {  	s8 =	simm.s32 $0x2;
	v15, _, _ =	vpop (xrf0);
	vm4 =	vlt.s32 v9, $0x7F;
	v10 =	vadd.s32 v12, v13  }
0x99: {  	s15 =	simm.s32 $0x300;
	s13 =	sand.u32 $0x1C0, s8;
	v9 =	vnsel vm4, $0x7F, v9;
	v13 =	vadd.s32 v15, v10  }
0x9a: {  	s12 =	simm.s32 $0x60;
	s16 =	sand.u32 $0xFFFFFC00, s15;
	s11 =	sshrl.u32 s13, $0x2;
	v13 =	vadd.s32 $0xFFFFFFFF, v13  }
0x9b: {  	s17 =	sand.u32 $0x60, s12;
	s13 =	sadd.s32 $0x680, s16;
	v14 =	vld [tilespmem:s11+$0x80];
	vm4 =	vlt.s32 v13, $0x7F  }
0x9c: {  	s11 =	sor.u32 s17, s13;
	v13 =	vnsel vm4, $0x7F, v13  }
0x9d: {  	s17 =	sadd.s32 s4, s11;
	v15, _, _ =	vpop (xrf0)  }
0x9e: {  	s16 =	sand.u32 $0x7C0, s6;
	v12 =	vadd.s32 v15, v12;
	v15 =	vadd.s32 s10, v11;
	[tilespmem:v9+s22+$0x0] =	vst.idx.msk vm3, v7;
	v7 =	vadd.s32 s14, v11;
	v11 =	vld [tilespmem:s17+$0x0]  }
0x9f: {  	s15 =	sor.u32 $0x10, s16;
	s11 =	simm.s32 $0x300;
	v12 =	vadd.s32 $0xFFFFFFFF, v12  }
0xa0: {  	s10 =	simm.s32 $0x4;
	s14 =	simm.s32 $0x40;
	s17 =	sand.u32 $0x50, s15;
	[tilespmem:v9+s24+$0x0] =	vst.idx.msk vm3, v15;
	v9 =	vadd.s32 v0, v14;
	vm3 =	vlt.s32 v12, $0x7F  }
.LBB2_2:
0xa1: {  	[tilespmem:v13+s22+$0x0] =	vst.idx.msk vm2, v8;
	v8 =	vadd.s32 s16, v9;
	s9 =	sor.u32 s17, s9;
	v14 =	vadd.s32 s15, v9;
	v12 =	vnsel vm3, $0x7F, v12  }
0xa2: {  	[tilespmem:v13+s24+$0x0] =	vst.idx.msk vm2, v8;
	s9 =	sadd.s32 s4, s9  }
0xa3: {  	v13 =	vld [tilespmem:s9+$0x0];
	vm3 =	vge.f32 v11, v5  }
0xa4: {  	v8 =	vsel vm3, $0x1, v4  }
0xa5: {  	(xrf0) =	vadd.scan.msk.s32 $0xffff, v8  }
0xa6: {  	[tilespmem:v12+s22+$0x0] =	vst.idx.msk vm1, v6  }
0xa7: {  	[tilespmem:v12+s24+$0x0] =	vst.idx.msk vm1, v7  }
0xa8: {  	v6 =	vmpcnt.ones.xlane vm2;
	vm1 =	vge.f32 v13, v5  }
0xa9: {  	v12 =	vsel vm1, $0x1, v4;
	v8 =	vmpcnt.ones.xlane vm1  }
0xaa: {  	v6 =	vadd.s32 v10, v6;
	(xrf0) =	vadd.scan.msk.s32 $0xffff, v12  }
0xab: {  	v10 =	vadd.s32 v6, v8;
	v7, _, _ =	vpop (xrf0)  }
0xac: {  	s5 =	sadd.s32 $0x200, s5;
	v7 =	vadd.s32 v7, v10  }
0xad: {  	s6 =	sadd.s32 $0x40, s6;
	s9 =	sand.u32 $0x3C00, s5;
	v7 =	vadd.s32 $0xFFFFFFFF, v7  }
0xae: {  	s7 =	sadd.s32 $0x4, s7;
	s15 =	sand.u32 $0x40, s6;
	s9 =	sadd.s32 $0x680, s9;
	vm2 =	vlt.s32 v7, $0x7F  }
0xaf: {  	s16 =	sand.u32 $0x380, s7;
	p0 =	slt.u32 s7, $0x3FC;
	s15 =	sor.u32 s15, s9;
	v12 =	vnsel vm2, $0x7F, v7  }
0xb0: {  	s15 =	sadd.s32 s16, s15;
	v7, _, _ =	vpop (xrf0)  }
0xb1: {  	v8 =	vld [tilespmem:s15+$0x0];
	v6 =	vadd.s32 v7, v6  }
0xb2: {  	s14 =	sadd.s32 $0x30, s14;
	v6 =	vadd.s32 $0xFFFFFFFF, v6  }
0xb3: {  	s15 =	sand.u32 $0x70, s14;
	v7 =	vadd.s32 s14, v9;
	vm2 =	vlt.s32 v6, $0x7F  }
0xb4: {  	v15 =	vnsel vm2, $0x7F, v6;
	[tilespmem:v12+s22+$0x0] =	vst.idx.msk vm3, v11;
	v6 =	vadd.s32 s12, v9;
	s12 =	sor.u32 s15, s13  }
0xb5: {  	[tilespmem:v12+s24+$0x0] =	vst.idx.msk vm3, v6;
	s12 =	sadd.s32 s4, s12;
	s4 =	smov.u32 s16  }
0xb6: {  	vm2 =	vge.f32 v8, v5;
	v6 =	vld [tilespmem:s12+$0x0]  }
0xb7: {  	v9 =	vsel vm2, $0x1, v4  }
0xb8: {  	(xrf0) =	vadd.scan.msk.s32 $0xffff, v9  }
0xb9: {  	[tilespmem:v15+s22+$0x0] =	vst.idx.msk vm1, v13  }
0xba: {  	[tilespmem:v15+s24+$0x0] =	vst.idx.msk vm1, v14  }
0xbb: {  	v9 =	vmpcnt.ones.xlane vm3;
	vm1 =	vge.f32 v6, v5  }
0xbc: {  	s10 =	sadd.s32 $0x4, s10;
	v13 =	vsel vm1, $0x1, v4;
	v12 =	vmpcnt.ones.xlane vm1  }
0xbd: {  	s11 =	sadd.s32 $0x200, s11;
	s12 =	sshrl.u32 s10, $0x7;
	v9 =	vadd.s32 v10, v9;
	(xrf0) =	vadd.scan.msk.s32 $0xffff, v13  }
0xbe: {  	s8 =	sadd.s32 $0x2, s8;
	s13 =	sshll.u32 s12, $0xE;
	s12 =	sshll.u32 s12, $0xB;
	v11, _, _ =	vpop (xrf0);
	v10 =	vadd.s32 v9, v12  }
0xbf: {  	s13 =	ssub.s32 s11, s13;
	s14 =	ssub.s32 s6, s12;
	s12 =	sand.u32 $0x1C0, s8;
	v11 =	vadd.s32 v11, v10  }
0xc0: {  	s15 =	sshrl.u32 s12, $0x2;
	s12 =	sadd.s32 $0x20, s14;
	s13 =	sand.u32 $0xFFFFFC00, s13;
	v11 =	vadd.s32 $0xFFFFFFFF, v11  }
0xc1: {  	s13 =	sadd.s32 $0x680, s13;
	v14 =	vld [tilespmem:s15+$0x80];
	vm3 =	vlt.s32 v11, $0x7F;
	s15 =	sand.u32 $0x60, s12  }
.Ltmp0:
0xc2: {  	v13 =	vnsel vm3, $0x7F, v11;
	s15 =	sor.u32 s15, s13;
	(pc) =	sbr.rel @p0 .LBB2_2-.Ltmp0, $4  }
0xc3: {  	s15 =	sadd.s32 s4, s15;
	v12, _, _ =	vpop (xrf0)  }
0xc4: {  	s16 =	sand.u32 $0x7C0, s6;
	v11 =	vld [tilespmem:s15+$0x0];
	v9 =	vadd.s32 v12, v9  }
0xc5: {  	s15 =	sor.u32 $0x10, s16;
	v12 =	vadd.s32 $0xFFFFFFFF, v9  }
0xc6: {  	s17 =	sand.u32 $0x50, s15;
	v9 =	vadd.s32 v0, v14;
	vm3 =	vlt.s32 v12, $0x7F  }
0xc7: {  	_ =	sdelay $0x4  }
0xc8: {  	[tilespmem:v13+s22+$0x0] =	vst.idx.msk vm2, v8;
	v8 =	vadd.s32 s16, v9;
	s5 =	sor.u32 s17, s9  }
0xc9: {  	[tilespmem:v13+s24+$0x0] =	vst.idx.msk vm2, v8;
	s5 =	sadd.s32 s4, s5  }
0xca: {  	v8 =	vld [tilespmem:s5+$0x0];
	_ =	sdelay $0x1  }
0xcb: {  	vm4 =	vge.f32 v11, v5  }
0xcc: {  	v13 =	vsel vm4, $0x1, v4  }
0xcd: {  	(xrf0) =	vadd.scan.msk.s32 $0xffff, v13  }
0xce: {  	v13 =	vmpcnt.ones.xlane vm2;
	vm2 =	vge.f32 v8, v5  }
0xcf: {  	v14 =	vmpcnt.ones.xlane vm2;
	_ =	sdelay $0x2  }
0xd0: {  	v10 =	vadd.s32 v10, v13  }
0xd1: {  	v13 =	vadd.s32 v10, v14;
	v14, _, _ =	vpop (xrf0)  }
0xd2: {  	v14 =	vadd.s32 v14, v13  }
0xd3: {  	v14 =	vadd.s32 $0xFFFFFFFF, v14  }
0xd4: {  	vm5 =	vlt.s32 v14, $0x7F  }
0xd5: {  	v14 =	vnsel vm5, $0x7F, v14;
	_ =	sdelay $0x2  }
0xd6: {  	s11 =	sadd.s32 $0x30, s14  }
0xd7: {  	s6 =	sand.u32 $0x70, s11  }
0xd8: {  	s6 =	sor.u32 s6, s13;
	[tilespmem:v14+s22+$0x0] =	vst.idx.msk vm4, v11;
	v11 =	vadd.s32 s12, v9  }
0xd9: {  	s14 =	sadd.s32 s4, s6;
	[tilespmem:v14+s24+$0x0] =	vst.idx.msk vm4, v11  }
0xda: {  	v11 =	vld [tilespmem:s14+$0x0];
	_ =	sdelay $0x3  }
0xdb: {  	v14 =	vsel vm2, $0x1, v4  }
0xdc: {  	(xrf0) =	vadd.scan.msk.s32 $0xffff, v14;
	vm5 =	vge.f32 v11, v5  }
0xdd: {  	v5 =	vsel vm5, $0x1, v4  }
0xde: {  	(xrf0) =	vadd.scan.msk.s32 $0xffff, v5;
	_ =	sdelay $0x3  }
0xdf: {  	v14, _, _ =	vpop (xrf0);
	v5 =	vmpcnt.ones.xlane vm4  }
0xe0: {  	v10 =	vadd.s32 v14, v10  }
0xe1: {  	v12 =	vnsel vm3, $0x7F, v12;
	v10 =	vadd.s32 $0xFFFFFFFF, v10;
	v5 =	vadd.s32 v13, v5;
	v13, _, _ =	vpop (xrf0)  }
0xe2: {  	vm3 =	vlt.s32 v10, $0x7F;
	v5 =	vadd.s32 v13, v5  }
0xe3: {  	v10 =	vnsel vm3, $0x7F, v10;
	v5 =	vadd.s32 $0xFFFFFFFF, v5  }
0xe4: {  	vm3 =	vlt.s32 v5, $0x7F  }
0xe5: {  	v5 =	vnsel vm3, $0x7F, v5  }
0xe6: {  	[tilespmem:v12+s22+$0x0] =	vst.idx.msk vm1, v6  }
0xe7: {  	[tilespmem:v12+s24+$0x0] =	vst.idx.msk vm1, v7  }
0xe8: {  	v6 =	vadd.s32 s15, v9;
	[tilespmem:v10+s22+$0x0] =	vst.idx.msk vm2, v8  }
0xe9: {  	[tilespmem:v10+s24+$0x0] =	vst.idx.msk vm2, v6  }
0xea: {  	v6 =	vadd.s32 s11, v9;
	[tilespmem:v5+s22+$0x0] =	vst.idx.msk vm5, v11  }
0xeb: {  	[tilespmem:v5+s24+$0x0] =	vst.idx.msk vm5, v6  }
0xec: {  	s4 =	simm.s32 $0x0;
	s16 =	rddreg [dreg:$0x5]  }
0xed: {  	[hbm4b:s16+s4] =	stream.linear.scatter [tilespmem:s22], [sflag:$0x3], $0x80, $0x38;
	[tilespmem:$0x8780] =	vst v63  }
0xee: {  	_ =	swait.ge [sflag:s3], $0x80  }
0xef: {  	[sflag:s3] =	ssyncset.done $0x0  }
0xf0: {  	s17 =	rddreg [dreg:$0x6];
	[sflag:s3] =	ssyncadd.s32 $0xFFFFFF80  }
0xf1: {  	[hbm4b:s17+s4] =	stream.linear.scatter [tilespmem:s24], [sflag:$0x3], $0x80, $0x38;
	[tilespmem:$0x8780] =	vst v63  }
0xf2: {  	_ =	swait.ge [sflag:s3], $0x80  }
0xf3: {  	[sflag:s3] =	ssyncset.done $0x0  }
0xf4: {  	[sflag:s3] =	ssyncadd.s32 $0xFFFFFF80  }
0xf5: {  	v5 =	vld.msk [tilespmem:$0x10], $0xff;
	_ =	sdelay $0x4  }
0xf6: {  	v6 =	vshll.u32 v5, $0x4  }
0xf7: {  	v5 =	vand.u32 $0x7, v5;
	v6 =	vand.u32 $0xFFFFFF80, v6  }
0xf8: {  	v5 =	vor.u32 v5, v6  }
0xf9: {  	v5 =	vperm.xlane v5, v1;
	_ =	sdelay $0x1  }
0xfa: {  	v5 =	vadd.s32 v2, v5;
	_ =	sdelay $0x3  }
0xfb: {  	s6 =	simm.s32 $0x680  }
0xfc: {  	[tilespmem:s6], [sflag:$0x1] =	stream.indirect_vreg.gather [hbm4b:s26+s4], $0x80, v5, vm0, $0xb8;
	[tilespmem:$0x8780] =	vst v63  }
0xfd: {  	s7 =	simm.s32 $0xE80  }
0xfe: {  	[tilespmem:s7], [sflag:$0x1] =	stream.indirect_vreg.gather [hbm4b:s28+s4], $0x80, v5, vm0, $0xb8;
	[tilespmem:$0x8780] =	vst v63  }
0xff: {  	s8 =	simm.s32 $0x1680  }
0x100: {  	[tilespmem:s8], [sflag:$0x1] =	stream.indirect_vreg.gather [hbm4b:s29+s4], $0x80, v5, vm0, $0xb8;
	[tilespmem:$0x8780] =	vst v63  }
0x101: {  	s9 =	simm.s32 $0x1E80  }
0x102: {  	[tilespmem:s9], [sflag:$0x1] =	stream.indirect_vreg.gather [hbm4b:s30+s4], $0x80, v5, vm0, $0xb8;
	[tilespmem:$0x8780] =	vst v63  }
0x103: {  	s10 =	simm.s32 $0x2680  }
0x104: {  	[tilespmem:s10], [sflag:$0x1] =	stream.indirect_vreg.gather [hbm4b:s31+s4], $0x80, v5, vm0, $0xb8;
	[tilespmem:$0x8780] =	vst v63  }
0x105: {  	s11 =	simm.s32 $0x2E80  }
0x106: {  	[tilespmem:s11], [sflag:$0x1] =	stream.indirect_vreg.gather [hbm4b:s19+s4], $0x80, v5, vm0, $0xb8;
	[tilespmem:$0x8780] =	vst v63  }
0x107: {  	s12 =	simm.s32 $0x3680  }
0x108: {  	[tilespmem:s12], [sflag:$0x1] =	stream.indirect_vreg.gather [hbm4b:s0+s4], $0x80, v5, vm0, $0xb8;
	[tilespmem:$0x8780] =	vst v63  }
0x109: {  	s13 =	simm.s32 $0x3E80  }
0x10a: {  	[tilespmem:s13], [sflag:$0x1] =	stream.indirect_vreg.gather [hbm4b:s23+s4], $0x80, v5, vm0, $0xb8;
	[tilespmem:$0x8780] =	vst v63  }
0x10b: {  	_ =	swait.ge [sflag:s25], $0x4000  }
0x10c: {  	[sflag:s25] =	ssyncset.done $0x0  }
0x10d: {  	[sflag:s25] =	ssyncadd.s32 $0xFFFFC000  }
0x10e: {  	v6 =	vimm.s32 $0x0;
	[tilespmem:$0x8680] =	vst v3  }
0x10f: {  	[tilespmem:$0x8700] =	vst v6  }
0x110: {  	[tilespmem:$0x8690] =	vst v3  }
0x111: {  	[tilespmem:$0x8710] =	vst v6  }
0x112: {  	[tilespmem:$0x86A0] =	vst v3  }
0x113: {  	[tilespmem:$0x8720] =	vst v6  }
0x114: {  	[tilespmem:$0x86B0] =	vst v3  }
0x115: {  	[tilespmem:$0x8730] =	vst v6  }
0x116: {  	[tilespmem:$0x86C0] =	vst v3  }
0x117: {  	[tilespmem:$0x8740] =	vst v6  }
0x118: {  	[tilespmem:$0x86D0] =	vst v3  }
0x119: {  	[tilespmem:$0x8750] =	vst v6  }
0x11a: {  	s14 =	sand.u32 $0x3C00, s4;
	[tilespmem:$0x86E0] =	vst v3  }
0x11b: {  	s15 =	simm.s32 $0x0;
	s5 =	sadd.s32 $0x4680, s14;
	s7 =	sand.u32 $0x40, s4;
	[tilespmem:$0x8760] =	vst v6  }
0x11c: {  	s16 =	sor.u32 s7, s5;
	s8 =	sand.u32 $0x380, s15;
	[tilespmem:$0x86F0] =	vst v3  }
0x11d: {  	s6 =	sadd.s32 s8, s16;
	v5 =	vld [tilespmem:$0x590];
	[tilespmem:$0x8770] =	vst v6  }
0x11e: {  	v7 =	vld [tilespmem:s6+$0x0];
	_ =	sdelay $0x4  }
0x11f: {  	vm1 =	vge.f32 v7, v5  }
0x120: {  	v8 =	vsel vm1, $0x1, v4  }
0x121: {  	(xrf0) =	vadd.scan.msk.s32 $0xffff, v8;
	_ =	sdelay $0x5  }
0x122: {  	v8, _, _ =	vpop (xrf0)  }
0x123: {  	s17 =	simm.s32 $0x100;
	s9 =	sand.u32 $0x1C0, s4;
	v8 =	vadd.s32 v8, v6  }
0x124: {  	s7 =	sshrl.u32 s9, $0x2;
	s11 =	simm.s32 $0x20;
	s6 =	sand.u32 $0xFFFFFC00, s17;
	v8 =	vadd.s32 $0xFFFFFFFF, v8  }
0x125: {  	s10 =	sand.u32 $0x60, s11;
	v9 =	vld [tilespmem:s7+$0x100];
	s12 =	sadd.s32 $0x4680, s6;
	vm2 =	vlt.s32 v8, $0x7F  }
0x126: {  	s6 =	sor.u32 s10, s12;
	v8 =	vnsel vm2, $0x7F, v8  }
0x127: {  	s6 =	sadd.s32 s8, s6  }
0x128: {  	s4 =	sand.u32 $0x7C0, s4;
	v10 =	vld [tilespmem:s6+$0x0]  }
0x129: {  	s10 =	sor.u32 $0x10, s4  }
0x12a: {  	s13 =	sand.u32 $0x50, s10;
	v9 =	vadd.s32 v0, v9  }
0x12b: {  	s14 =	sor.u32 s13, s5;
	[tilespmem:v8+s22+$0x0] =	vst.idx.msk vm1, v7;
	v7 =	vadd.s32 s4, v9  }
0x12c: {  	s4 =	sadd.s32 s8, s14;
	[tilespmem:v8+s24+$0x0] =	vst.idx.msk vm1, v7  }
0x12d: {  	vm4 =	vge.f32 v10, v5;
	v7 =	vld [tilespmem:s4+$0x0]  }
0x12e: {  	v8 =	vsel vm4, $0x1, v4  }
0x12f: {  	(xrf0) =	vadd.scan.msk.s32 $0xffff, v8;
	_ =	sdelay $0x2  }
0x130: {  	v8 =	vmpcnt.ones.xlane vm1;
	vm3 =	vge.f32 v7, v5  }
0x131: {  	v11 =	vmpcnt.ones.xlane vm3  }
0x132: {  	v12 =	vadd.s32 v6, v8  }
0x133: {  	v6, _, _ =	vpop (xrf0);
	v11 =	vadd.s32 v12, v11  }
0x134: {  	v6 =	vadd.s32 v6, v11  }
0x135: {  	v6 =	vadd.s32 $0xFFFFFFFF, v6  }
0x136: {  	vm1 =	vlt.s32 v6, $0x7F  }
0x137: {  	s5 =	simm.s32 $0x200;
	v6 =	vnsel vm1, $0x7F, v6  }
0x138: {  	s6 =	simm.s32 $0x40;
	s15 =	sand.u32 $0x3C00, s5  }
0x139: {  	s7 =	simm.s32 $0x4;
	s16 =	sand.u32 $0x40, s6;
	s9 =	sadd.s32 $0x4680, s15  }
0x13a: {  	s13 =	sor.u32 s16, s9;
	s14 =	simm.s32 $0x30;
	s4 =	sand.u32 $0x380, s7  }
0x13b: {  	s17 =	sand.u32 $0x70, s14;
	s13 =	sadd.s32 s4, s13  }
0x13c: {  	s12 =	sor.u32 s17, s12;
	v8 =	vld [tilespmem:s13+$0x0];
	v13 =	vsel vm3, $0x1, v4;
	[tilespmem:v6+s22+$0x0] =	vst.idx.msk vm4, v10;
	v10 =	vadd.s32 s11, v9  }
0x13d: {  	s8 =	sadd.s32 s8, s12;
	(xrf0) =	vadd.scan.msk.s32 $0xffff, v13;
	[tilespmem:v6+s24+$0x0] =	vst.idx.msk vm4, v10  }
0x13e: {  	v6 =	vld [tilespmem:s8+$0x0];
	_ =	sdelay $0x2  }
0x13f: {  	vm2 =	vge.f32 v8, v5  }
0x140: {  	v10 =	vsel vm2, $0x1, v4  }
0x141: {  	v13, _, _ =	vpop (xrf0);
	(xrf0) =	vadd.scan.msk.s32 $0xffff, v10;
	vm1 =	vge.f32 v6, v5  }
0x142: {  	v12 =	vadd.s32 v13, v12;
	v10 =	vsel vm1, $0x1, v4  }
0x143: {  	(xrf0) =	vadd.scan.msk.s32 $0xffff, v10;
	v10 =	vadd.s32 $0xFFFFFFFF, v12;
	v12 =	vmpcnt.ones.xlane vm4  }
0x144: {  	vm4 =	vlt.s32 v10, $0x7F  }
0x145: {  	v13 =	vnsel vm4, $0x7F, v10;
	v10 =	vmpcnt.ones.xlane vm1  }
0x146: {  	v11 =	vadd.s32 v11, v12  }
0x147: {  	s8 =	simm.s32 $0x2;
	v12, _, _ =	vpop (xrf0);
	v10 =	vadd.s32 v11, v10  }
0x148: {  	s15 =	simm.s32 $0x300;
	s13 =	sand.u32 $0x1C0, s8;
	v12 =	vadd.s32 v12, v10  }
0x149: {  	s16 =	sand.u32 $0xFFFFFC00, s15;
	s12 =	simm.s32 $0x60;
	s11 =	sshrl.u32 s13, $0x2;
	v15, _, _ =	vpop (xrf0);
	v16 =	vadd.s32 $0xFFFFFFFF, v12  }
0x14a: {  	s17 =	sand.u32 $0x60, s12;
	s13 =	sadd.s32 $0x4680, s16;
	v14 =	vld [tilespmem:s11+$0x100];
	v11 =	vadd.s32 v15, v11;
	v15 =	vadd.s32 s10, v9;
	[tilespmem:v13+s22+$0x0] =	vst.idx.msk vm3, v7;
	vm4 =	vlt.s32 v16, $0x7F  }
0x14b: {  	s11 =	sor.u32 s17, s13;
	[tilespmem:v13+s24+$0x0] =	vst.idx.msk vm3, v15;
	v13 =	vnsel vm4, $0x7F, v16  }
0x14c: {  	s17 =	sadd.s32 s4, s11  }
0x14d: {  	s16 =	sand.u32 $0x7C0, s6;
	v12 =	vadd.s32 $0xFFFFFFFF, v11;
	v11 =	vld [tilespmem:s17+$0x0]  }
0x14e: {  	s15 =	sor.u32 $0x10, s16;
	s11 =	simm.s32 $0x300  }
0x14f: {  	v7 =	vadd.s32 s14, v9;
	s10 =	simm.s32 $0x4;
	s14 =	simm.s32 $0x40;
	v9 =	vadd.s32 v0, v14;
	s17 =	sand.u32 $0x50, s15;
	vm3 =	vlt.s32 v12, $0x7F  }
.LBB2_4:
0x150: {  	[tilespmem:v13+s22+$0x0] =	vst.idx.msk vm2, v8;
	v8 =	vadd.s32 s16, v9;
	s9 =	sor.u32 s17, s9;
	v14 =	vadd.s32 s15, v9;
	v12 =	vnsel vm3, $0x7F, v12  }
0x151: {  	[tilespmem:v13+s24+$0x0] =	vst.idx.msk vm2, v8;
	s9 =	sadd.s32 s4, s9  }
0x152: {  	v13 =	vld [tilespmem:s9+$0x0];
	vm3 =	vge.f32 v11, v5  }
0x153: {  	v8 =	vsel vm3, $0x1, v4  }
0x154: {  	(xrf0) =	vadd.scan.msk.s32 $0xffff, v8  }
0x155: {  	[tilespmem:v12+s22+$0x0] =	vst.idx.msk vm1, v6  }
0x156: {  	[tilespmem:v12+s24+$0x0] =	vst.idx.msk vm1, v7  }
0x157: {  	v6 =	vmpcnt.ones.xlane vm2;
	vm1 =	vge.f32 v13, v5  }
0x158: {  	v12 =	vsel vm1, $0x1, v4;
	v8 =	vmpcnt.ones.xlane vm1  }
0x159: {  	v6 =	vadd.s32 v10, v6;
	(xrf0) =	vadd.scan.msk.s32 $0xffff, v12  }
0x15a: {  	v10 =	vadd.s32 v6, v8;
	v7, _, _ =	vpop (xrf0)  }
0x15b: {  	s5 =	sadd.s32 $0x200, s5;
	v7 =	vadd.s32 v7, v10  }
0x15c: {  	s6 =	sadd.s32 $0x40, s6;
	s9 =	sand.u32 $0x3C00, s5;
	v7 =	vadd.s32 $0xFFFFFFFF, v7  }
0x15d: {  	s7 =	sadd.s32 $0x4, s7;
	s15 =	sand.u32 $0x40, s6;
	s9 =	sadd.s32 $0x4680, s9;
	vm2 =	vlt.s32 v7, $0x7F  }
0x15e: {  	s16 =	sand.u32 $0x380, s7;
	p0 =	slt.u32 s7, $0x3FC;
	s15 =	sor.u32 s15, s9;
	v12 =	vnsel vm2, $0x7F, v7  }
0x15f: {  	s15 =	sadd.s32 s16, s15;
	v7, _, _ =	vpop (xrf0)  }
0x160: {  	v8 =	vld [tilespmem:s15+$0x0];
	v6 =	vadd.s32 v7, v6  }
0x161: {  	s14 =	sadd.s32 $0x30, s14;
	v6 =	vadd.s32 $0xFFFFFFFF, v6  }
0x162: {  	s15 =	sand.u32 $0x70, s14;
	v7 =	vadd.s32 s14, v9;
	vm2 =	vlt.s32 v6, $0x7F  }
0x163: {  	v15 =	vnsel vm2, $0x7F, v6;
	[tilespmem:v12+s22+$0x0] =	vst.idx.msk vm3, v11;
	v6 =	vadd.s32 s12, v9;
	s12 =	sor.u32 s15, s13  }
0x164: {  	[tilespmem:v12+s24+$0x0] =	vst.idx.msk vm3, v6;
	s12 =	sadd.s32 s4, s12;
	s4 =	smov.u32 s16  }
0x165: {  	vm2 =	vge.f32 v8, v5;
	v6 =	vld [tilespmem:s12+$0x0]  }
0x166: {  	v9 =	vsel vm2, $0x1, v4  }
0x167: {  	(xrf0) =	vadd.scan.msk.s32 $0xffff, v9  }
0x168: {  	[tilespmem:v15+s22+$0x0] =	vst.idx.msk vm1, v13  }
0x169: {  	[tilespmem:v15+s24+$0x0] =	vst.idx.msk vm1, v14  }
0x16a: {  	v9 =	vmpcnt.ones.xlane vm3;
	vm1 =	vge.f32 v6, v5  }
0x16b: {  	s10 =	sadd.s32 $0x4, s10;
	v13 =	vsel vm1, $0x1, v4;
	v12 =	vmpcnt.ones.xlane vm1  }
0x16c: {  	s11 =	sadd.s32 $0x200, s11;
	s12 =	sshrl.u32 s10, $0x7;
	v9 =	vadd.s32 v10, v9;
	(xrf0) =	vadd.scan.msk.s32 $0xffff, v13  }
0x16d: {  	s8 =	sadd.s32 $0x2, s8;
	s13 =	sshll.u32 s12, $0xE;
	s12 =	sshll.u32 s12, $0xB;
	v11, _, _ =	vpop (xrf0);
	v10 =	vadd.s32 v9, v12  }
0x16e: {  	s13 =	ssub.s32 s11, s13;
	s14 =	ssub.s32 s6, s12;
	s12 =	sand.u32 $0x1C0, s8;
	v11 =	vadd.s32 v11, v10  }
0x16f: {  	s15 =	sshrl.u32 s12, $0x2;
	s12 =	sadd.s32 $0x20, s14;
	s13 =	sand.u32 $0xFFFFFC00, s13;
	v11 =	vadd.s32 $0xFFFFFFFF, v11  }
0x170: {  	s13 =	sadd.s32 $0x4680, s13;
	v14 =	vld [tilespmem:s15+$0x100];
	vm3 =	vlt.s32 v11, $0x7F;
	s15 =	sand.u32 $0x60, s12  }
.Ltmp1:
0x171: {  	v13 =	vnsel vm3, $0x7F, v11;
	s15 =	sor.u32 s15, s13;
	(pc) =	sbr.rel @p0 .LBB2_4-.Ltmp1, $4  }
0x172: {  	s15 =	sadd.s32 s4, s15;
	v12, _, _ =	vpop (xrf0)  }
0x173: {  	s16 =	sand.u32 $0x7C0, s6;
	v11 =	vld [tilespmem:s15+$0x0];
	v9 =	vadd.s32 v12, v9  }
0x174: {  	s15 =	sor.u32 $0x10, s16;
	v12 =	vadd.s32 $0xFFFFFFFF, v9  }
0x175: {  	s17 =	sand.u32 $0x50, s15;
	v9 =	vadd.s32 v0, v14;
	vm3 =	vlt.s32 v12, $0x7F  }
0x176: {  	_ =	sdelay $0x4  }
0x177: {  	[tilespmem:v13+s22+$0x0] =	vst.idx.msk vm2, v8;
	v8 =	vadd.s32 s16, v9;
	s5 =	sor.u32 s17, s9  }
0x178: {  	[tilespmem:v13+s24+$0x0] =	vst.idx.msk vm2, v8;
	s5 =	sadd.s32 s4, s5  }
0x179: {  	v8 =	vld [tilespmem:s5+$0x0];
	_ =	sdelay $0x1  }
0x17a: {  	vm4 =	vge.f32 v11, v5  }
0x17b: {  	v13 =	vsel vm4, $0x1, v4  }
0x17c: {  	(xrf0) =	vadd.scan.msk.s32 $0xffff, v13  }
0x17d: {  	v13 =	vmpcnt.ones.xlane vm2;
	vm2 =	vge.f32 v8, v5  }
0x17e: {  	v14 =	vmpcnt.ones.xlane vm2;
	_ =	sdelay $0x2  }
0x17f: {  	v10 =	vadd.s32 v10, v13  }
0x180: {  	v13 =	vadd.s32 v10, v14;
	v14, _, _ =	vpop (xrf0)  }
0x181: {  	v14 =	vadd.s32 v14, v13  }
0x182: {  	v14 =	vadd.s32 $0xFFFFFFFF, v14  }
0x183: {  	vm5 =	vlt.s32 v14, $0x7F  }
0x184: {  	v14 =	vnsel vm5, $0x7F, v14;
	_ =	sdelay $0x2  }
0x185: {  	s16 =	sadd.s32 $0x30, s14  }
0x186: {  	s6 =	sand.u32 $0x70, s16  }
0x187: {  	s6 =	sor.u32 s6, s13;
	[tilespmem:v14+s22+$0x0] =	vst.idx.msk vm4, v11;
	v11 =	vadd.s32 s12, v9  }
0x188: {  	s17 =	sadd.s32 s4, s6;
	[tilespmem:v14+s24+$0x0] =	vst.idx.msk vm4, v11  }
0x189: {  	v11 =	vld [tilespmem:s17+$0x0];
	_ =	sdelay $0x3  }
0x18a: {  	v14 =	vsel vm2, $0x1, v4  }
0x18b: {  	(xrf0) =	vadd.scan.msk.s32 $0xffff, v14;
	vm5 =	vge.f32 v11, v5  }
0x18c: {  	v5 =	vsel vm5, $0x1, v4  }
0x18d: {  	(xrf0) =	vadd.scan.msk.s32 $0xffff, v5;
	_ =	sdelay $0x3  }
0x18e: {  	v14, _, _ =	vpop (xrf0);
	v5 =	vmpcnt.ones.xlane vm4  }
0x18f: {  	v10 =	vadd.s32 v14, v10  }
0x190: {  	v12 =	vnsel vm3, $0x7F, v12;
	v10 =	vadd.s32 $0xFFFFFFFF, v10;
	v5 =	vadd.s32 v13, v5;
	v13, _, _ =	vpop (xrf0)  }
0x191: {  	vm3 =	vlt.s32 v10, $0x7F;
	v5 =	vadd.s32 v13, v5  }
0x192: {  	v10 =	vnsel vm3, $0x7F, v10;
	v5 =	vadd.s32 $0xFFFFFFFF, v5  }
0x193: {  	vm3 =	vlt.s32 v5, $0x7F  }
0x194: {  	v5 =	vnsel vm3, $0x7F, v5  }
0x195: {  	[tilespmem:v12+s22+$0x0] =	vst.idx.msk vm1, v6  }
0x196: {  	[tilespmem:v12+s24+$0x0] =	vst.idx.msk vm1, v7  }
0x197: {  	v6 =	vadd.s32 s15, v9;
	[tilespmem:v10+s22+$0x0] =	vst.idx.msk vm2, v8  }
0x198: {  	[tilespmem:v10+s24+$0x0] =	vst.idx.msk vm2, v6  }
0x199: {  	v6 =	vadd.s32 s16, v9;
	[tilespmem:v5+s22+$0x0] =	vst.idx.msk vm5, v11  }
0x19a: {  	[tilespmem:v5+s24+$0x0] =	vst.idx.msk vm5, v6  }
0x19b: {  	s4 =	simm.s32 $0x0;
	s6 =	rddreg [dreg:$0x7]  }
0x19c: {  	[hbm4b:s6+s4] =	stream.linear.scatter [tilespmem:s22], [sflag:$0x3], $0x80, $0x38;
	[tilespmem:$0x8780] =	vst v63  }
0x19d: {  	_ =	swait.ge [sflag:s3], $0x80  }
0x19e: {  	[sflag:s3] =	ssyncset.done $0x0  }
0x19f: {  	s7 =	rddreg [dreg:$0x8];
	[sflag:s3] =	ssyncadd.s32 $0xFFFFFF80  }
0x1a0: {  	[hbm4b:s7+s4] =	stream.linear.scatter [tilespmem:s24], [sflag:$0x3], $0x80, $0x38;
	[tilespmem:$0x8780] =	vst v63  }
0x1a1: {  	_ =	swait.ge [sflag:s3], $0x80  }
0x1a2: {  	[sflag:s3] =	ssyncset.done $0x0  }
0x1a3: {  	[sflag:s3] =	ssyncadd.s32 $0xFFFFFF80  }
0x1a4: {  	v5 =	vld.msk [tilespmem:$0x18], $0xff;
	_ =	sdelay $0x4  }
0x1a5: {  	v6 =	vshll.u32 v5, $0x4  }
0x1a6: {  	v5 =	vand.u32 $0x7, v5;
	v6 =	vand.u32 $0xFFFFFF80, v6  }
0x1a7: {  	v5 =	vor.u32 v5, v6  }
0x1a8: {  	v5 =	vperm.xlane v5, v1;
	_ =	sdelay $0x1  }
0x1a9: {  	v5 =	vadd.s32 v2, v5;
	_ =	sdelay $0x3  }
0x1aa: {  	s8 =	simm.s32 $0x4680  }
0x1ab: {  	[tilespmem:s8], [sflag:$0x2] =	stream.indirect_vreg.gather [hbm4b:s26+s4], $0x80, v5, vm0, $0xb8;
	[tilespmem:$0x8780] =	vst v63  }
0x1ac: {  	s9 =	simm.s32 $0x4E80  }
0x1ad: {  	[tilespmem:s9], [sflag:$0x2] =	stream.indirect_vreg.gather [hbm4b:s28+s4], $0x80, v5, vm0, $0xb8;
	[tilespmem:$0x8780] =	vst v63  }
0x1ae: {  	s10 =	simm.s32 $0x5680  }
0x1af: {  	[tilespmem:s10], [sflag:$0x2] =	stream.indirect_vreg.gather [hbm4b:s29+s4], $0x80, v5, vm0, $0xb8;
	[tilespmem:$0x8780] =	vst v63  }
0x1b0: {  	s11 =	simm.s32 $0x5E80  }
0x1b1: {  	[tilespmem:s11], [sflag:$0x2] =	stream.indirect_vreg.gather [hbm4b:s30+s4], $0x80, v5, vm0, $0xb8;
	[tilespmem:$0x8780] =	vst v63  }
0x1b2: {  	s12 =	simm.s32 $0x6680  }
0x1b3: {  	[tilespmem:s12], [sflag:$0x2] =	stream.indirect_vreg.gather [hbm4b:s31+s4], $0x80, v5, vm0, $0xb8;
	[tilespmem:$0x8780] =	vst v63  }
0x1b4: {  	s13 =	simm.s32 $0x6E80  }
0x1b5: {  	[tilespmem:s13], [sflag:$0x2] =	stream.indirect_vreg.gather [hbm4b:s19+s4], $0x80, v5, vm0, $0xb8;
	[tilespmem:$0x8780] =	vst v63  }
0x1b6: {  	_ = 	snop  }
0x1b7: {  	[tilespmem:s18], [sflag:$0x2] =	stream.indirect_vreg.gather [hbm4b:s0+s4], $0x80, v5, vm0, $0xb8;
	[tilespmem:$0x8780] =	vst v63  }
0x1b8: {  	_ = 	snop  }
0x1b9: {  	[tilespmem:s20], [sflag:$0x2] =	stream.indirect_vreg.gather [hbm4b:s23+s4], $0x80, v5, vm0, $0xb8;
	[tilespmem:$0x8780] =	vst v63  }
0x1ba: {  	_ =	swait.ge [sflag:s21], $0x4000  }
0x1bb: {  	[sflag:s21] =	ssyncset.done $0x0  }
0x1bc: {  	[sflag:s21] =	ssyncadd.s32 $0xFFFFC000  }
0x1bd: {  	v6 =	vimm.s32 $0x0;
	[tilespmem:$0x8680] =	vst v3  }
0x1be: {  	[tilespmem:$0x8700] =	vst v6  }
0x1bf: {  	[tilespmem:$0x8690] =	vst v3  }
0x1c0: {  	[tilespmem:$0x8710] =	vst v6  }
0x1c1: {  	[tilespmem:$0x86A0] =	vst v3  }
0x1c2: {  	[tilespmem:$0x8720] =	vst v6  }
0x1c3: {  	[tilespmem:$0x86B0] =	vst v3  }
0x1c4: {  	[tilespmem:$0x8730] =	vst v6  }
0x1c5: {  	[tilespmem:$0x86C0] =	vst v3  }
0x1c6: {  	[tilespmem:$0x8740] =	vst v6  }
0x1c7: {  	[tilespmem:$0x86D0] =	vst v3  }
0x1c8: {  	[tilespmem:$0x8750] =	vst v6  }
0x1c9: {  	s14 =	sand.u32 $0x3C00, s4;
	[tilespmem:$0x86E0] =	vst v3  }
0x1ca: {  	s15 =	simm.s32 $0x0;
	s5 =	sadd.s32 $0x680, s14;
	s7 =	sand.u32 $0x40, s4;
	[tilespmem:$0x8760] =	vst v6  }
0x1cb: {  	s16 =	sor.u32 s7, s5;
	s8 =	sand.u32 $0x380, s15;
	[tilespmem:$0x86F0] =	vst v3  }
0x1cc: {  	s6 =	sadd.s32 s8, s16;
	v5 =	vld [tilespmem:$0x5A0];
	[tilespmem:$0x8770] =	vst v6  }
0x1cd: {  	v7 =	vld [tilespmem:s6+$0x0];
	_ =	sdelay $0x4  }
0x1ce: {  	vm1 =	vge.f32 v7, v5  }
0x1cf: {  	v8 =	vsel vm1, $0x1, v4  }
0x1d0: {  	(xrf0) =	vadd.scan.msk.s32 $0xffff, v8;
	_ =	sdelay $0x5  }
0x1d1: {  	v8, _, _ =	vpop (xrf0)  }
0x1d2: {  	s17 =	simm.s32 $0x100;
	s9 =	sand.u32 $0x1C0, s4;
	v8 =	vadd.s32 v8, v6  }
0x1d3: {  	s7 =	sshrl.u32 s9, $0x2;
	s11 =	simm.s32 $0x20;
	s6 =	sand.u32 $0xFFFFFC00, s17;
	v8 =	vadd.s32 $0xFFFFFFFF, v8  }
0x1d4: {  	s10 =	sand.u32 $0x60, s11;
	v9 =	vld [tilespmem:s7+$0x180];
	s12 =	sadd.s32 $0x680, s6;
	vm2 =	vlt.s32 v8, $0x7F  }
0x1d5: {  	s6 =	sor.u32 s10, s12;
	v8 =	vnsel vm2, $0x7F, v8  }
0x1d6: {  	s6 =	sadd.s32 s8, s6  }
0x1d7: {  	s4 =	sand.u32 $0x7C0, s4;
	v10 =	vld [tilespmem:s6+$0x0]  }
0x1d8: {  	s10 =	sor.u32 $0x10, s4  }
0x1d9: {  	s13 =	sand.u32 $0x50, s10;
	v9 =	vadd.s32 v0, v9  }
0x1da: {  	s14 =	sor.u32 s13, s5;
	[tilespmem:v8+s22+$0x0] =	vst.idx.msk vm1, v7;
	v7 =	vadd.s32 s4, v9  }
0x1db: {  	s4 =	sadd.s32 s8, s14;
	[tilespmem:v8+s24+$0x0] =	vst.idx.msk vm1, v7  }
0x1dc: {  	vm4 =	vge.f32 v10, v5;
	v7 =	vld [tilespmem:s4+$0x0]  }
0x1dd: {  	v8 =	vsel vm4, $0x1, v4  }
0x1de: {  	(xrf0) =	vadd.scan.msk.s32 $0xffff, v8;
	_ =	sdelay $0x2  }
0x1df: {  	v8 =	vmpcnt.ones.xlane vm1;
	vm3 =	vge.f32 v7, v5  }
0x1e0: {  	v11 =	vmpcnt.ones.xlane vm3  }
0x1e1: {  	v12 =	vadd.s32 v6, v8  }
0x1e2: {  	v6, _, _ =	vpop (xrf0);
	v11 =	vadd.s32 v12, v11  }
0x1e3: {  	v6 =	vadd.s32 v6, v11  }
0x1e4: {  	v6 =	vadd.s32 $0xFFFFFFFF, v6  }
0x1e5: {  	vm1 =	vlt.s32 v6, $0x7F  }
0x1e6: {  	s5 =	simm.s32 $0x200;
	v6 =	vnsel vm1, $0x7F, v6  }
0x1e7: {  	s6 =	simm.s32 $0x40;
	s15 =	sand.u32 $0x3C00, s5  }
0x1e8: {  	s7 =	simm.s32 $0x4;
	s16 =	sand.u32 $0x40, s6;
	s9 =	sadd.s32 $0x680, s15  }
0x1e9: {  	s13 =	sor.u32 s16, s9;
	s14 =	simm.s32 $0x30;
	s4 =	sand.u32 $0x380, s7  }
0x1ea: {  	s17 =	sand.u32 $0x70, s14;
	s13 =	sadd.s32 s4, s13  }
0x1eb: {  	s12 =	sor.u32 s17, s12;
	v8 =	vld [tilespmem:s13+$0x0];
	v13 =	vsel vm3, $0x1, v4;
	[tilespmem:v6+s22+$0x0] =	vst.idx.msk vm4, v10;
	v10 =	vadd.s32 s11, v9  }
0x1ec: {  	s8 =	sadd.s32 s8, s12;
	(xrf0) =	vadd.scan.msk.s32 $0xffff, v13;
	[tilespmem:v6+s24+$0x0] =	vst.idx.msk vm4, v10  }
0x1ed: {  	v6 =	vld [tilespmem:s8+$0x0];
	_ =	sdelay $0x2  }
0x1ee: {  	vm2 =	vge.f32 v8, v5  }
0x1ef: {  	v10 =	vsel vm2, $0x1, v4  }
0x1f0: {  	v13, _, _ =	vpop (xrf0);
	(xrf0) =	vadd.scan.msk.s32 $0xffff, v10;
	vm1 =	vge.f32 v6, v5  }
0x1f1: {  	v12 =	vadd.s32 v13, v12;
	v10 =	vsel vm1, $0x1, v4  }
0x1f2: {  	(xrf0) =	vadd.scan.msk.s32 $0xffff, v10;
	v10 =	vadd.s32 $0xFFFFFFFF, v12;
	v12 =	vmpcnt.ones.xlane vm4  }
0x1f3: {  	vm4 =	vlt.s32 v10, $0x7F  }
0x1f4: {  	v13 =	vnsel vm4, $0x7F, v10;
	v10 =	vmpcnt.ones.xlane vm1  }
0x1f5: {  	v11 =	vadd.s32 v11, v12  }
0x1f6: {  	s8 =	simm.s32 $0x2;
	v12, _, _ =	vpop (xrf0);
	v10 =	vadd.s32 v11, v10  }
0x1f7: {  	s15 =	simm.s32 $0x300;
	s13 =	sand.u32 $0x1C0, s8;
	v12 =	vadd.s32 v12, v10  }
0x1f8: {  	s16 =	sand.u32 $0xFFFFFC00, s15;
	s12 =	simm.s32 $0x60;
	s11 =	sshrl.u32 s13, $0x2;
	v15, _, _ =	vpop (xrf0);
	v16 =	vadd.s32 $0xFFFFFFFF, v12  }
0x1f9: {  	s17 =	sand.u32 $0x60, s12;
	s13 =	sadd.s32 $0x680, s16;
	v14 =	vld [tilespmem:s11+$0x180];
	v11 =	vadd.s32 v15, v11;
	v15 =	vadd.s32 s10, v9;
	[tilespmem:v13+s22+$0x0] =	vst.idx.msk vm3, v7;
	vm4 =	vlt.s32 v16, $0x7F  }
0x1fa: {  	s11 =	sor.u32 s17, s13;
	[tilespmem:v13+s24+$0x0] =	vst.idx.msk vm3, v15;
	v13 =	vnsel vm4, $0x7F, v16  }
0x1fb: {  	s17 =	sadd.s32 s4, s11  }
0x1fc: {  	s16 =	sand.u32 $0x7C0, s6;
	v12 =	vadd.s32 $0xFFFFFFFF, v11;
	v11 =	vld [tilespmem:s17+$0x0]  }
0x1fd: {  	s15 =	sor.u32 $0x10, s16;
	s11 =	simm.s32 $0x300  }
0x1fe: {  	v7 =	vadd.s32 s14, v9;
	s10 =	simm.s32 $0x4;
	s14 =	simm.s32 $0x40;
	v9 =	vadd.s32 v0, v14;
	s17 =	sand.u32 $0x50, s15;
	vm3 =	vlt.s32 v12, $0x7F  }
.LBB2_6:
0x1ff: {  	[tilespmem:v13+s22+$0x0] =	vst.idx.msk vm2, v8;
	v8 =	vadd.s32 s16, v9;
	s9 =	sor.u32 s17, s9;
	v14 =	vadd.s32 s15, v9;
	v12 =	vnsel vm3, $0x7F, v12  }
0x200: {  	[tilespmem:v13+s24+$0x0] =	vst.idx.msk vm2, v8;
	s9 =	sadd.s32 s4, s9  }
0x201: {  	v13 =	vld [tilespmem:s9+$0x0];
	vm3 =	vge.f32 v11, v5  }
0x202: {  	v8 =	vsel vm3, $0x1, v4  }
0x203: {  	(xrf0) =	vadd.scan.msk.s32 $0xffff, v8  }
0x204: {  	[tilespmem:v12+s22+$0x0] =	vst.idx.msk vm1, v6  }
0x205: {  	[tilespmem:v12+s24+$0x0] =	vst.idx.msk vm1, v7  }
0x206: {  	v6 =	vmpcnt.ones.xlane vm2;
	vm1 =	vge.f32 v13, v5  }
0x207: {  	v12 =	vsel vm1, $0x1, v4;
	v8 =	vmpcnt.ones.xlane vm1  }
0x208: {  	v6 =	vadd.s32 v10, v6;
	(xrf0) =	vadd.scan.msk.s32 $0xffff, v12  }
0x209: {  	v10 =	vadd.s32 v6, v8;
	v7, _, _ =	vpop (xrf0)  }
0x20a: {  	s5 =	sadd.s32 $0x200, s5;
	v7 =	vadd.s32 v7, v10  }
0x20b: {  	s6 =	sadd.s32 $0x40, s6;
	s9 =	sand.u32 $0x3C00, s5;
	v7 =	vadd.s32 $0xFFFFFFFF, v7  }
0x20c: {  	s7 =	sadd.s32 $0x4, s7;
	s15 =	sand.u32 $0x40, s6;
	s9 =	sadd.s32 $0x680, s9;
	vm2 =	vlt.s32 v7, $0x7F  }
0x20d: {  	s16 =	sand.u32 $0x380, s7;
	p0 =	slt.u32 s7, $0x3FC;
	s15 =	sor.u32 s15, s9;
	v12 =	vnsel vm2, $0x7F, v7  }
0x20e: {  	s15 =	sadd.s32 s16, s15;
	v7, _, _ =	vpop (xrf0)  }
0x20f: {  	v8 =	vld [tilespmem:s15+$0x0];
	v6 =	vadd.s32 v7, v6  }
0x210: {  	s14 =	sadd.s32 $0x30, s14;
	v6 =	vadd.s32 $0xFFFFFFFF, v6  }
0x211: {  	s15 =	sand.u32 $0x70, s14;
	v7 =	vadd.s32 s14, v9;
	vm2 =	vlt.s32 v6, $0x7F  }
0x212: {  	v15 =	vnsel vm2, $0x7F, v6;
	[tilespmem:v12+s22+$0x0] =	vst.idx.msk vm3, v11;
	v6 =	vadd.s32 s12, v9;
	s12 =	sor.u32 s15, s13  }
0x213: {  	[tilespmem:v12+s24+$0x0] =	vst.idx.msk vm3, v6;
	s12 =	sadd.s32 s4, s12;
	s4 =	smov.u32 s16  }
0x214: {  	vm2 =	vge.f32 v8, v5;
	v6 =	vld [tilespmem:s12+$0x0]  }
0x215: {  	v9 =	vsel vm2, $0x1, v4  }
0x216: {  	(xrf0) =	vadd.scan.msk.s32 $0xffff, v9  }
0x217: {  	[tilespmem:v15+s22+$0x0] =	vst.idx.msk vm1, v13  }
0x218: {  	[tilespmem:v15+s24+$0x0] =	vst.idx.msk vm1, v14  }
0x219: {  	v9 =	vmpcnt.ones.xlane vm3;
	vm1 =	vge.f32 v6, v5  }
0x21a: {  	s10 =	sadd.s32 $0x4, s10;
	v13 =	vsel vm1, $0x1, v4;
	v12 =	vmpcnt.ones.xlane vm1  }
0x21b: {  	s11 =	sadd.s32 $0x200, s11;
	s12 =	sshrl.u32 s10, $0x7;
	v9 =	vadd.s32 v10, v9;
	(xrf0) =	vadd.scan.msk.s32 $0xffff, v13  }
0x21c: {  	s8 =	sadd.s32 $0x2, s8;
	s13 =	sshll.u32 s12, $0xE;
	s12 =	sshll.u32 s12, $0xB;
	v11, _, _ =	vpop (xrf0);
	v10 =	vadd.s32 v9, v12  }
0x21d: {  	s13 =	ssub.s32 s11, s13;
	s14 =	ssub.s32 s6, s12;
	s12 =	sand.u32 $0x1C0, s8;
	v11 =	vadd.s32 v11, v10  }
0x21e: {  	s15 =	sshrl.u32 s12, $0x2;
	s12 =	sadd.s32 $0x20, s14;
	s13 =	sand.u32 $0xFFFFFC00, s13;
	v11 =	vadd.s32 $0xFFFFFFFF, v11  }
0x21f: {  	s13 =	sadd.s32 $0x680, s13;
	v14 =	vld [tilespmem:s15+$0x180];
	vm3 =	vlt.s32 v11, $0x7F;
	s15 =	sand.u32 $0x60, s12  }
.Ltmp2:
0x220: {  	v13 =	vnsel vm3, $0x7F, v11;
	s15 =	sor.u32 s15, s13;
	(pc) =	sbr.rel @p0 .LBB2_6-.Ltmp2, $4  }
0x221: {  	s15 =	sadd.s32 s4, s15;
	v12, _, _ =	vpop (xrf0)  }
0x222: {  	s16 =	sand.u32 $0x7C0, s6;
	v11 =	vld [tilespmem:s15+$0x0];
	v9 =	vadd.s32 v12, v9  }
0x223: {  	s15 =	sor.u32 $0x10, s16;
	v12 =	vadd.s32 $0xFFFFFFFF, v9  }
0x224: {  	s17 =	sand.u32 $0x50, s15;
	v9 =	vadd.s32 v0, v14;
	vm3 =	vlt.s32 v12, $0x7F  }
0x225: {  	_ =	sdelay $0x4  }
0x226: {  	[tilespmem:v13+s22+$0x0] =	vst.idx.msk vm2, v8;
	v8 =	vadd.s32 s16, v9;
	s5 =	sor.u32 s17, s9  }
0x227: {  	[tilespmem:v13+s24+$0x0] =	vst.idx.msk vm2, v8;
	s5 =	sadd.s32 s4, s5  }
0x228: {  	v8 =	vld [tilespmem:s5+$0x0];
	_ =	sdelay $0x1  }
0x229: {  	vm4 =	vge.f32 v11, v5  }
0x22a: {  	v13 =	vsel vm4, $0x1, v4  }
0x22b: {  	(xrf0) =	vadd.scan.msk.s32 $0xffff, v13  }
0x22c: {  	v13 =	vmpcnt.ones.xlane vm2;
	vm2 =	vge.f32 v8, v5  }
0x22d: {  	v14 =	vmpcnt.ones.xlane vm2;
	_ =	sdelay $0x2  }
0x22e: {  	v10 =	vadd.s32 v10, v13  }
0x22f: {  	v13 =	vadd.s32 v10, v14;
	v14, _, _ =	vpop (xrf0)  }
0x230: {  	v14 =	vadd.s32 v14, v13  }
0x231: {  	v14 =	vadd.s32 $0xFFFFFFFF, v14  }
0x232: {  	vm5 =	vlt.s32 v14, $0x7F  }
0x233: {  	v14 =	vnsel vm5, $0x7F, v14;
	_ =	sdelay $0x2  }
0x234: {  	s11 =	sadd.s32 $0x30, s14  }
0x235: {  	s6 =	sand.u32 $0x70, s11  }
0x236: {  	s6 =	sor.u32 s6, s13;
	[tilespmem:v14+s22+$0x0] =	vst.idx.msk vm4, v11;
	v11 =	vadd.s32 s12, v9  }
0x237: {  	s14 =	sadd.s32 s4, s6;
	[tilespmem:v14+s24+$0x0] =	vst.idx.msk vm4, v11  }
0x238: {  	v11 =	vld [tilespmem:s14+$0x0];
	_ =	sdelay $0x3  }
0x239: {  	v14 =	vsel vm2, $0x1, v4  }
0x23a: {  	(xrf0) =	vadd.scan.msk.s32 $0xffff, v14;
	vm5 =	vge.f32 v11, v5  }
0x23b: {  	v5 =	vsel vm5, $0x1, v4  }
0x23c: {  	(xrf0) =	vadd.scan.msk.s32 $0xffff, v5;
	_ =	sdelay $0x3  }
0x23d: {  	v14, _, _ =	vpop (xrf0);
	v5 =	vmpcnt.ones.xlane vm4  }
0x23e: {  	v10 =	vadd.s32 v14, v10  }
0x23f: {  	v12 =	vnsel vm3, $0x7F, v12;
	v10 =	vadd.s32 $0xFFFFFFFF, v10;
	v5 =	vadd.s32 v13, v5;
	v13, _, _ =	vpop (xrf0)  }
0x240: {  	vm3 =	vlt.s32 v10, $0x7F;
	v5 =	vadd.s32 v13, v5  }
0x241: {  	v10 =	vnsel vm3, $0x7F, v10;
	v5 =	vadd.s32 $0xFFFFFFFF, v5  }
0x242: {  	vm3 =	vlt.s32 v5, $0x7F  }
0x243: {  	v5 =	vnsel vm3, $0x7F, v5  }
0x244: {  	[tilespmem:v12+s22+$0x0] =	vst.idx.msk vm1, v6  }
0x245: {  	[tilespmem:v12+s24+$0x0] =	vst.idx.msk vm1, v7  }
0x246: {  	v6 =	vadd.s32 s15, v9;
	[tilespmem:v10+s22+$0x0] =	vst.idx.msk vm2, v8  }
0x247: {  	[tilespmem:v10+s24+$0x0] =	vst.idx.msk vm2, v6  }
0x248: {  	v6 =	vadd.s32 s11, v9;
	[tilespmem:v5+s22+$0x0] =	vst.idx.msk vm5, v11  }
0x249: {  	[tilespmem:v5+s24+$0x0] =	vst.idx.msk vm5, v6  }
0x24a: {  	s4 =	simm.s32 $0x0;
	s16 =	rddreg [dreg:$0x9]  }
0x24b: {  	[hbm4b:s16+s4] =	stream.linear.scatter [tilespmem:s22], [sflag:$0x3], $0x80, $0x38;
	[tilespmem:$0x8780] =	vst v63  }
0x24c: {  	_ =	swait.ge [sflag:s3], $0x80  }
0x24d: {  	[sflag:s3] =	ssyncset.done $0x0  }
0x24e: {  	s17 =	rddreg [dreg:$0xa];
	[sflag:s3] =	ssyncadd.s32 $0xFFFFFF80  }
0x24f: {  	[hbm4b:s17+s4] =	stream.linear.scatter [tilespmem:s24], [sflag:$0x3], $0x80, $0x38;
	[tilespmem:$0x8780] =	vst v63  }
0x250: {  	_ =	swait.ge [sflag:s3], $0x80  }
0x251: {  	[sflag:s3] =	ssyncset.done $0x0  }
0x252: {  	[sflag:s3] =	ssyncadd.s32 $0xFFFFFF80  }
0x253: {  	v5 =	vld.msk [tilespmem:$0x20], $0xff;
	_ =	sdelay $0x4  }
0x254: {  	v6 =	vshll.u32 v5, $0x4  }
0x255: {  	v5 =	vand.u32 $0x7, v5;
	v6 =	vand.u32 $0xFFFFFF80, v6  }
0x256: {  	v5 =	vor.u32 v5, v6  }
0x257: {  	v5 =	vperm.xlane v5, v1;
	_ =	sdelay $0x1  }
0x258: {  	v5 =	vadd.s32 v2, v5;
	_ =	sdelay $0x3  }
0x259: {  	s6 =	simm.s32 $0x680  }
0x25a: {  	[tilespmem:s6], [sflag:$0x1] =	stream.indirect_vreg.gather [hbm4b:s26+s4], $0x80, v5, vm0, $0xb8;
	[tilespmem:$0x8780] =	vst v63  }
0x25b: {  	s7 =	simm.s32 $0xE80  }
0x25c: {  	[tilespmem:s7], [sflag:$0x1] =	stream.indirect_vreg.gather [hbm4b:s28+s4], $0x80, v5, vm0, $0xb8;
	[tilespmem:$0x8780] =	vst v63  }
0x25d: {  	s8 =	simm.s32 $0x1680  }
0x25e: {  	[tilespmem:s8], [sflag:$0x1] =	stream.indirect_vreg.gather [hbm4b:s29+s4], $0x80, v5, vm0, $0xb8;
	[tilespmem:$0x8780] =	vst v63  }
0x25f: {  	s9 =	simm.s32 $0x1E80  }
0x260: {  	[tilespmem:s9], [sflag:$0x1] =	stream.indirect_vreg.gather [hbm4b:s30+s4], $0x80, v5, vm0, $0xb8;
	[tilespmem:$0x8780] =	vst v63  }
0x261: {  	s10 =	simm.s32 $0x2680  }
0x262: {  	[tilespmem:s10], [sflag:$0x1] =	stream.indirect_vreg.gather [hbm4b:s31+s4], $0x80, v5, vm0, $0xb8;
	[tilespmem:$0x8780] =	vst v63  }
0x263: {  	s11 =	simm.s32 $0x2E80  }
0x264: {  	[tilespmem:s11], [sflag:$0x1] =	stream.indirect_vreg.gather [hbm4b:s19+s4], $0x80, v5, vm0, $0xb8;
	[tilespmem:$0x8780] =	vst v63  }
0x265: {  	s12 =	simm.s32 $0x3680  }
0x266: {  	[tilespmem:s12], [sflag:$0x1] =	stream.indirect_vreg.gather [hbm4b:s0+s4], $0x80, v5, vm0, $0xb8;
	[tilespmem:$0x8780] =	vst v63  }
0x267: {  	s13 =	simm.s32 $0x3E80  }
0x268: {  	[tilespmem:s13], [sflag:$0x1] =	stream.indirect_vreg.gather [hbm4b:s23+s4], $0x80, v5, vm0, $0xb8;
	[tilespmem:$0x8780] =	vst v63  }
0x269: {  	_ =	swait.ge [sflag:s25], $0x4000  }
0x26a: {  	[sflag:s25] =	ssyncset.done $0x0  }
0x26b: {  	[sflag:s25] =	ssyncadd.s32 $0xFFFFC000  }
0x26c: {  	v6 =	vimm.s32 $0x0;
	[tilespmem:$0x8680] =	vst v3  }
0x26d: {  	[tilespmem:$0x8700] =	vst v6  }
0x26e: {  	[tilespmem:$0x8690] =	vst v3  }
0x26f: {  	[tilespmem:$0x8710] =	vst v6  }
0x270: {  	[tilespmem:$0x86A0] =	vst v3  }
0x271: {  	[tilespmem:$0x8720] =	vst v6  }
0x272: {  	[tilespmem:$0x86B0] =	vst v3  }
0x273: {  	[tilespmem:$0x8730] =	vst v6  }
0x274: {  	[tilespmem:$0x86C0] =	vst v3  }
0x275: {  	[tilespmem:$0x8740] =	vst v6  }
0x276: {  	[tilespmem:$0x86D0] =	vst v3  }
0x277: {  	[tilespmem:$0x8750] =	vst v6  }
0x278: {  	s14 =	sand.u32 $0x3C00, s4;
	[tilespmem:$0x86E0] =	vst v3  }
0x279: {  	s15 =	simm.s32 $0x0;
	s5 =	sadd.s32 $0x4680, s14;
	s7 =	sand.u32 $0x40, s4;
	[tilespmem:$0x8760] =	vst v6  }
0x27a: {  	s16 =	sor.u32 s7, s5;
	s8 =	sand.u32 $0x380, s15;
	[tilespmem:$0x86F0] =	vst v3  }
0x27b: {  	s6 =	sadd.s32 s8, s16;
	v5 =	vld [tilespmem:$0x5B0];
	[tilespmem:$0x8770] =	vst v6  }
0x27c: {  	v7 =	vld [tilespmem:s6+$0x0];
	_ =	sdelay $0x4  }
0x27d: {  	vm1 =	vge.f32 v7, v5  }
0x27e: {  	v8 =	vsel vm1, $0x1, v4  }
0x27f: {  	(xrf0) =	vadd.scan.msk.s32 $0xffff, v8;
	_ =	sdelay $0x5  }
0x280: {  	v8, _, _ =	vpop (xrf0)  }
0x281: {  	s17 =	simm.s32 $0x100;
	s9 =	sand.u32 $0x1C0, s4;
	v8 =	vadd.s32 v8, v6  }
0x282: {  	s7 =	sshrl.u32 s9, $0x2;
	s11 =	simm.s32 $0x20;
	s6 =	sand.u32 $0xFFFFFC00, s17;
	v8 =	vadd.s32 $0xFFFFFFFF, v8  }
0x283: {  	s10 =	sand.u32 $0x60, s11;
	v9 =	vld [tilespmem:s7+$0x200];
	s12 =	sadd.s32 $0x4680, s6;
	vm2 =	vlt.s32 v8, $0x7F  }
0x284: {  	s6 =	sor.u32 s10, s12;
	v8 =	vnsel vm2, $0x7F, v8  }
0x285: {  	s6 =	sadd.s32 s8, s6  }
0x286: {  	s4 =	sand.u32 $0x7C0, s4;
	v10 =	vld [tilespmem:s6+$0x0]  }
0x287: {  	s10 =	sor.u32 $0x10, s4  }
0x288: {  	s13 =	sand.u32 $0x50, s10;
	v9 =	vadd.s32 v0, v9  }
0x289: {  	s14 =	sor.u32 s13, s5;
	[tilespmem:v8+s22+$0x0] =	vst.idx.msk vm1, v7;
	v7 =	vadd.s32 s4, v9  }
0x28a: {  	s4 =	sadd.s32 s8, s14;
	[tilespmem:v8+s24+$0x0] =	vst.idx.msk vm1, v7  }
0x28b: {  	vm4 =	vge.f32 v10, v5;
	v7 =	vld [tilespmem:s4+$0x0]  }
0x28c: {  	v8 =	vsel vm4, $0x1, v4  }
0x28d: {  	(xrf0) =	vadd.scan.msk.s32 $0xffff, v8;
	_ =	sdelay $0x2  }
0x28e: {  	v8 =	vmpcnt.ones.xlane vm1;
	vm3 =	vge.f32 v7, v5  }
0x28f: {  	v11 =	vmpcnt.ones.xlane vm3  }
0x290: {  	v12 =	vadd.s32 v6, v8  }
0x291: {  	v6, _, _ =	vpop (xrf0);
	v11 =	vadd.s32 v12, v11  }
0x292: {  	v6 =	vadd.s32 v6, v11  }
0x293: {  	v6 =	vadd.s32 $0xFFFFFFFF, v6  }
0x294: {  	vm1 =	vlt.s32 v6, $0x7F  }
0x295: {  	s5 =	simm.s32 $0x200;
	v6 =	vnsel vm1, $0x7F, v6  }
0x296: {  	s6 =	simm.s32 $0x40;
	s15 =	sand.u32 $0x3C00, s5  }
0x297: {  	s7 =	simm.s32 $0x4;
	s16 =	sand.u32 $0x40, s6;
	s9 =	sadd.s32 $0x4680, s15  }
0x298: {  	s13 =	sor.u32 s16, s9;
	s14 =	simm.s32 $0x30;
	s4 =	sand.u32 $0x380, s7  }
0x299: {  	s17 =	sand.u32 $0x70, s14;
	s13 =	sadd.s32 s4, s13  }
0x29a: {  	s12 =	sor.u32 s17, s12;
	v8 =	vld [tilespmem:s13+$0x0];
	v13 =	vsel vm3, $0x1, v4;
	[tilespmem:v6+s22+$0x0] =	vst.idx.msk vm4, v10;
	v10 =	vadd.s32 s11, v9  }
0x29b: {  	s8 =	sadd.s32 s8, s12;
	(xrf0) =	vadd.scan.msk.s32 $0xffff, v13;
	[tilespmem:v6+s24+$0x0] =	vst.idx.msk vm4, v10  }
0x29c: {  	v6 =	vld [tilespmem:s8+$0x0];
	_ =	sdelay $0x2  }
0x29d: {  	vm2 =	vge.f32 v8, v5  }
0x29e: {  	v10 =	vsel vm2, $0x1, v4  }
0x29f: {  	v13, _, _ =	vpop (xrf0);
	(xrf0) =	vadd.scan.msk.s32 $0xffff, v10;
	vm1 =	vge.f32 v6, v5  }
0x2a0: {  	v12 =	vadd.s32 v13, v12;
	v10 =	vsel vm1, $0x1, v4  }
0x2a1: {  	(xrf0) =	vadd.scan.msk.s32 $0xffff, v10;
	v10 =	vadd.s32 $0xFFFFFFFF, v12;
	v12 =	vmpcnt.ones.xlane vm4  }
0x2a2: {  	vm4 =	vlt.s32 v10, $0x7F  }
0x2a3: {  	v13 =	vnsel vm4, $0x7F, v10;
	v10 =	vmpcnt.ones.xlane vm1  }
0x2a4: {  	v11 =	vadd.s32 v11, v12  }
0x2a5: {  	s8 =	simm.s32 $0x2;
	v12, _, _ =	vpop (xrf0);
	v10 =	vadd.s32 v11, v10  }
0x2a6: {  	s15 =	simm.s32 $0x300;
	s13 =	sand.u32 $0x1C0, s8;
	v12 =	vadd.s32 v12, v10  }
0x2a7: {  	s16 =	sand.u32 $0xFFFFFC00, s15;
	s12 =	simm.s32 $0x60;
	s11 =	sshrl.u32 s13, $0x2;
	v15, _, _ =	vpop (xrf0);
	v16 =	vadd.s32 $0xFFFFFFFF, v12  }
0x2a8: {  	s17 =	sand.u32 $0x60, s12;
	s13 =	sadd.s32 $0x4680, s16;
	v14 =	vld [tilespmem:s11+$0x200];
	v11 =	vadd.s32 v15, v11;
	v15 =	vadd.s32 s10, v9;
	[tilespmem:v13+s22+$0x0] =	vst.idx.msk vm3, v7;
	vm4 =	vlt.s32 v16, $0x7F  }
0x2a9: {  	s11 =	sor.u32 s17, s13;
	[tilespmem:v13+s24+$0x0] =	vst.idx.msk vm3, v15;
	v13 =	vnsel vm4, $0x7F, v16  }
0x2aa: {  	s17 =	sadd.s32 s4, s11  }
0x2ab: {  	s16 =	sand.u32 $0x7C0, s6;
	v12 =	vadd.s32 $0xFFFFFFFF, v11;
	v11 =	vld [tilespmem:s17+$0x0]  }
0x2ac: {  	s15 =	sor.u32 $0x10, s16;
	s11 =	simm.s32 $0x300  }
0x2ad: {  	v7 =	vadd.s32 s14, v9;
	s10 =	simm.s32 $0x4;
	s14 =	simm.s32 $0x40;
	v9 =	vadd.s32 v0, v14;
	s17 =	sand.u32 $0x50, s15;
	vm3 =	vlt.s32 v12, $0x7F  }
.LBB2_8:
0x2ae: {  	[tilespmem:v13+s22+$0x0] =	vst.idx.msk vm2, v8;
	v8 =	vadd.s32 s16, v9;
	s9 =	sor.u32 s17, s9;
	v14 =	vadd.s32 s15, v9;
	v12 =	vnsel vm3, $0x7F, v12  }
0x2af: {  	[tilespmem:v13+s24+$0x0] =	vst.idx.msk vm2, v8;
	s9 =	sadd.s32 s4, s9  }
0x2b0: {  	v13 =	vld [tilespmem:s9+$0x0];
	vm3 =	vge.f32 v11, v5  }
0x2b1: {  	v8 =	vsel vm3, $0x1, v4  }
0x2b2: {  	(xrf0) =	vadd.scan.msk.s32 $0xffff, v8  }
0x2b3: {  	[tilespmem:v12+s22+$0x0] =	vst.idx.msk vm1, v6  }
0x2b4: {  	[tilespmem:v12+s24+$0x0] =	vst.idx.msk vm1, v7  }
0x2b5: {  	v6 =	vmpcnt.ones.xlane vm2;
	vm1 =	vge.f32 v13, v5  }
0x2b6: {  	v12 =	vsel vm1, $0x1, v4;
	v8 =	vmpcnt.ones.xlane vm1  }
0x2b7: {  	v6 =	vadd.s32 v10, v6;
	(xrf0) =	vadd.scan.msk.s32 $0xffff, v12  }
0x2b8: {  	v10 =	vadd.s32 v6, v8;
	v7, _, _ =	vpop (xrf0)  }
0x2b9: {  	s5 =	sadd.s32 $0x200, s5;
	v7 =	vadd.s32 v7, v10  }
0x2ba: {  	s6 =	sadd.s32 $0x40, s6;
	s9 =	sand.u32 $0x3C00, s5;
	v7 =	vadd.s32 $0xFFFFFFFF, v7  }
0x2bb: {  	s7 =	sadd.s32 $0x4, s7;
	s15 =	sand.u32 $0x40, s6;
	s9 =	sadd.s32 $0x4680, s9;
	vm2 =	vlt.s32 v7, $0x7F  }
0x2bc: {  	s16 =	sand.u32 $0x380, s7;
	p0 =	slt.u32 s7, $0x3FC;
	s15 =	sor.u32 s15, s9;
	v12 =	vnsel vm2, $0x7F, v7  }
0x2bd: {  	s15 =	sadd.s32 s16, s15;
	v7, _, _ =	vpop (xrf0)  }
0x2be: {  	v8 =	vld [tilespmem:s15+$0x0];
	v6 =	vadd.s32 v7, v6  }
0x2bf: {  	s14 =	sadd.s32 $0x30, s14;
	v6 =	vadd.s32 $0xFFFFFFFF, v6  }
0x2c0: {  	s15 =	sand.u32 $0x70, s14;
	v7 =	vadd.s32 s14, v9;
	vm2 =	vlt.s32 v6, $0x7F  }
0x2c1: {  	v15 =	vnsel vm2, $0x7F, v6;
	[tilespmem:v12+s22+$0x0] =	vst.idx.msk vm3, v11;
	v6 =	vadd.s32 s12, v9;
	s12 =	sor.u32 s15, s13  }
0x2c2: {  	[tilespmem:v12+s24+$0x0] =	vst.idx.msk vm3, v6;
	s12 =	sadd.s32 s4, s12;
	s4 =	smov.u32 s16  }
0x2c3: {  	vm2 =	vge.f32 v8, v5;
	v6 =	vld [tilespmem:s12+$0x0]  }
0x2c4: {  	v9 =	vsel vm2, $0x1, v4  }
0x2c5: {  	(xrf0) =	vadd.scan.msk.s32 $0xffff, v9  }
0x2c6: {  	[tilespmem:v15+s22+$0x0] =	vst.idx.msk vm1, v13  }
0x2c7: {  	[tilespmem:v15+s24+$0x0] =	vst.idx.msk vm1, v14  }
0x2c8: {  	v9 =	vmpcnt.ones.xlane vm3;
	vm1 =	vge.f32 v6, v5  }
0x2c9: {  	s10 =	sadd.s32 $0x4, s10;
	v13 =	vsel vm1, $0x1, v4;
	v12 =	vmpcnt.ones.xlane vm1  }
0x2ca: {  	s11 =	sadd.s32 $0x200, s11;
	s12 =	sshrl.u32 s10, $0x7;
	v9 =	vadd.s32 v10, v9;
	(xrf0) =	vadd.scan.msk.s32 $0xffff, v13  }
0x2cb: {  	s8 =	sadd.s32 $0x2, s8;
	s13 =	sshll.u32 s12, $0xE;
	s12 =	sshll.u32 s12, $0xB;
	v11, _, _ =	vpop (xrf0);
	v10 =	vadd.s32 v9, v12  }
0x2cc: {  	s13 =	ssub.s32 s11, s13;
	s14 =	ssub.s32 s6, s12;
	s12 =	sand.u32 $0x1C0, s8;
	v11 =	vadd.s32 v11, v10  }
0x2cd: {  	s15 =	sshrl.u32 s12, $0x2;
	s12 =	sadd.s32 $0x20, s14;
	s13 =	sand.u32 $0xFFFFFC00, s13;
	v11 =	vadd.s32 $0xFFFFFFFF, v11  }
0x2ce: {  	s13 =	sadd.s32 $0x4680, s13;
	v14 =	vld [tilespmem:s15+$0x200];
	vm3 =	vlt.s32 v11, $0x7F;
	s15 =	sand.u32 $0x60, s12  }
.Ltmp3:
0x2cf: {  	v13 =	vnsel vm3, $0x7F, v11;
	s15 =	sor.u32 s15, s13;
	(pc) =	sbr.rel @p0 .LBB2_8-.Ltmp3, $4  }
0x2d0: {  	s15 =	sadd.s32 s4, s15;
	v12, _, _ =	vpop (xrf0)  }
0x2d1: {  	s16 =	sand.u32 $0x7C0, s6;
	v11 =	vld [tilespmem:s15+$0x0];
	v9 =	vadd.s32 v12, v9  }
0x2d2: {  	s15 =	sor.u32 $0x10, s16;
	v12 =	vadd.s32 $0xFFFFFFFF, v9  }
0x2d3: {  	s17 =	sand.u32 $0x50, s15;
	v9 =	vadd.s32 v0, v14;
	vm3 =	vlt.s32 v12, $0x7F  }
0x2d4: {  	_ =	sdelay $0x4  }
0x2d5: {  	[tilespmem:v13+s22+$0x0] =	vst.idx.msk vm2, v8;
	v8 =	vadd.s32 s16, v9;
	s5 =	sor.u32 s17, s9  }
0x2d6: {  	[tilespmem:v13+s24+$0x0] =	vst.idx.msk vm2, v8;
	s5 =	sadd.s32 s4, s5  }
0x2d7: {  	v8 =	vld [tilespmem:s5+$0x0];
	_ =	sdelay $0x1  }
0x2d8: {  	vm4 =	vge.f32 v11, v5  }
0x2d9: {  	v13 =	vsel vm4, $0x1, v4  }
0x2da: {  	(xrf0) =	vadd.scan.msk.s32 $0xffff, v13  }
0x2db: {  	v13 =	vmpcnt.ones.xlane vm2;
	vm2 =	vge.f32 v8, v5  }
0x2dc: {  	v14 =	vmpcnt.ones.xlane vm2;
	_ =	sdelay $0x2  }
0x2dd: {  	v10 =	vadd.s32 v10, v13  }
0x2de: {  	v13 =	vadd.s32 v10, v14;
	v14, _, _ =	vpop (xrf0)  }
0x2df: {  	v14 =	vadd.s32 v14, v13  }
0x2e0: {  	v14 =	vadd.s32 $0xFFFFFFFF, v14  }
0x2e1: {  	vm5 =	vlt.s32 v14, $0x7F  }
0x2e2: {  	v14 =	vnsel vm5, $0x7F, v14;
	_ =	sdelay $0x2  }
0x2e3: {  	s16 =	sadd.s32 $0x30, s14  }
0x2e4: {  	s6 =	sand.u32 $0x70, s16  }
0x2e5: {  	s6 =	sor.u32 s6, s13;
	[tilespmem:v14+s22+$0x0] =	vst.idx.msk vm4, v11;
	v11 =	vadd.s32 s12, v9  }
0x2e6: {  	s17 =	sadd.s32 s4, s6;
	[tilespmem:v14+s24+$0x0] =	vst.idx.msk vm4, v11  }
0x2e7: {  	v11 =	vld [tilespmem:s17+$0x0];
	_ =	sdelay $0x3  }
0x2e8: {  	v14 =	vsel vm2, $0x1, v4  }
0x2e9: {  	(xrf0) =	vadd.scan.msk.s32 $0xffff, v14;
	vm5 =	vge.f32 v11, v5  }
0x2ea: {  	v5 =	vsel vm5, $0x1, v4  }
0x2eb: {  	(xrf0) =	vadd.scan.msk.s32 $0xffff, v5;
	_ =	sdelay $0x3  }
0x2ec: {  	v14, _, _ =	vpop (xrf0);
	v5 =	vmpcnt.ones.xlane vm4  }
0x2ed: {  	v10 =	vadd.s32 v14, v10  }
0x2ee: {  	v12 =	vnsel vm3, $0x7F, v12;
	v10 =	vadd.s32 $0xFFFFFFFF, v10;
	v5 =	vadd.s32 v13, v5;
	v13, _, _ =	vpop (xrf0)  }
0x2ef: {  	vm3 =	vlt.s32 v10, $0x7F;
	v5 =	vadd.s32 v13, v5  }
0x2f0: {  	v10 =	vnsel vm3, $0x7F, v10;
	v5 =	vadd.s32 $0xFFFFFFFF, v5  }
0x2f1: {  	vm3 =	vlt.s32 v5, $0x7F  }
0x2f2: {  	v5 =	vnsel vm3, $0x7F, v5  }
0x2f3: {  	[tilespmem:v12+s22+$0x0] =	vst.idx.msk vm1, v6  }
0x2f4: {  	[tilespmem:v12+s24+$0x0] =	vst.idx.msk vm1, v7  }
0x2f5: {  	v6 =	vadd.s32 s15, v9;
	[tilespmem:v10+s22+$0x0] =	vst.idx.msk vm2, v8  }
0x2f6: {  	[tilespmem:v10+s24+$0x0] =	vst.idx.msk vm2, v6  }
0x2f7: {  	v6 =	vadd.s32 s16, v9;
	[tilespmem:v5+s22+$0x0] =	vst.idx.msk vm5, v11  }
0x2f8: {  	[tilespmem:v5+s24+$0x0] =	vst.idx.msk vm5, v6  }
0x2f9: {  	s4 =	simm.s32 $0x0;
	s6 =	rddreg [dreg:$0xb]  }
0x2fa: {  	[hbm4b:s6+s4] =	stream.linear.scatter [tilespmem:s22], [sflag:$0x3], $0x80, $0x38;
	[tilespmem:$0x8780] =	vst v63  }
0x2fb: {  	_ =	swait.ge [sflag:s3], $0x80  }
0x2fc: {  	[sflag:s3] =	ssyncset.done $0x0  }
0x2fd: {  	s7 =	rddreg [dreg:$0xc];
	[sflag:s3] =	ssyncadd.s32 $0xFFFFFF80  }
0x2fe: {  	[hbm4b:s7+s4] =	stream.linear.scatter [tilespmem:s24], [sflag:$0x3], $0x80, $0x38;
	[tilespmem:$0x8780] =	vst v63  }
0x2ff: {  	_ =	swait.ge [sflag:s3], $0x80  }
0x300: {  	[sflag:s3] =	ssyncset.done $0x0  }
0x301: {  	[sflag:s3] =	ssyncadd.s32 $0xFFFFFF80  }
0x302: {  	v5 =	vld.msk [tilespmem:$0x28], $0xff;
	_ =	sdelay $0x4  }
0x303: {  	v6 =	vshll.u32 v5, $0x4  }
0x304: {  	v5 =	vand.u32 $0x7, v5;
	v6 =	vand.u32 $0xFFFFFF80, v6  }
0x305: {  	v5 =	vor.u32 v5, v6  }
0x306: {  	v5 =	vperm.xlane v5, v1;
	_ =	sdelay $0x1  }
0x307: {  	v5 =	vadd.s32 v2, v5;
	_ =	sdelay $0x3  }
0x308: {  	s8 =	simm.s32 $0x4680  }
0x309: {  	[tilespmem:s8], [sflag:$0x2] =	stream.indirect_vreg.gather [hbm4b:s26+s4], $0x80, v5, vm0, $0xb8;
	[tilespmem:$0x8780] =	vst v63  }
0x30a: {  	s9 =	simm.s32 $0x4E80  }
0x30b: {  	[tilespmem:s9], [sflag:$0x2] =	stream.indirect_vreg.gather [hbm4b:s28+s4], $0x80, v5, vm0, $0xb8;
	[tilespmem:$0x8780] =	vst v63  }
0x30c: {  	s10 =	simm.s32 $0x5680  }
0x30d: {  	[tilespmem:s10], [sflag:$0x2] =	stream.indirect_vreg.gather [hbm4b:s29+s4], $0x80, v5, vm0, $0xb8;
	[tilespmem:$0x8780] =	vst v63  }
0x30e: {  	s11 =	simm.s32 $0x5E80  }
0x30f: {  	[tilespmem:s11], [sflag:$0x2] =	stream.indirect_vreg.gather [hbm4b:s30+s4], $0x80, v5, vm0, $0xb8;
	[tilespmem:$0x8780] =	vst v63  }
0x310: {  	s12 =	simm.s32 $0x6680  }
0x311: {  	[tilespmem:s12], [sflag:$0x2] =	stream.indirect_vreg.gather [hbm4b:s31+s4], $0x80, v5, vm0, $0xb8;
	[tilespmem:$0x8780] =	vst v63  }
0x312: {  	s13 =	simm.s32 $0x6E80  }
0x313: {  	[tilespmem:s13], [sflag:$0x2] =	stream.indirect_vreg.gather [hbm4b:s19+s4], $0x80, v5, vm0, $0xb8;
	[tilespmem:$0x8780] =	vst v63  }
0x314: {  	_ = 	snop  }
0x315: {  	[tilespmem:s18], [sflag:$0x2] =	stream.indirect_vreg.gather [hbm4b:s0+s4], $0x80, v5, vm0, $0xb8;
	[tilespmem:$0x8780] =	vst v63  }
0x316: {  	_ = 	snop  }
0x317: {  	[tilespmem:s20], [sflag:$0x2] =	stream.indirect_vreg.gather [hbm4b:s23+s4], $0x80, v5, vm0, $0xb8;
	[tilespmem:$0x8780] =	vst v63  }
0x318: {  	_ =	swait.ge [sflag:s21], $0x4000  }
0x319: {  	[sflag:s21] =	ssyncset.done $0x0  }
0x31a: {  	[sflag:s21] =	ssyncadd.s32 $0xFFFFC000  }
0x31b: {  	v6 =	vimm.s32 $0x0;
	[tilespmem:$0x8680] =	vst v3  }
0x31c: {  	[tilespmem:$0x8700] =	vst v6  }
0x31d: {  	[tilespmem:$0x8690] =	vst v3  }
0x31e: {  	[tilespmem:$0x8710] =	vst v6  }
0x31f: {  	[tilespmem:$0x86A0] =	vst v3  }
0x320: {  	[tilespmem:$0x8720] =	vst v6  }
0x321: {  	[tilespmem:$0x86B0] =	vst v3  }
0x322: {  	[tilespmem:$0x8730] =	vst v6  }
0x323: {  	[tilespmem:$0x86C0] =	vst v3  }
0x324: {  	[tilespmem:$0x8740] =	vst v6  }
0x325: {  	[tilespmem:$0x86D0] =	vst v3  }
0x326: {  	[tilespmem:$0x8750] =	vst v6  }
0x327: {  	s14 =	sand.u32 $0x3C00, s4;
	[tilespmem:$0x86E0] =	vst v3  }
0x328: {  	s15 =	simm.s32 $0x0;
	s5 =	sadd.s32 $0x680, s14;
	s7 =	sand.u32 $0x40, s4;
	[tilespmem:$0x8760] =	vst v6  }
0x329: {  	s16 =	sor.u32 s7, s5;
	s8 =	sand.u32 $0x380, s15;
	[tilespmem:$0x86F0] =	vst v3  }
0x32a: {  	s6 =	sadd.s32 s8, s16;
	v5 =	vld [tilespmem:$0x5C0];
	[tilespmem:$0x8770] =	vst v6  }
0x32b: {  	v7 =	vld [tilespmem:s6+$0x0];
	_ =	sdelay $0x4  }
0x32c: {  	vm1 =	vge.f32 v7, v5  }
0x32d: {  	v8 =	vsel vm1, $0x1, v4  }
0x32e: {  	(xrf0) =	vadd.scan.msk.s32 $0xffff, v8;
	_ =	sdelay $0x5  }
0x32f: {  	v8, _, _ =	vpop (xrf0)  }
0x330: {  	s17 =	simm.s32 $0x100;
	s9 =	sand.u32 $0x1C0, s4;
	v8 =	vadd.s32 v8, v6  }
0x331: {  	s7 =	sshrl.u32 s9, $0x2;
	s11 =	simm.s32 $0x20;
	s6 =	sand.u32 $0xFFFFFC00, s17;
	v8 =	vadd.s32 $0xFFFFFFFF, v8  }
0x332: {  	s10 =	sand.u32 $0x60, s11;
	v9 =	vld [tilespmem:s7+$0x280];
	s12 =	sadd.s32 $0x680, s6;
	vm2 =	vlt.s32 v8, $0x7F  }
0x333: {  	s6 =	sor.u32 s10, s12;
	v8 =	vnsel vm2, $0x7F, v8  }
0x334: {  	s6 =	sadd.s32 s8, s6  }
0x335: {  	s4 =	sand.u32 $0x7C0, s4;
	v10 =	vld [tilespmem:s6+$0x0]  }
0x336: {  	s10 =	sor.u32 $0x10, s4  }
0x337: {  	s13 =	sand.u32 $0x50, s10;
	v9 =	vadd.s32 v0, v9  }
0x338: {  	s14 =	sor.u32 s13, s5;
	[tilespmem:v8+s22+$0x0] =	vst.idx.msk vm1, v7;
	v7 =	vadd.s32 s4, v9  }
0x339: {  	s4 =	sadd.s32 s8, s14;
	[tilespmem:v8+s24+$0x0] =	vst.idx.msk vm1, v7  }
0x33a: {  	vm4 =	vge.f32 v10, v5;
	v7 =	vld [tilespmem:s4+$0x0]  }
0x33b: {  	v8 =	vsel vm4, $0x1, v4  }
0x33c: {  	(xrf0) =	vadd.scan.msk.s32 $0xffff, v8;
	_ =	sdelay $0x2  }
0x33d: {  	v8 =	vmpcnt.ones.xlane vm1;
	vm3 =	vge.f32 v7, v5  }
0x33e: {  	v11 =	vmpcnt.ones.xlane vm3  }
0x33f: {  	v12 =	vadd.s32 v6, v8  }
0x340: {  	v6, _, _ =	vpop (xrf0);
	v11 =	vadd.s32 v12, v11  }
0x341: {  	v6 =	vadd.s32 v6, v11  }
0x342: {  	v6 =	vadd.s32 $0xFFFFFFFF, v6  }
0x343: {  	vm1 =	vlt.s32 v6, $0x7F  }
0x344: {  	s5 =	simm.s32 $0x200;
	v6 =	vnsel vm1, $0x7F, v6  }
0x345: {  	s6 =	simm.s32 $0x40;
	s15 =	sand.u32 $0x3C00, s5  }
0x346: {  	s7 =	simm.s32 $0x4;
	s16 =	sand.u32 $0x40, s6;
	s9 =	sadd.s32 $0x680, s15  }
0x347: {  	s13 =	sor.u32 s16, s9;
	s14 =	simm.s32 $0x30;
	s4 =	sand.u32 $0x380, s7  }
0x348: {  	s17 =	sand.u32 $0x70, s14;
	s13 =	sadd.s32 s4, s13  }
0x349: {  	s12 =	sor.u32 s17, s12;
	v8 =	vld [tilespmem:s13+$0x0];
	v13 =	vsel vm3, $0x1, v4;
	[tilespmem:v6+s22+$0x0] =	vst.idx.msk vm4, v10;
	v10 =	vadd.s32 s11, v9  }
0x34a: {  	s8 =	sadd.s32 s8, s12;
	(xrf0) =	vadd.scan.msk.s32 $0xffff, v13;
	[tilespmem:v6+s24+$0x0] =	vst.idx.msk vm4, v10  }
0x34b: {  	v6 =	vld [tilespmem:s8+$0x0];
	_ =	sdelay $0x2  }
0x34c: {  	vm2 =	vge.f32 v8, v5  }
0x34d: {  	v10 =	vsel vm2, $0x1, v4  }
0x34e: {  	v13, _, _ =	vpop (xrf0);
	(xrf0) =	vadd.scan.msk.s32 $0xffff, v10;
	vm1 =	vge.f32 v6, v5  }
0x34f: {  	v12 =	vadd.s32 v13, v12;
	v10 =	vsel vm1, $0x1, v4  }
0x350: {  	(xrf0) =	vadd.scan.msk.s32 $0xffff, v10;
	v10 =	vadd.s32 $0xFFFFFFFF, v12;
	v12 =	vmpcnt.ones.xlane vm4  }
0x351: {  	vm4 =	vlt.s32 v10, $0x7F  }
0x352: {  	v13 =	vnsel vm4, $0x7F, v10;
	v10 =	vmpcnt.ones.xlane vm1  }
0x353: {  	v11 =	vadd.s32 v11, v12  }
0x354: {  	s8 =	simm.s32 $0x2;
	v12, _, _ =	vpop (xrf0);
	v10 =	vadd.s32 v11, v10  }
0x355: {  	s15 =	simm.s32 $0x300;
	s13 =	sand.u32 $0x1C0, s8;
	v12 =	vadd.s32 v12, v10  }
0x356: {  	s16 =	sand.u32 $0xFFFFFC00, s15;
	s12 =	simm.s32 $0x60;
	s11 =	sshrl.u32 s13, $0x2;
	v15, _, _ =	vpop (xrf0);
	v16 =	vadd.s32 $0xFFFFFFFF, v12  }
0x357: {  	s17 =	sand.u32 $0x60, s12;
	s13 =	sadd.s32 $0x680, s16;
	v14 =	vld [tilespmem:s11+$0x280];
	v11 =	vadd.s32 v15, v11;
	v15 =	vadd.s32 s10, v9;
	[tilespmem:v13+s22+$0x0] =	vst.idx.msk vm3, v7;
	vm4 =	vlt.s32 v16, $0x7F  }
0x358: {  	s11 =	sor.u32 s17, s13;
	[tilespmem:v13+s24+$0x0] =	vst.idx.msk vm3, v15;
	v13 =	vnsel vm4, $0x7F, v16  }
0x359: {  	s17 =	sadd.s32 s4, s11  }
0x35a: {  	s16 =	sand.u32 $0x7C0, s6;
	v12 =	vadd.s32 $0xFFFFFFFF, v11;
	v11 =	vld [tilespmem:s17+$0x0]  }
0x35b: {  	s15 =	sor.u32 $0x10, s16;
	s11 =	simm.s32 $0x300  }
0x35c: {  	v7 =	vadd.s32 s14, v9;
	s10 =	simm.s32 $0x4;
	s14 =	simm.s32 $0x40;
	v9 =	vadd.s32 v0, v14;
	s17 =	sand.u32 $0x50, s15;
	vm3 =	vlt.s32 v12, $0x7F  }
.LBB2_10:
0x35d: {  	[tilespmem:v13+s22+$0x0] =	vst.idx.msk vm2, v8;
	v8 =	vadd.s32 s16, v9;
	s9 =	sor.u32 s17, s9;
	v14 =	vadd.s32 s15, v9;
	v12 =	vnsel vm3, $0x7F, v12  }
0x35e: {  	[tilespmem:v13+s24+$0x0] =	vst.idx.msk vm2, v8;
	s9 =	sadd.s32 s4, s9  }
0x35f: {  	v13 =	vld [tilespmem:s9+$0x0];
	vm3 =	vge.f32 v11, v5  }
0x360: {  	v8 =	vsel vm3, $0x1, v4  }
0x361: {  	(xrf0) =	vadd.scan.msk.s32 $0xffff, v8  }
0x362: {  	[tilespmem:v12+s22+$0x0] =	vst.idx.msk vm1, v6  }
0x363: {  	[tilespmem:v12+s24+$0x0] =	vst.idx.msk vm1, v7  }
0x364: {  	v6 =	vmpcnt.ones.xlane vm2;
	vm1 =	vge.f32 v13, v5  }
0x365: {  	v12 =	vsel vm1, $0x1, v4;
	v8 =	vmpcnt.ones.xlane vm1  }
0x366: {  	v6 =	vadd.s32 v10, v6;
	(xrf0) =	vadd.scan.msk.s32 $0xffff, v12  }
0x367: {  	v10 =	vadd.s32 v6, v8;
	v7, _, _ =	vpop (xrf0)  }
0x368: {  	s5 =	sadd.s32 $0x200, s5;
	v7 =	vadd.s32 v7, v10  }
0x369: {  	s6 =	sadd.s32 $0x40, s6;
	s9 =	sand.u32 $0x3C00, s5;
	v7 =	vadd.s32 $0xFFFFFFFF, v7  }
0x36a: {  	s7 =	sadd.s32 $0x4, s7;
	s15 =	sand.u32 $0x40, s6;
	s9 =	sadd.s32 $0x680, s9;
	vm2 =	vlt.s32 v7, $0x7F  }
0x36b: {  	s16 =	sand.u32 $0x380, s7;
	p0 =	slt.u32 s7, $0x3FC;
	s15 =	sor.u32 s15, s9;
	v12 =	vnsel vm2, $0x7F, v7  }
0x36c: {  	s15 =	sadd.s32 s16, s15;
	v7, _, _ =	vpop (xrf0)  }
0x36d: {  	v8 =	vld [tilespmem:s15+$0x0];
	v6 =	vadd.s32 v7, v6  }
0x36e: {  	s14 =	sadd.s32 $0x30, s14;
	v6 =	vadd.s32 $0xFFFFFFFF, v6  }
0x36f: {  	s15 =	sand.u32 $0x70, s14;
	v7 =	vadd.s32 s14, v9;
	vm2 =	vlt.s32 v6, $0x7F  }
0x370: {  	v15 =	vnsel vm2, $0x7F, v6;
	[tilespmem:v12+s22+$0x0] =	vst.idx.msk vm3, v11;
	v6 =	vadd.s32 s12, v9;
	s12 =	sor.u32 s15, s13  }
0x371: {  	[tilespmem:v12+s24+$0x0] =	vst.idx.msk vm3, v6;
	s12 =	sadd.s32 s4, s12;
	s4 =	smov.u32 s16  }
0x372: {  	vm2 =	vge.f32 v8, v5;
	v6 =	vld [tilespmem:s12+$0x0]  }
0x373: {  	v9 =	vsel vm2, $0x1, v4  }
0x374: {  	(xrf0) =	vadd.scan.msk.s32 $0xffff, v9  }
0x375: {  	[tilespmem:v15+s22+$0x0] =	vst.idx.msk vm1, v13  }
0x376: {  	[tilespmem:v15+s24+$0x0] =	vst.idx.msk vm1, v14  }
0x377: {  	v9 =	vmpcnt.ones.xlane vm3;
	vm1 =	vge.f32 v6, v5  }
0x378: {  	s10 =	sadd.s32 $0x4, s10;
	v13 =	vsel vm1, $0x1, v4;
	v12 =	vmpcnt.ones.xlane vm1  }
0x379: {  	s11 =	sadd.s32 $0x200, s11;
	s12 =	sshrl.u32 s10, $0x7;
	v9 =	vadd.s32 v10, v9;
	(xrf0) =	vadd.scan.msk.s32 $0xffff, v13  }
0x37a: {  	s8 =	sadd.s32 $0x2, s8;
	s13 =	sshll.u32 s12, $0xE;
	s12 =	sshll.u32 s12, $0xB;
	v11, _, _ =	vpop (xrf0);
	v10 =	vadd.s32 v9, v12  }
0x37b: {  	s13 =	ssub.s32 s11, s13;
	s14 =	ssub.s32 s6, s12;
	s12 =	sand.u32 $0x1C0, s8;
	v11 =	vadd.s32 v11, v10  }
0x37c: {  	s15 =	sshrl.u32 s12, $0x2;
	s12 =	sadd.s32 $0x20, s14;
	s13 =	sand.u32 $0xFFFFFC00, s13;
	v11 =	vadd.s32 $0xFFFFFFFF, v11  }
0x37d: {  	s13 =	sadd.s32 $0x680, s13;
	v14 =	vld [tilespmem:s15+$0x280];
	vm3 =	vlt.s32 v11, $0x7F;
	s15 =	sand.u32 $0x60, s12  }
.Ltmp4:
0x37e: {  	v13 =	vnsel vm3, $0x7F, v11;
	s15 =	sor.u32 s15, s13;
	(pc) =	sbr.rel @p0 .LBB2_10-.Ltmp4, $4  }
0x37f: {  	s15 =	sadd.s32 s4, s15;
	v12, _, _ =	vpop (xrf0)  }
0x380: {  	s16 =	sand.u32 $0x7C0, s6;
	v11 =	vld [tilespmem:s15+$0x0];
	v9 =	vadd.s32 v12, v9  }
0x381: {  	s15 =	sor.u32 $0x10, s16;
	v12 =	vadd.s32 $0xFFFFFFFF, v9  }
0x382: {  	s17 =	sand.u32 $0x50, s15;
	v9 =	vadd.s32 v0, v14;
	vm3 =	vlt.s32 v12, $0x7F  }
0x383: {  	_ =	sdelay $0x4  }
0x384: {  	[tilespmem:v13+s22+$0x0] =	vst.idx.msk vm2, v8;
	v8 =	vadd.s32 s16, v9;
	s5 =	sor.u32 s17, s9  }
0x385: {  	[tilespmem:v13+s24+$0x0] =	vst.idx.msk vm2, v8;
	s5 =	sadd.s32 s4, s5  }
0x386: {  	v8 =	vld [tilespmem:s5+$0x0];
	_ =	sdelay $0x1  }
0x387: {  	vm4 =	vge.f32 v11, v5  }
0x388: {  	v13 =	vsel vm4, $0x1, v4  }
0x389: {  	(xrf0) =	vadd.scan.msk.s32 $0xffff, v13  }
0x38a: {  	v13 =	vmpcnt.ones.xlane vm2;
	vm2 =	vge.f32 v8, v5  }
0x38b: {  	v14 =	vmpcnt.ones.xlane vm2;
	_ =	sdelay $0x2  }
0x38c: {  	v10 =	vadd.s32 v10, v13  }
0x38d: {  	v13 =	vadd.s32 v10, v14;
	v14, _, _ =	vpop (xrf0)  }
0x38e: {  	v14 =	vadd.s32 v14, v13  }
0x38f: {  	v14 =	vadd.s32 $0xFFFFFFFF, v14  }
0x390: {  	vm5 =	vlt.s32 v14, $0x7F  }
0x391: {  	v14 =	vnsel vm5, $0x7F, v14;
	_ =	sdelay $0x2  }
0x392: {  	s11 =	sadd.s32 $0x30, s14  }
0x393: {  	s6 =	sand.u32 $0x70, s11  }
0x394: {  	s6 =	sor.u32 s6, s13;
	[tilespmem:v14+s22+$0x0] =	vst.idx.msk vm4, v11;
	v11 =	vadd.s32 s12, v9  }
0x395: {  	s14 =	sadd.s32 s4, s6;
	[tilespmem:v14+s24+$0x0] =	vst.idx.msk vm4, v11  }
0x396: {  	v11 =	vld [tilespmem:s14+$0x0];
	_ =	sdelay $0x3  }
0x397: {  	v14 =	vsel vm2, $0x1, v4  }
0x398: {  	(xrf0) =	vadd.scan.msk.s32 $0xffff, v14;
	vm5 =	vge.f32 v11, v5  }
0x399: {  	v5 =	vsel vm5, $0x1, v4  }
0x39a: {  	(xrf0) =	vadd.scan.msk.s32 $0xffff, v5;
	_ =	sdelay $0x3  }
0x39b: {  	v14, _, _ =	vpop (xrf0);
	v5 =	vmpcnt.ones.xlane vm4  }
0x39c: {  	v10 =	vadd.s32 v14, v10  }
0x39d: {  	v12 =	vnsel vm3, $0x7F, v12;
	v10 =	vadd.s32 $0xFFFFFFFF, v10;
	v5 =	vadd.s32 v13, v5;
	v13, _, _ =	vpop (xrf0)  }
0x39e: {  	vm3 =	vlt.s32 v10, $0x7F;
	v5 =	vadd.s32 v13, v5  }
0x39f: {  	v10 =	vnsel vm3, $0x7F, v10;
	v5 =	vadd.s32 $0xFFFFFFFF, v5  }
0x3a0: {  	vm3 =	vlt.s32 v5, $0x7F  }
0x3a1: {  	v5 =	vnsel vm3, $0x7F, v5  }
0x3a2: {  	[tilespmem:v12+s22+$0x0] =	vst.idx.msk vm1, v6  }
0x3a3: {  	[tilespmem:v12+s24+$0x0] =	vst.idx.msk vm1, v7  }
0x3a4: {  	v6 =	vadd.s32 s15, v9;
	[tilespmem:v10+s22+$0x0] =	vst.idx.msk vm2, v8  }
0x3a5: {  	[tilespmem:v10+s24+$0x0] =	vst.idx.msk vm2, v6  }
0x3a6: {  	v6 =	vadd.s32 s11, v9;
	[tilespmem:v5+s22+$0x0] =	vst.idx.msk vm5, v11  }
0x3a7: {  	[tilespmem:v5+s24+$0x0] =	vst.idx.msk vm5, v6  }
0x3a8: {  	s4 =	simm.s32 $0x0;
	s16 =	rddreg [dreg:$0xd]  }
0x3a9: {  	[hbm4b:s16+s4] =	stream.linear.scatter [tilespmem:s22], [sflag:$0x3], $0x80, $0x38;
	[tilespmem:$0x8780] =	vst v63  }
0x3aa: {  	_ =	swait.ge [sflag:s3], $0x80  }
0x3ab: {  	[sflag:s3] =	ssyncset.done $0x0  }
0x3ac: {  	s17 =	rddreg [dreg:$0xe];
	[sflag:s3] =	ssyncadd.s32 $0xFFFFFF80  }
0x3ad: {  	[hbm4b:s17+s4] =	stream.linear.scatter [tilespmem:s24], [sflag:$0x3], $0x80, $0x38;
	[tilespmem:$0x8780] =	vst v63  }
0x3ae: {  	_ =	swait.ge [sflag:s3], $0x80  }
0x3af: {  	[sflag:s3] =	ssyncset.done $0x0  }
0x3b0: {  	[sflag:s3] =	ssyncadd.s32 $0xFFFFFF80  }
0x3b1: {  	v5 =	vld.msk [tilespmem:$0x30], $0xff;
	_ =	sdelay $0x4  }
0x3b2: {  	v6 =	vshll.u32 v5, $0x4  }
0x3b3: {  	v5 =	vand.u32 $0x7, v5;
	v6 =	vand.u32 $0xFFFFFF80, v6  }
0x3b4: {  	v5 =	vor.u32 v5, v6  }
0x3b5: {  	v5 =	vperm.xlane v5, v1;
	_ =	sdelay $0x1  }
0x3b6: {  	v5 =	vadd.s32 v2, v5;
	_ =	sdelay $0x3  }
0x3b7: {  	s6 =	simm.s32 $0x680  }
0x3b8: {  	[tilespmem:s6], [sflag:$0x1] =	stream.indirect_vreg.gather [hbm4b:s26+s4], $0x80, v5, vm0, $0xb8;
	[tilespmem:$0x8780] =	vst v63  }
0x3b9: {  	s7 =	simm.s32 $0xE80  }
0x3ba: {  	[tilespmem:s7], [sflag:$0x1] =	stream.indirect_vreg.gather [hbm4b:s28+s4], $0x80, v5, vm0, $0xb8;
	[tilespmem:$0x8780] =	vst v63  }
0x3bb: {  	s8 =	simm.s32 $0x1680  }
0x3bc: {  	[tilespmem:s8], [sflag:$0x1] =	stream.indirect_vreg.gather [hbm4b:s29+s4], $0x80, v5, vm0, $0xb8;
	[tilespmem:$0x8780] =	vst v63  }
0x3bd: {  	s9 =	simm.s32 $0x1E80  }
0x3be: {  	[tilespmem:s9], [sflag:$0x1] =	stream.indirect_vreg.gather [hbm4b:s30+s4], $0x80, v5, vm0, $0xb8;
	[tilespmem:$0x8780] =	vst v63  }
0x3bf: {  	s10 =	simm.s32 $0x2680  }
0x3c0: {  	[tilespmem:s10], [sflag:$0x1] =	stream.indirect_vreg.gather [hbm4b:s31+s4], $0x80, v5, vm0, $0xb8;
	[tilespmem:$0x8780] =	vst v63  }
0x3c1: {  	s11 =	simm.s32 $0x2E80  }
0x3c2: {  	[tilespmem:s11], [sflag:$0x1] =	stream.indirect_vreg.gather [hbm4b:s19+s4], $0x80, v5, vm0, $0xb8;
	[tilespmem:$0x8780] =	vst v63  }
0x3c3: {  	s12 =	simm.s32 $0x3680  }
0x3c4: {  	[tilespmem:s12], [sflag:$0x1] =	stream.indirect_vreg.gather [hbm4b:s0+s4], $0x80, v5, vm0, $0xb8;
	[tilespmem:$0x8780] =	vst v63  }
0x3c5: {  	s13 =	simm.s32 $0x3E80  }
0x3c6: {  	[tilespmem:s13], [sflag:$0x1] =	stream.indirect_vreg.gather [hbm4b:s23+s4], $0x80, v5, vm0, $0xb8;
	[tilespmem:$0x8780] =	vst v63  }
0x3c7: {  	_ =	swait.ge [sflag:s25], $0x4000  }
0x3c8: {  	[sflag:s25] =	ssyncset.done $0x0  }
0x3c9: {  	[sflag:s25] =	ssyncadd.s32 $0xFFFFC000  }
0x3ca: {  	v6 =	vimm.s32 $0x0;
	[tilespmem:$0x8680] =	vst v3  }
0x3cb: {  	[tilespmem:$0x8700] =	vst v6  }
0x3cc: {  	[tilespmem:$0x8690] =	vst v3  }
0x3cd: {  	[tilespmem:$0x8710] =	vst v6  }
0x3ce: {  	[tilespmem:$0x86A0] =	vst v3  }
0x3cf: {  	[tilespmem:$0x8720] =	vst v6  }
0x3d0: {  	[tilespmem:$0x86B0] =	vst v3  }
0x3d1: {  	[tilespmem:$0x8730] =	vst v6  }
0x3d2: {  	[tilespmem:$0x86C0] =	vst v3  }
0x3d3: {  	[tilespmem:$0x8740] =	vst v6  }
0x3d4: {  	[tilespmem:$0x86D0] =	vst v3  }
0x3d5: {  	[tilespmem:$0x8750] =	vst v6  }
0x3d6: {  	s14 =	sand.u32 $0x3C00, s4;
	[tilespmem:$0x86E0] =	vst v3  }
0x3d7: {  	s15 =	simm.s32 $0x0;
	s5 =	sadd.s32 $0x4680, s14;
	s7 =	sand.u32 $0x40, s4;
	[tilespmem:$0x8760] =	vst v6  }
0x3d8: {  	s16 =	sor.u32 s7, s5;
	s8 =	sand.u32 $0x380, s15;
	[tilespmem:$0x86F0] =	vst v3  }
0x3d9: {  	s6 =	sadd.s32 s8, s16;
	v5 =	vld [tilespmem:$0x5D0];
	[tilespmem:$0x8770] =	vst v6  }
0x3da: {  	v7 =	vld [tilespmem:s6+$0x0];
	_ =	sdelay $0x4  }
0x3db: {  	vm1 =	vge.f32 v7, v5  }
0x3dc: {  	v8 =	vsel vm1, $0x1, v4  }
0x3dd: {  	(xrf0) =	vadd.scan.msk.s32 $0xffff, v8;
	_ =	sdelay $0x5  }
0x3de: {  	v8, _, _ =	vpop (xrf0)  }
0x3df: {  	s17 =	simm.s32 $0x100;
	s9 =	sand.u32 $0x1C0, s4;
	v8 =	vadd.s32 v8, v6  }
0x3e0: {  	s7 =	sshrl.u32 s9, $0x2;
	s11 =	simm.s32 $0x20;
	s6 =	sand.u32 $0xFFFFFC00, s17;
	v8 =	vadd.s32 $0xFFFFFFFF, v8  }
0x3e1: {  	s10 =	sand.u32 $0x60, s11;
	v9 =	vld [tilespmem:s7+$0x300];
	s12 =	sadd.s32 $0x4680, s6;
	vm2 =	vlt.s32 v8, $0x7F  }
0x3e2: {  	s6 =	sor.u32 s10, s12;
	v8 =	vnsel vm2, $0x7F, v8  }
0x3e3: {  	s6 =	sadd.s32 s8, s6  }
0x3e4: {  	s4 =	sand.u32 $0x7C0, s4;
	v10 =	vld [tilespmem:s6+$0x0]  }
0x3e5: {  	s10 =	sor.u32 $0x10, s4  }
0x3e6: {  	s13 =	sand.u32 $0x50, s10;
	v9 =	vadd.s32 v0, v9  }
0x3e7: {  	s14 =	sor.u32 s13, s5;
	[tilespmem:v8+s22+$0x0] =	vst.idx.msk vm1, v7;
	v7 =	vadd.s32 s4, v9  }
0x3e8: {  	s4 =	sadd.s32 s8, s14;
	[tilespmem:v8+s24+$0x0] =	vst.idx.msk vm1, v7  }
0x3e9: {  	vm4 =	vge.f32 v10, v5;
	v7 =	vld [tilespmem:s4+$0x0]  }
0x3ea: {  	v8 =	vsel vm4, $0x1, v4  }
0x3eb: {  	(xrf0) =	vadd.scan.msk.s32 $0xffff, v8;
	_ =	sdelay $0x2  }
0x3ec: {  	v8 =	vmpcnt.ones.xlane vm1;
	vm3 =	vge.f32 v7, v5  }
0x3ed: {  	v11 =	vmpcnt.ones.xlane vm3  }
0x3ee: {  	v12 =	vadd.s32 v6, v8  }
0x3ef: {  	v6, _, _ =	vpop (xrf0);
	v11 =	vadd.s32 v12, v11  }
0x3f0: {  	v6 =	vadd.s32 v6, v11  }
0x3f1: {  	v6 =	vadd.s32 $0xFFFFFFFF, v6  }
0x3f2: {  	vm1 =	vlt.s32 v6, $0x7F  }
0x3f3: {  	s5 =	simm.s32 $0x200;
	v6 =	vnsel vm1, $0x7F, v6  }
0x3f4: {  	s6 =	simm.s32 $0x40;
	s15 =	sand.u32 $0x3C00, s5  }
0x3f5: {  	s7 =	simm.s32 $0x4;
	s16 =	sand.u32 $0x40, s6;
	s9 =	sadd.s32 $0x4680, s15  }
0x3f6: {  	s13 =	sor.u32 s16, s9;
	s14 =	simm.s32 $0x30;
	s4 =	sand.u32 $0x380, s7  }
0x3f7: {  	s17 =	sand.u32 $0x70, s14;
	s13 =	sadd.s32 s4, s13  }
0x3f8: {  	s12 =	sor.u32 s17, s12;
	v8 =	vld [tilespmem:s13+$0x0];
	v13 =	vsel vm3, $0x1, v4;
	[tilespmem:v6+s22+$0x0] =	vst.idx.msk vm4, v10;
	v10 =	vadd.s32 s11, v9  }
0x3f9: {  	s8 =	sadd.s32 s8, s12;
	(xrf0) =	vadd.scan.msk.s32 $0xffff, v13;
	[tilespmem:v6+s24+$0x0] =	vst.idx.msk vm4, v10  }
0x3fa: {  	v6 =	vld [tilespmem:s8+$0x0];
	_ =	sdelay $0x2  }
0x3fb: {  	vm2 =	vge.f32 v8, v5  }
0x3fc: {  	v10 =	vsel vm2, $0x1, v4  }
0x3fd: {  	v13, _, _ =	vpop (xrf0);
	(xrf0) =	vadd.scan.msk.s32 $0xffff, v10;
	vm1 =	vge.f32 v6, v5  }
0x3fe: {  	v12 =	vadd.s32 v13, v12;
	v10 =	vsel vm1, $0x1, v4  }
0x3ff: {  	(xrf0) =	vadd.scan.msk.s32 $0xffff, v10;
	v10 =	vadd.s32 $0xFFFFFFFF, v12;
	v12 =	vmpcnt.ones.xlane vm4  }
0x400: {  	vm4 =	vlt.s32 v10, $0x7F  }
0x401: {  	v13 =	vnsel vm4, $0x7F, v10;
	v10 =	vmpcnt.ones.xlane vm1  }
0x402: {  	v11 =	vadd.s32 v11, v12  }
0x403: {  	s8 =	simm.s32 $0x2;
	v12, _, _ =	vpop (xrf0);
	v10 =	vadd.s32 v11, v10  }
0x404: {  	s15 =	simm.s32 $0x300;
	s13 =	sand.u32 $0x1C0, s8;
	v12 =	vadd.s32 v12, v10  }
0x405: {  	s16 =	sand.u32 $0xFFFFFC00, s15;
	s12 =	simm.s32 $0x60;
	s11 =	sshrl.u32 s13, $0x2;
	v15, _, _ =	vpop (xrf0);
	v16 =	vadd.s32 $0xFFFFFFFF, v12  }
0x406: {  	s17 =	sand.u32 $0x60, s12;
	s13 =	sadd.s32 $0x4680, s16;
	v14 =	vld [tilespmem:s11+$0x300];
	v11 =	vadd.s32 v15, v11;
	v15 =	vadd.s32 s10, v9;
	[tilespmem:v13+s22+$0x0] =	vst.idx.msk vm3, v7;
	vm4 =	vlt.s32 v16, $0x7F  }
0x407: {  	s11 =	sor.u32 s17, s13;
	[tilespmem:v13+s24+$0x0] =	vst.idx.msk vm3, v15;
	v13 =	vnsel vm4, $0x7F, v16  }
0x408: {  	s17 =	sadd.s32 s4, s11  }
0x409: {  	s16 =	sand.u32 $0x7C0, s6;
	v12 =	vadd.s32 $0xFFFFFFFF, v11;
	v11 =	vld [tilespmem:s17+$0x0]  }
0x40a: {  	s15 =	sor.u32 $0x10, s16;
	s11 =	simm.s32 $0x300  }
0x40b: {  	v7 =	vadd.s32 s14, v9;
	s10 =	simm.s32 $0x4;
	s14 =	simm.s32 $0x40;
	v9 =	vadd.s32 v0, v14;
	s17 =	sand.u32 $0x50, s15;
	vm3 =	vlt.s32 v12, $0x7F  }
.LBB2_12:
0x40c: {  	[tilespmem:v13+s22+$0x0] =	vst.idx.msk vm2, v8;
	v8 =	vadd.s32 s16, v9;
	s9 =	sor.u32 s17, s9;
	v14 =	vadd.s32 s15, v9;
	v12 =	vnsel vm3, $0x7F, v12  }
0x40d: {  	[tilespmem:v13+s24+$0x0] =	vst.idx.msk vm2, v8;
	s9 =	sadd.s32 s4, s9  }
0x40e: {  	v13 =	vld [tilespmem:s9+$0x0];
	vm3 =	vge.f32 v11, v5  }
0x40f: {  	v8 =	vsel vm3, $0x1, v4  }
0x410: {  	(xrf0) =	vadd.scan.msk.s32 $0xffff, v8  }
0x411: {  	[tilespmem:v12+s22+$0x0] =	vst.idx.msk vm1, v6  }
0x412: {  	[tilespmem:v12+s24+$0x0] =	vst.idx.msk vm1, v7  }
0x413: {  	v6 =	vmpcnt.ones.xlane vm2;
	vm1 =	vge.f32 v13, v5  }
0x414: {  	v12 =	vsel vm1, $0x1, v4;
	v8 =	vmpcnt.ones.xlane vm1  }
0x415: {  	v6 =	vadd.s32 v10, v6;
	(xrf0) =	vadd.scan.msk.s32 $0xffff, v12  }
0x416: {  	v10 =	vadd.s32 v6, v8;
	v7, _, _ =	vpop (xrf0)  }
0x417: {  	s5 =	sadd.s32 $0x200, s5;
	v7 =	vadd.s32 v7, v10  }
0x418: {  	s6 =	sadd.s32 $0x40, s6;
	s9 =	sand.u32 $0x3C00, s5;
	v7 =	vadd.s32 $0xFFFFFFFF, v7  }
0x419: {  	s7 =	sadd.s32 $0x4, s7;
	s15 =	sand.u32 $0x40, s6;
	s9 =	sadd.s32 $0x4680, s9;
	vm2 =	vlt.s32 v7, $0x7F  }
0x41a: {  	s16 =	sand.u32 $0x380, s7;
	p0 =	slt.u32 s7, $0x3FC;
	s15 =	sor.u32 s15, s9;
	v12 =	vnsel vm2, $0x7F, v7  }
0x41b: {  	s15 =	sadd.s32 s16, s15;
	v7, _, _ =	vpop (xrf0)  }
0x41c: {  	v8 =	vld [tilespmem:s15+$0x0];
	v6 =	vadd.s32 v7, v6  }
0x41d: {  	s14 =	sadd.s32 $0x30, s14;
	v6 =	vadd.s32 $0xFFFFFFFF, v6  }
0x41e: {  	s15 =	sand.u32 $0x70, s14;
	v7 =	vadd.s32 s14, v9;
	vm2 =	vlt.s32 v6, $0x7F  }
0x41f: {  	v15 =	vnsel vm2, $0x7F, v6;
	[tilespmem:v12+s22+$0x0] =	vst.idx.msk vm3, v11;
	v6 =	vadd.s32 s12, v9;
	s12 =	sor.u32 s15, s13  }
0x420: {  	[tilespmem:v12+s24+$0x0] =	vst.idx.msk vm3, v6;
	s12 =	sadd.s32 s4, s12;
	s4 =	smov.u32 s16  }
0x421: {  	vm2 =	vge.f32 v8, v5;
	v6 =	vld [tilespmem:s12+$0x0]  }
0x422: {  	v9 =	vsel vm2, $0x1, v4  }
0x423: {  	(xrf0) =	vadd.scan.msk.s32 $0xffff, v9  }
0x424: {  	[tilespmem:v15+s22+$0x0] =	vst.idx.msk vm1, v13  }
0x425: {  	[tilespmem:v15+s24+$0x0] =	vst.idx.msk vm1, v14  }
0x426: {  	v9 =	vmpcnt.ones.xlane vm3;
	vm1 =	vge.f32 v6, v5  }
0x427: {  	s10 =	sadd.s32 $0x4, s10;
	v13 =	vsel vm1, $0x1, v4;
	v12 =	vmpcnt.ones.xlane vm1  }
0x428: {  	s11 =	sadd.s32 $0x200, s11;
	s12 =	sshrl.u32 s10, $0x7;
	v9 =	vadd.s32 v10, v9;
	(xrf0) =	vadd.scan.msk.s32 $0xffff, v13  }
0x429: {  	s8 =	sadd.s32 $0x2, s8;
	s13 =	sshll.u32 s12, $0xE;
	s12 =	sshll.u32 s12, $0xB;
	v11, _, _ =	vpop (xrf0);
	v10 =	vadd.s32 v9, v12  }
0x42a: {  	s13 =	ssub.s32 s11, s13;
	s14 =	ssub.s32 s6, s12;
	s12 =	sand.u32 $0x1C0, s8;
	v11 =	vadd.s32 v11, v10  }
0x42b: {  	s15 =	sshrl.u32 s12, $0x2;
	s12 =	sadd.s32 $0x20, s14;
	s13 =	sand.u32 $0xFFFFFC00, s13;
	v11 =	vadd.s32 $0xFFFFFFFF, v11  }
0x42c: {  	s13 =	sadd.s32 $0x4680, s13;
	v14 =	vld [tilespmem:s15+$0x300];
	vm3 =	vlt.s32 v11, $0x7F;
	s15 =	sand.u32 $0x60, s12  }
.Ltmp5:
0x42d: {  	v13 =	vnsel vm3, $0x7F, v11;
	s15 =	sor.u32 s15, s13;
	(pc) =	sbr.rel @p0 .LBB2_12-.Ltmp5, $4  }
0x42e: {  	s15 =	sadd.s32 s4, s15;
	v12, _, _ =	vpop (xrf0)  }
0x42f: {  	s16 =	sand.u32 $0x7C0, s6;
	v11 =	vld [tilespmem:s15+$0x0];
	v9 =	vadd.s32 v12, v9  }
0x430: {  	s15 =	sor.u32 $0x10, s16;
	v12 =	vadd.s32 $0xFFFFFFFF, v9  }
0x431: {  	s17 =	sand.u32 $0x50, s15;
	v9 =	vadd.s32 v0, v14;
	vm3 =	vlt.s32 v12, $0x7F  }
0x432: {  	_ =	sdelay $0x4  }
0x433: {  	[tilespmem:v13+s22+$0x0] =	vst.idx.msk vm2, v8;
	v8 =	vadd.s32 s16, v9;
	s5 =	sor.u32 s17, s9  }
0x434: {  	[tilespmem:v13+s24+$0x0] =	vst.idx.msk vm2, v8;
	s5 =	sadd.s32 s4, s5  }
0x435: {  	v8 =	vld [tilespmem:s5+$0x0];
	_ =	sdelay $0x1  }
0x436: {  	vm4 =	vge.f32 v11, v5  }
0x437: {  	v13 =	vsel vm4, $0x1, v4  }
0x438: {  	(xrf0) =	vadd.scan.msk.s32 $0xffff, v13  }
0x439: {  	v13 =	vmpcnt.ones.xlane vm2;
	vm2 =	vge.f32 v8, v5  }
0x43a: {  	v14 =	vmpcnt.ones.xlane vm2;
	_ =	sdelay $0x2  }
0x43b: {  	v10 =	vadd.s32 v10, v13  }
0x43c: {  	v13 =	vadd.s32 v10, v14;
	v14, _, _ =	vpop (xrf0)  }
0x43d: {  	v14 =	vadd.s32 v14, v13  }
0x43e: {  	v14 =	vadd.s32 $0xFFFFFFFF, v14  }
0x43f: {  	vm5 =	vlt.s32 v14, $0x7F  }
0x440: {  	v14 =	vnsel vm5, $0x7F, v14;
	_ =	sdelay $0x2  }
0x441: {  	s16 =	sadd.s32 $0x30, s14  }
0x442: {  	s6 =	sand.u32 $0x70, s16  }
0x443: {  	s6 =	sor.u32 s6, s13;
	[tilespmem:v14+s22+$0x0] =	vst.idx.msk vm4, v11;
	v11 =	vadd.s32 s12, v9  }
0x444: {  	s17 =	sadd.s32 s4, s6;
	[tilespmem:v14+s24+$0x0] =	vst.idx.msk vm4, v11  }
0x445: {  	v11 =	vld [tilespmem:s17+$0x0];
	_ =	sdelay $0x3  }
0x446: {  	v14 =	vsel vm2, $0x1, v4  }
0x447: {  	(xrf0) =	vadd.scan.msk.s32 $0xffff, v14;
	vm5 =	vge.f32 v11, v5  }
0x448: {  	v5 =	vsel vm5, $0x1, v4  }
0x449: {  	(xrf0) =	vadd.scan.msk.s32 $0xffff, v5;
	_ =	sdelay $0x3  }
0x44a: {  	v14, _, _ =	vpop (xrf0);
	v5 =	vmpcnt.ones.xlane vm4  }
0x44b: {  	v10 =	vadd.s32 v14, v10  }
0x44c: {  	v12 =	vnsel vm3, $0x7F, v12;
	v10 =	vadd.s32 $0xFFFFFFFF, v10;
	v5 =	vadd.s32 v13, v5;
	v13, _, _ =	vpop (xrf0)  }
0x44d: {  	vm3 =	vlt.s32 v10, $0x7F;
	v5 =	vadd.s32 v13, v5  }
0x44e: {  	v10 =	vnsel vm3, $0x7F, v10;
	v5 =	vadd.s32 $0xFFFFFFFF, v5  }
0x44f: {  	vm3 =	vlt.s32 v5, $0x7F  }
0x450: {  	v5 =	vnsel vm3, $0x7F, v5  }
0x451: {  	[tilespmem:v12+s22+$0x0] =	vst.idx.msk vm1, v6  }
0x452: {  	[tilespmem:v12+s24+$0x0] =	vst.idx.msk vm1, v7  }
0x453: {  	v6 =	vadd.s32 s15, v9;
	[tilespmem:v10+s22+$0x0] =	vst.idx.msk vm2, v8  }
0x454: {  	[tilespmem:v10+s24+$0x0] =	vst.idx.msk vm2, v6  }
0x455: {  	v6 =	vadd.s32 s16, v9;
	[tilespmem:v5+s22+$0x0] =	vst.idx.msk vm5, v11  }
0x456: {  	[tilespmem:v5+s24+$0x0] =	vst.idx.msk vm5, v6  }
0x457: {  	s4 =	simm.s32 $0x0;
	s6 =	rddreg [dreg:$0xf]  }
0x458: {  	[hbm4b:s6+s4] =	stream.linear.scatter [tilespmem:s22], [sflag:$0x3], $0x80, $0x38;
	[tilespmem:$0x8780] =	vst v63  }
0x459: {  	_ =	swait.ge [sflag:s3], $0x80  }
0x45a: {  	[sflag:s3] =	ssyncset.done $0x0  }
0x45b: {  	s7 =	rddreg [dreg:$0x10];
	[sflag:s3] =	ssyncadd.s32 $0xFFFFFF80  }
0x45c: {  	[hbm4b:s7+s4] =	stream.linear.scatter [tilespmem:s24], [sflag:$0x3], $0x80, $0x38;
	[tilespmem:$0x8780] =	vst v63  }
0x45d: {  	_ =	swait.ge [sflag:s3], $0x80  }
0x45e: {  	[sflag:s3] =	ssyncset.done $0x0  }
0x45f: {  	[sflag:s3] =	ssyncadd.s32 $0xFFFFFF80  }
0x460: {  	v5 =	vld.msk [tilespmem:$0x38], $0xff;
	_ =	sdelay $0x4  }
0x461: {  	v6 =	vshll.u32 v5, $0x4  }
0x462: {  	v5 =	vand.u32 $0x7, v5;
	v6 =	vand.u32 $0xFFFFFF80, v6  }
0x463: {  	v5 =	vor.u32 v5, v6  }
0x464: {  	v5 =	vperm.xlane v5, v1;
	_ =	sdelay $0x1  }
0x465: {  	v5 =	vadd.s32 v2, v5;
	_ =	sdelay $0x3  }
0x466: {  	s8 =	simm.s32 $0x4680  }
0x467: {  	[tilespmem:s8], [sflag:$0x2] =	stream.indirect_vreg.gather [hbm4b:s26+s4], $0x80, v5, vm0, $0xb8;
	[tilespmem:$0x8780] =	vst v63  }
0x468: {  	s9 =	simm.s32 $0x4E80  }
0x469: {  	[tilespmem:s9], [sflag:$0x2] =	stream.indirect_vreg.gather [hbm4b:s28+s4], $0x80, v5, vm0, $0xb8;
	[tilespmem:$0x8780] =	vst v63  }
0x46a: {  	s10 =	simm.s32 $0x5680  }
0x46b: {  	[tilespmem:s10], [sflag:$0x2] =	stream.indirect_vreg.gather [hbm4b:s29+s4], $0x80, v5, vm0, $0xb8;
	[tilespmem:$0x8780] =	vst v63  }
0x46c: {  	s11 =	simm.s32 $0x5E80  }
0x46d: {  	[tilespmem:s11], [sflag:$0x2] =	stream.indirect_vreg.gather [hbm4b:s30+s4], $0x80, v5, vm0, $0xb8;
	[tilespmem:$0x8780] =	vst v63  }
0x46e: {  	s12 =	simm.s32 $0x6680  }
0x46f: {  	[tilespmem:s12], [sflag:$0x2] =	stream.indirect_vreg.gather [hbm4b:s31+s4], $0x80, v5, vm0, $0xb8;
	[tilespmem:$0x8780] =	vst v63  }
0x470: {  	s13 =	simm.s32 $0x6E80  }
0x471: {  	[tilespmem:s13], [sflag:$0x2] =	stream.indirect_vreg.gather [hbm4b:s19+s4], $0x80, v5, vm0, $0xb8;
	[tilespmem:$0x8780] =	vst v63  }
0x472: {  	_ = 	snop  }
0x473: {  	[tilespmem:s18], [sflag:$0x2] =	stream.indirect_vreg.gather [hbm4b:s0+s4], $0x80, v5, vm0, $0xb8;
	[tilespmem:$0x8780] =	vst v63  }
0x474: {  	_ = 	snop  }
0x475: {  	[tilespmem:s20], [sflag:$0x2] =	stream.indirect_vreg.gather [hbm4b:s23+s4], $0x80, v5, vm0, $0xb8;
	[tilespmem:$0x8780] =	vst v63  }
0x476: {  	_ =	swait.ge [sflag:s21], $0x4000  }
0x477: {  	[sflag:s21] =	ssyncset.done $0x0  }
0x478: {  	[sflag:s21] =	ssyncadd.s32 $0xFFFFC000  }
0x479: {  	v6 =	vimm.s32 $0x0;
	[tilespmem:$0x8680] =	vst v3  }
0x47a: {  	[tilespmem:$0x8700] =	vst v6  }
0x47b: {  	[tilespmem:$0x8690] =	vst v3  }
0x47c: {  	[tilespmem:$0x8710] =	vst v6  }
0x47d: {  	[tilespmem:$0x86A0] =	vst v3  }
0x47e: {  	[tilespmem:$0x8720] =	vst v6  }
0x47f: {  	[tilespmem:$0x86B0] =	vst v3  }
0x480: {  	[tilespmem:$0x8730] =	vst v6  }
0x481: {  	[tilespmem:$0x86C0] =	vst v3  }
0x482: {  	[tilespmem:$0x8740] =	vst v6  }
0x483: {  	[tilespmem:$0x86D0] =	vst v3  }
0x484: {  	[tilespmem:$0x8750] =	vst v6  }
0x485: {  	s14 =	sand.u32 $0x3C00, s4;
	[tilespmem:$0x86E0] =	vst v3  }
0x486: {  	s15 =	simm.s32 $0x0;
	s5 =	sadd.s32 $0x680, s14;
	s7 =	sand.u32 $0x40, s4;
	[tilespmem:$0x8760] =	vst v6  }
0x487: {  	s16 =	sor.u32 s7, s5;
	s8 =	sand.u32 $0x380, s15;
	[tilespmem:$0x86F0] =	vst v3  }
0x488: {  	s6 =	sadd.s32 s8, s16;
	v5 =	vld [tilespmem:$0x5E0];
	[tilespmem:$0x8770] =	vst v6  }
0x489: {  	v7 =	vld [tilespmem:s6+$0x0];
	_ =	sdelay $0x4  }
0x48a: {  	vm1 =	vge.f32 v7, v5  }
0x48b: {  	v8 =	vsel vm1, $0x1, v4  }
0x48c: {  	(xrf0) =	vadd.scan.msk.s32 $0xffff, v8;
	_ =	sdelay $0x5  }
0x48d: {  	v8, _, _ =	vpop (xrf0)  }
0x48e: {  	s17 =	simm.s32 $0x100;
	s9 =	sand.u32 $0x1C0, s4;
	v8 =	vadd.s32 v8, v6  }
0x48f: {  	s7 =	sshrl.u32 s9, $0x2;
	s11 =	simm.s32 $0x20;
	s6 =	sand.u32 $0xFFFFFC00, s17;
	v8 =	vadd.s32 $0xFFFFFFFF, v8  }
0x490: {  	s10 =	sand.u32 $0x60, s11;
	v9 =	vld [tilespmem:s7+$0x380];
	s12 =	sadd.s32 $0x680, s6;
	vm2 =	vlt.s32 v8, $0x7F  }
0x491: {  	s6 =	sor.u32 s10, s12;
	v8 =	vnsel vm2, $0x7F, v8  }
0x492: {  	s6 =	sadd.s32 s8, s6  }
0x493: {  	s4 =	sand.u32 $0x7C0, s4;
	v10 =	vld [tilespmem:s6+$0x0]  }
0x494: {  	s10 =	sor.u32 $0x10, s4  }
0x495: {  	s13 =	sand.u32 $0x50, s10;
	v9 =	vadd.s32 v0, v9  }
0x496: {  	s14 =	sor.u32 s13, s5;
	[tilespmem:v8+s22+$0x0] =	vst.idx.msk vm1, v7;
	v7 =	vadd.s32 s4, v9  }
0x497: {  	s4 =	sadd.s32 s8, s14;
	[tilespmem:v8+s24+$0x0] =	vst.idx.msk vm1, v7  }
0x498: {  	vm4 =	vge.f32 v10, v5;
	v7 =	vld [tilespmem:s4+$0x0]  }
0x499: {  	v8 =	vsel vm4, $0x1, v4  }
0x49a: {  	(xrf0) =	vadd.scan.msk.s32 $0xffff, v8;
	_ =	sdelay $0x2  }
0x49b: {  	v8 =	vmpcnt.ones.xlane vm1;
	vm3 =	vge.f32 v7, v5  }
0x49c: {  	v11 =	vmpcnt.ones.xlane vm3  }
0x49d: {  	v12 =	vadd.s32 v6, v8  }
0x49e: {  	v6, _, _ =	vpop (xrf0);
	v11 =	vadd.s32 v12, v11  }
0x49f: {  	v6 =	vadd.s32 v6, v11  }
0x4a0: {  	v6 =	vadd.s32 $0xFFFFFFFF, v6  }
0x4a1: {  	vm1 =	vlt.s32 v6, $0x7F  }
0x4a2: {  	s5 =	simm.s32 $0x200;
	v6 =	vnsel vm1, $0x7F, v6  }
0x4a3: {  	s6 =	simm.s32 $0x40;
	s15 =	sand.u32 $0x3C00, s5  }
0x4a4: {  	s7 =	simm.s32 $0x4;
	s16 =	sand.u32 $0x40, s6;
	s9 =	sadd.s32 $0x680, s15  }
0x4a5: {  	s13 =	sor.u32 s16, s9;
	s14 =	simm.s32 $0x30;
	s4 =	sand.u32 $0x380, s7  }
0x4a6: {  	s17 =	sand.u32 $0x70, s14;
	s13 =	sadd.s32 s4, s13  }
0x4a7: {  	s12 =	sor.u32 s17, s12;
	v8 =	vld [tilespmem:s13+$0x0];
	v13 =	vsel vm3, $0x1, v4;
	[tilespmem:v6+s22+$0x0] =	vst.idx.msk vm4, v10;
	v10 =	vadd.s32 s11, v9  }
0x4a8: {  	s8 =	sadd.s32 s8, s12;
	(xrf0) =	vadd.scan.msk.s32 $0xffff, v13;
	[tilespmem:v6+s24+$0x0] =	vst.idx.msk vm4, v10  }
0x4a9: {  	v6 =	vld [tilespmem:s8+$0x0];
	_ =	sdelay $0x2  }
0x4aa: {  	vm2 =	vge.f32 v8, v5  }
0x4ab: {  	v10 =	vsel vm2, $0x1, v4  }
0x4ac: {  	v13, _, _ =	vpop (xrf0);
	(xrf0) =	vadd.scan.msk.s32 $0xffff, v10;
	vm1 =	vge.f32 v6, v5  }
0x4ad: {  	v12 =	vadd.s32 v13, v12;
	v10 =	vsel vm1, $0x1, v4  }
0x4ae: {  	(xrf0) =	vadd.scan.msk.s32 $0xffff, v10;
	v10 =	vadd.s32 $0xFFFFFFFF, v12;
	v12 =	vmpcnt.ones.xlane vm4  }
0x4af: {  	vm4 =	vlt.s32 v10, $0x7F  }
0x4b0: {  	v13 =	vnsel vm4, $0x7F, v10;
	v10 =	vmpcnt.ones.xlane vm1  }
0x4b1: {  	v11 =	vadd.s32 v11, v12  }
0x4b2: {  	s8 =	simm.s32 $0x2;
	v12, _, _ =	vpop (xrf0);
	v10 =	vadd.s32 v11, v10  }
0x4b3: {  	s15 =	simm.s32 $0x300;
	s13 =	sand.u32 $0x1C0, s8;
	v12 =	vadd.s32 v12, v10  }
0x4b4: {  	s16 =	sand.u32 $0xFFFFFC00, s15;
	s12 =	simm.s32 $0x60;
	s11 =	sshrl.u32 s13, $0x2;
	v15, _, _ =	vpop (xrf0);
	v16 =	vadd.s32 $0xFFFFFFFF, v12  }
0x4b5: {  	s17 =	sand.u32 $0x60, s12;
	s13 =	sadd.s32 $0x680, s16;
	v14 =	vld [tilespmem:s11+$0x380];
	v11 =	vadd.s32 v15, v11;
	v15 =	vadd.s32 s10, v9;
	[tilespmem:v13+s22+$0x0] =	vst.idx.msk vm3, v7;
	vm4 =	vlt.s32 v16, $0x7F  }
0x4b6: {  	s11 =	sor.u32 s17, s13;
	[tilespmem:v13+s24+$0x0] =	vst.idx.msk vm3, v15;
	v13 =	vnsel vm4, $0x7F, v16  }
0x4b7: {  	s17 =	sadd.s32 s4, s11  }
0x4b8: {  	s16 =	sand.u32 $0x7C0, s6;
	v12 =	vadd.s32 $0xFFFFFFFF, v11;
	v11 =	vld [tilespmem:s17+$0x0]  }
0x4b9: {  	s15 =	sor.u32 $0x10, s16;
	s11 =	simm.s32 $0x300  }
0x4ba: {  	v7 =	vadd.s32 s14, v9;
	s10 =	simm.s32 $0x4;
	s14 =	simm.s32 $0x40;
	v9 =	vadd.s32 v0, v14;
	s17 =	sand.u32 $0x50, s15;
	vm3 =	vlt.s32 v12, $0x7F  }
.LBB2_14:
0x4bb: {  	[tilespmem:v13+s22+$0x0] =	vst.idx.msk vm2, v8;
	v8 =	vadd.s32 s16, v9;
	s9 =	sor.u32 s17, s9;
	v14 =	vadd.s32 s15, v9;
	v12 =	vnsel vm3, $0x7F, v12  }
0x4bc: {  	[tilespmem:v13+s24+$0x0] =	vst.idx.msk vm2, v8;
	s9 =	sadd.s32 s4, s9  }
0x4bd: {  	v13 =	vld [tilespmem:s9+$0x0];
	vm3 =	vge.f32 v11, v5  }
0x4be: {  	v8 =	vsel vm3, $0x1, v4  }
0x4bf: {  	(xrf0) =	vadd.scan.msk.s32 $0xffff, v8  }
0x4c0: {  	[tilespmem:v12+s22+$0x0] =	vst.idx.msk vm1, v6  }
0x4c1: {  	[tilespmem:v12+s24+$0x0] =	vst.idx.msk vm1, v7  }
0x4c2: {  	v6 =	vmpcnt.ones.xlane vm2;
	vm1 =	vge.f32 v13, v5  }
0x4c3: {  	v12 =	vsel vm1, $0x1, v4;
	v8 =	vmpcnt.ones.xlane vm1  }
0x4c4: {  	v6 =	vadd.s32 v10, v6;
	(xrf0) =	vadd.scan.msk.s32 $0xffff, v12  }
0x4c5: {  	v10 =	vadd.s32 v6, v8;
	v7, _, _ =	vpop (xrf0)  }
0x4c6: {  	s5 =	sadd.s32 $0x200, s5;
	v7 =	vadd.s32 v7, v10  }
0x4c7: {  	s6 =	sadd.s32 $0x40, s6;
	s9 =	sand.u32 $0x3C00, s5;
	v7 =	vadd.s32 $0xFFFFFFFF, v7  }
0x4c8: {  	s7 =	sadd.s32 $0x4, s7;
	s15 =	sand.u32 $0x40, s6;
	s9 =	sadd.s32 $0x680, s9;
	vm2 =	vlt.s32 v7, $0x7F  }
0x4c9: {  	s16 =	sand.u32 $0x380, s7;
	p0 =	slt.u32 s7, $0x3FC;
	s15 =	sor.u32 s15, s9;
	v12 =	vnsel vm2, $0x7F, v7  }
0x4ca: {  	s15 =	sadd.s32 s16, s15;
	v7, _, _ =	vpop (xrf0)  }
0x4cb: {  	v8 =	vld [tilespmem:s15+$0x0];
	v6 =	vadd.s32 v7, v6  }
0x4cc: {  	s14 =	sadd.s32 $0x30, s14;
	v6 =	vadd.s32 $0xFFFFFFFF, v6  }
0x4cd: {  	s15 =	sand.u32 $0x70, s14;
	v7 =	vadd.s32 s14, v9;
	vm2 =	vlt.s32 v6, $0x7F  }
0x4ce: {  	v15 =	vnsel vm2, $0x7F, v6;
	[tilespmem:v12+s22+$0x0] =	vst.idx.msk vm3, v11;
	v6 =	vadd.s32 s12, v9;
	s12 =	sor.u32 s15, s13  }
0x4cf: {  	[tilespmem:v12+s24+$0x0] =	vst.idx.msk vm3, v6;
	s12 =	sadd.s32 s4, s12;
	s4 =	smov.u32 s16  }
0x4d0: {  	vm2 =	vge.f32 v8, v5;
	v6 =	vld [tilespmem:s12+$0x0]  }
0x4d1: {  	v9 =	vsel vm2, $0x1, v4  }
0x4d2: {  	(xrf0) =	vadd.scan.msk.s32 $0xffff, v9  }
0x4d3: {  	[tilespmem:v15+s22+$0x0] =	vst.idx.msk vm1, v13  }
0x4d4: {  	[tilespmem:v15+s24+$0x0] =	vst.idx.msk vm1, v14  }
0x4d5: {  	v9 =	vmpcnt.ones.xlane vm3;
	vm1 =	vge.f32 v6, v5  }
0x4d6: {  	s10 =	sadd.s32 $0x4, s10;
	v13 =	vsel vm1, $0x1, v4;
	v12 =	vmpcnt.ones.xlane vm1  }
0x4d7: {  	s11 =	sadd.s32 $0x200, s11;
	s12 =	sshrl.u32 s10, $0x7;
	v9 =	vadd.s32 v10, v9;
	(xrf0) =	vadd.scan.msk.s32 $0xffff, v13  }
0x4d8: {  	s8 =	sadd.s32 $0x2, s8;
	s13 =	sshll.u32 s12, $0xE;
	s12 =	sshll.u32 s12, $0xB;
	v11, _, _ =	vpop (xrf0);
	v10 =	vadd.s32 v9, v12  }
0x4d9: {  	s13 =	ssub.s32 s11, s13;
	s14 =	ssub.s32 s6, s12;
	s12 =	sand.u32 $0x1C0, s8;
	v11 =	vadd.s32 v11, v10  }
0x4da: {  	s15 =	sshrl.u32 s12, $0x2;
	s12 =	sadd.s32 $0x20, s14;
	s13 =	sand.u32 $0xFFFFFC00, s13;
	v11 =	vadd.s32 $0xFFFFFFFF, v11  }
0x4db: {  	s13 =	sadd.s32 $0x680, s13;
	v14 =	vld [tilespmem:s15+$0x380];
	vm3 =	vlt.s32 v11, $0x7F;
	s15 =	sand.u32 $0x60, s12  }
.Ltmp6:
0x4dc: {  	v13 =	vnsel vm3, $0x7F, v11;
	s15 =	sor.u32 s15, s13;
	(pc) =	sbr.rel @p0 .LBB2_14-.Ltmp6, $4  }
0x4dd: {  	s15 =	sadd.s32 s4, s15;
	v12, _, _ =	vpop (xrf0)  }
0x4de: {  	s16 =	sand.u32 $0x7C0, s6;
	v11 =	vld [tilespmem:s15+$0x0];
	v9 =	vadd.s32 v12, v9  }
0x4df: {  	s15 =	sor.u32 $0x10, s16;
	v12 =	vadd.s32 $0xFFFFFFFF, v9  }
0x4e0: {  	s17 =	sand.u32 $0x50, s15;
	v9 =	vadd.s32 v0, v14;
	vm3 =	vlt.s32 v12, $0x7F  }
0x4e1: {  	_ =	sdelay $0x4  }
0x4e2: {  	[tilespmem:v13+s22+$0x0] =	vst.idx.msk vm2, v8;
	v8 =	vadd.s32 s16, v9;
	s5 =	sor.u32 s17, s9  }
0x4e3: {  	[tilespmem:v13+s24+$0x0] =	vst.idx.msk vm2, v8;
	s5 =	sadd.s32 s4, s5  }
0x4e4: {  	v8 =	vld [tilespmem:s5+$0x0];
	_ =	sdelay $0x1  }
0x4e5: {  	vm4 =	vge.f32 v11, v5  }
0x4e6: {  	v13 =	vsel vm4, $0x1, v4  }
0x4e7: {  	(xrf0) =	vadd.scan.msk.s32 $0xffff, v13  }
0x4e8: {  	v13 =	vmpcnt.ones.xlane vm2;
	vm2 =	vge.f32 v8, v5  }
0x4e9: {  	v14 =	vmpcnt.ones.xlane vm2;
	_ =	sdelay $0x2  }
0x4ea: {  	v10 =	vadd.s32 v10, v13  }
0x4eb: {  	v13 =	vadd.s32 v10, v14;
	v14, _, _ =	vpop (xrf0)  }
0x4ec: {  	v14 =	vadd.s32 v14, v13  }
0x4ed: {  	v14 =	vadd.s32 $0xFFFFFFFF, v14  }
0x4ee: {  	vm5 =	vlt.s32 v14, $0x7F  }
0x4ef: {  	v14 =	vnsel vm5, $0x7F, v14;
	_ =	sdelay $0x2  }
0x4f0: {  	s11 =	sadd.s32 $0x30, s14  }
0x4f1: {  	s6 =	sand.u32 $0x70, s11  }
0x4f2: {  	s6 =	sor.u32 s6, s13;
	[tilespmem:v14+s22+$0x0] =	vst.idx.msk vm4, v11;
	v11 =	vadd.s32 s12, v9  }
0x4f3: {  	s14 =	sadd.s32 s4, s6;
	[tilespmem:v14+s24+$0x0] =	vst.idx.msk vm4, v11  }
0x4f4: {  	v11 =	vld [tilespmem:s14+$0x0];
	_ =	sdelay $0x3  }
0x4f5: {  	v14 =	vsel vm2, $0x1, v4  }
0x4f6: {  	(xrf0) =	vadd.scan.msk.s32 $0xffff, v14;
	vm5 =	vge.f32 v11, v5  }
0x4f7: {  	v5 =	vsel vm5, $0x1, v4  }
0x4f8: {  	(xrf0) =	vadd.scan.msk.s32 $0xffff, v5;
	_ =	sdelay $0x3  }
0x4f9: {  	v14, _, _ =	vpop (xrf0);
	v5 =	vmpcnt.ones.xlane vm4  }
0x4fa: {  	v10 =	vadd.s32 v14, v10  }
0x4fb: {  	v12 =	vnsel vm3, $0x7F, v12;
	v10 =	vadd.s32 $0xFFFFFFFF, v10;
	v5 =	vadd.s32 v13, v5;
	v13, _, _ =	vpop (xrf0)  }
0x4fc: {  	vm3 =	vlt.s32 v10, $0x7F;
	v5 =	vadd.s32 v13, v5  }
0x4fd: {  	v10 =	vnsel vm3, $0x7F, v10;
	v5 =	vadd.s32 $0xFFFFFFFF, v5  }
0x4fe: {  	vm3 =	vlt.s32 v5, $0x7F  }
0x4ff: {  	v5 =	vnsel vm3, $0x7F, v5  }
0x500: {  	[tilespmem:v12+s22+$0x0] =	vst.idx.msk vm1, v6  }
0x501: {  	[tilespmem:v12+s24+$0x0] =	vst.idx.msk vm1, v7  }
0x502: {  	v6 =	vadd.s32 s15, v9;
	[tilespmem:v10+s22+$0x0] =	vst.idx.msk vm2, v8  }
0x503: {  	[tilespmem:v10+s24+$0x0] =	vst.idx.msk vm2, v6  }
0x504: {  	v6 =	vadd.s32 s11, v9;
	[tilespmem:v5+s22+$0x0] =	vst.idx.msk vm5, v11  }
0x505: {  	[tilespmem:v5+s24+$0x0] =	vst.idx.msk vm5, v6  }
0x506: {  	s4 =	simm.s32 $0x0;
	s16 =	rddreg [dreg:$0x11]  }
0x507: {  	[hbm4b:s16+s4] =	stream.linear.scatter [tilespmem:s22], [sflag:$0x3], $0x80, $0x38;
	[tilespmem:$0x8780] =	vst v63  }
0x508: {  	_ =	swait.ge [sflag:s3], $0x80  }
0x509: {  	[sflag:s3] =	ssyncset.done $0x0  }
0x50a: {  	s17 =	rddreg [dreg:$0x12];
	[sflag:s3] =	ssyncadd.s32 $0xFFFFFF80  }
0x50b: {  	[hbm4b:s17+s4] =	stream.linear.scatter [tilespmem:s24], [sflag:$0x3], $0x80, $0x38;
	[tilespmem:$0x8780] =	vst v63  }
0x50c: {  	_ =	swait.ge [sflag:s3], $0x80  }
0x50d: {  	[sflag:s3] =	ssyncset.done $0x0  }
0x50e: {  	[sflag:s3] =	ssyncadd.s32 $0xFFFFFF80  }
0x50f: {  	v5 =	vld.msk [tilespmem:$0x40], $0xff;
	_ =	sdelay $0x4  }
0x510: {  	v6 =	vshll.u32 v5, $0x4  }
0x511: {  	v5 =	vand.u32 $0x7, v5;
	v6 =	vand.u32 $0xFFFFFF80, v6  }
0x512: {  	v5 =	vor.u32 v5, v6  }
0x513: {  	v5 =	vperm.xlane v5, v1;
	_ =	sdelay $0x1  }
0x514: {  	v5 =	vadd.s32 v2, v5;
	_ =	sdelay $0x3  }
0x515: {  	s6 =	simm.s32 $0x680  }
0x516: {  	[tilespmem:s6], [sflag:$0x1] =	stream.indirect_vreg.gather [hbm4b:s26+s4], $0x80, v5, vm0, $0xb8;
	[tilespmem:$0x8780] =	vst v63  }
0x517: {  	s7 =	simm.s32 $0xE80  }
0x518: {  	[tilespmem:s7], [sflag:$0x1] =	stream.indirect_vreg.gather [hbm4b:s28+s4], $0x80, v5, vm0, $0xb8;
	[tilespmem:$0x8780] =	vst v63  }
0x519: {  	s8 =	simm.s32 $0x1680  }
0x51a: {  	[tilespmem:s8], [sflag:$0x1] =	stream.indirect_vreg.gather [hbm4b:s29+s4], $0x80, v5, vm0, $0xb8;
	[tilespmem:$0x8780] =	vst v63  }
0x51b: {  	s9 =	simm.s32 $0x1E80  }
0x51c: {  	[tilespmem:s9], [sflag:$0x1] =	stream.indirect_vreg.gather [hbm4b:s30+s4], $0x80, v5, vm0, $0xb8;
	[tilespmem:$0x8780] =	vst v63  }
0x51d: {  	s10 =	simm.s32 $0x2680  }
0x51e: {  	[tilespmem:s10], [sflag:$0x1] =	stream.indirect_vreg.gather [hbm4b:s31+s4], $0x80, v5, vm0, $0xb8;
	[tilespmem:$0x8780] =	vst v63  }
0x51f: {  	s11 =	simm.s32 $0x2E80  }
0x520: {  	[tilespmem:s11], [sflag:$0x1] =	stream.indirect_vreg.gather [hbm4b:s19+s4], $0x80, v5, vm0, $0xb8;
	[tilespmem:$0x8780] =	vst v63  }
0x521: {  	s12 =	simm.s32 $0x3680  }
0x522: {  	[tilespmem:s12], [sflag:$0x1] =	stream.indirect_vreg.gather [hbm4b:s0+s4], $0x80, v5, vm0, $0xb8;
	[tilespmem:$0x8780] =	vst v63  }
0x523: {  	s13 =	simm.s32 $0x3E80  }
0x524: {  	[tilespmem:s13], [sflag:$0x1] =	stream.indirect_vreg.gather [hbm4b:s23+s4], $0x80, v5, vm0, $0xb8;
	[tilespmem:$0x8780] =	vst v63  }
0x525: {  	_ =	swait.ge [sflag:s25], $0x4000  }
0x526: {  	[sflag:s25] =	ssyncset.done $0x0  }
0x527: {  	[sflag:s25] =	ssyncadd.s32 $0xFFFFC000  }
0x528: {  	v6 =	vimm.s32 $0x0;
	[tilespmem:$0x8680] =	vst v3  }
0x529: {  	[tilespmem:$0x8700] =	vst v6  }
0x52a: {  	[tilespmem:$0x8690] =	vst v3  }
0x52b: {  	[tilespmem:$0x8710] =	vst v6  }
0x52c: {  	[tilespmem:$0x86A0] =	vst v3  }
0x52d: {  	[tilespmem:$0x8720] =	vst v6  }
0x52e: {  	[tilespmem:$0x86B0] =	vst v3  }
0x52f: {  	[tilespmem:$0x8730] =	vst v6  }
0x530: {  	[tilespmem:$0x86C0] =	vst v3  }
0x531: {  	[tilespmem:$0x8740] =	vst v6  }
0x532: {  	[tilespmem:$0x86D0] =	vst v3  }
0x533: {  	[tilespmem:$0x8750] =	vst v6  }
0x534: {  	s14 =	sand.u32 $0x3C00, s4;
	[tilespmem:$0x86E0] =	vst v3  }
0x535: {  	s15 =	simm.s32 $0x0;
	s5 =	sadd.s32 $0x4680, s14;
	s7 =	sand.u32 $0x40, s4;
	[tilespmem:$0x8760] =	vst v6  }
0x536: {  	s16 =	sor.u32 s7, s5;
	s8 =	sand.u32 $0x380, s15;
	[tilespmem:$0x86F0] =	vst v3  }
0x537: {  	s6 =	sadd.s32 s8, s16;
	v5 =	vld [tilespmem:$0x5F0];
	[tilespmem:$0x8770] =	vst v6  }
0x538: {  	v7 =	vld [tilespmem:s6+$0x0];
	_ =	sdelay $0x4  }
0x539: {  	vm1 =	vge.f32 v7, v5  }
0x53a: {  	v8 =	vsel vm1, $0x1, v4  }
0x53b: {  	(xrf0) =	vadd.scan.msk.s32 $0xffff, v8;
	_ =	sdelay $0x5  }
0x53c: {  	v8, _, _ =	vpop (xrf0)  }
0x53d: {  	s17 =	simm.s32 $0x100;
	s9 =	sand.u32 $0x1C0, s4;
	v8 =	vadd.s32 v8, v6  }
0x53e: {  	s7 =	sshrl.u32 s9, $0x2;
	s11 =	simm.s32 $0x20;
	s6 =	sand.u32 $0xFFFFFC00, s17;
	v8 =	vadd.s32 $0xFFFFFFFF, v8  }
0x53f: {  	s10 =	sand.u32 $0x60, s11;
	v9 =	vld [tilespmem:s7+$0x400];
	s12 =	sadd.s32 $0x4680, s6;
	vm2 =	vlt.s32 v8, $0x7F  }
0x540: {  	s6 =	sor.u32 s10, s12;
	v8 =	vnsel vm2, $0x7F, v8  }
0x541: {  	s6 =	sadd.s32 s8, s6  }
0x542: {  	s4 =	sand.u32 $0x7C0, s4;
	v10 =	vld [tilespmem:s6+$0x0]  }
0x543: {  	s10 =	sor.u32 $0x10, s4  }
0x544: {  	s13 =	sand.u32 $0x50, s10;
	v9 =	vadd.s32 v0, v9  }
0x545: {  	s14 =	sor.u32 s13, s5;
	[tilespmem:v8+s22+$0x0] =	vst.idx.msk vm1, v7;
	v7 =	vadd.s32 s4, v9  }
0x546: {  	s4 =	sadd.s32 s8, s14;
	[tilespmem:v8+s24+$0x0] =	vst.idx.msk vm1, v7  }
0x547: {  	vm4 =	vge.f32 v10, v5;
	v7 =	vld [tilespmem:s4+$0x0]  }
0x548: {  	v8 =	vsel vm4, $0x1, v4  }
0x549: {  	(xrf0) =	vadd.scan.msk.s32 $0xffff, v8;
	_ =	sdelay $0x2  }
0x54a: {  	v8 =	vmpcnt.ones.xlane vm1;
	vm3 =	vge.f32 v7, v5  }
0x54b: {  	v11 =	vmpcnt.ones.xlane vm3  }
0x54c: {  	v12 =	vadd.s32 v6, v8  }
0x54d: {  	v6, _, _ =	vpop (xrf0);
	v11 =	vadd.s32 v12, v11  }
0x54e: {  	v6 =	vadd.s32 v6, v11  }
0x54f: {  	v6 =	vadd.s32 $0xFFFFFFFF, v6  }
0x550: {  	vm1 =	vlt.s32 v6, $0x7F  }
0x551: {  	s5 =	simm.s32 $0x200;
	v6 =	vnsel vm1, $0x7F, v6  }
0x552: {  	s6 =	simm.s32 $0x40;
	s15 =	sand.u32 $0x3C00, s5  }
0x553: {  	s7 =	simm.s32 $0x4;
	s16 =	sand.u32 $0x40, s6;
	s9 =	sadd.s32 $0x4680, s15  }
0x554: {  	s13 =	sor.u32 s16, s9;
	s14 =	simm.s32 $0x30;
	s4 =	sand.u32 $0x380, s7  }
0x555: {  	s17 =	sand.u32 $0x70, s14;
	s13 =	sadd.s32 s4, s13  }
0x556: {  	s12 =	sor.u32 s17, s12;
	v8 =	vld [tilespmem:s13+$0x0];
	v13 =	vsel vm3, $0x1, v4;
	[tilespmem:v6+s22+$0x0] =	vst.idx.msk vm4, v10;
	v10 =	vadd.s32 s11, v9  }
0x557: {  	s8 =	sadd.s32 s8, s12;
	(xrf0) =	vadd.scan.msk.s32 $0xffff, v13;
	[tilespmem:v6+s24+$0x0] =	vst.idx.msk vm4, v10  }
0x558: {  	v6 =	vld [tilespmem:s8+$0x0];
	_ =	sdelay $0x2  }
0x559: {  	vm2 =	vge.f32 v8, v5  }
0x55a: {  	v10 =	vsel vm2, $0x1, v4  }
0x55b: {  	v13, _, _ =	vpop (xrf0);
	(xrf0) =	vadd.scan.msk.s32 $0xffff, v10;
	vm1 =	vge.f32 v6, v5  }
0x55c: {  	v12 =	vadd.s32 v13, v12;
	v10 =	vsel vm1, $0x1, v4  }
0x55d: {  	(xrf0) =	vadd.scan.msk.s32 $0xffff, v10;
	v10 =	vadd.s32 $0xFFFFFFFF, v12;
	v12 =	vmpcnt.ones.xlane vm4  }
0x55e: {  	vm4 =	vlt.s32 v10, $0x7F  }
0x55f: {  	v13 =	vnsel vm4, $0x7F, v10;
	v10 =	vmpcnt.ones.xlane vm1  }
0x560: {  	v11 =	vadd.s32 v11, v12  }
0x561: {  	s8 =	simm.s32 $0x2;
	v12, _, _ =	vpop (xrf0);
	v10 =	vadd.s32 v11, v10  }
0x562: {  	s15 =	simm.s32 $0x300;
	s13 =	sand.u32 $0x1C0, s8;
	v12 =	vadd.s32 v12, v10  }
0x563: {  	s16 =	sand.u32 $0xFFFFFC00, s15;
	s12 =	simm.s32 $0x60;
	s11 =	sshrl.u32 s13, $0x2;
	v15, _, _ =	vpop (xrf0);
	v16 =	vadd.s32 $0xFFFFFFFF, v12  }
0x564: {  	s17 =	sand.u32 $0x60, s12;
	s13 =	sadd.s32 $0x4680, s16;
	v14 =	vld [tilespmem:s11+$0x400];
	v11 =	vadd.s32 v15, v11;
	v15 =	vadd.s32 s10, v9;
	[tilespmem:v13+s22+$0x0] =	vst.idx.msk vm3, v7;
	vm4 =	vlt.s32 v16, $0x7F  }
0x565: {  	s11 =	sor.u32 s17, s13;
	[tilespmem:v13+s24+$0x0] =	vst.idx.msk vm3, v15;
	v13 =	vnsel vm4, $0x7F, v16  }
0x566: {  	s17 =	sadd.s32 s4, s11  }
0x567: {  	s16 =	sand.u32 $0x7C0, s6;
	v12 =	vadd.s32 $0xFFFFFFFF, v11;
	v11 =	vld [tilespmem:s17+$0x0]  }
0x568: {  	s15 =	sor.u32 $0x10, s16;
	s11 =	simm.s32 $0x300  }
0x569: {  	v7 =	vadd.s32 s14, v9;
	s10 =	simm.s32 $0x4;
	s14 =	simm.s32 $0x40;
	v9 =	vadd.s32 v0, v14;
	s17 =	sand.u32 $0x50, s15;
	vm3 =	vlt.s32 v12, $0x7F  }
.LBB2_16:
0x56a: {  	[tilespmem:v13+s22+$0x0] =	vst.idx.msk vm2, v8;
	v8 =	vadd.s32 s16, v9;
	s9 =	sor.u32 s17, s9;
	v14 =	vadd.s32 s15, v9;
	v12 =	vnsel vm3, $0x7F, v12  }
0x56b: {  	[tilespmem:v13+s24+$0x0] =	vst.idx.msk vm2, v8;
	s9 =	sadd.s32 s4, s9  }
0x56c: {  	v13 =	vld [tilespmem:s9+$0x0];
	vm3 =	vge.f32 v11, v5  }
0x56d: {  	v8 =	vsel vm3, $0x1, v4  }
0x56e: {  	(xrf0) =	vadd.scan.msk.s32 $0xffff, v8  }
0x56f: {  	[tilespmem:v12+s22+$0x0] =	vst.idx.msk vm1, v6  }
0x570: {  	[tilespmem:v12+s24+$0x0] =	vst.idx.msk vm1, v7  }
0x571: {  	v6 =	vmpcnt.ones.xlane vm2;
	vm1 =	vge.f32 v13, v5  }
0x572: {  	v12 =	vsel vm1, $0x1, v4;
	v8 =	vmpcnt.ones.xlane vm1  }
0x573: {  	v6 =	vadd.s32 v10, v6;
	(xrf0) =	vadd.scan.msk.s32 $0xffff, v12  }
0x574: {  	v10 =	vadd.s32 v6, v8;
	v7, _, _ =	vpop (xrf0)  }
0x575: {  	s5 =	sadd.s32 $0x200, s5;
	v7 =	vadd.s32 v7, v10  }
0x576: {  	s6 =	sadd.s32 $0x40, s6;
	s9 =	sand.u32 $0x3C00, s5;
	v7 =	vadd.s32 $0xFFFFFFFF, v7  }
0x577: {  	s7 =	sadd.s32 $0x4, s7;
	s15 =	sand.u32 $0x40, s6;
	s9 =	sadd.s32 $0x4680, s9;
	vm2 =	vlt.s32 v7, $0x7F  }
0x578: {  	s16 =	sand.u32 $0x380, s7;
	p0 =	slt.u32 s7, $0x3FC;
	s15 =	sor.u32 s15, s9;
	v12 =	vnsel vm2, $0x7F, v7  }
0x579: {  	s15 =	sadd.s32 s16, s15;
	v7, _, _ =	vpop (xrf0)  }
0x57a: {  	v8 =	vld [tilespmem:s15+$0x0];
	v6 =	vadd.s32 v7, v6  }
0x57b: {  	s14 =	sadd.s32 $0x30, s14;
	v6 =	vadd.s32 $0xFFFFFFFF, v6  }
0x57c: {  	s15 =	sand.u32 $0x70, s14;
	v7 =	vadd.s32 s14, v9;
	vm2 =	vlt.s32 v6, $0x7F  }
0x57d: {  	v15 =	vnsel vm2, $0x7F, v6;
	[tilespmem:v12+s22+$0x0] =	vst.idx.msk vm3, v11;
	v6 =	vadd.s32 s12, v9;
	s12 =	sor.u32 s15, s13  }
0x57e: {  	[tilespmem:v12+s24+$0x0] =	vst.idx.msk vm3, v6;
	s12 =	sadd.s32 s4, s12;
	s4 =	smov.u32 s16  }
0x57f: {  	vm2 =	vge.f32 v8, v5;
	v6 =	vld [tilespmem:s12+$0x0]  }
0x580: {  	v9 =	vsel vm2, $0x1, v4  }
0x581: {  	(xrf0) =	vadd.scan.msk.s32 $0xffff, v9  }
0x582: {  	[tilespmem:v15+s22+$0x0] =	vst.idx.msk vm1, v13  }
0x583: {  	[tilespmem:v15+s24+$0x0] =	vst.idx.msk vm1, v14  }
0x584: {  	v9 =	vmpcnt.ones.xlane vm3;
	vm1 =	vge.f32 v6, v5  }
0x585: {  	s10 =	sadd.s32 $0x4, s10;
	v13 =	vsel vm1, $0x1, v4;
	v12 =	vmpcnt.ones.xlane vm1  }
0x586: {  	s11 =	sadd.s32 $0x200, s11;
	s12 =	sshrl.u32 s10, $0x7;
	v9 =	vadd.s32 v10, v9;
	(xrf0) =	vadd.scan.msk.s32 $0xffff, v13  }
0x587: {  	s8 =	sadd.s32 $0x2, s8;
	s13 =	sshll.u32 s12, $0xE;
	s12 =	sshll.u32 s12, $0xB;
	v11, _, _ =	vpop (xrf0);
	v10 =	vadd.s32 v9, v12  }
0x588: {  	s13 =	ssub.s32 s11, s13;
	s14 =	ssub.s32 s6, s12;
	s12 =	sand.u32 $0x1C0, s8;
	v11 =	vadd.s32 v11, v10  }
0x589: {  	s15 =	sshrl.u32 s12, $0x2;
	s12 =	sadd.s32 $0x20, s14;
	s13 =	sand.u32 $0xFFFFFC00, s13;
	v11 =	vadd.s32 $0xFFFFFFFF, v11  }
0x58a: {  	s13 =	sadd.s32 $0x4680, s13;
	v14 =	vld [tilespmem:s15+$0x400];
	vm3 =	vlt.s32 v11, $0x7F;
	s15 =	sand.u32 $0x60, s12  }
.Ltmp7:
0x58b: {  	v13 =	vnsel vm3, $0x7F, v11;
	s15 =	sor.u32 s15, s13;
	(pc) =	sbr.rel @p0 .LBB2_16-.Ltmp7, $4  }
0x58c: {  	s15 =	sadd.s32 s4, s15;
	v12, _, _ =	vpop (xrf0)  }
0x58d: {  	s16 =	sand.u32 $0x7C0, s6;
	v11 =	vld [tilespmem:s15+$0x0];
	v9 =	vadd.s32 v12, v9  }
0x58e: {  	s15 =	sor.u32 $0x10, s16;
	v12 =	vadd.s32 $0xFFFFFFFF, v9  }
0x58f: {  	s17 =	sand.u32 $0x50, s15;
	v9 =	vadd.s32 v0, v14;
	vm3 =	vlt.s32 v12, $0x7F  }
0x590: {  	_ =	sdelay $0x4  }
0x591: {  	[tilespmem:v13+s22+$0x0] =	vst.idx.msk vm2, v8;
	v8 =	vadd.s32 s16, v9;
	s5 =	sor.u32 s17, s9  }
0x592: {  	[tilespmem:v13+s24+$0x0] =	vst.idx.msk vm2, v8;
	s5 =	sadd.s32 s4, s5  }
0x593: {  	v8 =	vld [tilespmem:s5+$0x0];
	_ =	sdelay $0x1  }
0x594: {  	vm4 =	vge.f32 v11, v5  }
0x595: {  	v13 =	vsel vm4, $0x1, v4  }
0x596: {  	(xrf0) =	vadd.scan.msk.s32 $0xffff, v13  }
0x597: {  	v13 =	vmpcnt.ones.xlane vm2;
	vm2 =	vge.f32 v8, v5  }
0x598: {  	v14 =	vmpcnt.ones.xlane vm2;
	_ =	sdelay $0x2  }
0x599: {  	v10 =	vadd.s32 v10, v13  }
0x59a: {  	v13 =	vadd.s32 v10, v14;
	v14, _, _ =	vpop (xrf0)  }
0x59b: {  	v14 =	vadd.s32 v14, v13  }
0x59c: {  	v14 =	vadd.s32 $0xFFFFFFFF, v14  }
0x59d: {  	vm5 =	vlt.s32 v14, $0x7F  }
0x59e: {  	v14 =	vnsel vm5, $0x7F, v14;
	_ =	sdelay $0x2  }
0x59f: {  	s16 =	sadd.s32 $0x30, s14  }
0x5a0: {  	s6 =	sand.u32 $0x70, s16  }
0x5a1: {  	s6 =	sor.u32 s6, s13;
	[tilespmem:v14+s22+$0x0] =	vst.idx.msk vm4, v11;
	v11 =	vadd.s32 s12, v9  }
0x5a2: {  	s17 =	sadd.s32 s4, s6;
	[tilespmem:v14+s24+$0x0] =	vst.idx.msk vm4, v11  }
0x5a3: {  	v11 =	vld [tilespmem:s17+$0x0];
	_ =	sdelay $0x3  }
0x5a4: {  	v14 =	vsel vm2, $0x1, v4  }
0x5a5: {  	(xrf0) =	vadd.scan.msk.s32 $0xffff, v14;
	vm5 =	vge.f32 v11, v5  }
0x5a6: {  	v5 =	vsel vm5, $0x1, v4  }
0x5a7: {  	(xrf0) =	vadd.scan.msk.s32 $0xffff, v5;
	_ =	sdelay $0x3  }
0x5a8: {  	v14, _, _ =	vpop (xrf0);
	v5 =	vmpcnt.ones.xlane vm4  }
0x5a9: {  	v10 =	vadd.s32 v14, v10  }
0x5aa: {  	v12 =	vnsel vm3, $0x7F, v12;
	v10 =	vadd.s32 $0xFFFFFFFF, v10;
	v5 =	vadd.s32 v13, v5;
	v13, _, _ =	vpop (xrf0)  }
0x5ab: {  	vm3 =	vlt.s32 v10, $0x7F;
	v5 =	vadd.s32 v13, v5  }
0x5ac: {  	v10 =	vnsel vm3, $0x7F, v10;
	v5 =	vadd.s32 $0xFFFFFFFF, v5  }
0x5ad: {  	vm3 =	vlt.s32 v5, $0x7F  }
0x5ae: {  	v5 =	vnsel vm3, $0x7F, v5  }
0x5af: {  	[tilespmem:v12+s22+$0x0] =	vst.idx.msk vm1, v6  }
0x5b0: {  	[tilespmem:v12+s24+$0x0] =	vst.idx.msk vm1, v7  }
0x5b1: {  	v6 =	vadd.s32 s15, v9;
	[tilespmem:v10+s22+$0x0] =	vst.idx.msk vm2, v8  }
0x5b2: {  	[tilespmem:v10+s24+$0x0] =	vst.idx.msk vm2, v6  }
0x5b3: {  	v6 =	vadd.s32 s16, v9;
	[tilespmem:v5+s22+$0x0] =	vst.idx.msk vm5, v11  }
0x5b4: {  	[tilespmem:v5+s24+$0x0] =	vst.idx.msk vm5, v6  }
0x5b5: {  	s4 =	simm.s32 $0x0;
	s6 =	rddreg [dreg:$0x13]  }
0x5b6: {  	[hbm4b:s6+s4] =	stream.linear.scatter [tilespmem:s22], [sflag:$0x3], $0x80, $0x38;
	[tilespmem:$0x8780] =	vst v63  }
0x5b7: {  	_ =	swait.ge [sflag:s3], $0x80  }
0x5b8: {  	[sflag:s3] =	ssyncset.done $0x0  }
0x5b9: {  	s7 =	rddreg [dreg:$0x14];
	[sflag:s3] =	ssyncadd.s32 $0xFFFFFF80  }
0x5ba: {  	[hbm4b:s7+s4] =	stream.linear.scatter [tilespmem:s24], [sflag:$0x3], $0x80, $0x38;
	[tilespmem:$0x8780] =	vst v63  }
0x5bb: {  	_ =	swait.ge [sflag:s3], $0x80  }
0x5bc: {  	[sflag:s3] =	ssyncset.done $0x0  }
0x5bd: {  	[sflag:s3] =	ssyncadd.s32 $0xFFFFFF80  }
0x5be: {  	v5 =	vld.msk [tilespmem:$0x48], $0xff;
	_ =	sdelay $0x4  }
0x5bf: {  	v6 =	vshll.u32 v5, $0x4  }
0x5c0: {  	v5 =	vand.u32 $0x7, v5;
	v6 =	vand.u32 $0xFFFFFF80, v6  }
0x5c1: {  	v5 =	vor.u32 v5, v6  }
0x5c2: {  	v5 =	vperm.xlane v5, v1;
	_ =	sdelay $0x1  }
0x5c3: {  	v5 =	vadd.s32 v2, v5;
	_ =	sdelay $0x3  }
0x5c4: {  	s8 =	simm.s32 $0x4680  }
0x5c5: {  	[tilespmem:s8], [sflag:$0x2] =	stream.indirect_vreg.gather [hbm4b:s26+s4], $0x80, v5, vm0, $0xb8;
	[tilespmem:$0x8780] =	vst v63  }
0x5c6: {  	s9 =	simm.s32 $0x4E80  }
0x5c7: {  	[tilespmem:s9], [sflag:$0x2] =	stream.indirect_vreg.gather [hbm4b:s28+s4], $0x80, v5, vm0, $0xb8;
	[tilespmem:$0x8780] =	vst v63  }
0x5c8: {  	s10 =	simm.s32 $0x5680  }
0x5c9: {  	[tilespmem:s10], [sflag:$0x2] =	stream.indirect_vreg.gather [hbm4b:s29+s4], $0x80, v5, vm0, $0xb8;
	[tilespmem:$0x8780] =	vst v63  }
0x5ca: {  	s11 =	simm.s32 $0x5E80  }
0x5cb: {  	[tilespmem:s11], [sflag:$0x2] =	stream.indirect_vreg.gather [hbm4b:s30+s4], $0x80, v5, vm0, $0xb8;
	[tilespmem:$0x8780] =	vst v63  }
0x5cc: {  	s12 =	simm.s32 $0x6680  }
0x5cd: {  	[tilespmem:s12], [sflag:$0x2] =	stream.indirect_vreg.gather [hbm4b:s31+s4], $0x80, v5, vm0, $0xb8;
	[tilespmem:$0x8780] =	vst v63  }
0x5ce: {  	s13 =	simm.s32 $0x6E80  }
0x5cf: {  	[tilespmem:s13], [sflag:$0x2] =	stream.indirect_vreg.gather [hbm4b:s19+s4], $0x80, v5, vm0, $0xb8;
	[tilespmem:$0x8780] =	vst v63  }
0x5d0: {  	_ = 	snop  }
0x5d1: {  	[tilespmem:s18], [sflag:$0x2] =	stream.indirect_vreg.gather [hbm4b:s0+s4], $0x80, v5, vm0, $0xb8;
	[tilespmem:$0x8780] =	vst v63  }
0x5d2: {  	_ = 	snop  }
0x5d3: {  	[tilespmem:s20], [sflag:$0x2] =	stream.indirect_vreg.gather [hbm4b:s23+s4], $0x80, v5, vm0, $0xb8;
	[tilespmem:$0x8780] =	vst v63  }
0x5d4: {  	_ =	swait.ge [sflag:s21], $0x4000  }
0x5d5: {  	[sflag:s21] =	ssyncset.done $0x0  }
0x5d6: {  	[sflag:s21] =	ssyncadd.s32 $0xFFFFC000  }
0x5d7: {  	v6 =	vimm.s32 $0x0;
	[tilespmem:$0x8680] =	vst v3  }
0x5d8: {  	[tilespmem:$0x8700] =	vst v6  }
0x5d9: {  	[tilespmem:$0x8690] =	vst v3  }
0x5da: {  	[tilespmem:$0x8710] =	vst v6  }
0x5db: {  	[tilespmem:$0x86A0] =	vst v3  }
0x5dc: {  	[tilespmem:$0x8720] =	vst v6  }
0x5dd: {  	[tilespmem:$0x86B0] =	vst v3  }
0x5de: {  	[tilespmem:$0x8730] =	vst v6  }
0x5df: {  	[tilespmem:$0x86C0] =	vst v3  }
0x5e0: {  	[tilespmem:$0x8740] =	vst v6  }
0x5e1: {  	[tilespmem:$0x86D0] =	vst v3  }
0x5e2: {  	[tilespmem:$0x8750] =	vst v6  }
0x5e3: {  	s14 =	sand.u32 $0x3C00, s4;
	[tilespmem:$0x86E0] =	vst v3  }
0x5e4: {  	s15 =	simm.s32 $0x0;
	s5 =	sadd.s32 $0x680, s14;
	s7 =	sand.u32 $0x40, s4;
	[tilespmem:$0x8760] =	vst v6  }
0x5e5: {  	s16 =	sor.u32 s7, s5;
	s8 =	sand.u32 $0x380, s15;
	[tilespmem:$0x86F0] =	vst v3  }
0x5e6: {  	s6 =	sadd.s32 s8, s16;
	v5 =	vld [tilespmem:$0x600];
	[tilespmem:$0x8770] =	vst v6  }
0x5e7: {  	v7 =	vld [tilespmem:s6+$0x0];
	_ =	sdelay $0x4  }
0x5e8: {  	vm1 =	vge.f32 v7, v5  }
0x5e9: {  	v8 =	vsel vm1, $0x1, v4  }
0x5ea: {  	(xrf0) =	vadd.scan.msk.s32 $0xffff, v8;
	_ =	sdelay $0x5  }
0x5eb: {  	v8, _, _ =	vpop (xrf0)  }
0x5ec: {  	s17 =	simm.s32 $0x100;
	s9 =	sand.u32 $0x1C0, s4;
	v8 =	vadd.s32 v8, v6  }
0x5ed: {  	s7 =	sshrl.u32 s9, $0x2;
	s11 =	simm.s32 $0x20;
	s6 =	sand.u32 $0xFFFFFC00, s17;
	v8 =	vadd.s32 $0xFFFFFFFF, v8  }
0x5ee: {  	s10 =	sand.u32 $0x60, s11;
	v9 =	vld [tilespmem:s7+$0x480];
	s12 =	sadd.s32 $0x680, s6;
	vm2 =	vlt.s32 v8, $0x7F  }
0x5ef: {  	s6 =	sor.u32 s10, s12;
	v8 =	vnsel vm2, $0x7F, v8  }
0x5f0: {  	s6 =	sadd.s32 s8, s6  }
0x5f1: {  	s4 =	sand.u32 $0x7C0, s4;
	v10 =	vld [tilespmem:s6+$0x0]  }
0x5f2: {  	s10 =	sor.u32 $0x10, s4  }
0x5f3: {  	s13 =	sand.u32 $0x50, s10;
	v9 =	vadd.s32 v0, v9  }
0x5f4: {  	s14 =	sor.u32 s13, s5;
	[tilespmem:v8+s22+$0x0] =	vst.idx.msk vm1, v7;
	v7 =	vadd.s32 s4, v9  }
0x5f5: {  	s4 =	sadd.s32 s8, s14;
	[tilespmem:v8+s24+$0x0] =	vst.idx.msk vm1, v7  }
0x5f6: {  	vm4 =	vge.f32 v10, v5;
	v7 =	vld [tilespmem:s4+$0x0]  }
0x5f7: {  	v8 =	vsel vm4, $0x1, v4  }
0x5f8: {  	(xrf0) =	vadd.scan.msk.s32 $0xffff, v8;
	_ =	sdelay $0x2  }
0x5f9: {  	v8 =	vmpcnt.ones.xlane vm1;
	vm3 =	vge.f32 v7, v5  }
0x5fa: {  	v11 =	vmpcnt.ones.xlane vm3  }
0x5fb: {  	v12 =	vadd.s32 v6, v8  }
0x5fc: {  	v6, _, _ =	vpop (xrf0);
	v11 =	vadd.s32 v12, v11  }
0x5fd: {  	v6 =	vadd.s32 v6, v11  }
0x5fe: {  	v6 =	vadd.s32 $0xFFFFFFFF, v6  }
0x5ff: {  	vm1 =	vlt.s32 v6, $0x7F  }
0x600: {  	s5 =	simm.s32 $0x200;
	v6 =	vnsel vm1, $0x7F, v6  }
0x601: {  	s6 =	simm.s32 $0x40;
	s15 =	sand.u32 $0x3C00, s5  }
0x602: {  	s7 =	simm.s32 $0x4;
	s16 =	sand.u32 $0x40, s6;
	s9 =	sadd.s32 $0x680, s15  }
0x603: {  	s13 =	sor.u32 s16, s9;
	s14 =	simm.s32 $0x30;
	s4 =	sand.u32 $0x380, s7  }
0x604: {  	s17 =	sand.u32 $0x70, s14;
	s13 =	sadd.s32 s4, s13  }
0x605: {  	s12 =	sor.u32 s17, s12;
	v8 =	vld [tilespmem:s13+$0x0];
	v13 =	vsel vm3, $0x1, v4;
	[tilespmem:v6+s22+$0x0] =	vst.idx.msk vm4, v10;
	v10 =	vadd.s32 s11, v9  }
0x606: {  	s8 =	sadd.s32 s8, s12;
	(xrf0) =	vadd.scan.msk.s32 $0xffff, v13;
	[tilespmem:v6+s24+$0x0] =	vst.idx.msk vm4, v10  }
0x607: {  	v6 =	vld [tilespmem:s8+$0x0];
	_ =	sdelay $0x2  }
0x608: {  	vm2 =	vge.f32 v8, v5  }
0x609: {  	v10 =	vsel vm2, $0x1, v4  }
0x60a: {  	v13, _, _ =	vpop (xrf0);
	(xrf0) =	vadd.scan.msk.s32 $0xffff, v10;
	vm1 =	vge.f32 v6, v5  }
0x60b: {  	v12 =	vadd.s32 v13, v12;
	v10 =	vsel vm1, $0x1, v4  }
0x60c: {  	(xrf0) =	vadd.scan.msk.s32 $0xffff, v10;
	v10 =	vadd.s32 $0xFFFFFFFF, v12;
	v12 =	vmpcnt.ones.xlane vm4  }
0x60d: {  	vm4 =	vlt.s32 v10, $0x7F  }
0x60e: {  	v13 =	vnsel vm4, $0x7F, v10;
	v10 =	vmpcnt.ones.xlane vm1  }
0x60f: {  	v11 =	vadd.s32 v11, v12  }
0x610: {  	s8 =	simm.s32 $0x2;
	v12, _, _ =	vpop (xrf0);
	v10 =	vadd.s32 v11, v10  }
0x611: {  	s15 =	simm.s32 $0x300;
	s13 =	sand.u32 $0x1C0, s8;
	v12 =	vadd.s32 v12, v10  }
0x612: {  	s16 =	sand.u32 $0xFFFFFC00, s15;
	s12 =	simm.s32 $0x60;
	s11 =	sshrl.u32 s13, $0x2;
	v15, _, _ =	vpop (xrf0);
	v16 =	vadd.s32 $0xFFFFFFFF, v12  }
0x613: {  	s17 =	sand.u32 $0x60, s12;
	s13 =	sadd.s32 $0x680, s16;
	v14 =	vld [tilespmem:s11+$0x480];
	v11 =	vadd.s32 v15, v11;
	v15 =	vadd.s32 s10, v9;
	[tilespmem:v13+s22+$0x0] =	vst.idx.msk vm3, v7;
	vm4 =	vlt.s32 v16, $0x7F  }
0x614: {  	s11 =	sor.u32 s17, s13;
	[tilespmem:v13+s24+$0x0] =	vst.idx.msk vm3, v15;
	v13 =	vnsel vm4, $0x7F, v16  }
0x615: {  	s17 =	sadd.s32 s4, s11  }
0x616: {  	s16 =	sand.u32 $0x7C0, s6;
	v12 =	vadd.s32 $0xFFFFFFFF, v11;
	v11 =	vld [tilespmem:s17+$0x0]  }
0x617: {  	s15 =	sor.u32 $0x10, s16;
	s11 =	simm.s32 $0x300  }
0x618: {  	v7 =	vadd.s32 s14, v9;
	s10 =	simm.s32 $0x4;
	s14 =	simm.s32 $0x40;
	v9 =	vadd.s32 v0, v14;
	s17 =	sand.u32 $0x50, s15;
	vm3 =	vlt.s32 v12, $0x7F  }
.LBB2_18:
0x619: {  	[tilespmem:v13+s22+$0x0] =	vst.idx.msk vm2, v8;
	v8 =	vadd.s32 s16, v9;
	s9 =	sor.u32 s17, s9;
	v14 =	vadd.s32 s15, v9;
	v12 =	vnsel vm3, $0x7F, v12  }
0x61a: {  	[tilespmem:v13+s24+$0x0] =	vst.idx.msk vm2, v8;
	s9 =	sadd.s32 s4, s9  }
0x61b: {  	v13 =	vld [tilespmem:s9+$0x0];
	vm3 =	vge.f32 v11, v5  }
0x61c: {  	v8 =	vsel vm3, $0x1, v4  }
0x61d: {  	(xrf0) =	vadd.scan.msk.s32 $0xffff, v8  }
0x61e: {  	[tilespmem:v12+s22+$0x0] =	vst.idx.msk vm1, v6  }
0x61f: {  	[tilespmem:v12+s24+$0x0] =	vst.idx.msk vm1, v7  }
0x620: {  	v6 =	vmpcnt.ones.xlane vm2;
	vm1 =	vge.f32 v13, v5  }
0x621: {  	v12 =	vsel vm1, $0x1, v4;
	v8 =	vmpcnt.ones.xlane vm1  }
0x622: {  	v6 =	vadd.s32 v10, v6;
	(xrf0) =	vadd.scan.msk.s32 $0xffff, v12  }
0x623: {  	v10 =	vadd.s32 v6, v8;
	v7, _, _ =	vpop (xrf0)  }
0x624: {  	s5 =	sadd.s32 $0x200, s5;
	v7 =	vadd.s32 v7, v10  }
0x625: {  	s6 =	sadd.s32 $0x40, s6;
	s9 =	sand.u32 $0x3C00, s5;
	v7 =	vadd.s32 $0xFFFFFFFF, v7  }
0x626: {  	s7 =	sadd.s32 $0x4, s7;
	s15 =	sand.u32 $0x40, s6;
	s9 =	sadd.s32 $0x680, s9;
	vm2 =	vlt.s32 v7, $0x7F  }
0x627: {  	s16 =	sand.u32 $0x380, s7;
	p0 =	slt.u32 s7, $0x3FC;
	s15 =	sor.u32 s15, s9;
	v12 =	vnsel vm2, $0x7F, v7  }
0x628: {  	s15 =	sadd.s32 s16, s15;
	v7, _, _ =	vpop (xrf0)  }
0x629: {  	v8 =	vld [tilespmem:s15+$0x0];
	v6 =	vadd.s32 v7, v6  }
0x62a: {  	s14 =	sadd.s32 $0x30, s14;
	v6 =	vadd.s32 $0xFFFFFFFF, v6  }
0x62b: {  	s15 =	sand.u32 $0x70, s14;
	v7 =	vadd.s32 s14, v9;
	vm2 =	vlt.s32 v6, $0x7F  }
0x62c: {  	v15 =	vnsel vm2, $0x7F, v6;
	[tilespmem:v12+s22+$0x0] =	vst.idx.msk vm3, v11;
	v6 =	vadd.s32 s12, v9;
	s12 =	sor.u32 s15, s13  }
0x62d: {  	[tilespmem:v12+s24+$0x0] =	vst.idx.msk vm3, v6;
	s12 =	sadd.s32 s4, s12;
	s4 =	smov.u32 s16  }
0x62e: {  	vm2 =	vge.f32 v8, v5;
	v6 =	vld [tilespmem:s12+$0x0]  }
0x62f: {  	v9 =	vsel vm2, $0x1, v4  }
0x630: {  	(xrf0) =	vadd.scan.msk.s32 $0xffff, v9  }
0x631: {  	[tilespmem:v15+s22+$0x0] =	vst.idx.msk vm1, v13  }
0x632: {  	[tilespmem:v15+s24+$0x0] =	vst.idx.msk vm1, v14  }
0x633: {  	v9 =	vmpcnt.ones.xlane vm3;
	vm1 =	vge.f32 v6, v5  }
0x634: {  	s10 =	sadd.s32 $0x4, s10;
	v13 =	vsel vm1, $0x1, v4;
	v12 =	vmpcnt.ones.xlane vm1  }
0x635: {  	s11 =	sadd.s32 $0x200, s11;
	s12 =	sshrl.u32 s10, $0x7;
	v9 =	vadd.s32 v10, v9;
	(xrf0) =	vadd.scan.msk.s32 $0xffff, v13  }
0x636: {  	s8 =	sadd.s32 $0x2, s8;
	s13 =	sshll.u32 s12, $0xE;
	s12 =	sshll.u32 s12, $0xB;
	v11, _, _ =	vpop (xrf0);
	v10 =	vadd.s32 v9, v12  }
0x637: {  	s13 =	ssub.s32 s11, s13;
	s14 =	ssub.s32 s6, s12;
	s12 =	sand.u32 $0x1C0, s8;
	v11 =	vadd.s32 v11, v10  }
0x638: {  	s15 =	sshrl.u32 s12, $0x2;
	s12 =	sadd.s32 $0x20, s14;
	s13 =	sand.u32 $0xFFFFFC00, s13;
	v11 =	vadd.s32 $0xFFFFFFFF, v11  }
0x639: {  	s13 =	sadd.s32 $0x680, s13;
	v14 =	vld [tilespmem:s15+$0x480];
	vm3 =	vlt.s32 v11, $0x7F;
	s15 =	sand.u32 $0x60, s12  }
.Ltmp8:
0x63a: {  	v13 =	vnsel vm3, $0x7F, v11;
	s15 =	sor.u32 s15, s13;
	(pc) =	sbr.rel @p0 .LBB2_18-.Ltmp8, $4  }
0x63b: {  	s15 =	sadd.s32 s4, s15;
	v12, _, _ =	vpop (xrf0)  }
0x63c: {  	s16 =	sand.u32 $0x7C0, s6;
	v11 =	vld [tilespmem:s15+$0x0];
	v9 =	vadd.s32 v12, v9  }
0x63d: {  	s15 =	sor.u32 $0x10, s16;
	v12 =	vadd.s32 $0xFFFFFFFF, v9  }
0x63e: {  	s17 =	sand.u32 $0x50, s15;
	v9 =	vadd.s32 v0, v14;
	vm3 =	vlt.s32 v12, $0x7F  }
0x63f: {  	_ =	sdelay $0x4  }
0x640: {  	[tilespmem:v13+s22+$0x0] =	vst.idx.msk vm2, v8;
	v8 =	vadd.s32 s16, v9;
	s5 =	sor.u32 s17, s9  }
0x641: {  	[tilespmem:v13+s24+$0x0] =	vst.idx.msk vm2, v8;
	s5 =	sadd.s32 s4, s5  }
0x642: {  	v8 =	vld [tilespmem:s5+$0x0];
	_ =	sdelay $0x1  }
0x643: {  	vm4 =	vge.f32 v11, v5  }
0x644: {  	v13 =	vsel vm4, $0x1, v4  }
0x645: {  	(xrf0) =	vadd.scan.msk.s32 $0xffff, v13  }
0x646: {  	v13 =	vmpcnt.ones.xlane vm2;
	vm2 =	vge.f32 v8, v5  }
0x647: {  	v14 =	vmpcnt.ones.xlane vm2;
	_ =	sdelay $0x2  }
0x648: {  	v10 =	vadd.s32 v10, v13  }
0x649: {  	v13 =	vadd.s32 v10, v14;
	v14, _, _ =	vpop (xrf0)  }
0x64a: {  	v14 =	vadd.s32 v14, v13  }
0x64b: {  	v14 =	vadd.s32 $0xFFFFFFFF, v14  }
0x64c: {  	vm5 =	vlt.s32 v14, $0x7F  }
0x64d: {  	v14 =	vnsel vm5, $0x7F, v14;
	_ =	sdelay $0x2  }
0x64e: {  	s10 =	sadd.s32 $0x30, s14  }
0x64f: {  	s6 =	sand.u32 $0x70, s10  }
0x650: {  	s6 =	sor.u32 s6, s13;
	[tilespmem:v14+s22+$0x0] =	vst.idx.msk vm4, v11;
	v11 =	vadd.s32 s12, v9  }
0x651: {  	s11 =	sadd.s32 s4, s6;
	[tilespmem:v14+s24+$0x0] =	vst.idx.msk vm4, v11  }
0x652: {  	v11 =	vld [tilespmem:s11+$0x0];
	_ =	sdelay $0x3  }
0x653: {  	v14 =	vsel vm2, $0x1, v4  }
0x654: {  	(xrf0) =	vadd.scan.msk.s32 $0xffff, v14;
	vm5 =	vge.f32 v11, v5  }
0x655: {  	v5 =	vsel vm5, $0x1, v4  }
0x656: {  	(xrf0) =	vadd.scan.msk.s32 $0xffff, v5;
	_ =	sdelay $0x3  }
0x657: {  	v14, _, _ =	vpop (xrf0);
	v5 =	vmpcnt.ones.xlane vm4  }
0x658: {  	v10 =	vadd.s32 v14, v10  }
0x659: {  	v12 =	vnsel vm3, $0x7F, v12;
	v10 =	vadd.s32 $0xFFFFFFFF, v10;
	v5 =	vadd.s32 v13, v5;
	v13, _, _ =	vpop (xrf0)  }
0x65a: {  	vm3 =	vlt.s32 v10, $0x7F;
	v5 =	vadd.s32 v13, v5  }
0x65b: {  	v10 =	vnsel vm3, $0x7F, v10;
	v5 =	vadd.s32 $0xFFFFFFFF, v5  }
0x65c: {  	vm3 =	vlt.s32 v5, $0x7F  }
0x65d: {  	v5 =	vnsel vm3, $0x7F, v5  }
0x65e: {  	[tilespmem:v12+s22+$0x0] =	vst.idx.msk vm1, v6  }
0x65f: {  	[tilespmem:v12+s24+$0x0] =	vst.idx.msk vm1, v7  }
0x660: {  	v6 =	vadd.s32 s15, v9;
	[tilespmem:v10+s22+$0x0] =	vst.idx.msk vm2, v8  }
0x661: {  	[tilespmem:v10+s24+$0x0] =	vst.idx.msk vm2, v6  }
0x662: {  	v6 =	vadd.s32 s10, v9;
	[tilespmem:v5+s22+$0x0] =	vst.idx.msk vm5, v11  }
0x663: {  	[tilespmem:v5+s24+$0x0] =	vst.idx.msk vm5, v6  }
0x664: {  	s4 =	simm.s32 $0x0;
	s12 =	rddreg [dreg:$0x15]  }
0x665: {  	[hbm4b:s12+s4] =	stream.linear.scatter [tilespmem:s22], [sflag:$0x3], $0x80, $0x38;
	[tilespmem:$0x8780] =	vst v63  }
0x666: {  	_ =	swait.ge [sflag:s3], $0x80  }
0x667: {  	[sflag:s3] =	ssyncset.done $0x0  }
0x668: {  	s13 =	rddreg [dreg:$0x16];
	[sflag:s3] =	ssyncadd.s32 $0xFFFFFF80  }
0x669: {  	[hbm4b:s13+s4] =	stream.linear.scatter [tilespmem:s24], [sflag:$0x3], $0x80, $0x38;
	[tilespmem:$0x8780] =	vst v63  }
0x66a: {  	_ =	swait.ge [sflag:s3], $0x80  }
0x66b: {  	[sflag:s3] =	ssyncset.done $0x0  }
0x66c: {  	[sflag:s3] =	ssyncadd.s32 $0xFFFFFF80  }
0x66d: {  	_ =	swait.ge [sflag:s25], $0x4000  }
0x66e: {  	[sflag:s25] =	ssyncset.done $0x0  }
0x66f: {  	[sflag:s25] =	ssyncadd.s32 $0xFFFFC000  }
0x670: {  	v6 =	vimm.s32 $0x0;
	[tilespmem:$0x8680] =	vst v3  }
0x671: {  	[tilespmem:$0x8700] =	vst v6  }
0x672: {  	[tilespmem:$0x8690] =	vst v3  }
0x673: {  	[tilespmem:$0x8710] =	vst v6  }
0x674: {  	[tilespmem:$0x86A0] =	vst v3  }
0x675: {  	[tilespmem:$0x8720] =	vst v6  }
0x676: {  	[tilespmem:$0x86B0] =	vst v3  }
0x677: {  	[tilespmem:$0x8730] =	vst v6  }
0x678: {  	[tilespmem:$0x86C0] =	vst v3  }
0x679: {  	[tilespmem:$0x8740] =	vst v6  }
0x67a: {  	[tilespmem:$0x86D0] =	vst v3  }
0x67b: {  	[tilespmem:$0x8750] =	vst v6  }
0x67c: {  	s14 =	sand.u32 $0x3C00, s4;
	[tilespmem:$0x86E0] =	vst v3  }
0x67d: {  	s7 =	sand.u32 $0x40, s4;
	s15 =	simm.s32 $0x0;
	s5 =	sadd.s32 $0x4680, s14;
	[tilespmem:$0x8760] =	vst v6  }
0x67e: {  	s8 =	sand.u32 $0x380, s15;
	s16 =	sor.u32 s7, s5;
	[tilespmem:$0x86F0] =	vst v3  }
0x67f: {  	s6 =	sadd.s32 s8, s16;
	v5 =	vld [tilespmem:$0x610];
	[tilespmem:$0x8770] =	vst v6  }
0x680: {  	v7 =	vld [tilespmem:s6+$0x0];
	_ =	sdelay $0x4  }
0x681: {  	vm1 =	vge.f32 v7, v5  }
0x682: {  	v8 =	vsel vm1, $0x1, v4  }
0x683: {  	(xrf0) =	vadd.scan.msk.s32 $0xffff, v8;
	_ =	sdelay $0x5  }
0x684: {  	v8, _, _ =	vpop (xrf0)  }
0x685: {  	s17 =	simm.s32 $0x100;
	s9 =	sand.u32 $0x1C0, s4;
	v8 =	vadd.s32 v8, v6  }
0x686: {  	s7 =	sshrl.u32 s9, $0x2;
	s11 =	simm.s32 $0x20;
	s6 =	sand.u32 $0xFFFFFC00, s17;
	v8 =	vadd.s32 $0xFFFFFFFF, v8  }
0x687: {  	s10 =	sand.u32 $0x60, s11;
	v9 =	vld [tilespmem:s7+$0x500];
	s12 =	sadd.s32 $0x4680, s6;
	vm2 =	vlt.s32 v8, $0x7F  }
0x688: {  	s6 =	sor.u32 s10, s12;
	v8 =	vnsel vm2, $0x7F, v8  }
0x689: {  	s6 =	sadd.s32 s8, s6  }
0x68a: {  	s4 =	sand.u32 $0x7C0, s4;
	v10 =	vld [tilespmem:s6+$0x0]  }
0x68b: {  	s10 =	sor.u32 $0x10, s4  }
0x68c: {  	s13 =	sand.u32 $0x50, s10;
	v9 =	vadd.s32 v0, v9  }
0x68d: {  	s14 =	sor.u32 s13, s5;
	[tilespmem:v8+s22+$0x0] =	vst.idx.msk vm1, v7;
	v7 =	vadd.s32 s4, v9  }
0x68e: {  	s4 =	sadd.s32 s8, s14;
	[tilespmem:v8+s24+$0x0] =	vst.idx.msk vm1, v7  }
0x68f: {  	vm4 =	vge.f32 v10, v5;
	v7 =	vld [tilespmem:s4+$0x0]  }
0x690: {  	v8 =	vsel vm4, $0x1, v4  }
0x691: {  	(xrf0) =	vadd.scan.msk.s32 $0xffff, v8;
	_ =	sdelay $0x2  }
0x692: {  	v8 =	vmpcnt.ones.xlane vm1;
	vm3 =	vge.f32 v7, v5  }
0x693: {  	v11 =	vmpcnt.ones.xlane vm3  }
0x694: {  	v12 =	vadd.s32 v6, v8  }
0x695: {  	v6, _, _ =	vpop (xrf0);
	v11 =	vadd.s32 v12, v11  }
0x696: {  	v6 =	vadd.s32 v6, v11  }
0x697: {  	v6 =	vadd.s32 $0xFFFFFFFF, v6  }
0x698: {  	vm1 =	vlt.s32 v6, $0x7F  }
0x699: {  	s5 =	simm.s32 $0x200;
	v6 =	vnsel vm1, $0x7F, v6  }
0x69a: {  	s6 =	simm.s32 $0x40;
	s15 =	sand.u32 $0x3C00, s5  }
0x69b: {  	s7 =	simm.s32 $0x4;
	s16 =	sand.u32 $0x40, s6;
	s9 =	sadd.s32 $0x4680, s15  }
0x69c: {  	s13 =	sor.u32 s16, s9;
	s14 =	simm.s32 $0x30;
	s4 =	sand.u32 $0x380, s7  }
0x69d: {  	s17 =	sand.u32 $0x70, s14;
	s13 =	sadd.s32 s4, s13  }
0x69e: {  	s12 =	sor.u32 s17, s12;
	v8 =	vld [tilespmem:s13+$0x0];
	v13 =	vsel vm3, $0x1, v4;
	[tilespmem:v6+s22+$0x0] =	vst.idx.msk vm4, v10;
	v10 =	vadd.s32 s11, v9  }
0x69f: {  	s8 =	sadd.s32 s8, s12;
	(xrf0) =	vadd.scan.msk.s32 $0xffff, v13;
	[tilespmem:v6+s24+$0x0] =	vst.idx.msk vm4, v10  }
0x6a0: {  	v6 =	vld [tilespmem:s8+$0x0];
	_ =	sdelay $0x2  }
0x6a1: {  	vm2 =	vge.f32 v8, v5  }
0x6a2: {  	v10 =	vsel vm2, $0x1, v4  }
0x6a3: {  	v13, _, _ =	vpop (xrf0);
	(xrf0) =	vadd.scan.msk.s32 $0xffff, v10;
	vm1 =	vge.f32 v6, v5  }
0x6a4: {  	v12 =	vadd.s32 v13, v12;
	v10 =	vsel vm1, $0x1, v4  }
0x6a5: {  	(xrf0) =	vadd.scan.msk.s32 $0xffff, v10;
	v10 =	vadd.s32 $0xFFFFFFFF, v12;
	v12 =	vmpcnt.ones.xlane vm4  }
0x6a6: {  	vm4 =	vlt.s32 v10, $0x7F  }
0x6a7: {  	v13 =	vnsel vm4, $0x7F, v10;
	v10 =	vmpcnt.ones.xlane vm1  }
0x6a8: {  	v11 =	vadd.s32 v11, v12  }
0x6a9: {  	s8 =	simm.s32 $0x2;
	v12, _, _ =	vpop (xrf0);
	v10 =	vadd.s32 v11, v10  }
0x6aa: {  	s15 =	simm.s32 $0x300;
	s13 =	sand.u32 $0x1C0, s8;
	v12 =	vadd.s32 v12, v10  }
0x6ab: {  	s16 =	sand.u32 $0xFFFFFC00, s15;
	s12 =	simm.s32 $0x60;
	s11 =	sshrl.u32 s13, $0x2;
	v15, _, _ =	vpop (xrf0);
	v16 =	vadd.s32 $0xFFFFFFFF, v12  }
0x6ac: {  	s17 =	sand.u32 $0x60, s12;
	s13 =	sadd.s32 $0x4680, s16;
	v14 =	vld [tilespmem:s11+$0x500];
	v11 =	vadd.s32 v15, v11;
	v15 =	vadd.s32 s10, v9;
	[tilespmem:v13+s22+$0x0] =	vst.idx.msk vm3, v7;
	vm4 =	vlt.s32 v16, $0x7F  }
0x6ad: {  	s11 =	sor.u32 s17, s13;
	[tilespmem:v13+s24+$0x0] =	vst.idx.msk vm3, v15;
	v13 =	vnsel vm4, $0x7F, v16  }
0x6ae: {  	s17 =	sadd.s32 s4, s11  }
0x6af: {  	s16 =	sand.u32 $0x7C0, s6;
	v12 =	vadd.s32 $0xFFFFFFFF, v11;
	v11 =	vld [tilespmem:s17+$0x0]  }
0x6b0: {  	s15 =	sor.u32 $0x10, s16;
	s11 =	simm.s32 $0x300  }
0x6b1: {  	v7 =	vadd.s32 s14, v9;
	s10 =	simm.s32 $0x4;
	s14 =	simm.s32 $0x40;
	v9 =	vadd.s32 v0, v14;
	s17 =	sand.u32 $0x50, s15;
	vm3 =	vlt.s32 v12, $0x7F  }
.LBB2_20:
0x6b2: {  	[tilespmem:v13+s22+$0x0] =	vst.idx.msk vm2, v8;
	v8 =	vadd.s32 s16, v9;
	s9 =	sor.u32 s17, s9;
	v14 =	vadd.s32 s15, v9;
	v12 =	vnsel vm3, $0x7F, v12  }
0x6b3: {  	[tilespmem:v13+s24+$0x0] =	vst.idx.msk vm2, v8;
	s9 =	sadd.s32 s4, s9  }
0x6b4: {  	v13 =	vld [tilespmem:s9+$0x0];
	vm3 =	vge.f32 v11, v5  }
0x6b5: {  	v8 =	vsel vm3, $0x1, v4  }
0x6b6: {  	(xrf0) =	vadd.scan.msk.s32 $0xffff, v8  }
0x6b7: {  	[tilespmem:v12+s22+$0x0] =	vst.idx.msk vm1, v6  }
0x6b8: {  	[tilespmem:v12+s24+$0x0] =	vst.idx.msk vm1, v7  }
0x6b9: {  	v6 =	vmpcnt.ones.xlane vm2;
	vm1 =	vge.f32 v13, v5  }
0x6ba: {  	v12 =	vsel vm1, $0x1, v4;
	v8 =	vmpcnt.ones.xlane vm1  }
0x6bb: {  	v6 =	vadd.s32 v10, v6;
	(xrf0) =	vadd.scan.msk.s32 $0xffff, v12  }
0x6bc: {  	v10 =	vadd.s32 v6, v8;
	v7, _, _ =	vpop (xrf0)  }
0x6bd: {  	s5 =	sadd.s32 $0x200, s5;
	v7 =	vadd.s32 v7, v10  }
0x6be: {  	s6 =	sadd.s32 $0x40, s6;
	s9 =	sand.u32 $0x3C00, s5;
	v7 =	vadd.s32 $0xFFFFFFFF, v7  }
0x6bf: {  	s7 =	sadd.s32 $0x4, s7;
	s15 =	sand.u32 $0x40, s6;
	s9 =	sadd.s32 $0x4680, s9;
	vm2 =	vlt.s32 v7, $0x7F  }
0x6c0: {  	s16 =	sand.u32 $0x380, s7;
	p0 =	slt.u32 s7, $0x3FC;
	s15 =	sor.u32 s15, s9;
	v12 =	vnsel vm2, $0x7F, v7  }
0x6c1: {  	s15 =	sadd.s32 s16, s15;
	v7, _, _ =	vpop (xrf0)  }
0x6c2: {  	v8 =	vld [tilespmem:s15+$0x0];
	v6 =	vadd.s32 v7, v6  }
0x6c3: {  	s14 =	sadd.s32 $0x30, s14;
	v6 =	vadd.s32 $0xFFFFFFFF, v6  }
0x6c4: {  	s15 =	sand.u32 $0x70, s14;
	v7 =	vadd.s32 s14, v9;
	vm2 =	vlt.s32 v6, $0x7F  }
0x6c5: {  	v15 =	vnsel vm2, $0x7F, v6;
	[tilespmem:v12+s22+$0x0] =	vst.idx.msk vm3, v11;
	v6 =	vadd.s32 s12, v9;
	s12 =	sor.u32 s15, s13  }
0x6c6: {  	[tilespmem:v12+s24+$0x0] =	vst.idx.msk vm3, v6;
	s12 =	sadd.s32 s4, s12;
	s4 =	smov.u32 s16  }
0x6c7: {  	vm2 =	vge.f32 v8, v5;
	v6 =	vld [tilespmem:s12+$0x0]  }
0x6c8: {  	v9 =	vsel vm2, $0x1, v4  }
0x6c9: {  	(xrf0) =	vadd.scan.msk.s32 $0xffff, v9  }
0x6ca: {  	[tilespmem:v15+s22+$0x0] =	vst.idx.msk vm1, v13  }
0x6cb: {  	[tilespmem:v15+s24+$0x0] =	vst.idx.msk vm1, v14  }
0x6cc: {  	v9 =	vmpcnt.ones.xlane vm3;
	vm1 =	vge.f32 v6, v5  }
0x6cd: {  	s10 =	sadd.s32 $0x4, s10;
	v13 =	vsel vm1, $0x1, v4;
	v12 =	vmpcnt.ones.xlane vm1  }
0x6ce: {  	s11 =	sadd.s32 $0x200, s11;
	s12 =	sshrl.u32 s10, $0x7;
	v9 =	vadd.s32 v10, v9;
	(xrf0) =	vadd.scan.msk.s32 $0xffff, v13  }
0x6cf: {  	s8 =	sadd.s32 $0x2, s8;
	s13 =	sshll.u32 s12, $0xE;
	s12 =	sshll.u32 s12, $0xB;
	v11, _, _ =	vpop (xrf0);
	v10 =	vadd.s32 v9, v12  }
0x6d0: {  	s13 =	ssub.s32 s11, s13;
	s14 =	ssub.s32 s6, s12;
	s12 =	sand.u32 $0x1C0, s8;
	v11 =	vadd.s32 v11, v10  }
0x6d1: {  	s15 =	sshrl.u32 s12, $0x2;
	s12 =	sadd.s32 $0x20, s14;
	s13 =	sand.u32 $0xFFFFFC00, s13;
	v11 =	vadd.s32 $0xFFFFFFFF, v11  }
0x6d2: {  	s13 =	sadd.s32 $0x4680, s13;
	v14 =	vld [tilespmem:s15+$0x500];
	vm3 =	vlt.s32 v11, $0x7F;
	s15 =	sand.u32 $0x60, s12  }
.Ltmp9:
0x6d3: {  	v13 =	vnsel vm3, $0x7F, v11;
	s15 =	sor.u32 s15, s13;
	(pc) =	sbr.rel @p0 .LBB2_20-.Ltmp9, $4  }
0x6d4: {  	s15 =	sadd.s32 s4, s15;
	v12, _, _ =	vpop (xrf0)  }
0x6d5: {  	s16 =	sand.u32 $0x7C0, s6;
	v11 =	vld [tilespmem:s15+$0x0];
	v9 =	vadd.s32 v12, v9  }
0x6d6: {  	s15 =	sor.u32 $0x10, s16;
	v12 =	vadd.s32 $0xFFFFFFFF, v9  }
0x6d7: {  	s17 =	sand.u32 $0x50, s15;
	v9 =	vadd.s32 v0, v14;
	vm3 =	vlt.s32 v12, $0x7F  }
0x6d8: {  	_ =	sdelay $0x4  }
0x6d9: {  	[tilespmem:v13+s22+$0x0] =	vst.idx.msk vm2, v8;
	v57 =	vadd.s32 s16, v9;
	s5 =	sor.u32 s17, s9  }
0x6da: {  	[tilespmem:v13+s24+$0x0] =	vst.idx.msk vm2, v57;
	s5 =	sadd.s32 s4, s5  }
0x6db: {  	v8 =	vld [tilespmem:s5+$0x0];
	vm4 =	vge.f32 v11, v5  }
0x6dc: {  	v58 =	vsel vm4, $0x1, v4  }
0x6dd: {  	(xrf0) =	vadd.scan.msk.s32 $0xffff, v58;
	_ =	sdelay $0x2  }
0x6de: {  	v59 =	vmpcnt.ones.xlane vm2;
	vm2 =	vge.f32 v8, v5  }
0x6df: {  	v14 =	vmpcnt.ones.xlane vm2  }
0x6e0: {  	v10 =	vadd.s32 v10, v59  }
0x6e1: {  	v13 =	vadd.s32 v10, v14;
	v60, _, _ =	vpop (xrf0)  }
0x6e2: {  	v14 =	vadd.s32 v60, v13  }
0x6e3: {  	v14 =	vadd.s32 $0xFFFFFFFF, v14  }
0x6e4: {  	vm5 =	vlt.s32 v14, $0x7F  }
0x6e5: {  	v14 =	vnsel vm5, $0x7F, v14;
	_ =	sdelay $0x2  }
0x6e6: {  	s11 =	sadd.s32 $0x30, s14  }
0x6e7: {  	s6 =	sand.u32 $0x70, s11  }
0x6e8: {  	v61 =	vadd.s32 s12, v9;
	s6 =	sor.u32 s6, s13;
	[tilespmem:v14+s22+$0x0] =	vst.idx.msk vm4, v11  }
0x6e9: {  	s14 =	sadd.s32 s4, s6;
	[tilespmem:v14+s24+$0x0] =	vst.idx.msk vm4, v61  }
0x6ea: {  	v11 =	vld [tilespmem:s14+$0x0];
	_ =	sdelay $0x3  }
0x6eb: {  	v62 =	vsel vm2, $0x1, v4  }
0x6ec: {  	(xrf0) =	vadd.scan.msk.s32 $0xffff, v62;
	vm15 =	vge.f32 v11, v5  }
0x6ed: {  	v5 =	vsel vm15, $0x1, v4  }
0x6ee: {  	(xrf0) =	vadd.scan.msk.s32 $0xffff, v5;
	_ =	sdelay $0x3  }
0x6ef: {  	v14, _, _ =	vpop (xrf0);
	v5 =	vmpcnt.ones.xlane vm4  }
0x6f0: {  	v10 =	vadd.s32 v14, v10  }
0x6f1: {  	v12 =	vnsel vm3, $0x7F, v12;
	v10 =	vadd.s32 $0xFFFFFFFF, v10;
	v5 =	vadd.s32 v13, v5;
	v63, _, _ =	vpop (xrf0)  }
0x6f2: {  	vm3 =	vlt.s32 v10, $0x7F;
	v5 =	vadd.s32 v63, v5  }
0x6f3: {  	v10 =	vnsel vm3, $0x7F, v10;
	v5 =	vadd.s32 $0xFFFFFFFF, v5  }
0x6f4: {  	vm3 =	vlt.s32 v5, $0x7F  }
0x6f5: {  	v5 =	vnsel vm3, $0x7F, v5  }
0x6f6: {  	[tilespmem:v12+s22+$0x0] =	vst.idx.msk vm1, v6  }
0x6f7: {  	[tilespmem:v12+s24+$0x0] =	vst.idx.msk vm1, v7  }
0x6f8: {  	v6 =	vadd.s32 s15, v9;
	[tilespmem:v10+s22+$0x0] =	vst.idx.msk vm2, v8  }
0x6f9: {  	[tilespmem:v10+s24+$0x0] =	vst.idx.msk vm2, v6  }
0x6fa: {  	v6 =	vadd.s32 s11, v9;
	[tilespmem:v5+s22+$0x0] =	vst.idx.msk vm15, v11  }
0x6fb: {  	[tilespmem:v5+s24+$0x0] =	vst.idx.msk vm15, v6  }
0x6fc: {  	s15 =	rddreg [dreg:$0x17]  }
0x6fd: {  	[hbm4b:s15+s1] =	stream.linear.scatter [tilespmem:s22], [sflag:$0x3], $0x80, $0x38;
	[tilespmem:$0x8780] =	vst v63  }
0x6fe: {  	_ =	swait.ge [sflag:s3], $0x80  }
0x6ff: {  	[sflag:s3] =	ssyncset.done $0x0  }
0x700: {  	s16 =	rddreg [dreg:$0x18];
	[sflag:s3] =	ssyncadd.s32 $0xFFFFFF80  }
0x701: {  	[hbm4b:s16+s1] =	stream.linear.scatter [tilespmem:s24], [sflag:$0x3], $0x80, $0x38;
	[tilespmem:$0x8780] =	vst v63  }
0x702: {  	_ =	swait.ge [sflag:s3], $0x80  }
0x703: {  	s2 =	sadd.s32 $0x1, s2;
	s17 =	rddreg [dreg:$0x1a]  }
0x704: {  	p0 =	sne.s32 s2, s17  }
.Ltmp10:
0x705: {  	_ = 	snop;
	(pc) =	sbr.rel @p0 .LBB2_1-.Ltmp10, $3  }
0x706: {  	_ =	sdelay $0x1  }
0x707: {  	[sflag:s3] =	ssyncset.done $0x0  }
0x708: {  	[sflag:s3] =	ssyncadd.s32 $0xFFFFFF80  }
0x709: {  	_ =	sfence.sel $0x180000  }
0x70a: {  	[bflag:$0x0] =	sbarrier.arrive $0xFFFF  }
0x70b: {  	_ =	strace $0x90000047  }
0x70c: {  	s0 =	stileid.u32;
	[bflag:$0x2] =	sbarrier.arrive $0xFFFF  }
0x70d: {  	p0 =	sne.s32 s0, $0x0;
	s0 =	rddreg [dreg:$0x3]  }
0x70e: {  	s0 =	sadd.s32 @!p0 $0x100000, s0  }
0x70f: {  	[sflag:s0] =	ssyncadd.tile.s32 @!p0 $0x1;
	_ =	shalt  }
.Lfunc_end2:
_tile_overlayer_lowered:
.L_overlay_start_2:
0x710: {  	(tag) =	ssettag $0x2  }
0x711: {  	s0 =	rddreg [dreg:$0x0];
	s2 =	stileid.u32  }
0x712: {  	s1 =	rddreg [dreg:$0x1];
	p0 =	sne.s32 s2, $0x0  }
0x713: {  	s3 =	rddreg [dreg:$0x2];
	[bflag:$0x3] =	sbarrier.arrive $0xFFFF;
	s2 =	simm.s32 @!p0 $0x1C03  }
0x714: {  	[timem:s3], [sflag:s2] =	dma.local @!p0 [hbm:s0], s1  }
0x715: {  	s0 =	simm.s32 @!p0 $0x3  }
0x716: {  	_ =	swait.ge @!p0 [sflag:s0], s1  }
0x717: {  	s1 =	ssub.s32 @!p0 $0x0, s1;
	[sflag:s0] =	ssyncset.done @!p0 $0x0  }
0x718: {  	[sflag:s0] =	ssyncadd.s32 @!p0 s1  }
0x719: {  	[bflag:$0x3] =	sbarrier.arrive $0xFFFF  }
0x71a: {  	_ =	shalt  }

</sc_bundles>
